<compile_context>
chip_gen: v7x
topology: tpu7x:2x2x1
jax: 0.10.2.dev20260603
libtpu: 0.0.44.dev20260713+nightly
codegen_flags: <defaults>
</compile_context>

<pallas_src>
import functools
import jax
import jax.numpy as jnp
from jax import lax
from jax.experimental import pallas as pl
from jax.experimental.pallas import tpu as pltpu
from jax.experimental.pallas import tpu_sc as plsc

_SC_PARAMS = pltpu.CompilerParams(needs_layout_passes=False)

N = 10000
E = 320000
DN = 128
DE = 16
DA = 128
H = 8

NC, NS, L = 2, 16, 16
NW = NC * NS
EPW = E // NW
NPW = 313
ACC_ROWS = 320
DUMMY_ROW = ACC_ROWS - 1


_RB = 80
_NF = 5
_SB = _RB * _NF


def _gather_body(src_hbm, dst_hbm, x_hbm, xi_hbm, xj_hbm, idx_v, rows_v, sem):
    wid = lax.axis_index("s") * NC + lax.axis_index("c")
    base = wid * EPW

    def one_direction(idx_hbm, out_hbm):
        pltpu.sync_copy(idx_hbm.at[pl.ds(base, EPW)], idx_v)

        def step(t, carry):
            copies = []
            for f in range(_NF):
                c = pltpu.async_copy(
                    x_hbm.at[idx_v.at[pl.ds(t * _SB + f * _RB, _RB)]],
                    rows_v.at[pl.ds(f * _RB, _RB)],
                    sem,
                )
                copies.append(c)
            for c in copies:
                c.wait()
            pltpu.sync_copy(rows_v, out_hbm.at[pl.ds(base + t * _SB, _SB)])
            return carry

        lax.fori_loop(0, EPW // _SB, step, 0, unroll=False)

    one_direction(src_hbm, xi_hbm)
    one_direction(dst_hbm, xj_hbm)


def _sc_gather(src, dst, x):
    mesh = plsc.VectorSubcoreMesh(core_axis_name="c", subcore_axis_name="s")
    f = pl.kernel(
        _gather_body,
        out_type=[
            jax.ShapeDtypeStruct((E, DN), jnp.float32),
            jax.ShapeDtypeStruct((E, DN), jnp.float32),
        ],
        mesh=mesh,
        compiler_params=_SC_PARAMS,
        scratch_types=[
            pltpu.VMEM((EPW,), jnp.int32),
            pltpu.VMEM((_SB, DN), jnp.float32),
            pltpu.SemaphoreType.DMA,
        ],
    )
    return f(src, dst, x)



_BE = 3200


def _edge_body(xi_ref, xj_ref, ef_ref,
               w1a_ref, w1b_ref, w1c_ref, be1_ref, we2t_ref, be2_ref,
               wqt_ref, bq_ref, wpet_ref, bpe_ref,
               k1_ref, b1t_ref, k2_ref, b2t_ref, g_ref, gt_ref,
               wvt_ref, bv_ref,
               ge_ref, xx_ref):
    xi = xi_ref[...]
    xj = xj_ref[...]
    ef = ef_ref[...]
    dot = functools.partial(jnp.dot, preferred_element_type=jnp.float32)

    h = jax.nn.relu(dot(xi, w1a_ref[...]) + dot(ef, w1b_ref[...])
                    + dot(xj, w1c_ref[...]) + be1_ref[...])
    ge_ref[...] = dot(h, we2t_ref[...]) + be2_ref[...]

    q = dot(xi, wqt_ref[...]) + bq_ref[...]
    epe = dot(ef, wpet_ref[...]) + bpe_ref[...]
    qe = jnp.concatenate([q, epe], axis=1)
    m = jax.nn.relu(dot(qe, k1_ref[...]) + b1t_ref[...])
    pp = dot(m, k2_ref[...]) + b2t_ref[...]

    rowmax = jnp.max(pp, axis=1, keepdims=True)
    ex = jnp.exp(pp - rowmax)
    gs = dot(ex, g_ref[...])
    denom = dot(gs, gt_ref[...])
    prob = ex / denom

    value = dot(xj, wvt_ref[...]) + bv_ref[...]
    xx_ref[...] = prob * value


def _tc_edge(xi, xj, ef, params):
    (w1a, w1b, w1c, be1, we2t, be2, wqt, bq, wpet, bpe,
     k1, b1t, k2, b2t, g, gt, wvt, bv) = params
    nb = E // _BE
    full = lambda a: pl.BlockSpec(a.shape, lambda i: (0,) * a.ndim)
    grid_spec = pl.GridSpec(
        grid=(nb,),
        in_specs=[
            pl.BlockSpec((_BE, DN), lambda i: (i, 0)),
            pl.BlockSpec((_BE, DN), lambda i: (i, 0)),
            pl.BlockSpec((_BE, DE), lambda i: (i, 0)),
        ] + [full(a) for a in params],
        out_specs=[
            pl.BlockSpec((_BE, DE), lambda i: (i, 0)),
            pl.BlockSpec((_BE, DA), lambda i: (i, 0)),
        ],
    )
    return pl.pallas_call(
        _edge_body,
        grid_spec=grid_spec,
        out_shape=[
            jax.ShapeDtypeStruct((E, DE), jnp.float32),
            jax.ShapeDtypeStruct((E, DA), jnp.float32),
        ],
    )(xi, xj, ef, *params)



_CH = 2560
_GB = 128
_CAP = _CH + 512


def _scatter_body(src_hbm, xx_hbm, agg_hbm, srcv, eids, lidxs, rows_v,
                  spchunk, ssem, xsem, gsem):
    sid = lax.axis_index("s")
    wid = sid * NC + lax.axis_index("c")
    n_lo = wid * NPW
    n_hi = jnp.minimum(N, n_lo + NPW)
    NCH = E // _CH

    neg_inf = jnp.full((L,), -jnp.inf, jnp.float32)

    def run(acc):
        def initf(i, c):
            acc[pl.ds(i * L, L)] = neg_inf
            return c
        lax.fori_loop(0, ACC_ROWS * DN // L, initf, 0, unroll=False)

        iota = lax.iota(jnp.int32, L)
        dummy_li = jnp.full((L,), DUMMY_ROW, jnp.int32)
        dummy_eid = jnp.zeros((L,), jnp.int32)

        pltpu.async_copy(src_hbm.at[pl.ds(0, _CH)], srcv.at[pl.ds(0, _CH)],
                         ssem)

        @pl.when(sid == 0)
        def _():
            pltpu.async_copy(xx_hbm.at[pl.ds(0, _CH)],
                             spchunk.at[pl.ds(0, _CH)], xsem)

        def chunk_step(j, carry):
            par = lax.rem(j, 2)
            nxt = lax.rem(j + 1, 2)
            pltpu.make_async_copy(src_hbm.at[pl.ds(j * _CH, _CH)],
                                  srcv.at[pl.ds(par * _CH, _CH)], ssem).wait()

            @pl.when(j + 1 < NCH)
            def _():
                pltpu.async_copy(src_hbm.at[pl.ds((j + 1) * _CH, _CH)],
                                 srcv.at[pl.ds(nxt * _CH, _CH)], ssem)

            def scan_step(i, cnt):
                for u in range(4):
                    ii = i * 4 + u
                    s = srcv[pl.ds(par * _CH + ii * L, L)]
                    msk = (s >= n_lo) & (s < n_hi)
                    eid = iota + (par * _CH + ii * L)
                    li = s - n_lo
                    plsc.store_compressed(eids.at[pl.ds(cnt, L)], eid,
                                          mask=msk)
                    plsc.store_compressed(lidxs.at[pl.ds(cnt, L)], li,
                                          mask=msk)
                    cnt = cnt + plsc.all_reduce_population_count(msk)[0]
                return cnt

            cnt = lax.fori_loop(0, _CH // L // 4, scan_step, jnp.int32(0),
                                unroll=False)

            for k in range(_GB // L):
                eids[pl.ds(cnt + k * L, L)] = dummy_eid
                lidxs[pl.ds(cnt + k * L, L)] = dummy_li

            nb = (cnt + _GB - 1) // _GB

            @pl.when(sid == 0)
            def _():
                pltpu.make_async_copy(
                    xx_hbm.at[pl.ds(j * _CH, _CH)],
                    spchunk.at[pl.ds(par * _CH, _CH)], xsem).wait()

            plsc.subcore_barrier()

            @pl.when((sid == 0) & (j + 1 < NCH))
            def _():
                pltpu.async_copy(xx_hbm.at[pl.ds((j + 1) * _CH, _CH)],
                                 spchunk.at[pl.ds(nxt * _CH, _CH)], xsem)

            @pl.when(nb > 0)
            def _():
                pltpu.async_copy(spchunk.at[eids.at[pl.ds(0, _GB)]],
                                 rows_v.at[pl.ds(0, _GB)], gsem)

            def drain_step(b, c):
                bcur = lax.rem(b, 2) * _GB
                bnxt = lax.rem(b + 1, 2) * _GB

                @pl.when(b + 1 < nb)
                def _():
                    pltpu.async_copy(
                        spchunk.at[eids.at[pl.ds((b + 1) * _GB, _GB)]],
                        rows_v.at[pl.ds(bnxt, _GB)], gsem)

                pltpu.make_async_copy(
                    spchunk.at[eids.at[pl.ds(b * _GB, _GB)]],
                    rows_v.at[pl.ds(bcur, _GB)], gsem).wait()

                def group_step(gi, c2):
                    lv = lidxs[pl.ds(b * _GB + gi * L, L)]
                    for r in range(L):
                        li = lv[r]
                        base = li * DN
                        row = bcur + gi * L + r
                        accv = [acc[pl.ds(base + k * L, L)]
                                for k in range(DN // L)]
                        rowv = [rows_v[row, pl.ds(k * L, L)]
                                for k in range(DN // L)]
                        for k in range(DN // L):
                            acc[pl.ds(base + k * L, L)] = jnp.maximum(
                                accv[k], rowv[k])
                    return c2

                lax.fori_loop(0, _GB // L, group_step, 0, unroll=False)
                return c

            lax.fori_loop(0, nb, drain_step, 0, unroll=False)
            plsc.subcore_barrier()
            return carry

        lax.fori_loop(0, NCH, chunk_step, 0, unroll=False)

        @pl.when(wid < NW - 1)
        def _():
            pltpu.sync_copy(acc.at[pl.ds(0, NPW * DN)],
                            agg_hbm.at[pl.ds(n_lo * DN, NPW * DN)])

        @pl.when(wid == NW - 1)
        def _():
            last = N - (NW - 1) * NPW
            pltpu.sync_copy(acc.at[pl.ds(0, last * DN)],
                            agg_hbm.at[pl.ds(n_lo * DN, last * DN)])

    pl.run_scoped(run, pltpu.VMEM((ACC_ROWS * DN,), jnp.float32))


def _sc_scatter_max(src, xx):
    mesh = plsc.VectorSubcoreMesh(core_axis_name="c", subcore_axis_name="s")
    f = pl.kernel(
        _scatter_body,
        out_type=jax.ShapeDtypeStruct((N * DN,), jnp.float32),
        mesh=mesh,
        compiler_params=_SC_PARAMS,
        scratch_types=[
            pltpu.VMEM((2 * _CH,), jnp.int32),
            pltpu.VMEM((_CAP,), jnp.int32),
            pltpu.VMEM((_CAP,), jnp.int32),
            pltpu.VMEM((2 * _GB, DN), jnp.float32),
            pltpu.VMEM_SHARED((2 * _CH, DN), jnp.float32),
            pltpu.SemaphoreType.DMA,
            pltpu.SemaphoreType.DMA,
            pltpu.SemaphoreType.DMA,
        ],
    )
    return f(src, xx)



_BN = 1000


def _node_body(x_ref, agg_ref, wp1a_ref, wp1b_ref, bp1_ref, wp2t_ref,
               bp2_ref, out_ref):
    x = x_ref[...]
    agg = agg_ref[...]
    agg = jnp.where(jnp.isfinite(agg), agg, 0.0)
    dot = functools.partial(jnp.dot, preferred_element_type=jnp.float32)
    h2 = jax.nn.relu(dot(x, wp1a_ref[...]) + dot(agg, wp1b_ref[...])
                     + bp1_ref[...])
    out_ref[...] = dot(h2, wp2t_ref[...]) + bp2_ref[...]


def _tc_node(x, agg, params):
    full = lambda a: pl.BlockSpec(a.shape, lambda i: (0,) * a.ndim)
    grid_spec = pl.GridSpec(
        grid=(N // _BN,),
        in_specs=[
            pl.BlockSpec((_BN, DN), lambda i: (i, 0)),
            pl.BlockSpec((_BN, DA), lambda i: (i, 0)),
        ] + [full(a) for a in params],
        out_specs=pl.BlockSpec((_BN, DN), lambda i: (i, 0)),
    )
    return pl.pallas_call(
        _node_body,
        grid_spec=grid_spec,
        out_shape=jax.ShapeDtypeStruct((N, DN), jnp.float32),
    )(x, agg, *params)



def kernel(x, edge_feature, edge_index, We1, be1, We2, be2, Wq, bq, Wv, bv,
           Wpe, bpe, Wm1, bm1, Wm2, bm2, Wp1, bp1, Wp2, bp2):
    f32 = jnp.float32
    row = lambda b: b.reshape(1, -1).astype(f32)

    w1a = We1[:, :DN].T
    w1b = We1[:, DN:DN + DE].T
    w1c = We1[:, DN + DE:].T
    we2t = We2.T
    wqt = Wq.T
    wpet = Wpe.T
    wvt = Wv.T
    eye8 = jnp.eye(8, dtype=f32)
    k1 = jnp.kron(Wm1.T, eye8)
    k2 = jnp.kron(Wm2.T, eye8)
    b1t = row(jnp.repeat(bm1, 8))
    b2t = row(jnp.repeat(bm2, 8))
    g = (jnp.arange(DA)[:, None] % 8 == jnp.arange(8)[None, :]).astype(f32)
    gt = g.T
    edge_params = (w1a, w1b, w1c, row(be1), we2t, row(be2), wqt, row(bq),
                   wpet, row(bpe), k1, b1t, k2, b2t, g, gt, wvt, row(bv))

    wp1a = Wp1[:, :DN].T
    wp1b = Wp1[:, DN:].T
    wp2t = Wp2.T
    node_params = (wp1a, wp1b, row(bp1), wp2t, row(bp2))

    src = edge_index[0]
    dst = edge_index[1]
    xi, xj = _sc_gather(src, dst, x)
    ge, xx = _tc_edge(xi, xj, edge_feature, edge_params)
    agg = _sc_scatter_max(src, xx).reshape(N, DN)
    out = _tc_node(x, agg, node_params)
    return out, ge

# --- scband reference (transcript-rebuilt; emitter-appended) ---
"""Pipeline reference for scband-graph-edge-atten-network-13924283974460 (READ-ONLY COPY).

The authoritative reference and input builder live on the scoring server;
editing this copy changes nothing except your own understanding.
"""

import jax, jax.numpy as jnp
import numpy as np

N = 10000
E = 320000
DN = 128  # dim_node
DE = 16   # dim_edge
DA = 128  # dim_atten
H = 8     # num_heads
d_n = DN // H  # 16
d_e = DE // H  # 2
d_o = DA // H  # 16


def _lin(x, W, b):
    return x @ W.T + b


def setup_inputs(seed: int = 0) -> dict:
    key = jax.random.key(seed)
    ks = jax.random.split(key, 16)

    def w(k, o, i):
        return jax.random.normal(k, (o, i), dtype=jnp.float32) * (1.0 / np.sqrt(i))

    inp = {}
    inp['x'] = jax.random.normal(ks[0], (N, DN), dtype=jnp.float32)
    inp['edge_feature'] = jax.random.normal(ks[1], (E, DE), dtype=jnp.float32)
    inp['edge_index'] = jax.random.randint(ks[2], (2, E), 0, N, dtype=jnp.int32)
    hid = DN + DE  # 144
    # nn_edge: [2*DN+DE -> DN+DE -> DE], Linear-ReLU-Linear (on_last=False)
    inp['We1'] = w(ks[3], hid, 2 * DN + DE); inp['be1'] = jnp.zeros((hid,), jnp.float32)
    inp['We2'] = w(ks[4], DE, hid);          inp['be2'] = jnp.zeros((DE,), jnp.float32)
    # projections (single Linear each)
    inp['Wq'] = w(ks[5], DN, DN);   inp['bq'] = jnp.zeros((DN,), jnp.float32)
    inp['Wv'] = w(ks[6], DA, DN);   inp['bv'] = jnp.zeros((DA,), jnp.float32)
    inp['Wpe'] = w(ks[7], DE, DE);  inp['bpe'] = jnp.zeros((DE,), jnp.float32)
    # attention MLP (Conv1d k=1 stack): [d_n+d_e -> d_n+d_e -> d_o]
    inp['Wm1'] = w(ks[8], d_n + d_e, d_n + d_e); inp['bm1'] = jnp.zeros((d_n + d_e,), jnp.float32)
    inp['Wm2'] = w(ks[9], d_o, d_n + d_e);       inp['bm2'] = jnp.zeros((d_o,), jnp.float32)
    # prop: [DN+DA -> DN+DA -> DN], Linear-ReLU-Linear
    inp['Wp1'] = w(ks[10], DN + DA, DN + DA); inp['bp1'] = jnp.zeros((DN + DA,), jnp.float32)
    inp['Wp2'] = w(ks[11], DN, DN + DA);      inp['bp2'] = jnp.zeros((DN,), jnp.float32)
    return inp


def reference(x, edge_feature, edge_index, We1, be1, We2, be2, Wq, bq, Wv, bv,
              Wpe, bpe, Wm1, bm1, Wm2, bm2, Wp1, bp1, Wp2, bp2):
    # Gen_Index (flow='target_to_source'): i = edge_index[0], j = edge_index[1]
    src = edge_index[0]
    dst = edge_index[1]
    x_i = jnp.take(x, src, axis=0)   # query per edge [E, DN]
    x_j = jnp.take(x, dst, axis=0)   # value per edge [E, DN]
    ef = edge_feature
    # nn_edge on cat([query, edge, value])
    h = jax.nn.relu(_lin(jnp.concatenate([x_i, ef, x_j], axis=1), We1, be1))
    gcn_edge_feature = _lin(h, We2, be2)  # [E, DE]
    # 'fat' attention
    value = _lin(x_j, Wv, bv)                       # [E, DA]
    q = _lin(x_i, Wq, bq).reshape(-1, d_n, H)       # [E, d_n, H]
    e = _lin(ef, Wpe, bpe).reshape(-1, d_e, H)      # [E, d_e, H]
    qe = jnp.concatenate([q, e], axis=1)            # [E, d_n+d_e, H]
    m = jax.nn.relu(jnp.einsum('oc,ech->eoh', Wm1, qe) + bm1[None, :, None])
    prob = jnp.einsum('oc,ech->eoh', Wm2, m) + bm2[None, :, None]  # [E, d_o, H]
    prob = jax.nn.softmax(prob, axis=1)
    xx = prob.reshape(value.shape) * value          # [E, DA]
    # Aggre_Index aggr='max' at node i (scatter-max, empty segments -> 0)
    agg = jax.ops.segment_max(xx, src, num_segments=N)
    agg = jnp.where(jnp.isfinite(agg), agg, 0.0)    # [N, DA]
    # prop MLP
    h2 = jax.nn.relu(_lin(jnp.concatenate([x, agg], axis=1), Wp1, bp1))
    out = _lin(h2, Wp2, bp2)                        # [N, DN]
    return (out, gcn_edge_feature)

if __name__ == "__main__":
    import jax
    _d = setup_inputs()
    print(jax.jit(kernel)(*tuple(_d.values())))

</pallas_src>

<mosaic_0001>
#map = affine_map<(d0, d1) -> (0)>
#map1 = affine_map<(d0, d1) -> (0, 0)>
module attributes {stable_mosaic.version = 14 : i64} {
  func.func @_scatter_body(%arg0: i32, %arg1: i32, %arg2: memref<320000xi32, #tpu.memory_space<hbm>>, %arg3: memref<320000x128xf32, #tpu.memory_space<hbm>>, %arg4: memref<1280000xf32, #tpu.memory_space<hbm>>, %arg5: memref<5120xi32, #tpu.memory_space<vmem>>, %arg6: memref<3072xi32, #tpu.memory_space<vmem>>, %arg7: memref<3072xi32, #tpu.memory_space<vmem>>, %arg8: memref<256x128xf32, #tpu.memory_space<vmem>>, %arg9: memref<5120x128xf32, #tpu.memory_space<vmem_shared>>, %arg10: memref<!tpu.dma_semaphore, #tpu.memory_space<semaphore_mem>>, %arg11: memref<!tpu.dma_semaphore, #tpu.memory_space<semaphore_mem>>, %arg12: memref<!tpu.dma_semaphore, #tpu.memory_space<semaphore_mem>>) attributes {dimension_semantics = [#tpu.dimension_semantics<core_parallel>, #tpu.dimension_semantics<subcore_parallel>], iteration_bounds = array<i64: 2, 16>, scalar_prefetch = 0 : i64, scratch_operands = 8 : i64, tpu.core_type = #tpu.core_type<sc_vector_subcore>, window_params = [{transform_indices = #map}, {transform_indices = #map1}, {transform_indices = #map}]} {
    %mul3A = arith.constant 2 : i32
    %mul3A_0 = arith.muli %arg1, %mul3A : i32
    %add3A = arith.addi %mul3A_0, %arg0 : i32
    %mul3A_1 = arith.constant 313 : i32
    %mul3A_2 = arith.muli %add3A, %mul3A_1 : i32
    %add3A_3 = arith.constant 313 : i32
    %add3A_4 = arith.addi %mul3A_2, %add3A_3 : i32
    %min3A = arith.constant 10000 : i32
    %min3A_5 = arith.minsi %min3A, %add3A_4 : i32
    %broadcast_in_dim3A = arith.constant 0xFF800000 : f32
    %broadcast_in_dim3A_6 = vector.broadcast %broadcast_in_dim3A : f32 to vector<16xf32>
    "tpu.region"() ({
      %run_scoped3A = memref.alloca() : memref<40960xf32, #tpu.memory_space<vmem>>
      %scan3A = arith.constant 0 : i32
      %scan3A_7 = arith.constant 0 : i32
      %scan3A_8 = arith.constant 2560 : i32
      %scan3A_9 = arith.addi %scan3A_7, %scan3A_8 : i32
      %scan3A_10 = arith.constant 1 : i32
      scf.for %scan3A_40 = %scan3A_7 to %scan3A_9 step %scan3A_10  : i32 {
        %mul3A_41 = arith.constant 16 : i32
        %mul3A_42 = arith.muli %scan3A_40, %mul3A_41 : i32
        %swap3A = arith.index_cast %mul3A_42 : i32 to index
        %swap3A_43 = tpu.vector_load %run_scoped3A[%swap3A] {strides = array<i32>} : memref<40960xf32, #tpu.memory_space<vmem>>, vector<16xf32>,
        tpu.vector_store %run_scoped3A[%swap3A], %broadcast_in_dim3A_6 {strides = array<i32>} : memref<40960xf32, #tpu.memory_space<vmem>>, vector<16xf32>,
      }
      %scan3A_11 = arith.constant 2560 : i32
      %iota3A = tpu.iota {dimensions = array<i32: 0>} : vector<16xi32>
      %broadcast_in_dim3A_12 = arith.constant 319 : i32
      %broadcast_in_dim3A_13 = vector.broadcast %broadcast_in_dim3A_12 : i32 to vector<16xi32>
      %broadcast_in_dim3A_14 = arith.constant 0 : i32
      %broadcast_in_dim3A_15 = vector.broadcast %broadcast_in_dim3A_14 : i32 to vector<16xi32>
      %dma_start3A = arith.constant 0 : i32
      %dma_start3A_16 = tpu.memref_slice %arg5[%dma_start3A] : memref<5120xi32, #tpu.memory_space<vmem>> -> memref<2560xi32, #tpu.memory_space<vmem>>
      %dma_start3A_17 = arith.constant 0 : i32
      %dma_start3A_18 = tpu.memref_slice %arg2[%dma_start3A_17] : memref<320000xi32, #tpu.memory_space<hbm>> -> memref<2560xi32, #tpu.memory_space<hbm>>
      %dma_start3A_19 = arith.constant 0 : i32
      %dma_start3A_20 = tpu.memref_slice %arg5[%dma_start3A_19] : memref<5120xi32, #tpu.memory_space<vmem>> -> memref<2560xi32, #tpu.memory_space<vmem>>
      %dma_start3A_21 = arith.constant 0 : i32
      %dma_start3A_22 = tpu.memref_slice %arg2[%dma_start3A_21] : memref<320000xi32, #tpu.memory_space<hbm>> -> memref<2560xi32, #tpu.memory_space<hbm>>
      tpu.enqueue_dma source(%dma_start3A_22 : memref<2560xi32, #tpu.memory_space<hbm>>) target(%dma_start3A_20 : memref<2560xi32, #tpu.memory_space<vmem>>) target_semaphore(%arg10 : memref<!tpu.dma_semaphore, #tpu.memory_space<semaphore_mem>>)
      %eq3A = arith.constant 0 : i32
      %eq3A_23 = arith.cmpi eq, %arg1, %eq3A : i32
      %convert_element_type3A = arith.extui %eq3A_23 : i1 to i32
      %cond3A = arith.constant 0 : i32
      %cond3A_24 = arith.cmpi ne, %convert_element_type3A, %cond3A : i32
      scf.if %cond3A_24 {
        %dma_start3A_40 = arith.constant 0 : i32
        %dma_start3A_41 = arith.constant 0 : i32
        %dma_start3A_42 = tpu.memref_slice %arg9[%dma_start3A_40, %dma_start3A_41] : memref<5120x128xf32, #tpu.memory_space<vmem_shared>> -> memref<2560x128xf32, #tpu.memory_space<vmem_shared>>
        %dma_start3A_43 = arith.constant 0 : i32
        %dma_start3A_44 = arith.constant 0 : i32
        %dma_start3A_45 = tpu.memref_slice %arg3[%dma_start3A_43, %dma_start3A_44] : memref<320000x128xf32, #tpu.memory_space<hbm>> -> memref<2560x128xf32, #tpu.memory_space<hbm>>
        tpu.enqueue_dma source(%dma_start3A_45 : memref<2560x128xf32, #tpu.memory_space<hbm>>) target(%dma_start3A_42 : memref<2560x128xf32, #tpu.memory_space<vmem_shared>>) target_semaphore(%arg11 : memref<!tpu.dma_semaphore, #tpu.memory_space<semaphore_mem>>)
      } else {
      }
      %scan3A_25 = arith.constant 0 : i32
      %scan3A_26 = arith.constant 0 : i32
      %scan3A_27 = arith.constant 125 : i32
      %scan3A_28 = arith.addi %scan3A_26, %scan3A_27 : i32
      %scan3A_29 = arith.constant 1 : i32
      scf.for %scan3A_40 = %scan3A_26 to %scan3A_28 step %scan3A_29  : i32 {
        %rem3A = arith.constant 2 : i32
        %rem3A_41 = arith.remsi %scan3A_40, %rem3A : i32
        %add3A_42 = arith.constant 1 : i32
        %add3A_43 = arith.addi %scan3A_40, %add3A_42 : i32
        %rem3A_44 = arith.constant 2 : i32
        %rem3A_45 = arith.remsi %add3A_43, %rem3A_44 : i32
        %mul3A_46 = arith.constant 2560 : i32
        %mul3A_47 = arith.muli %scan3A_40, %mul3A_46 : i32
        %mul3A_48 = arith.constant 2560 : i32
        %mul3A_49 = arith.muli %rem3A_41, %mul3A_48 : i32
        %dma_wait3A = tpu.memref_slice %arg5[%mul3A_49] : memref<5120xi32, #tpu.memory_space<vmem>> -> memref<2560xi32, #tpu.memory_space<vmem>>
        %dma_wait3A_50 = tpu.memref_slice %arg2[%mul3A_47] : memref<320000xi32, #tpu.memory_space<hbm>> -> memref<2560xi32, #tpu.memory_space<hbm>>
        %dma_wait3A_51 = tpu.memref_slice %arg5[%mul3A_49] : memref<5120xi32, #tpu.memory_space<vmem>> -> memref<2560xi32, #tpu.memory_space<vmem>>
        %dma_wait3A_52 = tpu.memref_slice %arg2[%mul3A_47] : memref<320000xi32, #tpu.memory_space<hbm>> -> memref<2560xi32, #tpu.memory_space<hbm>>
        tpu.wait_dma2 semaphore(%arg10 : memref<!tpu.dma_semaphore, #tpu.memory_space<semaphore_mem>>) src(%dma_wait3A_52 : memref<2560xi32, #tpu.memory_space<hbm>>) dst(%dma_wait3A_51 : memref<2560xi32, #tpu.memory_space<vmem>>)
        %add3A_53 = arith.constant 1 : i32
        %add3A_54 = arith.addi %scan3A_40, %add3A_53 : i32
        %lt3A_55 = arith.constant 125 : i32
        %lt3A_56 = arith.cmpi slt, %add3A_54, %lt3A_55 : i32
        %convert_element_type3A_57 = arith.extui %lt3A_56 : i1 to i32
        %cond3A_58 = arith.constant 0 : i32
        %cond3A_59 = arith.cmpi ne, %convert_element_type3A_57, %cond3A_58 : i32
        scf.if %cond3A_59 {
          %add3A_180 = arith.constant 1 : i32
          %add3A_181 = arith.addi %scan3A_40, %add3A_180 : i32
          %mul3A_182 = arith.constant 2560 : i32
          %mul3A_183 = arith.muli %add3A_181, %mul3A_182 : i32
          %mul3A_184 = arith.constant 2560 : i32
          %mul3A_185 = arith.muli %rem3A_45, %mul3A_184 : i32
          %dma_start3A_186 = tpu.memref_slice %arg5[%mul3A_185] : memref<5120xi32, #tpu.memory_space<vmem>> -> memref<2560xi32, #tpu.memory_space<vmem>>
          %dma_start3A_187 = tpu.memref_slice %arg2[%mul3A_183] : memref<320000xi32, #tpu.memory_space<hbm>> -> memref<2560xi32, #tpu.memory_space<hbm>>
          %dma_start3A_188 = tpu.memref_slice %arg5[%mul3A_185] : memref<5120xi32, #tpu.memory_space<vmem>> -> memref<2560xi32, #tpu.memory_space<vmem>>
          %dma_start3A_189 = tpu.memref_slice %arg2[%mul3A_183] : memref<320000xi32, #tpu.memory_space<hbm>> -> memref<2560xi32, #tpu.memory_space<hbm>>
          tpu.enqueue_dma source(%dma_start3A_189 : memref<2560xi32, #tpu.memory_space<hbm>>) target(%dma_start3A_188 : memref<2560xi32, #tpu.memory_space<vmem>>) target_semaphore(%arg10 : memref<!tpu.dma_semaphore, #tpu.memory_space<semaphore_mem>>)
        } else {
        }
        %scan3A_60 = arith.constant 0 : i32
        %scan3A_61 = arith.constant 0 : i32
        %scan3A_62 = arith.constant 40 : i32
        %scan3A_63 = arith.addi %scan3A_61, %scan3A_62 : i32
        %scan3A_64 = arith.constant 1 : i32
        %scan3A_65 = scf.for %scan3A_180 = %scan3A_61 to %scan3A_63 step %scan3A_64 iter_args(%scan3A_181 = %scan3A_60) -> (i32)  : i32 {
          %mul3A_182 = arith.constant 4 : i32
          %mul3A_183 = arith.muli %scan3A_180, %mul3A_182 : i32
          %add3A_184 = arith.constant 0 : i32
          %add3A_185 = arith.addi %mul3A_183, %add3A_184 : i32
          %mul3A_186 = arith.constant 2560 : i32
          %mul3A_187 = arith.muli %rem3A_41, %mul3A_186 : i32
          %mul3A_188 = arith.constant 16 : i32
          %mul3A_189 = arith.muli %add3A_185, %mul3A_188 : i32
          %add3A_190 = arith.addi %mul3A_187, %mul3A_189 : i32
          %get3A = arith.index_cast %add3A_190 : i32 to index
          %get3A_191 = tpu.vector_load %arg5[%get3A] {strides = array<i32>} : memref<5120xi32, #tpu.memory_space<vmem>>, vector<16xi32>,
          %ge3A = vector.broadcast %mul3A_2 : i32 to vector<16xi32>
          %ge3A_192 = arith.cmpi sge, %get3A_191, %ge3A : vector<16xi32>
          %lt3A_193 = vector.broadcast %min3A_5 : i32 to vector<16xi32>
          %lt3A_194 = arith.cmpi slt, %get3A_191, %lt3A_193 : vector<16xi32>
          %and3A_195 = arith.andi %ge3A_192, %lt3A_194 : vector<16xi1>
          %mul3A_196 = arith.constant 2560 : i32
          %mul3A_197 = arith.muli %rem3A_41, %mul3A_196 : i32
          %mul3A_198 = arith.constant 16 : i32
          %mul3A_199 = arith.muli %add3A_185, %mul3A_198 : i32
          %add3A_200 = arith.addi %mul3A_197, %mul3A_199 : i32
          %add3A_201 = vector.broadcast %add3A_200 : i32 to vector<16xi32>
          %add3A_202 = arith.addi %iota3A, %add3A_201 : vector<16xi32>
          %sub3A_203 = vector.broadcast %mul3A_2 : i32 to vector<16xi32>
          %sub3A_204 = arith.subi %get3A_191, %sub3A_203 : vector<16xi32>
          %swap3A_205 = arith.index_cast %scan3A_181 : i32 to index
          %swap3A_206 = tpu.vector_load %arg6[%swap3A_205] masked %and3A_195 {strides = array<i32>} : memref<3072xi32, #tpu.memory_space<vmem>>, vector<16xi32>, vector<16xi1>
          tpu.vector_store %arg6[%swap3A_205], %add3A_202 masked %and3A_195 {strides = array<i32>} : memref<3072xi32, #tpu.memory_space<vmem>>, vector<16xi32>, vector<16xi1>
          %swap3A_207 = arith.index_cast %scan3A_181 : i32 to index
          %swap3A_208 = tpu.vector_load %arg7[%swap3A_207] masked %and3A_195 {strides = array<i32>} : memref<3072xi32, #tpu.memory_space<vmem>>, vector<16xi32>, vector<16xi1>
          tpu.vector_store %arg7[%swap3A_207], %sub3A_204 masked %and3A_195 {strides = array<i32>} : memref<3072xi32, #tpu.memory_space<vmem>>, vector<16xi32>, vector<16xi1>
          %all_reduce_population_count3A = tpu.all_reduce %and3A_195 {dim = 0 : i64, kind = #tpu.reduction_kind<sum>} : vector<16xi1> -> vector<16xi32>
          %slice3A = vector.extract_strided_slice %all_reduce_population_count3A {offsets = [0], sizes = [1], strides = [1]} : vector<16xi32> to vector<1xi32>
          %squeeze3A = vector.extract %slice3A[0] : i32 from vector<1xi32>
          %add3A_209 = arith.addi %scan3A_181, %squeeze3A : i32
          %mul3A_210 = arith.constant 4 : i32
          %mul3A_211 = arith.muli %scan3A_180, %mul3A_210 : i32
          %add3A_212 = arith.constant 1 : i32
          %add3A_213 = arith.addi %mul3A_211, %add3A_212 : i32
          %mul3A_214 = arith.constant 2560 : i32
          %mul3A_215 = arith.muli %rem3A_41, %mul3A_214 : i32
          %mul3A_216 = arith.constant 16 : i32
          %mul3A_217 = arith.muli %add3A_213, %mul3A_216 : i32
          %add3A_218 = arith.addi %mul3A_215, %mul3A_217 : i32
          %get3A_219 = arith.index_cast %add3A_218 : i32 to index
          %get3A_220 = tpu.vector_load %arg5[%get3A_219] {strides = array<i32>} : memref<5120xi32, #tpu.memory_space<vmem>>, vector<16xi32>,
          %ge3A_221 = vector.broadcast %mul3A_2 : i32 to vector<16xi32>
          %ge3A_222 = arith.cmpi sge, %get3A_220, %ge3A_221 : vector<16xi32>
          %lt3A_223 = vector.broadcast %min3A_5 : i32 to vector<16xi32>
          %lt3A_224 = arith.cmpi slt, %get3A_220, %lt3A_223 : vector<16xi32>
          %and3A_225 = arith.andi %ge3A_222, %lt3A_224 : vector<16xi1>
          %mul3A_226 = arith.constant 2560 : i32
          %mul3A_227 = arith.muli %rem3A_41, %mul3A_226 : i32
          %mul3A_228 = arith.constant 16 : i32
          %mul3A_229 = arith.muli %add3A_213, %mul3A_228 : i32
          %add3A_230 = arith.addi %mul3A_227, %mul3A_229 : i32
          %add3A_231 = vector.broadcast %add3A_230 : i32 to vector<16xi32>
          %add3A_232 = arith.addi %iota3A, %add3A_231 : vector<16xi32>
          %sub3A_233 = vector.broadcast %mul3A_2 : i32 to vector<16xi32>
          %sub3A_234 = arith.subi %get3A_220, %sub3A_233 : vector<16xi32>
          %swap3A_235 = arith.index_cast %add3A_209 : i32 to index
          %swap3A_236 = tpu.vector_load %arg6[%swap3A_235] masked %and3A_225 {strides = array<i32>} : memref<3072xi32, #tpu.memory_space<vmem>>, vector<16xi32>, vector<16xi1>
          tpu.vector_store %arg6[%swap3A_235], %add3A_232 masked %and3A_225 {strides = array<i32>} : memref<3072xi32, #tpu.memory_space<vmem>>, vector<16xi32>, vector<16xi1>
          %swap3A_237 = arith.index_cast %add3A_209 : i32 to index
          %swap3A_238 = tpu.vector_load %arg7[%swap3A_237] masked %and3A_225 {strides = array<i32>} : memref<3072xi32, #tpu.memory_space<vmem>>, vector<16xi32>, vector<16xi1>
          tpu.vector_store %arg7[%swap3A_237], %sub3A_234 masked %and3A_225 {strides = array<i32>} : memref<3072xi32, #tpu.memory_space<vmem>>, vector<16xi32>, vector<16xi1>
          %all_reduce_population_count3A_239 = tpu.all_reduce %and3A_225 {dim = 0 : i64, kind = #tpu.reduction_kind<sum>} : vector<16xi1> -> vector<16xi32>
          %slice3A_240 = vector.extract_strided_slice %all_reduce_population_count3A_239 {offsets = [0], sizes = [1], strides = [1]} : vector<16xi32> to vector<1xi32>
          %squeeze3A_241 = vector.extract %slice3A_240[0] : i32 from vector<1xi32>
          %add3A_242 = arith.addi %add3A_209, %squeeze3A_241 : i32
          %mul3A_243 = arith.constant 4 : i32
          %mul3A_244 = arith.muli %scan3A_180, %mul3A_243 : i32
          %add3A_245 = arith.constant 2 : i32
          %add3A_246 = arith.addi %mul3A_244, %add3A_245 : i32
          %mul3A_247 = arith.constant 2560 : i32
          %mul3A_248 = arith.muli %rem3A_41, %mul3A_247 : i32
          %mul3A_249 = arith.constant 16 : i32
          %mul3A_250 = arith.muli %add3A_246, %mul3A_249 : i32
          %add3A_251 = arith.addi %mul3A_248, %mul3A_250 : i32
          %get3A_252 = arith.index_cast %add3A_251 : i32 to index
          %get3A_253 = tpu.vector_load %arg5[%get3A_252] {strides = array<i32>} : memref<5120xi32, #tpu.memory_space<vmem>>, vector<16xi32>,
          %ge3A_254 = vector.broadcast %mul3A_2 : i32 to vector<16xi32>
          %ge3A_255 = arith.cmpi sge, %get3A_253, %ge3A_254 : vector<16xi32>
          %lt3A_256 = vector.broadcast %min3A_5 : i32 to vector<16xi32>
          %lt3A_257 = arith.cmpi slt, %get3A_253, %lt3A_256 : vector<16xi32>
          %and3A_258 = arith.andi %ge3A_255, %lt3A_257 : vector<16xi1>
          %mul3A_259 = arith.constant 2560 : i32
          %mul3A_260 = arith.muli %rem3A_41, %mul3A_259 : i32
          %mul3A_261 = arith.constant 16 : i32
          %mul3A_262 = arith.muli %add3A_246, %mul3A_261 : i32
          %add3A_263 = arith.addi %mul3A_260, %mul3A_262 : i32
          %add3A_264 = vector.broadcast %add3A_263 : i32 to vector<16xi32>
          %add3A_265 = arith.addi %iota3A, %add3A_264 : vector<16xi32>
          %sub3A_266 = vector.broadcast %mul3A_2 : i32 to vector<16xi32>
          %sub3A_267 = arith.subi %get3A_253, %sub3A_266 : vector<16xi32>
          %swap3A_268 = arith.index_cast %add3A_242 : i32 to index
          %swap3A_269 = tpu.vector_load %arg6[%swap3A_268] masked %and3A_258 {strides = array<i32>} : memref<3072xi32, #tpu.memory_space<vmem>>, vector<16xi32>, vector<16xi1>
          tpu.vector_store %arg6[%swap3A_268], %add3A_265 masked %and3A_258 {strides = array<i32>} : memref<3072xi32, #tpu.memory_space<vmem>>, vector<16xi32>, vector<16xi1>
          %swap3A_270 = arith.index_cast %add3A_242 : i32 to index
          %swap3A_271 = tpu.vector_load %arg7[%swap3A_270] masked %and3A_258 {strides = array<i32>} : memref<3072xi32, #tpu.memory_space<vmem>>, vector<16xi32>, vector<16xi1>
          tpu.vector_store %arg7[%swap3A_270], %sub3A_267 masked %and3A_258 {strides = array<i32>} : memref<3072xi32, #tpu.memory_space<vmem>>, vector<16xi32>, vector<16xi1>
          %all_reduce_population_count3A_272 = tpu.all_reduce %and3A_258 {dim = 0 : i64, kind = #tpu.reduction_kind<sum>} : vector<16xi1> -> vector<16xi32>
          %slice3A_273 = vector.extract_strided_slice %all_reduce_population_count3A_272 {offsets = [0], sizes = [1], strides = [1]} : vector<16xi32> to vector<1xi32>
          %squeeze3A_274 = vector.extract %slice3A_273[0] : i32 from vector<1xi32>
          %add3A_275 = arith.addi %add3A_242, %squeeze3A_274 : i32
          %mul3A_276 = arith.constant 4 : i32
          %mul3A_277 = arith.muli %scan3A_180, %mul3A_276 : i32
          %add3A_278 = arith.constant 3 : i32
          %add3A_279 = arith.addi %mul3A_277, %add3A_278 : i32
          %mul3A_280 = arith.constant 2560 : i32
          %mul3A_281 = arith.muli %rem3A_41, %mul3A_280 : i32
          %mul3A_282 = arith.constant 16 : i32
          %mul3A_283 = arith.muli %add3A_279, %mul3A_282 : i32
          %add3A_284 = arith.addi %mul3A_281, %mul3A_283 : i32
          %get3A_285 = arith.index_cast %add3A_284 : i32 to index
          %get3A_286 = tpu.vector_load %arg5[%get3A_285] {strides = array<i32>} : memref<5120xi32, #tpu.memory_space<vmem>>, vector<16xi32>,
          %ge3A_287 = vector.broadcast %mul3A_2 : i32 to vector<16xi32>
          %ge3A_288 = arith.cmpi sge, %get3A_286, %ge3A_287 : vector<16xi32>
          %lt3A_289 = vector.broadcast %min3A_5 : i32 to vector<16xi32>
          %lt3A_290 = arith.cmpi slt, %get3A_286, %lt3A_289 : vector<16xi32>
          %and3A_291 = arith.andi %ge3A_288, %lt3A_290 : vector<16xi1>
          %mul3A_292 = arith.constant 2560 : i32
          %mul3A_293 = arith.muli %rem3A_41, %mul3A_292 : i32
          %mul3A_294 = arith.constant 16 : i32
          %mul3A_295 = arith.muli %add3A_279, %mul3A_294 : i32
          %add3A_296 = arith.addi %mul3A_293, %mul3A_295 : i32
          %add3A_297 = vector.broadcast %add3A_296 : i32 to vector<16xi32>
          %add3A_298 = arith.addi %iota3A, %add3A_297 : vector<16xi32>
          %sub3A_299 = vector.broadcast %mul3A_2 : i32 to vector<16xi32>
          %sub3A_300 = arith.subi %get3A_286, %sub3A_299 : vector<16xi32>
          %swap3A_301 = arith.index_cast %add3A_275 : i32 to index
          %swap3A_302 = tpu.vector_load %arg6[%swap3A_301] masked %and3A_291 {strides = array<i32>} : memref<3072xi32, #tpu.memory_space<vmem>>, vector<16xi32>, vector<16xi1>
          tpu.vector_store %arg6[%swap3A_301], %add3A_298 masked %and3A_291 {strides = array<i32>} : memref<3072xi32, #tpu.memory_space<vmem>>, vector<16xi32>, vector<16xi1>
          %swap3A_303 = arith.index_cast %add3A_275 : i32 to index
          %swap3A_304 = tpu.vector_load %arg7[%swap3A_303] masked %and3A_291 {strides = array<i32>} : memref<3072xi32, #tpu.memory_space<vmem>>, vector<16xi32>, vector<16xi1>
          tpu.vector_store %arg7[%swap3A_303], %sub3A_300 masked %and3A_291 {strides = array<i32>} : memref<3072xi32, #tpu.memory_space<vmem>>, vector<16xi32>, vector<16xi1>
          %all_reduce_population_count3A_305 = tpu.all_reduce %and3A_291 {dim = 0 : i64, kind = #tpu.reduction_kind<sum>} : vector<16xi1> -> vector<16xi32>
          %slice3A_306 = vector.extract_strided_slice %all_reduce_population_count3A_305 {offsets = [0], sizes = [1], strides = [1]} : vector<16xi32> to vector<1xi32>
          %squeeze3A_307 = vector.extract %slice3A_306[0] : i32 from vector<1xi32>
          %add3A_308 = arith.addi %add3A_275, %squeeze3A_307 : i32
          scf.yield %add3A_308 : i32
        }
        %scan3A_66 = arith.constant 40 : i32
        %add3A_67 = arith.constant 0 : i32
        %add3A_68 = arith.addi %scan3A_65, %add3A_67 : i32
        %swap3A = arith.index_cast %add3A_68 : i32 to index
        %swap3A_69 = tpu.vector_load %arg6[%swap3A] {strides = array<i32>} : memref<3072xi32, #tpu.memory_space<vmem>>, vector<16xi32>,
        tpu.vector_store %arg6[%swap3A], %broadcast_in_dim3A_15 {strides = array<i32>} : memref<3072xi32, #tpu.memory_space<vmem>>, vector<16xi32>,
        %add3A_70 = arith.constant 0 : i32
        %add3A_71 = arith.addi %scan3A_65, %add3A_70 : i32
        %swap3A_72 = arith.index_cast %add3A_71 : i32 to index
        %swap3A_73 = tpu.vector_load %arg7[%swap3A_72] {strides = array<i32>} : memref<3072xi32, #tpu.memory_space<vmem>>, vector<16xi32>,
        tpu.vector_store %arg7[%swap3A_72], %broadcast_in_dim3A_13 {strides = array<i32>} : memref<3072xi32, #tpu.memory_space<vmem>>, vector<16xi32>,
        %add3A_74 = arith.constant 16 : i32
        %add3A_75 = arith.addi %scan3A_65, %add3A_74 : i32
        %swap3A_76 = arith.index_cast %add3A_75 : i32 to index
        %swap3A_77 = tpu.vector_load %arg6[%swap3A_76] {strides = array<i32>} : memref<3072xi32, #tpu.memory_space<vmem>>, vector<16xi32>,
        tpu.vector_store %arg6[%swap3A_76], %broadcast_in_dim3A_15 {strides = array<i32>} : memref<3072xi32, #tpu.memory_space<vmem>>, vector<16xi32>,
        %add3A_78 = arith.constant 16 : i32
        %add3A_79 = arith.addi %scan3A_65, %add3A_78 : i32
        %swap3A_80 = arith.index_cast %add3A_79 : i32 to index
        %swap3A_81 = tpu.vector_load %arg7[%swap3A_80] {strides = array<i32>} : memref<3072xi32, #tpu.memory_space<vmem>>, vector<16xi32>,
        tpu.vector_store %arg7[%swap3A_80], %broadcast_in_dim3A_13 {strides = array<i32>} : memref<3072xi32, #tpu.memory_space<vmem>>, vector<16xi32>,
        %add3A_82 = arith.constant 32 : i32
        %add3A_83 = arith.addi %scan3A_65, %add3A_82 : i32
        %swap3A_84 = arith.index_cast %add3A_83 : i32 to index
        %swap3A_85 = tpu.vector_load %arg6[%swap3A_84] {strides = array<i32>} : memref<3072xi32, #tpu.memory_space<vmem>>, vector<16xi32>,
        tpu.vector_store %arg6[%swap3A_84], %broadcast_in_dim3A_15 {strides = array<i32>} : memref<3072xi32, #tpu.memory_space<vmem>>, vector<16xi32>,
        %add3A_86 = arith.constant 32 : i32
        %add3A_87 = arith.addi %scan3A_65, %add3A_86 : i32
        %swap3A_88 = arith.index_cast %add3A_87 : i32 to index
        %swap3A_89 = tpu.vector_load %arg7[%swap3A_88] {strides = array<i32>} : memref<3072xi32, #tpu.memory_space<vmem>>, vector<16xi32>,
        tpu.vector_store %arg7[%swap3A_88], %broadcast_in_dim3A_13 {strides = array<i32>} : memref<3072xi32, #tpu.memory_space<vmem>>, vector<16xi32>,
        %add3A_90 = arith.constant 48 : i32
        %add3A_91 = arith.addi %scan3A_65, %add3A_90 : i32
        %swap3A_92 = arith.index_cast %add3A_91 : i32 to index
        %swap3A_93 = tpu.vector_load %arg6[%swap3A_92] {strides = array<i32>} : memref<3072xi32, #tpu.memory_space<vmem>>, vector<16xi32>,
        tpu.vector_store %arg6[%swap3A_92], %broadcast_in_dim3A_15 {strides = array<i32>} : memref<3072xi32, #tpu.memory_space<vmem>>, vector<16xi32>,
        %add3A_94 = arith.constant 48 : i32
        %add3A_95 = arith.addi %scan3A_65, %add3A_94 : i32
        %swap3A_96 = arith.index_cast %add3A_95 : i32 to index
        %swap3A_97 = tpu.vector_load %arg7[%swap3A_96] {strides = array<i32>} : memref<3072xi32, #tpu.memory_space<vmem>>, vector<16xi32>,
        tpu.vector_store %arg7[%swap3A_96], %broadcast_in_dim3A_13 {strides = array<i32>} : memref<3072xi32, #tpu.memory_space<vmem>>, vector<16xi32>,
        %add3A_98 = arith.constant 64 : i32
        %add3A_99 = arith.addi %scan3A_65, %add3A_98 : i32
        %swap3A_100 = arith.index_cast %add3A_99 : i32 to index
        %swap3A_101 = tpu.vector_load %arg6[%swap3A_100] {strides = array<i32>} : memref<3072xi32, #tpu.memory_space<vmem>>, vector<16xi32>,
        tpu.vector_store %arg6[%swap3A_100], %broadcast_in_dim3A_15 {strides = array<i32>} : memref<3072xi32, #tpu.memory_space<vmem>>, vector<16xi32>,
        %add3A_102 = arith.constant 64 : i32
        %add3A_103 = arith.addi %scan3A_65, %add3A_102 : i32
        %swap3A_104 = arith.index_cast %add3A_103 : i32 to index
        %swap3A_105 = tpu.vector_load %arg7[%swap3A_104] {strides = array<i32>} : memref<3072xi32, #tpu.memory_space<vmem>>, vector<16xi32>,
        tpu.vector_store %arg7[%swap3A_104], %broadcast_in_dim3A_13 {strides = array<i32>} : memref<3072xi32, #tpu.memory_space<vmem>>, vector<16xi32>,
        %add3A_106 = arith.constant 80 : i32
        %add3A_107 = arith.addi %scan3A_65, %add3A_106 : i32
        %swap3A_108 = arith.index_cast %add3A_107 : i32 to index
        %swap3A_109 = tpu.vector_load %arg6[%swap3A_108] {strides = array<i32>} : memref<3072xi32, #tpu.memory_space<vmem>>, vector<16xi32>,
        tpu.vector_store %arg6[%swap3A_108], %broadcast_in_dim3A_15 {strides = array<i32>} : memref<3072xi32, #tpu.memory_space<vmem>>, vector<16xi32>,
        %add3A_110 = arith.constant 80 : i32
        %add3A_111 = arith.addi %scan3A_65, %add3A_110 : i32
        %swap3A_112 = arith.index_cast %add3A_111 : i32 to index
        %swap3A_113 = tpu.vector_load %arg7[%swap3A_112] {strides = array<i32>} : memref<3072xi32, #tpu.memory_space<vmem>>, vector<16xi32>,
        tpu.vector_store %arg7[%swap3A_112], %broadcast_in_dim3A_13 {strides = array<i32>} : memref<3072xi32, #tpu.memory_space<vmem>>, vector<16xi32>,
        %add3A_114 = arith.constant 96 : i32
        %add3A_115 = arith.addi %scan3A_65, %add3A_114 : i32
        %swap3A_116 = arith.index_cast %add3A_115 : i32 to index
        %swap3A_117 = tpu.vector_load %arg6[%swap3A_116] {strides = array<i32>} : memref<3072xi32, #tpu.memory_space<vmem>>, vector<16xi32>,
        tpu.vector_store %arg6[%swap3A_116], %broadcast_in_dim3A_15 {strides = array<i32>} : memref<3072xi32, #tpu.memory_space<vmem>>, vector<16xi32>,
        %add3A_118 = arith.constant 96 : i32
        %add3A_119 = arith.addi %scan3A_65, %add3A_118 : i32
        %swap3A_120 = arith.index_cast %add3A_119 : i32 to index
        %swap3A_121 = tpu.vector_load %arg7[%swap3A_120] {strides = array<i32>} : memref<3072xi32, #tpu.memory_space<vmem>>, vector<16xi32>,
        tpu.vector_store %arg7[%swap3A_120], %broadcast_in_dim3A_13 {strides = array<i32>} : memref<3072xi32, #tpu.memory_space<vmem>>, vector<16xi32>,
        %add3A_122 = arith.constant 112 : i32
        %add3A_123 = arith.addi %scan3A_65, %add3A_122 : i32
        %swap3A_124 = arith.index_cast %add3A_123 : i32 to index
        %swap3A_125 = tpu.vector_load %arg6[%swap3A_124] {strides = array<i32>} : memref<3072xi32, #tpu.memory_space<vmem>>, vector<16xi32>,
        tpu.vector_store %arg6[%swap3A_124], %broadcast_in_dim3A_15 {strides = array<i32>} : memref<3072xi32, #tpu.memory_space<vmem>>, vector<16xi32>,
        %add3A_126 = arith.constant 112 : i32
        %add3A_127 = arith.addi %scan3A_65, %add3A_126 : i32
        %swap3A_128 = arith.index_cast %add3A_127 : i32 to index
        %swap3A_129 = tpu.vector_load %arg7[%swap3A_128] {strides = array<i32>} : memref<3072xi32, #tpu.memory_space<vmem>>, vector<16xi32>,
        tpu.vector_store %arg7[%swap3A_128], %broadcast_in_dim3A_13 {strides = array<i32>} : memref<3072xi32, #tpu.memory_space<vmem>>, vector<16xi32>,
        %add3A_130 = arith.constant 128 : i32
        %add3A_131 = arith.addi %scan3A_65, %add3A_130 : i32
        %sub3A = arith.constant 1 : i32
        %sub3A_132 = arith.subi %add3A_131, %sub3A : i32
        %jit3A = arith.constant 128 : i32
        %div3A = arith.divsi %sub3A_132, %jit3A : i32
        %sign3A = arith.constant 0 : i32
        %sign3A_133 = arith.cmpi sgt, %sub3A_132, %sign3A : i32
        %sign3A_134 = arith.extui %sign3A_133 : i1 to i32
        %sign3A_135 = arith.constant 0 : i32
        %sign3A_136 = arith.cmpi slt, %sub3A_132, %sign3A_135 : i32
        %sign3A_137 = arith.extui %sign3A_136 : i1 to i32
        %sign3A_138 = arith.subi %sign3A_134, %sign3A_137 : i32
        %sign3A_139 = arith.constant 0 : i32
        %sign3A_140 = arith.cmpi sgt, %jit3A, %sign3A_139 : i32
        %sign3A_141 = arith.extui %sign3A_140 : i1 to i32
        %sign3A_142 = arith.constant 0 : i32
        %sign3A_143 = arith.cmpi slt, %jit3A, %sign3A_142 : i32
        %sign3A_144 = arith.extui %sign3A_143 : i1 to i32
        %sign3A_145 = arith.subi %sign3A_141, %sign3A_144 : i32
        %ne3A = arith.cmpi ne, %sign3A_138, %sign3A_145 : i32
        %rem3A_146 = arith.remsi %sub3A_132, %jit3A : i32
        %ne3A_147 = arith.constant 0 : i32
        %ne3A_148 = arith.cmpi ne, %rem3A_146, %ne3A_147 : i32
        %and3A = arith.andi %ne3A, %ne3A_148 : i1
        %sub3A_149 = arith.constant 1 : i32
        %sub3A_150 = arith.subi %div3A, %sub3A_149 : i32
        %select_n3A = arith.select %and3A, %sub3A_150, %div3A : i32
        %eq3A_151 = arith.constant 0 : i32
        %eq3A_152 = arith.cmpi eq, %arg1, %eq3A_151 : i32
        %convert_element_type3A_153 = arith.extui %eq3A_152 : i1 to i32
        %cond3A_154 = arith.constant 0 : i32
        %cond3A_155 = arith.cmpi ne, %convert_element_type3A_153, %cond3A_154 : i32
        scf.if %cond3A_155 {
          %mul3A_180 = arith.constant 2560 : i32
          %mul3A_181 = arith.muli %scan3A_40, %mul3A_180 : i32
          %mul3A_182 = arith.constant 2560 : i32
          %mul3A_183 = arith.muli %rem3A_41, %mul3A_182 : i32
          %dma_wait3A_184 = arith.constant 0 : i32
          %dma_wait3A_185 = tpu.memref_slice %arg9[%mul3A_183, %dma_wait3A_184] : memref<5120x128xf32, #tpu.memory_space<vmem_shared>> -> memref<2560x128xf32, #tpu.memory_space<vmem_shared>>
          %dma_wait3A_186 = arith.constant 0 : i32
          %dma_wait3A_187 = tpu.memref_slice %arg3[%mul3A_181, %dma_wait3A_186] : memref<320000x128xf32, #tpu.memory_space<hbm>> -> memref<2560x128xf32, #tpu.memory_space<hbm>>
          tpu.wait_dma2 semaphore(%arg11 : memref<!tpu.dma_semaphore, #tpu.memory_space<semaphore_mem>>) src(%dma_wait3A_187 : memref<2560x128xf32, #tpu.memory_space<hbm>>) dst(%dma_wait3A_185 : memref<2560x128xf32, #tpu.memory_space<vmem_shared>>)
        } else {
        }
        %barrier3A = arith.constant 0 : index
        tpu.barrier barrier_id(%barrier3A)
        %eq3A_156 = arith.constant 0 : i32
        %eq3A_157 = arith.cmpi eq, %arg1, %eq3A_156 : i32
        %add3A_158 = arith.constant 1 : i32
        %add3A_159 = arith.addi %scan3A_40, %add3A_158 : i32
        %lt3A_160 = arith.constant 125 : i32
        %lt3A_161 = arith.cmpi slt, %add3A_159, %lt3A_160 : i32
        %and3A_162 = arith.andi %eq3A_157, %lt3A_161 : i1
        %convert_element_type3A_163 = arith.extui %and3A_162 : i1 to i32
        %cond3A_164 = arith.constant 0 : i32
        %cond3A_165 = arith.cmpi ne, %convert_element_type3A_163, %cond3A_164 : i32
        scf.if %cond3A_165 {
          %add3A_180 = arith.constant 1 : i32
          %add3A_181 = arith.addi %scan3A_40, %add3A_180 : i32
          %mul3A_182 = arith.constant 2560 : i32
          %mul3A_183 = arith.muli %add3A_181, %mul3A_182 : i32
          %mul3A_184 = arith.constant 2560 : i32
          %mul3A_185 = arith.muli %rem3A_45, %mul3A_184 : i32
          %dma_start3A_186 = arith.constant 0 : i32
          %dma_start3A_187 = tpu.memref_slice %arg9[%mul3A_185, %dma_start3A_186] : memref<5120x128xf32, #tpu.memory_space<vmem_shared>> -> memref<2560x128xf32, #tpu.memory_space<vmem_shared>>
          %dma_start3A_188 = arith.constant 0 : i32
          %dma_start3A_189 = tpu.memref_slice %arg3[%mul3A_183, %dma_start3A_188] : memref<320000x128xf32, #tpu.memory_space<hbm>> -> memref<2560x128xf32, #tpu.memory_space<hbm>>
          tpu.enqueue_dma source(%dma_start3A_189 : memref<2560x128xf32, #tpu.memory_space<hbm>>) target(%dma_start3A_187 : memref<2560x128xf32, #tpu.memory_space<vmem_shared>>) target_semaphore(%arg11 : memref<!tpu.dma_semaphore, #tpu.memory_space<semaphore_mem>>)
        } else {
        }
        %gt3A = arith.constant 0 : i32
        %gt3A_166 = arith.cmpi sgt, %select_n3A, %gt3A : i32
        %convert_element_type3A_167 = arith.extui %gt3A_166 : i1 to i32
        %cond3A_168 = arith.constant 0 : i32
        %cond3A_169 = arith.cmpi ne, %convert_element_type3A_167, %cond3A_168 : i32
        scf.if %cond3A_169 {
          %dma_start3A_180 = arith.constant 0 : i32
          %dma_start3A_181 = arith.constant 0 : i32
          %dma_start3A_182 = tpu.memref_slice %arg8[%dma_start3A_180, %dma_start3A_181] : memref<256x128xf32, #tpu.memory_space<vmem>> -> memref<128x128xf32, #tpu.memory_space<vmem>>
          %dma_start3A_183 = arith.constant 0 : i32
          %dma_start3A_184 = tpu.memref_slice %arg6[%dma_start3A_183] : memref<3072xi32, #tpu.memory_space<vmem>> -> memref<128xi32, #tpu.memory_space<vmem>>
          %dma_start3A_185 = arith.constant 0 : i32
          %dma_start3A_186 = arith.constant 0 : i32
          %dma_start3A_187 = tpu.memref_slice %arg9[%dma_start3A_185, %dma_start3A_186] : memref<5120x128xf32, #tpu.memory_space<vmem_shared>> -> memref<5120x128xf32, #tpu.memory_space<vmem_shared>>
          tpu.enqueue_indirect_dma source(%dma_start3A_187 : memref<5120x128xf32, #tpu.memory_space<vmem_shared>>) target(%dma_start3A_182 : memref<128x128xf32, #tpu.memory_space<vmem>>) offsets(%dma_start3A_184 : memref<128xi32, #tpu.memory_space<vmem>>) semaphore(%arg12 : memref<!tpu.dma_semaphore, #tpu.memory_space<semaphore_mem>>)
        } else {
        }
        %while3A = arith.constant 0 : i32
        %while3A_170 = arith.constant 0 : i32
        %while3A_171 = arith.subi %select_n3A, %while3A_170 : i32
        %while3A_172 = arith.addi %while3A_170, %while3A_171 : i32
        %while3A_173 = arith.constant 1 : i32
        %while3A_174 = arith.divsi %while3A_171, %while3A_173 : i32
        %while3A_175 = arith.muli %while3A_174, %while3A_173 : i32
        %while3A_176 = arith.addi %while3A_170, %while3A_175 : i32
        %while3A_177 = arith.constant 1 : i32
        scf.for %while3A_180 = %while3A_170 to %while3A_176 step %while3A_177  : i32 {
          %rem3A_181 = arith.constant 2 : i32
          %rem3A_182 = arith.remsi %while3A_180, %rem3A_181 : i32
          %mul3A_183 = arith.constant 128 : i32
          %mul3A_184 = arith.muli %rem3A_182, %mul3A_183 : i32
          %add3A_185 = arith.constant 1 : i32
          %add3A_186 = arith.addi %while3A_180, %add3A_185 : i32
          %rem3A_187 = arith.constant 2 : i32
          %rem3A_188 = arith.remsi %add3A_186, %rem3A_187 : i32
          %mul3A_189 = arith.constant 128 : i32
          %mul3A_190 = arith.muli %rem3A_188, %mul3A_189 : i32
          %add3A_191 = arith.constant 1 : i32
          %add3A_192 = arith.addi %while3A_180, %add3A_191 : i32
          %lt3A_193 = arith.cmpi slt, %add3A_192, %select_n3A : i32
          %convert_element_type3A_194 = arith.extui %lt3A_193 : i1 to i32
          %cond3A_195 = arith.constant 0 : i32
          %cond3A_196 = arith.cmpi ne, %convert_element_type3A_194, %cond3A_195 : i32
          scf.if %cond3A_196 {
            %add3A_211 = arith.constant 1 : i32
            %add3A_212 = arith.addi %while3A_180, %add3A_211 : i32
            %mul3A_213 = arith.constant 128 : i32
            %mul3A_214 = arith.muli %add3A_212, %mul3A_213 : i32
            %dma_start3A_215 = arith.constant 0 : i32
            %dma_start3A_216 = tpu.memref_slice %arg8[%mul3A_190, %dma_start3A_215] : memref<256x128xf32, #tpu.memory_space<vmem>> -> memref<128x128xf32, #tpu.memory_space<vmem>>
            %dma_start3A_217 = tpu.memref_slice %arg6[%mul3A_214] : memref<3072xi32, #tpu.memory_space<vmem>> -> memref<128xi32, #tpu.memory_space<vmem>>
            %dma_start3A_218 = arith.constant 0 : i32
            %dma_start3A_219 = arith.constant 0 : i32
            %dma_start3A_220 = tpu.memref_slice %arg9[%dma_start3A_218, %dma_start3A_219] : memref<5120x128xf32, #tpu.memory_space<vmem_shared>> -> memref<5120x128xf32, #tpu.memory_space<vmem_shared>>
            tpu.enqueue_indirect_dma source(%dma_start3A_220 : memref<5120x128xf32, #tpu.memory_space<vmem_shared>>) target(%dma_start3A_216 : memref<128x128xf32, #tpu.memory_space<vmem>>) offsets(%dma_start3A_217 : memref<128xi32, #tpu.memory_space<vmem>>) semaphore(%arg12 : memref<!tpu.dma_semaphore, #tpu.memory_space<semaphore_mem>>)
          } else {
          }
          %mul3A_197 = arith.constant 128 : i32
          %mul3A_198 = arith.muli %while3A_180, %mul3A_197 : i32
          %dma_wait3A_199 = arith.constant 0 : i32
          %dma_wait3A_200 = tpu.memref_slice %arg8[%mul3A_184, %dma_wait3A_199] : memref<256x128xf32, #tpu.memory_space<vmem>> -> memref<128x128xf32, #tpu.memory_space<vmem>>
          %dma_wait3A_201 = tpu.memref_slice %arg6[%mul3A_198] : memref<3072xi32, #tpu.memory_space<vmem>> -> memref<128xi32, #tpu.memory_space<vmem>>
          %dma_wait3A_202 = arith.constant 0 : i32
          %dma_wait3A_203 = arith.constant 0 : i32
          %dma_wait3A_204 = tpu.memref_slice %arg9[%dma_wait3A_202, %dma_wait3A_203] : memref<5120x128xf32, #tpu.memory_space<vmem_shared>> -> memref<5120x128xf32, #tpu.memory_space<vmem_shared>>
          tpu.wait_indirect_dma semaphore(%arg12 : memref<!tpu.dma_semaphore, #tpu.memory_space<semaphore_mem>>) src(%dma_wait3A_204 : memref<5120x128xf32, #tpu.memory_space<vmem_shared>>) dst(%dma_wait3A_200 : memref<128x128xf32, #tpu.memory_space<vmem>>)
          %scan3A_205 = arith.constant 0 : i32
          %scan3A_206 = arith.constant 0 : i32
          %scan3A_207 = arith.constant 8 : i32
          %scan3A_208 = arith.addi %scan3A_206, %scan3A_207 : i32
          %scan3A_209 = arith.constant 1 : i32
          scf.for %scan3A_211 = %scan3A_206 to %scan3A_208 step %scan3A_209  : i32 {
            %mul3A_212 = arith.constant 128 : i32
            %mul3A_213 = arith.muli %while3A_180, %mul3A_212 : i32
            %mul3A_214 = arith.constant 16 : i32
            %mul3A_215 = arith.muli %scan3A_211, %mul3A_214 : i32
            %add3A_216 = arith.addi %mul3A_213, %mul3A_215 : i32
            %get3A = arith.index_cast %add3A_216 : i32 to index
            %get3A_217 = tpu.vector_load %arg7[%get3A] {strides = array<i32>} : memref<3072xi32, #tpu.memory_space<vmem>>, vector<16xi32>,
            %slice3A = vector.extract_strided_slice %get3A_217 {offsets = [0], sizes = [1], strides = [1]} : vector<16xi32> to vector<1xi32>
            %squeeze3A = vector.extract %slice3A[0] : i32 from vector<1xi32>
            %mul3A_218 = arith.constant 128 : i32
            %mul3A_219 = arith.muli %squeeze3A, %mul3A_218 : i32
            %mul3A_220 = arith.constant 16 : i32
            %mul3A_221 = arith.muli %scan3A_211, %mul3A_220 : i32
            %add3A_222 = arith.addi %mul3A_184, %mul3A_221 : i32
            %add3A_223 = arith.constant 0 : i32
            %add3A_224 = arith.addi %add3A_222, %add3A_223 : i32
            %add3A_225 = arith.constant 0 : i32
            %add3A_226 = arith.addi %mul3A_219, %add3A_225 : i32
            %get3A_227 = arith.index_cast %add3A_226 : i32 to index
            %get3A_228 = tpu.vector_load %run_scoped3A[%get3A_227] {strides = array<i32>} : memref<40960xf32, #tpu.memory_space<vmem>>, vector<16xf32>,
            %add3A_229 = arith.constant 16 : i32
            %add3A_230 = arith.addi %mul3A_219, %add3A_229 : i32
            %get3A_231 = arith.index_cast %add3A_230 : i32 to index
            %get3A_232 = tpu.vector_load %run_scoped3A[%get3A_231] {strides = array<i32>} : memref<40960xf32, #tpu.memory_space<vmem>>, vector<16xf32>,
            %add3A_233 = arith.constant 32 : i32
            %add3A_234 = arith.addi %mul3A_219, %add3A_233 : i32
            %get3A_235 = arith.index_cast %add3A_234 : i32 to index
            %get3A_236 = tpu.vector_load %run_scoped3A[%get3A_235] {strides = array<i32>} : memref<40960xf32, #tpu.memory_space<vmem>>, vector<16xf32>,
            %add3A_237 = arith.constant 48 : i32
            %add3A_238 = arith.addi %mul3A_219, %add3A_237 : i32
            %get3A_239 = arith.index_cast %add3A_238 : i32 to index
            %get3A_240 = tpu.vector_load %run_scoped3A[%get3A_239] {strides = array<i32>} : memref<40960xf32, #tpu.memory_space<vmem>>, vector<16xf32>,
            %add3A_241 = arith.constant 64 : i32
            %add3A_242 = arith.addi %mul3A_219, %add3A_241 : i32
            %get3A_243 = arith.index_cast %add3A_242 : i32 to index
            %get3A_244 = tpu.vector_load %run_scoped3A[%get3A_243] {strides = array<i32>} : memref<40960xf32, #tpu.memory_space<vmem>>, vector<16xf32>,
            %add3A_245 = arith.constant 80 : i32
            %add3A_246 = arith.addi %mul3A_219, %add3A_245 : i32
            %get3A_247 = arith.index_cast %add3A_246 : i32 to index
            %get3A_248 = tpu.vector_load %run_scoped3A[%get3A_247] {strides = array<i32>} : memref<40960xf32, #tpu.memory_space<vmem>>, vector<16xf32>,
            %add3A_249 = arith.constant 96 : i32
            %add3A_250 = arith.addi %mul3A_219, %add3A_249 : i32
            %get3A_251 = arith.index_cast %add3A_250 : i32 to index
            %get3A_252 = tpu.vector_load %run_scoped3A[%get3A_251] {strides = array<i32>} : memref<40960xf32, #tpu.memory_space<vmem>>, vector<16xf32>,
            %add3A_253 = arith.constant 112 : i32
            %add3A_254 = arith.addi %mul3A_219, %add3A_253 : i32
            %get3A_255 = arith.index_cast %add3A_254 : i32 to index
            %get3A_256 = tpu.vector_load %run_scoped3A[%get3A_255] {strides = array<i32>} : memref<40960xf32, #tpu.memory_space<vmem>>, vector<16xf32>,
            %get3A_257 = arith.index_cast %add3A_224 : i32 to index
            %get3A_258 = arith.constant 0 : index
            %get3A_259 = tpu.vector_load %arg8[%get3A_257, %get3A_258] {strides = array<i32>} : memref<256x128xf32, #tpu.memory_space<vmem>>, vector<16xf32>,
            %get3A_260 = arith.index_cast %add3A_224 : i32 to index
            %get3A_261 = arith.constant 16 : index
            %get3A_262 = tpu.vector_load %arg8[%get3A_260, %get3A_261] {strides = array<i32>} : memref<256x128xf32, #tpu.memory_space<vmem>>, vector<16xf32>,
            %get3A_263 = arith.index_cast %add3A_224 : i32 to index
            %get3A_264 = arith.constant 32 : index
            %get3A_265 = tpu.vector_load %arg8[%get3A_263, %get3A_264] {strides = array<i32>} : memref<256x128xf32, #tpu.memory_space<vmem>>, vector<16xf32>,
            %get3A_266 = arith.index_cast %add3A_224 : i32 to index
            %get3A_267 = arith.constant 48 : index
            %get3A_268 = tpu.vector_load %arg8[%get3A_266, %get3A_267] {strides = array<i32>} : memref<256x128xf32, #tpu.memory_space<vmem>>, vector<16xf32>,
            %get3A_269 = arith.index_cast %add3A_224 : i32 to index
            %get3A_270 = arith.constant 64 : index
            %get3A_271 = tpu.vector_load %arg8[%get3A_269, %get3A_270] {strides = array<i32>} : memref<256x128xf32, #tpu.memory_space<vmem>>, vector<16xf32>,
            %get3A_272 = arith.index_cast %add3A_224 : i32 to index
            %get3A_273 = arith.constant 80 : index
            %get3A_274 = tpu.vector_load %arg8[%get3A_272, %get3A_273] {strides = array<i32>} : memref<256x128xf32, #tpu.memory_space<vmem>>, vector<16xf32>,
            %get3A_275 = arith.index_cast %add3A_224 : i32 to index
            %get3A_276 = arith.constant 96 : index
            %get3A_277 = tpu.vector_load %arg8[%get3A_275, %get3A_276] {strides = array<i32>} : memref<256x128xf32, #tpu.memory_space<vmem>>, vector<16xf32>,
            %get3A_278 = arith.index_cast %add3A_224 : i32 to index
            %get3A_279 = arith.constant 112 : index
            %get3A_280 = tpu.vector_load %arg8[%get3A_278, %get3A_279] {strides = array<i32>} : memref<256x128xf32, #tpu.memory_space<vmem>>, vector<16xf32>,
            %max3A = arith.maximumf %get3A_228, %get3A_259 : vector<16xf32>
            %add3A_281 = arith.constant 0 : i32
            %add3A_282 = arith.addi %mul3A_219, %add3A_281 : i32
            %swap3A_283 = arith.index_cast %add3A_282 : i32 to index
            %swap3A_284 = tpu.vector_load %run_scoped3A[%swap3A_283] {strides = array<i32>} : memref<40960xf32, #tpu.memory_space<vmem>>, vector<16xf32>,
            tpu.vector_store %run_scoped3A[%swap3A_283], %max3A {strides = array<i32>} : memref<40960xf32, #tpu.memory_space<vmem>>, vector<16xf32>,
            %max3A_285 = arith.maximumf %get3A_232, %get3A_262 : vector<16xf32>
            %add3A_286 = arith.constant 16 : i32
            %add3A_287 = arith.addi %mul3A_219, %add3A_286 : i32
            %swap3A_288 = arith.index_cast %add3A_287 : i32 to index
            %swap3A_289 = tpu.vector_load %run_scoped3A[%swap3A_288] {strides = array<i32>} : memref<40960xf32, #tpu.memory_space<vmem>>, vector<16xf32>,
            tpu.vector_store %run_scoped3A[%swap3A_288], %max3A_285 {strides = array<i32>} : memref<40960xf32, #tpu.memory_space<vmem>>, vector<16xf32>,
            %max3A_290 = arith.maximumf %get3A_236, %get3A_265 : vector<16xf32>
            %add3A_291 = arith.constant 32 : i32
            %add3A_292 = arith.addi %mul3A_219, %add3A_291 : i32
            %swap3A_293 = arith.index_cast %add3A_292 : i32 to index
            %swap3A_294 = tpu.vector_load %run_scoped3A[%swap3A_293] {strides = array<i32>} : memref<40960xf32, #tpu.memory_space<vmem>>, vector<16xf32>,
            tpu.vector_store %run_scoped3A[%swap3A_293], %max3A_290 {strides = array<i32>} : memref<40960xf32, #tpu.memory_space<vmem>>, vector<16xf32>,
            %max3A_295 = arith.maximumf %get3A_240, %get3A_268 : vector<16xf32>
            %add3A_296 = arith.constant 48 : i32
            %add3A_297 = arith.addi %mul3A_219, %add3A_296 : i32
            %swap3A_298 = arith.index_cast %add3A_297 : i32 to index
            %swap3A_299 = tpu.vector_load %run_scoped3A[%swap3A_298] {strides = array<i32>} : memref<40960xf32, #tpu.memory_space<vmem>>, vector<16xf32>,
            tpu.vector_store %run_scoped3A[%swap3A_298], %max3A_295 {strides = array<i32>} : memref<40960xf32, #tpu.memory_space<vmem>>, vector<16xf32>,
            %max3A_300 = arith.maximumf %get3A_244, %get3A_271 : vector<16xf32>
            %add3A_301 = arith.constant 64 : i32
            %add3A_302 = arith.addi %mul3A_219, %add3A_301 : i32
            %swap3A_303 = arith.index_cast %add3A_302 : i32 to index
            %swap3A_304 = tpu.vector_load %run_scoped3A[%swap3A_303] {strides = array<i32>} : memref<40960xf32, #tpu.memory_space<vmem>>, vector<16xf32>,
            tpu.vector_store %run_scoped3A[%swap3A_303], %max3A_300 {strides = array<i32>} : memref<40960xf32, #tpu.memory_space<vmem>>, vector<16xf32>,
            %max3A_305 = arith.maximumf %get3A_248, %get3A_274 : vector<16xf32>
            %add3A_306 = arith.constant 80 : i32
            %add3A_307 = arith.addi %mul3A_219, %add3A_306 : i32
            %swap3A_308 = arith.index_cast %add3A_307 : i32 to index
            %swap3A_309 = tpu.vector_load %run_scoped3A[%swap3A_308] {strides = array<i32>} : memref<40960xf32, #tpu.memory_space<vmem>>, vector<16xf32>,
            tpu.vector_store %run_scoped3A[%swap3A_308], %max3A_305 {strides = array<i32>} : memref<40960xf32, #tpu.memory_space<vmem>>, vector<16xf32>,
            %max3A_310 = arith.maximumf %get3A_252, %get3A_277 : vector<16xf32>
            %add3A_311 = arith.constant 96 : i32
            %add3A_312 = arith.addi %mul3A_219, %add3A_311 : i32
            %swap3A_313 = arith.index_cast %add3A_312 : i32 to index
            %swap3A_314 = tpu.vector_load %run_scoped3A[%swap3A_313] {strides = array<i32>} : memref<40960xf32, #tpu.memory_space<vmem>>, vector<16xf32>,
            tpu.vector_store %run_scoped3A[%swap3A_313], %max3A_310 {strides = array<i32>} : memref<40960xf32, #tpu.memory_space<vmem>>, vector<16xf32>,
            %max3A_315 = arith.maximumf %get3A_256, %get3A_280 : vector<16xf32>
            %add3A_316 = arith.constant 112 : i32
            %add3A_317 = arith.addi %mul3A_219, %add3A_316 : i32
            %swap3A_318 = arith.index_cast %add3A_317 : i32 to index
            %swap3A_319 = tpu.vector_load %run_scoped3A[%swap3A_318] {strides = array<i32>} : memref<40960xf32, #tpu.memory_space<vmem>>, vector<16xf32>,
            tpu.vector_store %run_scoped3A[%swap3A_318], %max3A_315 {strides = array<i32>} : memref<40960xf32, #tpu.memory_space<vmem>>, vector<16xf32>,
            %slice3A_320 = vector.extract_strided_slice %get3A_217 {offsets = [1], sizes = [1], strides = [1]} : vector<16xi32> to vector<1xi32>
            %squeeze3A_321 = vector.extract %slice3A_320[0] : i32 from vector<1xi32>
            %mul3A_322 = arith.constant 128 : i32
            %mul3A_323 = arith.muli %squeeze3A_321, %mul3A_322 : i32
            %mul3A_324 = arith.constant 16 : i32
            %mul3A_325 = arith.muli %scan3A_211, %mul3A_324 : i32
            %add3A_326 = arith.addi %mul3A_184, %mul3A_325 : i32
            %add3A_327 = arith.constant 1 : i32
            %add3A_328 = arith.addi %add3A_326, %add3A_327 : i32
            %add3A_329 = arith.constant 0 : i32
            %add3A_330 = arith.addi %mul3A_323, %add3A_329 : i32
            %get3A_331 = arith.index_cast %add3A_330 : i32 to index
            %get3A_332 = tpu.vector_load %run_scoped3A[%get3A_331] {strides = array<i32>} : memref<40960xf32, #tpu.memory_space<vmem>>, vector<16xf32>,
            %add3A_333 = arith.constant 16 : i32
            %add3A_334 = arith.addi %mul3A_323, %add3A_333 : i32
            %get3A_335 = arith.index_cast %add3A_334 : i32 to index
            %get3A_336 = tpu.vector_load %run_scoped3A[%get3A_335] {strides = array<i32>} : memref<40960xf32, #tpu.memory_space<vmem>>, vector<16xf32>,
            %add3A_337 = arith.constant 32 : i32
            %add3A_338 = arith.addi %mul3A_323, %add3A_337 : i32
            %get3A_339 = arith.index_cast %add3A_338 : i32 to index
            %get3A_340 = tpu.vector_load %run_scoped3A[%get3A_339] {strides = array<i32>} : memref<40960xf32, #tpu.memory_space<vmem>>, vector<16xf32>,
            %add3A_341 = arith.constant 48 : i32
            %add3A_342 = arith.addi %mul3A_323, %add3A_341 : i32
            %get3A_343 = arith.index_cast %add3A_342 : i32 to index
            %get3A_344 = tpu.vector_load %run_scoped3A[%get3A_343] {strides = array<i32>} : memref<40960xf32, #tpu.memory_space<vmem>>, vector<16xf32>,
            %add3A_345 = arith.constant 64 : i32
            %add3A_346 = arith.addi %mul3A_323, %add3A_345 : i32
            %get3A_347 = arith.index_cast %add3A_346 : i32 to index
            %get3A_348 = tpu.vector_load %run_scoped3A[%get3A_347] {strides = array<i32>} : memref<40960xf32, #tpu.memory_space<vmem>>, vector<16xf32>,
            %add3A_349 = arith.constant 80 : i32
            %add3A_350 = arith.addi %mul3A_323, %add3A_349 : i32
            %get3A_351 = arith.index_cast %add3A_350 : i32 to index
            %get3A_352 = tpu.vector_load %run_scoped3A[%get3A_351] {strides = array<i32>} : memref<40960xf32, #tpu.memory_space<vmem>>, vector<16xf32>,
            %add3A_353 = arith.constant 96 : i32
            %add3A_354 = arith.addi %mul3A_323, %add3A_353 : i32
            %get3A_355 = arith.index_cast %add3A_354 : i32 to index
            %get3A_356 = tpu.vector_load %run_scoped3A[%get3A_355] {strides = array<i32>} : memref<40960xf32, #tpu.memory_space<vmem>>, vector<16xf32>,
            %add3A_357 = arith.constant 112 : i32
            %add3A_358 = arith.addi %mul3A_323, %add3A_357 : i32
            %get3A_359 = arith.index_cast %add3A_358 : i32 to index
            %get3A_360 = tpu.vector_load %run_scoped3A[%get3A_359] {strides = array<i32>} : memref<40960xf32, #tpu.memory_space<vmem>>, vector<16xf32>,
            %get3A_361 = arith.index_cast %add3A_328 : i32 to index
            %get3A_362 = arith.constant 0 : index
            %get3A_363 = tpu.vector_load %arg8[%get3A_361, %get3A_362] {strides = array<i32>} : memref<256x128xf32, #tpu.memory_space<vmem>>, vector<16xf32>,
            %get3A_364 = arith.index_cast %add3A_328 : i32 to index
            %get3A_365 = arith.constant 16 : index
            %get3A_366 = tpu.vector_load %arg8[%get3A_364, %get3A_365] {strides = array<i32>} : memref<256x128xf32, #tpu.memory_space<vmem>>, vector<16xf32>,
            %get3A_367 = arith.index_cast %add3A_328 : i32 to index
            %get3A_368 = arith.constant 32 : index
            %get3A_369 = tpu.vector_load %arg8[%get3A_367, %get3A_368] {strides = array<i32>} : memref<256x128xf32, #tpu.memory_space<vmem>>, vector<16xf32>,
            %get3A_370 = arith.index_cast %add3A_328 : i32 to index
            %get3A_371 = arith.constant 48 : index
            %get3A_372 = tpu.vector_load %arg8[%get3A_370, %get3A_371] {strides = array<i32>} : memref<256x128xf32, #tpu.memory_space<vmem>>, vector<16xf32>,
            %get3A_373 = arith.index_cast %add3A_328 : i32 to index
            %get3A_374 = arith.constant 64 : index
            %get3A_375 = tpu.vector_load %arg8[%get3A_373, %get3A_374] {strides = array<i32>} : memref<256x128xf32, #tpu.memory_space<vmem>>, vector<16xf32>,
            %get3A_376 = arith.index_cast %add3A_328 : i32 to index
            %get3A_377 = arith.constant 80 : index
            %get3A_378 = tpu.vector_load %arg8[%get3A_376, %get3A_377] {strides = array<i32>} : memref<256x128xf32, #tpu.memory_space<vmem>>, vector<16xf32>,
            %get3A_379 = arith.index_cast %add3A_328 : i32 to index
            %get3A_380 = arith.constant 96 : index
            %get3A_381 = tpu.vector_load %arg8[%get3A_379, %get3A_380] {strides = array<i32>} : memref<256x128xf32, #tpu.memory_space<vmem>>, vector<16xf32>,
            %get3A_382 = arith.index_cast %add3A_328 : i32 to index
            %get3A_383 = arith.constant 112 : index
            %get3A_384 = tpu.vector_load %arg8[%get3A_382, %get3A_383] {strides = array<i32>} : memref<256x128xf32, #tpu.memory_space<vmem>>, vector<16xf32>,
            %max3A_385 = arith.maximumf %get3A_332, %get3A_363 : vector<16xf32>
            %add3A_386 = arith.constant 0 : i32
            %add3A_387 = arith.addi %mul3A_323, %add3A_386 : i32
            %swap3A_388 = arith.index_cast %add3A_387 : i32 to index
            %swap3A_389 = tpu.vector_load %run_scoped3A[%swap3A_388] {strides = array<i32>} : memref<40960xf32, #tpu.memory_space<vmem>>, vector<16xf32>,
            tpu.vector_store %run_scoped3A[%swap3A_388], %max3A_385 {strides = array<i32>} : memref<40960xf32, #tpu.memory_space<vmem>>, vector<16xf32>,
            %max3A_390 = arith.maximumf %get3A_336, %get3A_366 : vector<16xf32>
            %add3A_391 = arith.constant 16 : i32
            %add3A_392 = arith.addi %mul3A_323, %add3A_391 : i32
            %swap3A_393 = arith.index_cast %add3A_392 : i32 to index
            %swap3A_394 = tpu.vector_load %run_scoped3A[%swap3A_393] {strides = array<i32>} : memref<40960xf32, #tpu.memory_space<vmem>>, vector<16xf32>,
            tpu.vector_store %run_scoped3A[%swap3A_393], %max3A_390 {strides = array<i32>} : memref<40960xf32, #tpu.memory_space<vmem>>, vector<16xf32>,
            %max3A_395 = arith.maximumf %get3A_340, %get3A_369 : vector<16xf32>
            %add3A_396 = arith.constant 32 : i32
            %add3A_397 = arith.addi %mul3A_323, %add3A_396 : i32
            %swap3A_398 = arith.index_cast %add3A_397 : i32 to index
            %swap3A_399 = tpu.vector_load %run_scoped3A[%swap3A_398] {strides = array<i32>} : memref<40960xf32, #tpu.memory_space<vmem>>, vector<16xf32>,
            tpu.vector_store %run_scoped3A[%swap3A_398], %max3A_395 {strides = array<i32>} : memref<40960xf32, #tpu.memory_space<vmem>>, vector<16xf32>,
            %max3A_400 = arith.maximumf %get3A_344, %get3A_372 : vector<16xf32>
            %add3A_401 = arith.constant 48 : i32
            %add3A_402 = arith.addi %mul3A_323, %add3A_401 : i32
            %swap3A_403 = arith.index_cast %add3A_402 : i32 to index
            %swap3A_404 = tpu.vector_load %run_scoped3A[%swap3A_403] {strides = array<i32>} : memref<40960xf32, #tpu.memory_space<vmem>>, vector<16xf32>,
            tpu.vector_store %run_scoped3A[%swap3A_403], %max3A_400 {strides = array<i32>} : memref<40960xf32, #tpu.memory_space<vmem>>, vector<16xf32>,
            %max3A_405 = arith.maximumf %get3A_348, %get3A_375 : vector<16xf32>
            %add3A_406 = arith.constant 64 : i32
            %add3A_407 = arith.addi %mul3A_323, %add3A_406 : i32
            %swap3A_408 = arith.index_cast %add3A_407 : i32 to index
            %swap3A_409 = tpu.vector_load %run_scoped3A[%swap3A_408] {strides = array<i32>} : memref<40960xf32, #tpu.memory_space<vmem>>, vector<16xf32>,
            tpu.vector_store %run_scoped3A[%swap3A_408], %max3A_405 {strides = array<i32>} : memref<40960xf32, #tpu.memory_space<vmem>>, vector<16xf32>,
            %max3A_410 = arith.maximumf %get3A_352, %get3A_378 : vector<16xf32>
            %add3A_411 = arith.constant 80 : i32
            %add3A_412 = arith.addi %mul3A_323, %add3A_411 : i32
            %swap3A_413 = arith.index_cast %add3A_412 : i32 to index
            %swap3A_414 = tpu.vector_load %run_scoped3A[%swap3A_413] {strides = array<i32>} : memref<40960xf32, #tpu.memory_space<vmem>>, vector<16xf32>,
            tpu.vector_store %run_scoped3A[%swap3A_413], %max3A_410 {strides = array<i32>} : memref<40960xf32, #tpu.memory_space<vmem>>, vector<16xf32>,
            %max3A_415 = arith.maximumf %get3A_356, %get3A_381 : vector<16xf32>
            %add3A_416 = arith.constant 96 : i32
            %add3A_417 = arith.addi %mul3A_323, %add3A_416 : i32
            %swap3A_418 = arith.index_cast %add3A_417 : i32 to index
            %swap3A_419 = tpu.vector_load %run_scoped3A[%swap3A_418] {strides = array<i32>} : memref<40960xf32, #tpu.memory_space<vmem>>, vector<16xf32>,
            tpu.vector_store %run_scoped3A[%swap3A_418], %max3A_415 {strides = array<i32>} : memref<40960xf32, #tpu.memory_space<vmem>>, vector<16xf32>,
            %max3A_420 = arith.maximumf %get3A_360, %get3A_384 : vector<16xf32>
            %add3A_421 = arith.constant 112 : i32
            %add3A_422 = arith.addi %mul3A_323, %add3A_421 : i32
            %swap3A_423 = arith.index_cast %add3A_422 : i32 to index
            %swap3A_424 = tpu.vector_load %run_scoped3A[%swap3A_423] {strides = array<i32>} : memref<40960xf32, #tpu.memory_space<vmem>>, vector<16xf32>,
            tpu.vector_store %run_scoped3A[%swap3A_423], %max3A_420 {strides = array<i32>} : memref<40960xf32, #tpu.memory_space<vmem>>, vector<16xf32>,
            %slice3A_425 = vector.extract_strided_slice %get3A_217 {offsets = [2], sizes = [1], strides = [1]} : vector<16xi32> to vector<1xi32>
            %squeeze3A_426 = vector.extract %slice3A_425[0] : i32 from vector<1xi32>
            %mul3A_427 = arith.constant 128 : i32
            %mul3A_428 = arith.muli %squeeze3A_426, %mul3A_427 : i32
            %mul3A_429 = arith.constant 16 : i32
            %mul3A_430 = arith.muli %scan3A_211, %mul3A_429 : i32
            %add3A_431 = arith.addi %mul3A_184, %mul3A_430 : i32
            %add3A_432 = arith.constant 2 : i32
            %add3A_433 = arith.addi %add3A_431, %add3A_432 : i32
            %add3A_434 = arith.constant 0 : i32
            %add3A_435 = arith.addi %mul3A_428, %add3A_434 : i32
            %get3A_436 = arith.index_cast %add3A_435 : i32 to index
            %get3A_437 = tpu.vector_load %run_scoped3A[%get3A_436] {strides = array<i32>} : memref<40960xf32, #tpu.memory_space<vmem>>, vector<16xf32>,
            %add3A_438 = arith.constant 16 : i32
            %add3A_439 = arith.addi %mul3A_428, %add3A_438 : i32
            %get3A_440 = arith.index_cast %add3A_439 : i32 to index
            %get3A_441 = tpu.vector_load %run_scoped3A[%get3A_440] {strides = array<i32>} : memref<40960xf32, #tpu.memory_space<vmem>>, vector<16xf32>,
            %add3A_442 = arith.constant 32 : i32
            %add3A_443 = arith.addi %mul3A_428, %add3A_442 : i32
            %get3A_444 = arith.index_cast %add3A_443 : i32 to index
            %get3A_445 = tpu.vector_load %run_scoped3A[%get3A_444] {strides = array<i32>} : memref<40960xf32, #tpu.memory_space<vmem>>, vector<16xf32>,
            %add3A_446 = arith.constant 48 : i32
            %add3A_447 = arith.addi %mul3A_428, %add3A_446 : i32
            %get3A_448 = arith.index_cast %add3A_447 : i32 to index
            %get3A_449 = tpu.vector_load %run_scoped3A[%get3A_448] {strides = array<i32>} : memref<40960xf32, #tpu.memory_space<vmem>>, vector<16xf32>,
            %add3A_450 = arith.constant 64 : i32
            %add3A_451 = arith.addi %mul3A_428, %add3A_450 : i32
            %get3A_452 = arith.index_cast %add3A_451 : i32 to index
            %get3A_453 = tpu.vector_load %run_scoped3A[%get3A_452] {strides = array<i32>} : memref<40960xf32, #tpu.memory_space<vmem>>, vector<16xf32>,
            %add3A_454 = arith.constant 80 : i32
            %add3A_455 = arith.addi %mul3A_428, %add3A_454 : i32
            %get3A_456 = arith.index_cast %add3A_455 : i32 to index
            %get3A_457 = tpu.vector_load %run_scoped3A[%get3A_456] {strides = array<i32>} : memref<40960xf32, #tpu.memory_space<vmem>>, vector<16xf32>,
            %add3A_458 = arith.constant 96 : i32
            %add3A_459 = arith.addi %mul3A_428, %add3A_458 : i32
            %get3A_460 = arith.index_cast %add3A_459 : i32 to index
            %get3A_461 = tpu.vector_load %run_scoped3A[%get3A_460] {strides = array<i32>} : memref<40960xf32, #tpu.memory_space<vmem>>, vector<16xf32>,
            %add3A_462 = arith.constant 112 : i32
            %add3A_463 = arith.addi %mul3A_428, %add3A_462 : i32
            %get3A_464 = arith.index_cast %add3A_463 : i32 to index
            %get3A_465 = tpu.vector_load %run_scoped3A[%get3A_464] {strides = array<i32>} : memref<40960xf32, #tpu.memory_space<vmem>>, vector<16xf32>,
            %get3A_466 = arith.index_cast %add3A_433 : i32 to index
            %get3A_467 = arith.constant 0 : index
            %get3A_468 = tpu.vector_load %arg8[%get3A_466, %get3A_467] {strides = array<i32>} : memref<256x128xf32, #tpu.memory_space<vmem>>, vector<16xf32>,
            %get3A_469 = arith.index_cast %add3A_433 : i32 to index
            %get3A_470 = arith.constant 16 : index
            %get3A_471 = tpu.vector_load %arg8[%get3A_469, %get3A_470] {strides = array<i32>} : memref<256x128xf32, #tpu.memory_space<vmem>>, vector<16xf32>,
            %get3A_472 = arith.index_cast %add3A_433 : i32 to index
            %get3A_473 = arith.constant 32 : index
            %get3A_474 = tpu.vector_load %arg8[%get3A_472, %get3A_473] {strides = array<i32>} : memref<256x128xf32, #tpu.memory_space<vmem>>, vector<16xf32>,
            %get3A_475 = arith.index_cast %add3A_433 : i32 to index
            %get3A_476 = arith.constant 48 : index
            %get3A_477 = tpu.vector_load %arg8[%get3A_475, %get3A_476] {strides = array<i32>} : memref<256x128xf32, #tpu.memory_space<vmem>>, vector<16xf32>,
            %get3A_478 = arith.index_cast %add3A_433 : i32 to index
            %get3A_479 = arith.constant 64 : index
            %get3A_480 = tpu.vector_load %arg8[%get3A_478, %get3A_479] {strides = array<i32>} : memref<256x128xf32, #tpu.memory_space<vmem>>, vector<16xf32>,
            %get3A_481 = arith.index_cast %add3A_433 : i32 to index
            %get3A_482 = arith.constant 80 : index
            %get3A_483 = tpu.vector_load %arg8[%get3A_481, %get3A_482] {strides = array<i32>} : memref<256x128xf32, #tpu.memory_space<vmem>>, vector<16xf32>,
            %get3A_484 = arith.index_cast %add3A_433 : i32 to index
            %get3A_485 = arith.constant 96 : index
            %get3A_486 = tpu.vector_load %arg8[%get3A_484, %get3A_485] {strides = array<i32>} : memref<256x128xf32, #tpu.memory_space<vmem>>, vector<16xf32>,
            %get3A_487 = arith.index_cast %add3A_433 : i32 to index
            %get3A_488 = arith.constant 112 : index
            %get3A_489 = tpu.vector_load %arg8[%get3A_487, %get3A_488] {strides = array<i32>} : memref<256x128xf32, #tpu.memory_space<vmem>>, vector<16xf32>,
            %max3A_490 = arith.maximumf %get3A_437, %get3A_468 : vector<16xf32>
            %add3A_491 = arith.constant 0 : i32
            %add3A_492 = arith.addi %mul3A_428, %add3A_491 : i32
            %swap3A_493 = arith.index_cast %add3A_492 : i32 to index
            %swap3A_494 = tpu.vector_load %run_scoped3A[%swap3A_493] {strides = array<i32>} : memref<40960xf32, #tpu.memory_space<vmem>>, vector<16xf32>,
            tpu.vector_store %run_scoped3A[%swap3A_493], %max3A_490 {strides = array<i32>} : memref<40960xf32, #tpu.memory_space<vmem>>, vector<16xf32>,
            %max3A_495 = arith.maximumf %get3A_441, %get3A_471 : vector<16xf32>
            %add3A_496 = arith.constant 16 : i32
            %add3A_497 = arith.addi %mul3A_428, %add3A_496 : i32
            %swap3A_498 = arith.index_cast %add3A_497 : i32 to index
            %swap3A_499 = tpu.vector_load %run_scoped3A[%swap3A_498] {strides = array<i32>} : memref<40960xf32, #tpu.memory_space<vmem>>, vector<16xf32>,
            tpu.vector_store %run_scoped3A[%swap3A_498], %max3A_495 {strides = array<i32>} : memref<40960xf32, #tpu.memory_space<vmem>>, vector<16xf32>,
            %max3A_500 = arith.maximumf %get3A_445, %get3A_474 : vector<16xf32>
            %add3A_501 = arith.constant 32 : i32
            %add3A_502 = arith.addi %mul3A_428, %add3A_501 : i32
            %swap3A_503 = arith.index_cast %add3A_502 : i32 to index
            %swap3A_504 = tpu.vector_load %run_scoped3A[%swap3A_503] {strides = array<i32>} : memref<40960xf32, #tpu.memory_space<vmem>>, vector<16xf32>,
            tpu.vector_store %run_scoped3A[%swap3A_503], %max3A_500 {strides = array<i32>} : memref<40960xf32, #tpu.memory_space<vmem>>, vector<16xf32>,
            %max3A_505 = arith.maximumf %get3A_449, %get3A_477 : vector<16xf32>
            %add3A_506 = arith.constant 48 : i32
            %add3A_507 = arith.addi %mul3A_428, %add3A_506 : i32
            %swap3A_508 = arith.index_cast %add3A_507 : i32 to index
            %swap3A_509 = tpu.vector_load %run_scoped3A[%swap3A_508] {strides = array<i32>} : memref<40960xf32, #tpu.memory_space<vmem>>, vector<16xf32>,
            tpu.vector_store %run_scoped3A[%swap3A_508], %max3A_505 {strides = array<i32>} : memref<40960xf32, #tpu.memory_space<vmem>>, vector<16xf32>,
            %max3A_510 = arith.maximumf %get3A_453, %get3A_480 : vector<16xf32>
            %add3A_511 = arith.constant 64 : i32
            %add3A_512 = arith.addi %mul3A_428, %add3A_511 : i32
            %swap3A_513 = arith.index_cast %add3A_512 : i32 to index
            %swap3A_514 = tpu.vector_load %run_scoped3A[%swap3A_513] {strides = array<i32>} : memref<40960xf32, #tpu.memory_space<vmem>>, vector<16xf32>,
            tpu.vector_store %run_scoped3A[%swap3A_513], %max3A_510 {strides = array<i32>} : memref<40960xf32, #tpu.memory_space<vmem>>, vector<16xf32>,
            %max3A_515 = arith.maximumf %get3A_457, %get3A_483 : vector<16xf32>
            %add3A_516 = arith.constant 80 : i32
            %add3A_517 = arith.addi %mul3A_428, %add3A_516 : i32
            %swap3A_518 = arith.index_cast %add3A_517 : i32 to index
            %swap3A_519 = tpu.vector_load %run_scoped3A[%swap3A_518] {strides = array<i32>} : memref<40960xf32, #tpu.memory_space<vmem>>, vector<16xf32>,
            tpu.vector_store %run_scoped3A[%swap3A_518], %max3A_515 {strides = array<i32>} : memref<40960xf32, #tpu.memory_space<vmem>>, vector<16xf32>,
            %max3A_520 = arith.maximumf %get3A_461, %get3A_486 : vector<16xf32>
            %add3A_521 = arith.constant 96 : i32
            %add3A_522 = arith.addi %mul3A_428, %add3A_521 : i32
            %swap3A_523 = arith.index_cast %add3A_522 : i32 to index
            %swap3A_524 = tpu.vector_load %run_scoped3A[%swap3A_523] {strides = array<i32>} : memref<40960xf32, #tpu.memory_space<vmem>>, vector<16xf32>,
            tpu.vector_store %run_scoped3A[%swap3A_523], %max3A_520 {strides = array<i32>} : memref<40960xf32, #tpu.memory_space<vmem>>, vector<16xf32>,
            %max3A_525 = arith.maximumf %get3A_465, %get3A_489 : vector<16xf32>
            %add3A_526 = arith.constant 112 : i32
            %add3A_527 = arith.addi %mul3A_428, %add3A_526 : i32
            %swap3A_528 = arith.index_cast %add3A_527 : i32 to index
            %swap3A_529 = tpu.vector_load %run_scoped3A[%swap3A_528] {strides = array<i32>} : memref<40960xf32, #tpu.memory_space<vmem>>, vector<16xf32>,
            tpu.vector_store %run_scoped3A[%swap3A_528], %max3A_525 {strides = array<i32>} : memref<40960xf32, #tpu.memory_space<vmem>>, vector<16xf32>,
            %slice3A_530 = vector.extract_strided_slice %get3A_217 {offsets = [3], sizes = [1], strides = [1]} : vector<16xi32> to vector<1xi32>
            %squeeze3A_531 = vector.extract %slice3A_530[0] : i32 from vector<1xi32>
            %mul3A_532 = arith.constant 128 : i32
            %mul3A_533 = arith.muli %squeeze3A_531, %mul3A_532 : i32
            %mul3A_534 = arith.constant 16 : i32
            %mul3A_535 = arith.muli %scan3A_211, %mul3A_534 : i32
            %add3A_536 = arith.addi %mul3A_184, %mul3A_535 : i32
            %add3A_537 = arith.constant 3 : i32
            %add3A_538 = arith.addi %add3A_536, %add3A_537 : i32
            %add3A_539 = arith.constant 0 : i32
            %add3A_540 = arith.addi %mul3A_533, %add3A_539 : i32
            %get3A_541 = arith.index_cast %add3A_540 : i32 to index
            %get3A_542 = tpu.vector_load %run_scoped3A[%get3A_541] {strides = array<i32>} : memref<40960xf32, #tpu.memory_space<vmem>>, vector<16xf32>,
            %add3A_543 = arith.constant 16 : i32
            %add3A_544 = arith.addi %mul3A_533, %add3A_543 : i32
            %get3A_545 = arith.index_cast %add3A_544 : i32 to index
            %get3A_546 = tpu.vector_load %run_scoped3A[%get3A_545] {strides = array<i32>} : memref<40960xf32, #tpu.memory_space<vmem>>, vector<16xf32>,
            %add3A_547 = arith.constant 32 : i32
            %add3A_548 = arith.addi %mul3A_533, %add3A_547 : i32
            %get3A_549 = arith.index_cast %add3A_548 : i32 to index
            %get3A_550 = tpu.vector_load %run_scoped3A[%get3A_549] {strides = array<i32>} : memref<40960xf32, #tpu.memory_space<vmem>>, vector<16xf32>,
            %add3A_551 = arith.constant 48 : i32
            %add3A_552 = arith.addi %mul3A_533, %add3A_551 : i32
            %get3A_553 = arith.index_cast %add3A_552 : i32 to index
            %get3A_554 = tpu.vector_load %run_scoped3A[%get3A_553] {strides = array<i32>} : memref<40960xf32, #tpu.memory_space<vmem>>, vector<16xf32>,
            %add3A_555 = arith.constant 64 : i32
            %add3A_556 = arith.addi %mul3A_533, %add3A_555 : i32
            %get3A_557 = arith.index_cast %add3A_556 : i32 to index
            %get3A_558 = tpu.vector_load %run_scoped3A[%get3A_557] {strides = array<i32>} : memref<40960xf32, #tpu.memory_space<vmem>>, vector<16xf32>,
            %add3A_559 = arith.constant 80 : i32
            %add3A_560 = arith.addi %mul3A_533, %add3A_559 : i32
            %get3A_561 = arith.index_cast %add3A_560 : i32 to index
            %get3A_562 = tpu.vector_load %run_scoped3A[%get3A_561] {strides = array<i32>} : memref<40960xf32, #tpu.memory_space<vmem>>, vector<16xf32>,
            %add3A_563 = arith.constant 96 : i32
            %add3A_564 = arith.addi %mul3A_533, %add3A_563 : i32
            %get3A_565 = arith.index_cast %add3A_564 : i32 to index
            %get3A_566 = tpu.vector_load %run_scoped3A[%get3A_565] {strides = array<i32>} : memref<40960xf32, #tpu.memory_space<vmem>>, vector<16xf32>,
            %add3A_567 = arith.constant 112 : i32
            %add3A_568 = arith.addi %mul3A_533, %add3A_567 : i32
            %get3A_569 = arith.index_cast %add3A_568 : i32 to index
            %get3A_570 = tpu.vector_load %run_scoped3A[%get3A_569] {strides = array<i32>} : memref<40960xf32, #tpu.memory_space<vmem>>, vector<16xf32>,
            %get3A_571 = arith.index_cast %add3A_538 : i32 to index
            %get3A_572 = arith.constant 0 : index
            %get3A_573 = tpu.vector_load %arg8[%get3A_571, %get3A_572] {strides = array<i32>} : memref<256x128xf32, #tpu.memory_space<vmem>>, vector<16xf32>,
            %get3A_574 = arith.index_cast %add3A_538 : i32 to index
            %get3A_575 = arith.constant 16 : index
            %get3A_576 = tpu.vector_load %arg8[%get3A_574, %get3A_575] {strides = array<i32>} : memref<256x128xf32, #tpu.memory_space<vmem>>, vector<16xf32>,
            %get3A_577 = arith.index_cast %add3A_538 : i32 to index
            %get3A_578 = arith.constant 32 : index
            %get3A_579 = tpu.vector_load %arg8[%get3A_577, %get3A_578] {strides = array<i32>} : memref<256x128xf32, #tpu.memory_space<vmem>>, vector<16xf32>,
            %get3A_580 = arith.index_cast %add3A_538 : i32 to index
            %get3A_581 = arith.constant 48 : index
            %get3A_582 = tpu.vector_load %arg8[%get3A_580, %get3A_581] {strides = array<i32>} : memref<256x128xf32, #tpu.memory_space<vmem>>, vector<16xf32>,
            %get3A_583 = arith.index_cast %add3A_538 : i32 to index
            %get3A_584 = arith.constant 64 : index
            %get3A_585 = tpu.vector_load %arg8[%get3A_583, %get3A_584] {strides = array<i32>} : memref<256x128xf32, #tpu.memory_space<vmem>>, vector<16xf32>,
            %get3A_586 = arith.index_cast %add3A_538 : i32 to index
            %get3A_587 = arith.constant 80 : index
            %get3A_588 = tpu.vector_load %arg8[%get3A_586, %get3A_587] {strides = array<i32>} : memref<256x128xf32, #tpu.memory_space<vmem>>, vector<16xf32>,
            %get3A_589 = arith.index_cast %add3A_538 : i32 to index
            %get3A_590 = arith.constant 96 : index
            %get3A_591 = tpu.vector_load %arg8[%get3A_589, %get3A_590] {strides = array<i32>} : memref<256x128xf32, #tpu.memory_space<vmem>>, vector<16xf32>,
            %get3A_592 = arith.index_cast %add3A_538 : i32 to index
            %get3A_593 = arith.constant 112 : index
            %get3A_594 = tpu.vector_load %arg8[%get3A_592, %get3A_593] {strides = array<i32>} : memref<256x128xf32, #tpu.memory_space<vmem>>, vector<16xf32>,
            %max3A_595 = arith.maximumf %get3A_542, %get3A_573 : vector<16xf32>
            %add3A_596 = arith.constant 0 : i32
            %add3A_597 = arith.addi %mul3A_533, %add3A_596 : i32
            %swap3A_598 = arith.index_cast %add3A_597 : i32 to index
            %swap3A_599 = tpu.vector_load %run_scoped3A[%swap3A_598] {strides = array<i32>} : memref<40960xf32, #tpu.memory_space<vmem>>, vector<16xf32>,
            tpu.vector_store %run_scoped3A[%swap3A_598], %max3A_595 {strides = array<i32>} : memref<40960xf32, #tpu.memory_space<vmem>>, vector<16xf32>,
            %max3A_600 = arith.maximumf %get3A_546, %get3A_576 : vector<16xf32>
            %add3A_601 = arith.constant 16 : i32
            %add3A_602 = arith.addi %mul3A_533, %add3A_601 : i32
            %swap3A_603 = arith.index_cast %add3A_602 : i32 to index
            %swap3A_604 = tpu.vector_load %run_scoped3A[%swap3A_603] {strides = array<i32>} : memref<40960xf32, #tpu.memory_space<vmem>>, vector<16xf32>,
            tpu.vector_store %run_scoped3A[%swap3A_603], %max3A_600 {strides = array<i32>} : memref<40960xf32, #tpu.memory_space<vmem>>, vector<16xf32>,
            %max3A_605 = arith.maximumf %get3A_550, %get3A_579 : vector<16xf32>
            %add3A_606 = arith.constant 32 : i32
            %add3A_607 = arith.addi %mul3A_533, %add3A_606 : i32
            %swap3A_608 = arith.index_cast %add3A_607 : i32 to index
            %swap3A_609 = tpu.vector_load %run_scoped3A[%swap3A_608] {strides = array<i32>} : memref<40960xf32, #tpu.memory_space<vmem>>, vector<16xf32>,
            tpu.vector_store %run_scoped3A[%swap3A_608], %max3A_605 {strides = array<i32>} : memref<40960xf32, #tpu.memory_space<vmem>>, vector<16xf32>,
            %max3A_610 = arith.maximumf %get3A_554, %get3A_582 : vector<16xf32>
            %add3A_611 = arith.constant 48 : i32
            %add3A_612 = arith.addi %mul3A_533, %add3A_611 : i32
            %swap3A_613 = arith.index_cast %add3A_612 : i32 to index
            %swap3A_614 = tpu.vector_load %run_scoped3A[%swap3A_613] {strides = array<i32>} : memref<40960xf32, #tpu.memory_space<vmem>>, vector<16xf32>,
            tpu.vector_store %run_scoped3A[%swap3A_613], %max3A_610 {strides = array<i32>} : memref<40960xf32, #tpu.memory_space<vmem>>, vector<16xf32>,
            %max3A_615 = arith.maximumf %get3A_558, %get3A_585 : vector<16xf32>
            %add3A_616 = arith.constant 64 : i32
            %add3A_617 = arith.addi %mul3A_533, %add3A_616 : i32
            %swap3A_618 = arith.index_cast %add3A_617 : i32 to index
            %swap3A_619 = tpu.vector_load %run_scoped3A[%swap3A_618] {strides = array<i32>} : memref<40960xf32, #tpu.memory_space<vmem>>, vector<16xf32>,
            tpu.vector_store %run_scoped3A[%swap3A_618], %max3A_615 {strides = array<i32>} : memref<40960xf32, #tpu.memory_space<vmem>>, vector<16xf32>,
            %max3A_620 = arith.maximumf %get3A_562, %get3A_588 : vector<16xf32>
            %add3A_621 = arith.constant 80 : i32
            %add3A_622 = arith.addi %mul3A_533, %add3A_621 : i32
            %swap3A_623 = arith.index_cast %add3A_622 : i32 to index
            %swap3A_624 = tpu.vector_load %run_scoped3A[%swap3A_623] {strides = array<i32>} : memref<40960xf32, #tpu.memory_space<vmem>>, vector<16xf32>,
            tpu.vector_store %run_scoped3A[%swap3A_623], %max3A_620 {strides = array<i32>} : memref<40960xf32, #tpu.memory_space<vmem>>, vector<16xf32>,
            %max3A_625 = arith.maximumf %get3A_566, %get3A_591 : vector<16xf32>
            %add3A_626 = arith.constant 96 : i32
            %add3A_627 = arith.addi %mul3A_533, %add3A_626 : i32
            %swap3A_628 = arith.index_cast %add3A_627 : i32 to index
            %swap3A_629 = tpu.vector_load %run_scoped3A[%swap3A_628] {strides = array<i32>} : memref<40960xf32, #tpu.memory_space<vmem>>, vector<16xf32>,
            tpu.vector_store %run_scoped3A[%swap3A_628], %max3A_625 {strides = array<i32>} : memref<40960xf32, #tpu.memory_space<vmem>>, vector<16xf32>,
            %max3A_630 = arith.maximumf %get3A_570, %get3A_594 : vector<16xf32>
            %add3A_631 = arith.constant 112 : i32
            %add3A_632 = arith.addi %mul3A_533, %add3A_631 : i32
            %swap3A_633 = arith.index_cast %add3A_632 : i32 to index
            %swap3A_634 = tpu.vector_load %run_scoped3A[%swap3A_633] {strides = array<i32>} : memref<40960xf32, #tpu.memory_space<vmem>>, vector<16xf32>,
            tpu.vector_store %run_scoped3A[%swap3A_633], %max3A_630 {strides = array<i32>} : memref<40960xf32, #tpu.memory_space<vmem>>, vector<16xf32>,
            %slice3A_635 = vector.extract_strided_slice %get3A_217 {offsets = [4], sizes = [1], strides = [1]} : vector<16xi32> to vector<1xi32>
            %squeeze3A_636 = vector.extract %slice3A_635[0] : i32 from vector<1xi32>
            %mul3A_637 = arith.constant 128 : i32
            %mul3A_638 = arith.muli %squeeze3A_636, %mul3A_637 : i32
            %mul3A_639 = arith.constant 16 : i32
            %mul3A_640 = arith.muli %scan3A_211, %mul3A_639 : i32
            %add3A_641 = arith.addi %mul3A_184, %mul3A_640 : i32
            %add3A_642 = arith.constant 4 : i32
            %add3A_643 = arith.addi %add3A_641, %add3A_642 : i32
            %add3A_644 = arith.constant 0 : i32
            %add3A_645 = arith.addi %mul3A_638, %add3A_644 : i32
            %get3A_646 = arith.index_cast %add3A_645 : i32 to index
            %get3A_647 = tpu.vector_load %run_scoped3A[%get3A_646] {strides = array<i32>} : memref<40960xf32, #tpu.memory_space<vmem>>, vector<16xf32>,
            %add3A_648 = arith.constant 16 : i32
            %add3A_649 = arith.addi %mul3A_638, %add3A_648 : i32
            %get3A_650 = arith.index_cast %add3A_649 : i32 to index
            %get3A_651 = tpu.vector_load %run_scoped3A[%get3A_650] {strides = array<i32>} : memref<40960xf32, #tpu.memory_space<vmem>>, vector<16xf32>,
            %add3A_652 = arith.constant 32 : i32
            %add3A_653 = arith.addi %mul3A_638, %add3A_652 : i32
            %get3A_654 = arith.index_cast %add3A_653 : i32 to index
            %get3A_655 = tpu.vector_load %run_scoped3A[%get3A_654] {strides = array<i32>} : memref<40960xf32, #tpu.memory_space<vmem>>, vector<16xf32>,
            %add3A_656 = arith.constant 48 : i32
            %add3A_657 = arith.addi %mul3A_638, %add3A_656 : i32
            %get3A_658 = arith.index_cast %add3A_657 : i32 to index
            %get3A_659 = tpu.vector_load %run_scoped3A[%get3A_658] {strides = array<i32>} : memref<40960xf32, #tpu.memory_space<vmem>>, vector<16xf32>,
            %add3A_660 = arith.constant 64 : i32
            %add3A_661 = arith.addi %mul3A_638, %add3A_660 : i32
            %get3A_662 = arith.index_cast %add3A_661 : i32 to index
            %get3A_663 = tpu.vector_load %run_scoped3A[%get3A_662] {strides = array<i32>} : memref<40960xf32, #tpu.memory_space<vmem>>, vector<16xf32>,
            %add3A_664 = arith.constant 80 : i32
            %add3A_665 = arith.addi %mul3A_638, %add3A_664 : i32
            %get3A_666 = arith.index_cast %add3A_665 : i32 to index
            %get3A_667 = tpu.vector_load %run_scoped3A[%get3A_666] {strides = array<i32>} : memref<40960xf32, #tpu.memory_space<vmem>>, vector<16xf32>,
            %add3A_668 = arith.constant 96 : i32
            %add3A_669 = arith.addi %mul3A_638, %add3A_668 : i32
            %get3A_670 = arith.index_cast %add3A_669 : i32 to index
            %get3A_671 = tpu.vector_load %run_scoped3A[%get3A_670] {strides = array<i32>} : memref<40960xf32, #tpu.memory_space<vmem>>, vector<16xf32>,
            %add3A_672 = arith.constant 112 : i32
            %add3A_673 = arith.addi %mul3A_638, %add3A_672 : i32
            %get3A_674 = arith.index_cast %add3A_673 : i32 to index
            %get3A_675 = tpu.vector_load %run_scoped3A[%get3A_674] {strides = array<i32>} : memref<40960xf32, #tpu.memory_space<vmem>>, vector<16xf32>,
            %get3A_676 = arith.index_cast %add3A_643 : i32 to index
            %get3A_677 = arith.constant 0 : index
            %get3A_678 = tpu.vector_load %arg8[%get3A_676, %get3A_677] {strides = array<i32>} : memref<256x128xf32, #tpu.memory_space<vmem>>, vector<16xf32>,
            %get3A_679 = arith.index_cast %add3A_643 : i32 to index
            %get3A_680 = arith.constant 16 : index
            %get3A_681 = tpu.vector_load %arg8[%get3A_679, %get3A_680] {strides = array<i32>} : memref<256x128xf32, #tpu.memory_space<vmem>>, vector<16xf32>,
            %get3A_682 = arith.index_cast %add3A_643 : i32 to index
            %get3A_683 = arith.constant 32 : index
            %get3A_684 = tpu.vector_load %arg8[%get3A_682, %get3A_683] {strides = array<i32>} : memref<256x128xf32, #tpu.memory_space<vmem>>, vector<16xf32>,
            %get3A_685 = arith.index_cast %add3A_643 : i32 to index
            %get3A_686 = arith.constant 48 : index
            %get3A_687 = tpu.vector_load %arg8[%get3A_685, %get3A_686] {strides = array<i32>} : memref<256x128xf32, #tpu.memory_space<vmem>>, vector<16xf32>,
            %get3A_688 = arith.index_cast %add3A_643 : i32 to index
            %get3A_689 = arith.constant 64 : index
            %get3A_690 = tpu.vector_load %arg8[%get3A_688, %get3A_689] {strides = array<i32>} : memref<256x128xf32, #tpu.memory_space<vmem>>, vector<16xf32>,
            %get3A_691 = arith.index_cast %add3A_643 : i32 to index
            %get3A_692 = arith.constant 80 : index
            %get3A_693 = tpu.vector_load %arg8[%get3A_691, %get3A_692] {strides = array<i32>} : memref<256x128xf32, #tpu.memory_space<vmem>>, vector<16xf32>,
            %get3A_694 = arith.index_cast %add3A_643 : i32 to index
            %get3A_695 = arith.constant 96 : index
            %get3A_696 = tpu.vector_load %arg8[%get3A_694, %get3A_695] {strides = array<i32>} : memref<256x128xf32, #tpu.memory_space<vmem>>, vector<16xf32>,
            %get3A_697 = arith.index_cast %add3A_643 : i32 to index
            %get3A_698 = arith.constant 112 : index
            %get3A_699 = tpu.vector_load %arg8[%get3A_697, %get3A_698] {strides = array<i32>} : memref<256x128xf32, #tpu.memory_space<vmem>>, vector<16xf32>,
            %max3A_700 = arith.maximumf %get3A_647, %get3A_678 : vector<16xf32>
            %add3A_701 = arith.constant 0 : i32
            %add3A_702 = arith.addi %mul3A_638, %add3A_701 : i32
            %swap3A_703 = arith.index_cast %add3A_702 : i32 to index
            %swap3A_704 = tpu.vector_load %run_scoped3A[%swap3A_703] {strides = array<i32>} : memref<40960xf32, #tpu.memory_space<vmem>>, vector<16xf32>,
            tpu.vector_store %run_scoped3A[%swap3A_703], %max3A_700 {strides = array<i32>} : memref<40960xf32, #tpu.memory_space<vmem>>, vector<16xf32>,
            %max3A_705 = arith.maximumf %get3A_651, %get3A_681 : vector<16xf32>
            %add3A_706 = arith.constant 16 : i32
            %add3A_707 = arith.addi %mul3A_638, %add3A_706 : i32
            %swap3A_708 = arith.index_cast %add3A_707 : i32 to index
            %swap3A_709 = tpu.vector_load %run_scoped3A[%swap3A_708] {strides = array<i32>} : memref<40960xf32, #tpu.memory_space<vmem>>, vector<16xf32>,
            tpu.vector_store %run_scoped3A[%swap3A_708], %max3A_705 {strides = array<i32>} : memref<40960xf32, #tpu.memory_space<vmem>>, vector<16xf32>,
            %max3A_710 = arith.maximumf %get3A_655, %get3A_684 : vector<16xf32>
            %add3A_711 = arith.constant 32 : i32
            %add3A_712 = arith.addi %mul3A_638, %add3A_711 : i32
            %swap3A_713 = arith.index_cast %add3A_712 : i32 to index
            %swap3A_714 = tpu.vector_load %run_scoped3A[%swap3A_713] {strides = array<i32>} : memref<40960xf32, #tpu.memory_space<vmem>>, vector<16xf32>,
            tpu.vector_store %run_scoped3A[%swap3A_713], %max3A_710 {strides = array<i32>} : memref<40960xf32, #tpu.memory_space<vmem>>, vector<16xf32>,
            %max3A_715 = arith.maximumf %get3A_659, %get3A_687 : vector<16xf32>
            %add3A_716 = arith.constant 48 : i32
            %add3A_717 = arith.addi %mul3A_638, %add3A_716 : i32
            %swap3A_718 = arith.index_cast %add3A_717 : i32 to index
            %swap3A_719 = tpu.vector_load %run_scoped3A[%swap3A_718] {strides = array<i32>} : memref<40960xf32, #tpu.memory_space<vmem>>, vector<16xf32>,
            tpu.vector_store %run_scoped3A[%swap3A_718], %max3A_715 {strides = array<i32>} : memref<40960xf32, #tpu.memory_space<vmem>>, vector<16xf32>,
            %max3A_720 = arith.maximumf %get3A_663, %get3A_690 : vector<16xf32>
            %add3A_721 = arith.constant 64 : i32
            %add3A_722 = arith.addi %mul3A_638, %add3A_721 : i32
            %swap3A_723 = arith.index_cast %add3A_722 : i32 to index
            %swap3A_724 = tpu.vector_load %run_scoped3A[%swap3A_723] {strides = array<i32>} : memref<40960xf32, #tpu.memory_space<vmem>>, vector<16xf32>,
            tpu.vector_store %run_scoped3A[%swap3A_723], %max3A_720 {strides = array<i32>} : memref<40960xf32, #tpu.memory_space<vmem>>, vector<16xf32>,
            %max3A_725 = arith.maximumf %get3A_667, %get3A_693 : vector<16xf32>
            %add3A_726 = arith.constant 80 : i32
            %add3A_727 = arith.addi %mul3A_638, %add3A_726 : i32
            %swap3A_728 = arith.index_cast %add3A_727 : i32 to index
            %swap3A_729 = tpu.vector_load %run_scoped3A[%swap3A_728] {strides = array<i32>} : memref<40960xf32, #tpu.memory_space<vmem>>, vector<16xf32>,
            tpu.vector_store %run_scoped3A[%swap3A_728], %max3A_725 {strides = array<i32>} : memref<40960xf32, #tpu.memory_space<vmem>>, vector<16xf32>,
            %max3A_730 = arith.maximumf %get3A_671, %get3A_696 : vector<16xf32>
            %add3A_731 = arith.constant 96 : i32
            %add3A_732 = arith.addi %mul3A_638, %add3A_731 : i32
            %swap3A_733 = arith.index_cast %add3A_732 : i32 to index
            %swap3A_734 = tpu.vector_load %run_scoped3A[%swap3A_733] {strides = array<i32>} : memref<40960xf32, #tpu.memory_space<vmem>>, vector<16xf32>,
            tpu.vector_store %run_scoped3A[%swap3A_733], %max3A_730 {strides = array<i32>} : memref<40960xf32, #tpu.memory_space<vmem>>, vector<16xf32>,
            %max3A_735 = arith.maximumf %get3A_675, %get3A_699 : vector<16xf32>
            %add3A_736 = arith.constant 112 : i32
            %add3A_737 = arith.addi %mul3A_638, %add3A_736 : i32
            %swap3A_738 = arith.index_cast %add3A_737 : i32 to index
            %swap3A_739 = tpu.vector_load %run_scoped3A[%swap3A_738] {strides = array<i32>} : memref<40960xf32, #tpu.memory_space<vmem>>, vector<16xf32>,
            tpu.vector_store %run_scoped3A[%swap3A_738], %max3A_735 {strides = array<i32>} : memref<40960xf32, #tpu.memory_space<vmem>>, vector<16xf32>,
            %slice3A_740 = vector.extract_strided_slice %get3A_217 {offsets = [5], sizes = [1], strides = [1]} : vector<16xi32> to vector<1xi32>
            %squeeze3A_741 = vector.extract %slice3A_740[0] : i32 from vector<1xi32>
            %mul3A_742 = arith.constant 128 : i32
            %mul3A_743 = arith.muli %squeeze3A_741, %mul3A_742 : i32
            %mul3A_744 = arith.constant 16 : i32
            %mul3A_745 = arith.muli %scan3A_211, %mul3A_744 : i32
            %add3A_746 = arith.addi %mul3A_184, %mul3A_745 : i32
            %add3A_747 = arith.constant 5 : i32
            %add3A_748 = arith.addi %add3A_746, %add3A_747 : i32
            %add3A_749 = arith.constant 0 : i32
            %add3A_750 = arith.addi %mul3A_743, %add3A_749 : i32
            %get3A_751 = arith.index_cast %add3A_750 : i32 to index
            %get3A_752 = tpu.vector_load %run_scoped3A[%get3A_751] {strides = array<i32>} : memref<40960xf32, #tpu.memory_space<vmem>>, vector<16xf32>,
            %add3A_753 = arith.constant 16 : i32
            %add3A_754 = arith.addi %mul3A_743, %add3A_753 : i32
            %get3A_755 = arith.index_cast %add3A_754 : i32 to index
            %get3A_756 = tpu.vector_load %run_scoped3A[%get3A_755] {strides = array<i32>} : memref<40960xf32, #tpu.memory_space<vmem>>, vector<16xf32>,
            %add3A_757 = arith.constant 32 : i32
            %add3A_758 = arith.addi %mul3A_743, %add3A_757 : i32
            %get3A_759 = arith.index_cast %add3A_758 : i32 to index
            %get3A_760 = tpu.vector_load %run_scoped3A[%get3A_759] {strides = array<i32>} : memref<40960xf32, #tpu.memory_space<vmem>>, vector<16xf32>,
            %add3A_761 = arith.constant 48 : i32
            %add3A_762 = arith.addi %mul3A_743, %add3A_761 : i32
            %get3A_763 = arith.index_cast %add3A_762 : i32 to index
            %get3A_764 = tpu.vector_load %run_scoped3A[%get3A_763] {strides = array<i32>} : memref<40960xf32, #tpu.memory_space<vmem>>, vector<16xf32>,
            %add3A_765 = arith.constant 64 : i32
            %add3A_766 = arith.addi %mul3A_743, %add3A_765 : i32
            %get3A_767 = arith.index_cast %add3A_766 : i32 to index
            %get3A_768 = tpu.vector_load %run_scoped3A[%get3A_767] {strides = array<i32>} : memref<40960xf32, #tpu.memory_space<vmem>>, vector<16xf32>,
            %add3A_769 = arith.constant 80 : i32
            %add3A_770 = arith.addi %mul3A_743, %add3A_769 : i32
            %get3A_771 = arith.index_cast %add3A_770 : i32 to index
            %get3A_772 = tpu.vector_load %run_scoped3A[%get3A_771] {strides = array<i32>} : memref<40960xf32, #tpu.memory_space<vmem>>, vector<16xf32>,
            %add3A_773 = arith.constant 96 : i32
            %add3A_774 = arith.addi %mul3A_743, %add3A_773 : i32
            %get3A_775 = arith.index_cast %add3A_774 : i32 to index
            %get3A_776 = tpu.vector_load %run_scoped3A[%get3A_775] {strides = array<i32>} : memref<40960xf32, #tpu.memory_space<vmem>>, vector<16xf32>,
            %add3A_777 = arith.constant 112 : i32
            %add3A_778 = arith.addi %mul3A_743, %add3A_777 : i32
            %get3A_779 = arith.index_cast %add3A_778 : i32 to index
            %get3A_780 = tpu.vector_load %run_scoped3A[%get3A_779] {strides = array<i32>} : memref<40960xf32, #tpu.memory_space<vmem>>, vector<16xf32>,
            %get3A_781 = arith.index_cast %add3A_748 : i32 to index
            %get3A_782 = arith.constant 0 : index
            %get3A_783 = tpu.vector_load %arg8[%get3A_781, %get3A_782] {strides = array<i32>} : memref<256x128xf32, #tpu.memory_space<vmem>>, vector<16xf32>,
            %get3A_784 = arith.index_cast %add3A_748 : i32 to index
            %get3A_785 = arith.constant 16 : index
            %get3A_786 = tpu.vector_load %arg8[%get3A_784, %get3A_785] {strides = array<i32>} : memref<256x128xf32, #tpu.memory_space<vmem>>, vector<16xf32>,
            %get3A_787 = arith.index_cast %add3A_748 : i32 to index
            %get3A_788 = arith.constant 32 : index
            %get3A_789 = tpu.vector_load %arg8[%get3A_787, %get3A_788] {strides = array<i32>} : memref<256x128xf32, #tpu.memory_space<vmem>>, vector<16xf32>,
            %get3A_790 = arith.index_cast %add3A_748 : i32 to index
            %get3A_791 = arith.constant 48 : index
            %get3A_792 = tpu.vector_load %arg8[%get3A_790, %get3A_791] {strides = array<i32>} : memref<256x128xf32, #tpu.memory_space<vmem>>, vector<16xf32>,
            %get3A_793 = arith.index_cast %add3A_748 : i32 to index
            %get3A_794 = arith.constant 64 : index
            %get3A_795 = tpu.vector_load %arg8[%get3A_793, %get3A_794] {strides = array<i32>} : memref<256x128xf32, #tpu.memory_space<vmem>>, vector<16xf32>,
            %get3A_796 = arith.index_cast %add3A_748 : i32 to index
            %get3A_797 = arith.constant 80 : index
            %get3A_798 = tpu.vector_load %arg8[%get3A_796, %get3A_797] {strides = array<i32>} : memref<256x128xf32, #tpu.memory_space<vmem>>, vector<16xf32>,
            %get3A_799 = arith.index_cast %add3A_748 : i32 to index
            %get3A_800 = arith.constant 96 : index
            %get3A_801 = tpu.vector_load %arg8[%get3A_799, %get3A_800] {strides = array<i32>} : memref<256x128xf32, #tpu.memory_space<vmem>>, vector<16xf32>,
            %get3A_802 = arith.index_cast %add3A_748 : i32 to index
            %get3A_803 = arith.constant 112 : index
            %get3A_804 = tpu.vector_load %arg8[%get3A_802, %get3A_803] {strides = array<i32>} : memref<256x128xf32, #tpu.memory_space<vmem>>, vector<16xf32>,
            %max3A_805 = arith.maximumf %get3A_752, %get3A_783 : vector<16xf32>
            %add3A_806 = arith.constant 0 : i32
            %add3A_807 = arith.addi %mul3A_743, %add3A_806 : i32
            %swap3A_808 = arith.index_cast %add3A_807 : i32 to index
            %swap3A_809 = tpu.vector_load %run_scoped3A[%swap3A_808] {strides = array<i32>} : memref<40960xf32, #tpu.memory_space<vmem>>, vector<16xf32>,
            tpu.vector_store %run_scoped3A[%swap3A_808], %max3A_805 {strides = array<i32>} : memref<40960xf32, #tpu.memory_space<vmem>>, vector<16xf32>,
            %max3A_810 = arith.maximumf %get3A_756, %get3A_786 : vector<16xf32>
            %add3A_811 = arith.constant 16 : i32
            %add3A_812 = arith.addi %mul3A_743, %add3A_811 : i32
            %swap3A_813 = arith.index_cast %add3A_812 : i32 to index
            %swap3A_814 = tpu.vector_load %run_scoped3A[%swap3A_813] {strides = array<i32>} : memref<40960xf32, #tpu.memory_space<vmem>>, vector<16xf32>,
            tpu.vector_store %run_scoped3A[%swap3A_813], %max3A_810 {strides = array<i32>} : memref<40960xf32, #tpu.memory_space<vmem>>, vector<16xf32>,
            %max3A_815 = arith.maximumf %get3A_760, %get3A_789 : vector<16xf32>
            %add3A_816 = arith.constant 32 : i32
            %add3A_817 = arith.addi %mul3A_743, %add3A_816 : i32
            %swap3A_818 = arith.index_cast %add3A_817 : i32 to index
            %swap3A_819 = tpu.vector_load %run_scoped3A[%swap3A_818] {strides = array<i32>} : memref<40960xf32, #tpu.memory_space<vmem>>, vector<16xf32>,
            tpu.vector_store %run_scoped3A[%swap3A_818], %max3A_815 {strides = array<i32>} : memref<40960xf32, #tpu.memory_space<vmem>>, vector<16xf32>,
            %max3A_820 = arith.maximumf %get3A_764, %get3A_792 : vector<16xf32>
            %add3A_821 = arith.constant 48 : i32
            %add3A_822 = arith.addi %mul3A_743, %add3A_821 : i32
            %swap3A_823 = arith.index_cast %add3A_822 : i32 to index
            %swap3A_824 = tpu.vector_load %run_scoped3A[%swap3A_823] {strides = array<i32>} : memref<40960xf32, #tpu.memory_space<vmem>>, vector<16xf32>,
            tpu.vector_store %run_scoped3A[%swap3A_823], %max3A_820 {strides = array<i32>} : memref<40960xf32, #tpu.memory_space<vmem>>, vector<16xf32>,
            %max3A_825 = arith.maximumf %get3A_768, %get3A_795 : vector<16xf32>
            %add3A_826 = arith.constant 64 : i32
            %add3A_827 = arith.addi %mul3A_743, %add3A_826 : i32
            %swap3A_828 = arith.index_cast %add3A_827 : i32 to index
            %swap3A_829 = tpu.vector_load %run_scoped3A[%swap3A_828] {strides = array<i32>} : memref<40960xf32, #tpu.memory_space<vmem>>, vector<16xf32>,
            tpu.vector_store %run_scoped3A[%swap3A_828], %max3A_825 {strides = array<i32>} : memref<40960xf32, #tpu.memory_space<vmem>>, vector<16xf32>,
            %max3A_830 = arith.maximumf %get3A_772, %get3A_798 : vector<16xf32>
            %add3A_831 = arith.constant 80 : i32
            %add3A_832 = arith.addi %mul3A_743, %add3A_831 : i32
            %swap3A_833 = arith.index_cast %add3A_832 : i32 to index
            %swap3A_834 = tpu.vector_load %run_scoped3A[%swap3A_833] {strides = array<i32>} : memref<40960xf32, #tpu.memory_space<vmem>>, vector<16xf32>,
            tpu.vector_store %run_scoped3A[%swap3A_833], %max3A_830 {strides = array<i32>} : memref<40960xf32, #tpu.memory_space<vmem>>, vector<16xf32>,
            %max3A_835 = arith.maximumf %get3A_776, %get3A_801 : vector<16xf32>
            %add3A_836 = arith.constant 96 : i32
            %add3A_837 = arith.addi %mul3A_743, %add3A_836 : i32
            %swap3A_838 = arith.index_cast %add3A_837 : i32 to index
            %swap3A_839 = tpu.vector_load %run_scoped3A[%swap3A_838] {strides = array<i32>} : memref<40960xf32, #tpu.memory_space<vmem>>, vector<16xf32>,
            tpu.vector_store %run_scoped3A[%swap3A_838], %max3A_835 {strides = array<i32>} : memref<40960xf32, #tpu.memory_space<vmem>>, vector<16xf32>,
            %max3A_840 = arith.maximumf %get3A_780, %get3A_804 : vector<16xf32>
            %add3A_841 = arith.constant 112 : i32
            %add3A_842 = arith.addi %mul3A_743, %add3A_841 : i32
            %swap3A_843 = arith.index_cast %add3A_842 : i32 to index
            %swap3A_844 = tpu.vector_load %run_scoped3A[%swap3A_843] {strides = array<i32>} : memref<40960xf32, #tpu.memory_space<vmem>>, vector<16xf32>,
            tpu.vector_store %run_scoped3A[%swap3A_843], %max3A_840 {strides = array<i32>} : memref<40960xf32, #tpu.memory_space<vmem>>, vector<16xf32>,
            %slice3A_845 = vector.extract_strided_slice %get3A_217 {offsets = [6], sizes = [1], strides = [1]} : vector<16xi32> to vector<1xi32>
            %squeeze3A_846 = vector.extract %slice3A_845[0] : i32 from vector<1xi32>
            %mul3A_847 = arith.constant 128 : i32
            %mul3A_848 = arith.muli %squeeze3A_846, %mul3A_847 : i32
            %mul3A_849 = arith.constant 16 : i32
            %mul3A_850 = arith.muli %scan3A_211, %mul3A_849 : i32
            %add3A_851 = arith.addi %mul3A_184, %mul3A_850 : i32
            %add3A_852 = arith.constant 6 : i32
            %add3A_853 = arith.addi %add3A_851, %add3A_852 : i32
            %add3A_854 = arith.constant 0 : i32
            %add3A_855 = arith.addi %mul3A_848, %add3A_854 : i32
            %get3A_856 = arith.index_cast %add3A_855 : i32 to index
            %get3A_857 = tpu.vector_load %run_scoped3A[%get3A_856] {strides = array<i32>} : memref<40960xf32, #tpu.memory_space<vmem>>, vector<16xf32>,
            %add3A_858 = arith.constant 16 : i32
            %add3A_859 = arith.addi %mul3A_848, %add3A_858 : i32
            %get3A_860 = arith.index_cast %add3A_859 : i32 to index
            %get3A_861 = tpu.vector_load %run_scoped3A[%get3A_860] {strides = array<i32>} : memref<40960xf32, #tpu.memory_space<vmem>>, vector<16xf32>,
            %add3A_862 = arith.constant 32 : i32
            %add3A_863 = arith.addi %mul3A_848, %add3A_862 : i32
            %get3A_864 = arith.index_cast %add3A_863 : i32 to index
            %get3A_865 = tpu.vector_load %run_scoped3A[%get3A_864] {strides = array<i32>} : memref<40960xf32, #tpu.memory_space<vmem>>, vector<16xf32>,
            %add3A_866 = arith.constant 48 : i32
            %add3A_867 = arith.addi %mul3A_848, %add3A_866 : i32
            %get3A_868 = arith.index_cast %add3A_867 : i32 to index
            %get3A_869 = tpu.vector_load %run_scoped3A[%get3A_868] {strides = array<i32>} : memref<40960xf32, #tpu.memory_space<vmem>>, vector<16xf32>,
            %add3A_870 = arith.constant 64 : i32
            %add3A_871 = arith.addi %mul3A_848, %add3A_870 : i32
            %get3A_872 = arith.index_cast %add3A_871 : i32 to index
            %get3A_873 = tpu.vector_load %run_scoped3A[%get3A_872] {strides = array<i32>} : memref<40960xf32, #tpu.memory_space<vmem>>, vector<16xf32>,
            %add3A_874 = arith.constant 80 : i32
            %add3A_875 = arith.addi %mul3A_848, %add3A_874 : i32
            %get3A_876 = arith.index_cast %add3A_875 : i32 to index
            %get3A_877 = tpu.vector_load %run_scoped3A[%get3A_876] {strides = array<i32>} : memref<40960xf32, #tpu.memory_space<vmem>>, vector<16xf32>,
            %add3A_878 = arith.constant 96 : i32
            %add3A_879 = arith.addi %mul3A_848, %add3A_878 : i32
            %get3A_880 = arith.index_cast %add3A_879 : i32 to index
            %get3A_881 = tpu.vector_load %run_scoped3A[%get3A_880] {strides = array<i32>} : memref<40960xf32, #tpu.memory_space<vmem>>, vector<16xf32>,
            %add3A_882 = arith.constant 112 : i32
            %add3A_883 = arith.addi %mul3A_848, %add3A_882 : i32
            %get3A_884 = arith.index_cast %add3A_883 : i32 to index
            %get3A_885 = tpu.vector_load %run_scoped3A[%get3A_884] {strides = array<i32>} : memref<40960xf32, #tpu.memory_space<vmem>>, vector<16xf32>,
            %get3A_886 = arith.index_cast %add3A_853 : i32 to index
            %get3A_887 = arith.constant 0 : index
            %get3A_888 = tpu.vector_load %arg8[%get3A_886, %get3A_887] {strides = array<i32>} : memref<256x128xf32, #tpu.memory_space<vmem>>, vector<16xf32>,
            %get3A_889 = arith.index_cast %add3A_853 : i32 to index
            %get3A_890 = arith.constant 16 : index
            %get3A_891 = tpu.vector_load %arg8[%get3A_889, %get3A_890] {strides = array<i32>} : memref<256x128xf32, #tpu.memory_space<vmem>>, vector<16xf32>,
            %get3A_892 = arith.index_cast %add3A_853 : i32 to index
            %get3A_893 = arith.constant 32 : index
            %get3A_894 = tpu.vector_load %arg8[%get3A_892, %get3A_893] {strides = array<i32>} : memref<256x128xf32, #tpu.memory_space<vmem>>, vector<16xf32>,
            %get3A_895 = arith.index_cast %add3A_853 : i32 to index
            %get3A_896 = arith.constant 48 : index
            %get3A_897 = tpu.vector_load %arg8[%get3A_895, %get3A_896] {strides = array<i32>} : memref<256x128xf32, #tpu.memory_space<vmem>>, vector<16xf32>,
            %get3A_898 = arith.index_cast %add3A_853 : i32 to index
            %get3A_899 = arith.constant 64 : index
            %get3A_900 = tpu.vector_load %arg8[%get3A_898, %get3A_899] {strides = array<i32>} : memref<256x128xf32, #tpu.memory_space<vmem>>, vector<16xf32>,
            %get3A_901 = arith.index_cast %add3A_853 : i32 to index
            %get3A_902 = arith.constant 80 : index
            %get3A_903 = tpu.vector_load %arg8[%get3A_901, %get3A_902] {strides = array<i32>} : memref<256x128xf32, #tpu.memory_space<vmem>>, vector<16xf32>,
            %get3A_904 = arith.index_cast %add3A_853 : i32 to index
            %get3A_905 = arith.constant 96 : index
            %get3A_906 = tpu.vector_load %arg8[%get3A_904, %get3A_905] {strides = array<i32>} : memref<256x128xf32, #tpu.memory_space<vmem>>, vector<16xf32>,
            %get3A_907 = arith.index_cast %add3A_853 : i32 to index
            %get3A_908 = arith.constant 112 : index
            %get3A_909 = tpu.vector_load %arg8[%get3A_907, %get3A_908] {strides = array<i32>} : memref<256x128xf32, #tpu.memory_space<vmem>>, vector<16xf32>,
            %max3A_910 = arith.maximumf %get3A_857, %get3A_888 : vector<16xf32>
            %add3A_911 = arith.constant 0 : i32
            %add3A_912 = arith.addi %mul3A_848, %add3A_911 : i32
            %swap3A_913 = arith.index_cast %add3A_912 : i32 to index
            %swap3A_914 = tpu.vector_load %run_scoped3A[%swap3A_913] {strides = array<i32>} : memref<40960xf32, #tpu.memory_space<vmem>>, vector<16xf32>,
            tpu.vector_store %run_scoped3A[%swap3A_913], %max3A_910 {strides = array<i32>} : memref<40960xf32, #tpu.memory_space<vmem>>, vector<16xf32>,
            %max3A_915 = arith.maximumf %get3A_861, %get3A_891 : vector<16xf32>
            %add3A_916 = arith.constant 16 : i32
            %add3A_917 = arith.addi %mul3A_848, %add3A_916 : i32
            %swap3A_918 = arith.index_cast %add3A_917 : i32 to index
            %swap3A_919 = tpu.vector_load %run_scoped3A[%swap3A_918] {strides = array<i32>} : memref<40960xf32, #tpu.memory_space<vmem>>, vector<16xf32>,
            tpu.vector_store %run_scoped3A[%swap3A_918], %max3A_915 {strides = array<i32>} : memref<40960xf32, #tpu.memory_space<vmem>>, vector<16xf32>,
            %max3A_920 = arith.maximumf %get3A_865, %get3A_894 : vector<16xf32>
            %add3A_921 = arith.constant 32 : i32
            %add3A_922 = arith.addi %mul3A_848, %add3A_921 : i32
            %swap3A_923 = arith.index_cast %add3A_922 : i32 to index
            %swap3A_924 = tpu.vector_load %run_scoped3A[%swap3A_923] {strides = array<i32>} : memref<40960xf32, #tpu.memory_space<vmem>>, vector<16xf32>,
            tpu.vector_store %run_scoped3A[%swap3A_923], %max3A_920 {strides = array<i32>} : memref<40960xf32, #tpu.memory_space<vmem>>, vector<16xf32>,
            %max3A_925 = arith.maximumf %get3A_869, %get3A_897 : vector<16xf32>
            %add3A_926 = arith.constant 48 : i32
            %add3A_927 = arith.addi %mul3A_848, %add3A_926 : i32
            %swap3A_928 = arith.index_cast %add3A_927 : i32 to index
            %swap3A_929 = tpu.vector_load %run_scoped3A[%swap3A_928] {strides = array<i32>} : memref<40960xf32, #tpu.memory_space<vmem>>, vector<16xf32>,
            tpu.vector_store %run_scoped3A[%swap3A_928], %max3A_925 {strides = array<i32>} : memref<40960xf32, #tpu.memory_space<vmem>>, vector<16xf32>,
            %max3A_930 = arith.maximumf %get3A_873, %get3A_900 : vector<16xf32>
            %add3A_931 = arith.constant 64 : i32
            %add3A_932 = arith.addi %mul3A_848, %add3A_931 : i32
            %swap3A_933 = arith.index_cast %add3A_932 : i32 to index
            %swap3A_934 = tpu.vector_load %run_scoped3A[%swap3A_933] {strides = array<i32>} : memref<40960xf32, #tpu.memory_space<vmem>>, vector<16xf32>,
            tpu.vector_store %run_scoped3A[%swap3A_933], %max3A_930 {strides = array<i32>} : memref<40960xf32, #tpu.memory_space<vmem>>, vector<16xf32>,
            %max3A_935 = arith.maximumf %get3A_877, %get3A_903 : vector<16xf32>
            %add3A_936 = arith.constant 80 : i32
            %add3A_937 = arith.addi %mul3A_848, %add3A_936 : i32
            %swap3A_938 = arith.index_cast %add3A_937 : i32 to index
            %swap3A_939 = tpu.vector_load %run_scoped3A[%swap3A_938] {strides = array<i32>} : memref<40960xf32, #tpu.memory_space<vmem>>, vector<16xf32>,
            tpu.vector_store %run_scoped3A[%swap3A_938], %max3A_935 {strides = array<i32>} : memref<40960xf32, #tpu.memory_space<vmem>>, vector<16xf32>,
            %max3A_940 = arith.maximumf %get3A_881, %get3A_906 : vector<16xf32>
            %add3A_941 = arith.constant 96 : i32
            %add3A_942 = arith.addi %mul3A_848, %add3A_941 : i32
            %swap3A_943 = arith.index_cast %add3A_942 : i32 to index
            %swap3A_944 = tpu.vector_load %run_scoped3A[%swap3A_943] {strides = array<i32>} : memref<40960xf32, #tpu.memory_space<vmem>>, vector<16xf32>,
            tpu.vector_store %run_scoped3A[%swap3A_943], %max3A_940 {strides = array<i32>} : memref<40960xf32, #tpu.memory_space<vmem>>, vector<16xf32>,
            %max3A_945 = arith.maximumf %get3A_885, %get3A_909 : vector<16xf32>
            %add3A_946 = arith.constant 112 : i32
            %add3A_947 = arith.addi %mul3A_848, %add3A_946 : i32
            %swap3A_948 = arith.index_cast %add3A_947 : i32 to index
            %swap3A_949 = tpu.vector_load %run_scoped3A[%swap3A_948] {strides = array<i32>} : memref<40960xf32, #tpu.memory_space<vmem>>, vector<16xf32>,
            tpu.vector_store %run_scoped3A[%swap3A_948], %max3A_945 {strides = array<i32>} : memref<40960xf32, #tpu.memory_space<vmem>>, vector<16xf32>,
            %slice3A_950 = vector.extract_strided_slice %get3A_217 {offsets = [7], sizes = [1], strides = [1]} : vector<16xi32> to vector<1xi32>
            %squeeze3A_951 = vector.extract %slice3A_950[0] : i32 from vector<1xi32>
            %mul3A_952 = arith.constant 128 : i32
            %mul3A_953 = arith.muli %squeeze3A_951, %mul3A_952 : i32
            %mul3A_954 = arith.constant 16 : i32
            %mul3A_955 = arith.muli %scan3A_211, %mul3A_954 : i32
            %add3A_956 = arith.addi %mul3A_184, %mul3A_955 : i32
            %add3A_957 = arith.constant 7 : i32
            %add3A_958 = arith.addi %add3A_956, %add3A_957 : i32
            %add3A_959 = arith.constant 0 : i32
            %add3A_960 = arith.addi %mul3A_953, %add3A_959 : i32
            %get3A_961 = arith.index_cast %add3A_960 : i32 to index
            %get3A_962 = tpu.vector_load %run_scoped3A[%get3A_961] {strides = array<i32>} : memref<40960xf32, #tpu.memory_space<vmem>>, vector<16xf32>,
            %add3A_963 = arith.constant 16 : i32
            %add3A_964 = arith.addi %mul3A_953, %add3A_963 : i32
            %get3A_965 = arith.index_cast %add3A_964 : i32 to index
            %get3A_966 = tpu.vector_load %run_scoped3A[%get3A_965] {strides = array<i32>} : memref<40960xf32, #tpu.memory_space<vmem>>, vector<16xf32>,
            %add3A_967 = arith.constant 32 : i32
            %add3A_968 = arith.addi %mul3A_953, %add3A_967 : i32
            %get3A_969 = arith.index_cast %add3A_968 : i32 to index
            %get3A_970 = tpu.vector_load %run_scoped3A[%get3A_969] {strides = array<i32>} : memref<40960xf32, #tpu.memory_space<vmem>>, vector<16xf32>,
            %add3A_971 = arith.constant 48 : i32
            %add3A_972 = arith.addi %mul3A_953, %add3A_971 : i32
            %get3A_973 = arith.index_cast %add3A_972 : i32 to index
            %get3A_974 = tpu.vector_load %run_scoped3A[%get3A_973] {strides = array<i32>} : memref<40960xf32, #tpu.memory_space<vmem>>, vector<16xf32>,
            %add3A_975 = arith.constant 64 : i32
            %add3A_976 = arith.addi %mul3A_953, %add3A_975 : i32
            %get3A_977 = arith.index_cast %add3A_976 : i32 to index
            %get3A_978 = tpu.vector_load %run_scoped3A[%get3A_977] {strides = array<i32>} : memref<40960xf32, #tpu.memory_space<vmem>>, vector<16xf32>,
            %add3A_979 = arith.constant 80 : i32
            %add3A_980 = arith.addi %mul3A_953, %add3A_979 : i32
            %get3A_981 = arith.index_cast %add3A_980 : i32 to index
            %get3A_982 = tpu.vector_load %run_scoped3A[%get3A_981] {strides = array<i32>} : memref<40960xf32, #tpu.memory_space<vmem>>, vector<16xf32>,
            %add3A_983 = arith.constant 96 : i32
            %add3A_984 = arith.addi %mul3A_953, %add3A_983 : i32
            %get3A_985 = arith.index_cast %add3A_984 : i32 to index
            %get3A_986 = tpu.vector_load %run_scoped3A[%get3A_985] {strides = array<i32>} : memref<40960xf32, #tpu.memory_space<vmem>>, vector<16xf32>,
            %add3A_987 = arith.constant 112 : i32
            %add3A_988 = arith.addi %mul3A_953, %add3A_987 : i32
            %get3A_989 = arith.index_cast %add3A_988 : i32 to index
            %get3A_990 = tpu.vector_load %run_scoped3A[%get3A_989] {strides = array<i32>} : memref<40960xf32, #tpu.memory_space<vmem>>, vector<16xf32>,
            %get3A_991 = arith.index_cast %add3A_958 : i32 to index
            %get3A_992 = arith.constant 0 : index
            %get3A_993 = tpu.vector_load %arg8[%get3A_991, %get3A_992] {strides = array<i32>} : memref<256x128xf32, #tpu.memory_space<vmem>>, vector<16xf32>,
            %get3A_994 = arith.index_cast %add3A_958 : i32 to index
            %get3A_995 = arith.constant 16 : index
            %get3A_996 = tpu.vector_load %arg8[%get3A_994, %get3A_995] {strides = array<i32>} : memref<256x128xf32, #tpu.memory_space<vmem>>, vector<16xf32>,
            %get3A_997 = arith.index_cast %add3A_958 : i32 to index
            %get3A_998 = arith.constant 32 : index
            %get3A_999 = tpu.vector_load %arg8[%get3A_997, %get3A_998] {strides = array<i32>} : memref<256x128xf32, #tpu.memory_space<vmem>>, vector<16xf32>,
            %get3A_1000 = arith.index_cast %add3A_958 : i32 to index
            %get3A_1001 = arith.constant 48 : index
            %get3A_1002 = tpu.vector_load %arg8[%get3A_1000, %get3A_1001] {strides = array<i32>} : memref<256x128xf32, #tpu.memory_space<vmem>>, vector<16xf32>,
            %get3A_1003 = arith.index_cast %add3A_958 : i32 to index
            %get3A_1004 = arith.constant 64 : index
            %get3A_1005 = tpu.vector_load %arg8[%get3A_1003, %get3A_1004] {strides = array<i32>} : memref<256x128xf32, #tpu.memory_space<vmem>>, vector<16xf32>,
            %get3A_1006 = arith.index_cast %add3A_958 : i32 to index
            %get3A_1007 = arith.constant 80 : index
            %get3A_1008 = tpu.vector_load %arg8[%get3A_1006, %get3A_1007] {strides = array<i32>} : memref<256x128xf32, #tpu.memory_space<vmem>>, vector<16xf32>,
            %get3A_1009 = arith.index_cast %add3A_958 : i32 to index
            %get3A_1010 = arith.constant 96 : index
            %get3A_1011 = tpu.vector_load %arg8[%get3A_1009, %get3A_1010] {strides = array<i32>} : memref<256x128xf32, #tpu.memory_space<vmem>>, vector<16xf32>,
            %get3A_1012 = arith.index_cast %add3A_958 : i32 to index
            %get3A_1013 = arith.constant 112 : index
            %get3A_1014 = tpu.vector_load %arg8[%get3A_1012, %get3A_1013] {strides = array<i32>} : memref<256x128xf32, #tpu.memory_space<vmem>>, vector<16xf32>,
            %max3A_1015 = arith.maximumf %get3A_962, %get3A_993 : vector<16xf32>
            %add3A_1016 = arith.constant 0 : i32
            %add3A_1017 = arith.addi %mul3A_953, %add3A_1016 : i32
            %swap3A_1018 = arith.index_cast %add3A_1017 : i32 to index
            %swap3A_1019 = tpu.vector_load %run_scoped3A[%swap3A_1018] {strides = array<i32>} : memref<40960xf32, #tpu.memory_space<vmem>>, vector<16xf32>,
            tpu.vector_store %run_scoped3A[%swap3A_1018], %max3A_1015 {strides = array<i32>} : memref<40960xf32, #tpu.memory_space<vmem>>, vector<16xf32>,
            %max3A_1020 = arith.maximumf %get3A_966, %get3A_996 : vector<16xf32>
            %add3A_1021 = arith.constant 16 : i32
            %add3A_1022 = arith.addi %mul3A_953, %add3A_1021 : i32
            %swap3A_1023 = arith.index_cast %add3A_1022 : i32 to index
            %swap3A_1024 = tpu.vector_load %run_scoped3A[%swap3A_1023] {strides = array<i32>} : memref<40960xf32, #tpu.memory_space<vmem>>, vector<16xf32>,
            tpu.vector_store %run_scoped3A[%swap3A_1023], %max3A_1020 {strides = array<i32>} : memref<40960xf32, #tpu.memory_space<vmem>>, vector<16xf32>,
            %max3A_1025 = arith.maximumf %get3A_970, %get3A_999 : vector<16xf32>
            %add3A_1026 = arith.constant 32 : i32
            %add3A_1027 = arith.addi %mul3A_953, %add3A_1026 : i32
            %swap3A_1028 = arith.index_cast %add3A_1027 : i32 to index
            %swap3A_1029 = tpu.vector_load %run_scoped3A[%swap3A_1028] {strides = array<i32>} : memref<40960xf32, #tpu.memory_space<vmem>>, vector<16xf32>,
            tpu.vector_store %run_scoped3A[%swap3A_1028], %max3A_1025 {strides = array<i32>} : memref<40960xf32, #tpu.memory_space<vmem>>, vector<16xf32>,
            %max3A_1030 = arith.maximumf %get3A_974, %get3A_1002 : vector<16xf32>
            %add3A_1031 = arith.constant 48 : i32
            %add3A_1032 = arith.addi %mul3A_953, %add3A_1031 : i32
            %swap3A_1033 = arith.index_cast %add3A_1032 : i32 to index
            %swap3A_1034 = tpu.vector_load %run_scoped3A[%swap3A_1033] {strides = array<i32>} : memref<40960xf32, #tpu.memory_space<vmem>>, vector<16xf32>,
            tpu.vector_store %run_scoped3A[%swap3A_1033], %max3A_1030 {strides = array<i32>} : memref<40960xf32, #tpu.memory_space<vmem>>, vector<16xf32>,
            %max3A_1035 = arith.maximumf %get3A_978, %get3A_1005 : vector<16xf32>
            %add3A_1036 = arith.constant 64 : i32
            %add3A_1037 = arith.addi %mul3A_953, %add3A_1036 : i32
            %swap3A_1038 = arith.index_cast %add3A_1037 : i32 to index
            %swap3A_1039 = tpu.vector_load %run_scoped3A[%swap3A_1038] {strides = array<i32>} : memref<40960xf32, #tpu.memory_space<vmem>>, vector<16xf32>,
            tpu.vector_store %run_scoped3A[%swap3A_1038], %max3A_1035 {strides = array<i32>} : memref<40960xf32, #tpu.memory_space<vmem>>, vector<16xf32>,
            %max3A_1040 = arith.maximumf %get3A_982, %get3A_1008 : vector<16xf32>
            %add3A_1041 = arith.constant 80 : i32
            %add3A_1042 = arith.addi %mul3A_953, %add3A_1041 : i32
            %swap3A_1043 = arith.index_cast %add3A_1042 : i32 to index
            %swap3A_1044 = tpu.vector_load %run_scoped3A[%swap3A_1043] {strides = array<i32>} : memref<40960xf32, #tpu.memory_space<vmem>>, vector<16xf32>,
            tpu.vector_store %run_scoped3A[%swap3A_1043], %max3A_1040 {strides = array<i32>} : memref<40960xf32, #tpu.memory_space<vmem>>, vector<16xf32>,
            %max3A_1045 = arith.maximumf %get3A_986, %get3A_1011 : vector<16xf32>
            %add3A_1046 = arith.constant 96 : i32
            %add3A_1047 = arith.addi %mul3A_953, %add3A_1046 : i32
            %swap3A_1048 = arith.index_cast %add3A_1047 : i32 to index
            %swap3A_1049 = tpu.vector_load %run_scoped3A[%swap3A_1048] {strides = array<i32>} : memref<40960xf32, #tpu.memory_space<vmem>>, vector<16xf32>,
            tpu.vector_store %run_scoped3A[%swap3A_1048], %max3A_1045 {strides = array<i32>} : memref<40960xf32, #tpu.memory_space<vmem>>, vector<16xf32>,
            %max3A_1050 = arith.maximumf %get3A_990, %get3A_1014 : vector<16xf32>
            %add3A_1051 = arith.constant 112 : i32
            %add3A_1052 = arith.addi %mul3A_953, %add3A_1051 : i32
            %swap3A_1053 = arith.index_cast %add3A_1052 : i32 to index
            %swap3A_1054 = tpu.vector_load %run_scoped3A[%swap3A_1053] {strides = array<i32>} : memref<40960xf32, #tpu.memory_space<vmem>>, vector<16xf32>,
            tpu.vector_store %run_scoped3A[%swap3A_1053], %max3A_1050 {strides = array<i32>} : memref<40960xf32, #tpu.memory_space<vmem>>, vector<16xf32>,
            %slice3A_1055 = vector.extract_strided_slice %get3A_217 {offsets = [8], sizes = [1], strides = [1]} : vector<16xi32> to vector<1xi32>
            %squeeze3A_1056 = vector.extract %slice3A_1055[0] : i32 from vector<1xi32>
            %mul3A_1057 = arith.constant 128 : i32
            %mul3A_1058 = arith.muli %squeeze3A_1056, %mul3A_1057 : i32
            %mul3A_1059 = arith.constant 16 : i32
            %mul3A_1060 = arith.muli %scan3A_211, %mul3A_1059 : i32
            %add3A_1061 = arith.addi %mul3A_184, %mul3A_1060 : i32
            %add3A_1062 = arith.constant 8 : i32
            %add3A_1063 = arith.addi %add3A_1061, %add3A_1062 : i32
            %add3A_1064 = arith.constant 0 : i32
            %add3A_1065 = arith.addi %mul3A_1058, %add3A_1064 : i32
            %get3A_1066 = arith.index_cast %add3A_1065 : i32 to index
            %get3A_1067 = tpu.vector_load %run_scoped3A[%get3A_1066] {strides = array<i32>} : memref<40960xf32, #tpu.memory_space<vmem>>, vector<16xf32>,
            %add3A_1068 = arith.constant 16 : i32
            %add3A_1069 = arith.addi %mul3A_1058, %add3A_1068 : i32
            %get3A_1070 = arith.index_cast %add3A_1069 : i32 to index
            %get3A_1071 = tpu.vector_load %run_scoped3A[%get3A_1070] {strides = array<i32>} : memref<40960xf32, #tpu.memory_space<vmem>>, vector<16xf32>,
            %add3A_1072 = arith.constant 32 : i32
            %add3A_1073 = arith.addi %mul3A_1058, %add3A_1072 : i32
            %get3A_1074 = arith.index_cast %add3A_1073 : i32 to index
            %get3A_1075 = tpu.vector_load %run_scoped3A[%get3A_1074] {strides = array<i32>} : memref<40960xf32, #tpu.memory_space<vmem>>, vector<16xf32>,
            %add3A_1076 = arith.constant 48 : i32
            %add3A_1077 = arith.addi %mul3A_1058, %add3A_1076 : i32
            %get3A_1078 = arith.index_cast %add3A_1077 : i32 to index
            %get3A_1079 = tpu.vector_load %run_scoped3A[%get3A_1078] {strides = array<i32>} : memref<40960xf32, #tpu.memory_space<vmem>>, vector<16xf32>,
            %add3A_1080 = arith.constant 64 : i32
            %add3A_1081 = arith.addi %mul3A_1058, %add3A_1080 : i32
            %get3A_1082 = arith.index_cast %add3A_1081 : i32 to index
            %get3A_1083 = tpu.vector_load %run_scoped3A[%get3A_1082] {strides = array<i32>} : memref<40960xf32, #tpu.memory_space<vmem>>, vector<16xf32>,
            %add3A_1084 = arith.constant 80 : i32
            %add3A_1085 = arith.addi %mul3A_1058, %add3A_1084 : i32
            %get3A_1086 = arith.index_cast %add3A_1085 : i32 to index
            %get3A_1087 = tpu.vector_load %run_scoped3A[%get3A_1086] {strides = array<i32>} : memref<40960xf32, #tpu.memory_space<vmem>>, vector<16xf32>,
            %add3A_1088 = arith.constant 96 : i32
            %add3A_1089 = arith.addi %mul3A_1058, %add3A_1088 : i32
            %get3A_1090 = arith.index_cast %add3A_1089 : i32 to index
            %get3A_1091 = tpu.vector_load %run_scoped3A[%get3A_1090] {strides = array<i32>} : memref<40960xf32, #tpu.memory_space<vmem>>, vector<16xf32>,
            %add3A_1092 = arith.constant 112 : i32
            %add3A_1093 = arith.addi %mul3A_1058, %add3A_1092 : i32
            %get3A_1094 = arith.index_cast %add3A_1093 : i32 to index
            %get3A_1095 = tpu.vector_load %run_scoped3A[%get3A_1094] {strides = array<i32>} : memref<40960xf32, #tpu.memory_space<vmem>>, vector<16xf32>,
            %get3A_1096 = arith.index_cast %add3A_1063 : i32 to index
            %get3A_1097 = arith.constant 0 : index
            %get3A_1098 = tpu.vector_load %arg8[%get3A_1096, %get3A_1097] {strides = array<i32>} : memref<256x128xf32, #tpu.memory_space<vmem>>, vector<16xf32>,
            %get3A_1099 = arith.index_cast %add3A_1063 : i32 to index
            %get3A_1100 = arith.constant 16 : index
            %get3A_1101 = tpu.vector_load %arg8[%get3A_1099, %get3A_1100] {strides = array<i32>} : memref<256x128xf32, #tpu.memory_space<vmem>>, vector<16xf32>,
            %get3A_1102 = arith.index_cast %add3A_1063 : i32 to index
            %get3A_1103 = arith.constant 32 : index
            %get3A_1104 = tpu.vector_load %arg8[%get3A_1102, %get3A_1103] {strides = array<i32>} : memref<256x128xf32, #tpu.memory_space<vmem>>, vector<16xf32>,
            %get3A_1105 = arith.index_cast %add3A_1063 : i32 to index
            %get3A_1106 = arith.constant 48 : index
            %get3A_1107 = tpu.vector_load %arg8[%get3A_1105, %get3A_1106] {strides = array<i32>} : memref<256x128xf32, #tpu.memory_space<vmem>>, vector<16xf32>,
            %get3A_1108 = arith.index_cast %add3A_1063 : i32 to index
            %get3A_1109 = arith.constant 64 : index
            %get3A_1110 = tpu.vector_load %arg8[%get3A_1108, %get3A_1109] {strides = array<i32>} : memref<256x128xf32, #tpu.memory_space<vmem>>, vector<16xf32>,
            %get3A_1111 = arith.index_cast %add3A_1063 : i32 to index
            %get3A_1112 = arith.constant 80 : index
            %get3A_1113 = tpu.vector_load %arg8[%get3A_1111, %get3A_1112] {strides = array<i32>} : memref<256x128xf32, #tpu.memory_space<vmem>>, vector<16xf32>,
            %get3A_1114 = arith.index_cast %add3A_1063 : i32 to index
            %get3A_1115 = arith.constant 96 : index
            %get3A_1116 = tpu.vector_load %arg8[%get3A_1114, %get3A_1115] {strides = array<i32>} : memref<256x128xf32, #tpu.memory_space<vmem>>, vector<16xf32>,
            %get3A_1117 = arith.index_cast %add3A_1063 : i32 to index
            %get3A_1118 = arith.constant 112 : index
            %get3A_1119 = tpu.vector_load %arg8[%get3A_1117, %get3A_1118] {strides = array<i32>} : memref<256x128xf32, #tpu.memory_space<vmem>>, vector<16xf32>,
            %max3A_1120 = arith.maximumf %get3A_1067, %get3A_1098 : vector<16xf32>
            %add3A_1121 = arith.constant 0 : i32
            %add3A_1122 = arith.addi %mul3A_1058, %add3A_1121 : i32
            %swap3A_1123 = arith.index_cast %add3A_1122 : i32 to index
            %swap3A_1124 = tpu.vector_load %run_scoped3A[%swap3A_1123] {strides = array<i32>} : memref<40960xf32, #tpu.memory_space<vmem>>, vector<16xf32>,
            tpu.vector_store %run_scoped3A[%swap3A_1123], %max3A_1120 {strides = array<i32>} : memref<40960xf32, #tpu.memory_space<vmem>>, vector<16xf32>,
            %max3A_1125 = arith.maximumf %get3A_1071, %get3A_1101 : vector<16xf32>
            %add3A_1126 = arith.constant 16 : i32
            %add3A_1127 = arith.addi %mul3A_1058, %add3A_1126 : i32
            %swap3A_1128 = arith.index_cast %add3A_1127 : i32 to index
            %swap3A_1129 = tpu.vector_load %run_scoped3A[%swap3A_1128] {strides = array<i32>} : memref<40960xf32, #tpu.memory_space<vmem>>, vector<16xf32>,
            tpu.vector_store %run_scoped3A[%swap3A_1128], %max3A_1125 {strides = array<i32>} : memref<40960xf32, #tpu.memory_space<vmem>>, vector<16xf32>,
            %max3A_1130 = arith.maximumf %get3A_1075, %get3A_1104 : vector<16xf32>
            %add3A_1131 = arith.constant 32 : i32
            %add3A_1132 = arith.addi %mul3A_1058, %add3A_1131 : i32
            %swap3A_1133 = arith.index_cast %add3A_1132 : i32 to index
            %swap3A_1134 = tpu.vector_load %run_scoped3A[%swap3A_1133] {strides = array<i32>} : memref<40960xf32, #tpu.memory_space<vmem>>, vector<16xf32>,
            tpu.vector_store %run_scoped3A[%swap3A_1133], %max3A_1130 {strides = array<i32>} : memref<40960xf32, #tpu.memory_space<vmem>>, vector<16xf32>,
            %max3A_1135 = arith.maximumf %get3A_1079, %get3A_1107 : vector<16xf32>
            %add3A_1136 = arith.constant 48 : i32
            %add3A_1137 = arith.addi %mul3A_1058, %add3A_1136 : i32
            %swap3A_1138 = arith.index_cast %add3A_1137 : i32 to index
            %swap3A_1139 = tpu.vector_load %run_scoped3A[%swap3A_1138] {strides = array<i32>} : memref<40960xf32, #tpu.memory_space<vmem>>, vector<16xf32>,
            tpu.vector_store %run_scoped3A[%swap3A_1138], %max3A_1135 {strides = array<i32>} : memref<40960xf32, #tpu.memory_space<vmem>>, vector<16xf32>,
            %max3A_1140 = arith.maximumf %get3A_1083, %get3A_1110 : vector<16xf32>
            %add3A_1141 = arith.constant 64 : i32
            %add3A_1142 = arith.addi %mul3A_1058, %add3A_1141 : i32
            %swap3A_1143 = arith.index_cast %add3A_1142 : i32 to index
            %swap3A_1144 = tpu.vector_load %run_scoped3A[%swap3A_1143] {strides = array<i32>} : memref<40960xf32, #tpu.memory_space<vmem>>, vector<16xf32>,
            tpu.vector_store %run_scoped3A[%swap3A_1143], %max3A_1140 {strides = array<i32>} : memref<40960xf32, #tpu.memory_space<vmem>>, vector<16xf32>,
            %max3A_1145 = arith.maximumf %get3A_1087, %get3A_1113 : vector<16xf32>
            %add3A_1146 = arith.constant 80 : i32
            %add3A_1147 = arith.addi %mul3A_1058, %add3A_1146 : i32
            %swap3A_1148 = arith.index_cast %add3A_1147 : i32 to index
            %swap3A_1149 = tpu.vector_load %run_scoped3A[%swap3A_1148] {strides = array<i32>} : memref<40960xf32, #tpu.memory_space<vmem>>, vector<16xf32>,
            tpu.vector_store %run_scoped3A[%swap3A_1148], %max3A_1145 {strides = array<i32>} : memref<40960xf32, #tpu.memory_space<vmem>>, vector<16xf32>,
            %max3A_1150 = arith.maximumf %get3A_1091, %get3A_1116 : vector<16xf32>
            %add3A_1151 = arith.constant 96 : i32
            %add3A_1152 = arith.addi %mul3A_1058, %add3A_1151 : i32
            %swap3A_1153 = arith.index_cast %add3A_1152 : i32 to index
            %swap3A_1154 = tpu.vector_load %run_scoped3A[%swap3A_1153] {strides = array<i32>} : memref<40960xf32, #tpu.memory_space<vmem>>, vector<16xf32>,
            tpu.vector_store %run_scoped3A[%swap3A_1153], %max3A_1150 {strides = array<i32>} : memref<40960xf32, #tpu.memory_space<vmem>>, vector<16xf32>,
            %max3A_1155 = arith.maximumf %get3A_1095, %get3A_1119 : vector<16xf32>
            %add3A_1156 = arith.constant 112 : i32
            %add3A_1157 = arith.addi %mul3A_1058, %add3A_1156 : i32
            %swap3A_1158 = arith.index_cast %add3A_1157 : i32 to index
            %swap3A_1159 = tpu.vector_load %run_scoped3A[%swap3A_1158] {strides = array<i32>} : memref<40960xf32, #tpu.memory_space<vmem>>, vector<16xf32>,
            tpu.vector_store %run_scoped3A[%swap3A_1158], %max3A_1155 {strides = array<i32>} : memref<40960xf32, #tpu.memory_space<vmem>>, vector<16xf32>,
            %slice3A_1160 = vector.extract_strided_slice %get3A_217 {offsets = [9], sizes = [1], strides = [1]} : vector<16xi32> to vector<1xi32>
            %squeeze3A_1161 = vector.extract %slice3A_1160[0] : i32 from vector<1xi32>
            %mul3A_1162 = arith.constant 128 : i32
            %mul3A_1163 = arith.muli %squeeze3A_1161, %mul3A_1162 : i32
            %mul3A_1164 = arith.constant 16 : i32
            %mul3A_1165 = arith.muli %scan3A_211, %mul3A_1164 : i32
            %add3A_1166 = arith.addi %mul3A_184, %mul3A_1165 : i32
            %add3A_1167 = arith.constant 9 : i32
            %add3A_1168 = arith.addi %add3A_1166, %add3A_1167 : i32
            %add3A_1169 = arith.constant 0 : i32
            %add3A_1170 = arith.addi %mul3A_1163, %add3A_1169 : i32
            %get3A_1171 = arith.index_cast %add3A_1170 : i32 to index
            %get3A_1172 = tpu.vector_load %run_scoped3A[%get3A_1171] {strides = array<i32>} : memref<40960xf32, #tpu.memory_space<vmem>>, vector<16xf32>,
            %add3A_1173 = arith.constant 16 : i32
            %add3A_1174 = arith.addi %mul3A_1163, %add3A_1173 : i32
            %get3A_1175 = arith.index_cast %add3A_1174 : i32 to index
            %get3A_1176 = tpu.vector_load %run_scoped3A[%get3A_1175] {strides = array<i32>} : memref<40960xf32, #tpu.memory_space<vmem>>, vector<16xf32>,
            %add3A_1177 = arith.constant 32 : i32
            %add3A_1178 = arith.addi %mul3A_1163, %add3A_1177 : i32
            %get3A_1179 = arith.index_cast %add3A_1178 : i32 to index
            %get3A_1180 = tpu.vector_load %run_scoped3A[%get3A_1179] {strides = array<i32>} : memref<40960xf32, #tpu.memory_space<vmem>>, vector<16xf32>,
            %add3A_1181 = arith.constant 48 : i32
            %add3A_1182 = arith.addi %mul3A_1163, %add3A_1181 : i32
            %get3A_1183 = arith.index_cast %add3A_1182 : i32 to index
            %get3A_1184 = tpu.vector_load %run_scoped3A[%get3A_1183] {strides = array<i32>} : memref<40960xf32, #tpu.memory_space<vmem>>, vector<16xf32>,
            %add3A_1185 = arith.constant 64 : i32
            %add3A_1186 = arith.addi %mul3A_1163, %add3A_1185 : i32
            %get3A_1187 = arith.index_cast %add3A_1186 : i32 to index
            %get3A_1188 = tpu.vector_load %run_scoped3A[%get3A_1187] {strides = array<i32>} : memref<40960xf32, #tpu.memory_space<vmem>>, vector<16xf32>,
            %add3A_1189 = arith.constant 80 : i32
            %add3A_1190 = arith.addi %mul3A_1163, %add3A_1189 : i32
            %get3A_1191 = arith.index_cast %add3A_1190 : i32 to index
            %get3A_1192 = tpu.vector_load %run_scoped3A[%get3A_1191] {strides = array<i32>} : memref<40960xf32, #tpu.memory_space<vmem>>, vector<16xf32>,
            %add3A_1193 = arith.constant 96 : i32
            %add3A_1194 = arith.addi %mul3A_1163, %add3A_1193 : i32
            %get3A_1195 = arith.index_cast %add3A_1194 : i32 to index
            %get3A_1196 = tpu.vector_load %run_scoped3A[%get3A_1195] {strides = array<i32>} : memref<40960xf32, #tpu.memory_space<vmem>>, vector<16xf32>,
            %add3A_1197 = arith.constant 112 : i32
            %add3A_1198 = arith.addi %mul3A_1163, %add3A_1197 : i32
            %get3A_1199 = arith.index_cast %add3A_1198 : i32 to index
            %get3A_1200 = tpu.vector_load %run_scoped3A[%get3A_1199] {strides = array<i32>} : memref<40960xf32, #tpu.memory_space<vmem>>, vector<16xf32>,
            %get3A_1201 = arith.index_cast %add3A_1168 : i32 to index
            %get3A_1202 = arith.constant 0 : index
            %get3A_1203 = tpu.vector_load %arg8[%get3A_1201, %get3A_1202] {strides = array<i32>} : memref<256x128xf32, #tpu.memory_space<vmem>>, vector<16xf32>,
            %get3A_1204 = arith.index_cast %add3A_1168 : i32 to index
            %get3A_1205 = arith.constant 16 : index
            %get3A_1206 = tpu.vector_load %arg8[%get3A_1204, %get3A_1205] {strides = array<i32>} : memref<256x128xf32, #tpu.memory_space<vmem>>, vector<16xf32>,
            %get3A_1207 = arith.index_cast %add3A_1168 : i32 to index
            %get3A_1208 = arith.constant 32 : index
            %get3A_1209 = tpu.vector_load %arg8[%get3A_1207, %get3A_1208] {strides = array<i32>} : memref<256x128xf32, #tpu.memory_space<vmem>>, vector<16xf32>,
            %get3A_1210 = arith.index_cast %add3A_1168 : i32 to index
            %get3A_1211 = arith.constant 48 : index
            %get3A_1212 = tpu.vector_load %arg8[%get3A_1210, %get3A_1211] {strides = array<i32>} : memref<256x128xf32, #tpu.memory_space<vmem>>, vector<16xf32>,
            %get3A_1213 = arith.index_cast %add3A_1168 : i32 to index
            %get3A_1214 = arith.constant 64 : index
            %get3A_1215 = tpu.vector_load %arg8[%get3A_1213, %get3A_1214] {strides = array<i32>} : memref<256x128xf32, #tpu.memory_space<vmem>>, vector<16xf32>,
            %get3A_1216 = arith.index_cast %add3A_1168 : i32 to index
            %get3A_1217 = arith.constant 80 : index
            %get3A_1218 = tpu.vector_load %arg8[%get3A_1216, %get3A_1217] {strides = array<i32>} : memref<256x128xf32, #tpu.memory_space<vmem>>, vector<16xf32>,
            %get3A_1219 = arith.index_cast %add3A_1168 : i32 to index
            %get3A_1220 = arith.constant 96 : index
            %get3A_1221 = tpu.vector_load %arg8[%get3A_1219, %get3A_1220] {strides = array<i32>} : memref<256x128xf32, #tpu.memory_space<vmem>>, vector<16xf32>,
            %get3A_1222 = arith.index_cast %add3A_1168 : i32 to index
            %get3A_1223 = arith.constant 112 : index
            %get3A_1224 = tpu.vector_load %arg8[%get3A_1222, %get3A_1223] {strides = array<i32>} : memref<256x128xf32, #tpu.memory_space<vmem>>, vector<16xf32>,
            %max3A_1225 = arith.maximumf %get3A_1172, %get3A_1203 : vector<16xf32>
            %add3A_1226 = arith.constant 0 : i32
            %add3A_1227 = arith.addi %mul3A_1163, %add3A_1226 : i32
            %swap3A_1228 = arith.index_cast %add3A_1227 : i32 to index
            %swap3A_1229 = tpu.vector_load %run_scoped3A[%swap3A_1228] {strides = array<i32>} : memref<40960xf32, #tpu.memory_space<vmem>>, vector<16xf32>,
            tpu.vector_store %run_scoped3A[%swap3A_1228], %max3A_1225 {strides = array<i32>} : memref<40960xf32, #tpu.memory_space<vmem>>, vector<16xf32>,
            %max3A_1230 = arith.maximumf %get3A_1176, %get3A_1206 : vector<16xf32>
            %add3A_1231 = arith.constant 16 : i32
            %add3A_1232 = arith.addi %mul3A_1163, %add3A_1231 : i32
            %swap3A_1233 = arith.index_cast %add3A_1232 : i32 to index
            %swap3A_1234 = tpu.vector_load %run_scoped3A[%swap3A_1233] {strides = array<i32>} : memref<40960xf32, #tpu.memory_space<vmem>>, vector<16xf32>,
            tpu.vector_store %run_scoped3A[%swap3A_1233], %max3A_1230 {strides = array<i32>} : memref<40960xf32, #tpu.memory_space<vmem>>, vector<16xf32>,
            %max3A_1235 = arith.maximumf %get3A_1180, %get3A_1209 : vector<16xf32>
            %add3A_1236 = arith.constant 32 : i32
            %add3A_1237 = arith.addi %mul3A_1163, %add3A_1236 : i32
            %swap3A_1238 = arith.index_cast %add3A_1237 : i32 to index
            %swap3A_1239 = tpu.vector_load %run_scoped3A[%swap3A_1238] {strides = array<i32>} : memref<40960xf32, #tpu.memory_space<vmem>>, vector<16xf32>,
            tpu.vector_store %run_scoped3A[%swap3A_1238], %max3A_1235 {strides = array<i32>} : memref<40960xf32, #tpu.memory_space<vmem>>, vector<16xf32>,
            %max3A_1240 = arith.maximumf %get3A_1184, %get3A_1212 : vector<16xf32>
            %add3A_1241 = arith.constant 48 : i32
            %add3A_1242 = arith.addi %mul3A_1163, %add3A_1241 : i32
            %swap3A_1243 = arith.index_cast %add3A_1242 : i32 to index
            %swap3A_1244 = tpu.vector_load %run_scoped3A[%swap3A_1243] {strides = array<i32>} : memref<40960xf32, #tpu.memory_space<vmem>>, vector<16xf32>,
            tpu.vector_store %run_scoped3A[%swap3A_1243], %max3A_1240 {strides = array<i32>} : memref<40960xf32, #tpu.memory_space<vmem>>, vector<16xf32>,
            %max3A_1245 = arith.maximumf %get3A_1188, %get3A_1215 : vector<16xf32>
            %add3A_1246 = arith.constant 64 : i32
            %add3A_1247 = arith.addi %mul3A_1163, %add3A_1246 : i32
            %swap3A_1248 = arith.index_cast %add3A_1247 : i32 to index
            %swap3A_1249 = tpu.vector_load %run_scoped3A[%swap3A_1248] {strides = array<i32>} : memref<40960xf32, #tpu.memory_space<vmem>>, vector<16xf32>,
            tpu.vector_store %run_scoped3A[%swap3A_1248], %max3A_1245 {strides = array<i32>} : memref<40960xf32, #tpu.memory_space<vmem>>, vector<16xf32>,
            %max3A_1250 = arith.maximumf %get3A_1192, %get3A_1218 : vector<16xf32>
            %add3A_1251 = arith.constant 80 : i32
            %add3A_1252 = arith.addi %mul3A_1163, %add3A_1251 : i32
            %swap3A_1253 = arith.index_cast %add3A_1252 : i32 to index
            %swap3A_1254 = tpu.vector_load %run_scoped3A[%swap3A_1253] {strides = array<i32>} : memref<40960xf32, #tpu.memory_space<vmem>>, vector<16xf32>,
            tpu.vector_store %run_scoped3A[%swap3A_1253], %max3A_1250 {strides = array<i32>} : memref<40960xf32, #tpu.memory_space<vmem>>, vector<16xf32>,
            %max3A_1255 = arith.maximumf %get3A_1196, %get3A_1221 : vector<16xf32>
            %add3A_1256 = arith.constant 96 : i32
            %add3A_1257 = arith.addi %mul3A_1163, %add3A_1256 : i32
            %swap3A_1258 = arith.index_cast %add3A_1257 : i32 to index
            %swap3A_1259 = tpu.vector_load %run_scoped3A[%swap3A_1258] {strides = array<i32>} : memref<40960xf32, #tpu.memory_space<vmem>>, vector<16xf32>,
            tpu.vector_store %run_scoped3A[%swap3A_1258], %max3A_1255 {strides = array<i32>} : memref<40960xf32, #tpu.memory_space<vmem>>, vector<16xf32>,
            %max3A_1260 = arith.maximumf %get3A_1200, %get3A_1224 : vector<16xf32>
            %add3A_1261 = arith.constant 112 : i32
            %add3A_1262 = arith.addi %mul3A_1163, %add3A_1261 : i32
            %swap3A_1263 = arith.index_cast %add3A_1262 : i32 to index
            %swap3A_1264 = tpu.vector_load %run_scoped3A[%swap3A_1263] {strides = array<i32>} : memref<40960xf32, #tpu.memory_space<vmem>>, vector<16xf32>,
            tpu.vector_store %run_scoped3A[%swap3A_1263], %max3A_1260 {strides = array<i32>} : memref<40960xf32, #tpu.memory_space<vmem>>, vector<16xf32>,
            %slice3A_1265 = vector.extract_strided_slice %get3A_217 {offsets = [10], sizes = [1], strides = [1]} : vector<16xi32> to vector<1xi32>
            %squeeze3A_1266 = vector.extract %slice3A_1265[0] : i32 from vector<1xi32>
            %mul3A_1267 = arith.constant 128 : i32
            %mul3A_1268 = arith.muli %squeeze3A_1266, %mul3A_1267 : i32
            %mul3A_1269 = arith.constant 16 : i32
            %mul3A_1270 = arith.muli %scan3A_211, %mul3A_1269 : i32
            %add3A_1271 = arith.addi %mul3A_184, %mul3A_1270 : i32
            %add3A_1272 = arith.constant 10 : i32
            %add3A_1273 = arith.addi %add3A_1271, %add3A_1272 : i32
            %add3A_1274 = arith.constant 0 : i32
            %add3A_1275 = arith.addi %mul3A_1268, %add3A_1274 : i32
            %get3A_1276 = arith.index_cast %add3A_1275 : i32 to index
            %get3A_1277 = tpu.vector_load %run_scoped3A[%get3A_1276] {strides = array<i32>} : memref<40960xf32, #tpu.memory_space<vmem>>, vector<16xf32>,
            %add3A_1278 = arith.constant 16 : i32
            %add3A_1279 = arith.addi %mul3A_1268, %add3A_1278 : i32
            %get3A_1280 = arith.index_cast %add3A_1279 : i32 to index
            %get3A_1281 = tpu.vector_load %run_scoped3A[%get3A_1280] {strides = array<i32>} : memref<40960xf32, #tpu.memory_space<vmem>>, vector<16xf32>,
            %add3A_1282 = arith.constant 32 : i32
            %add3A_1283 = arith.addi %mul3A_1268, %add3A_1282 : i32
            %get3A_1284 = arith.index_cast %add3A_1283 : i32 to index
            %get3A_1285 = tpu.vector_load %run_scoped3A[%get3A_1284] {strides = array<i32>} : memref<40960xf32, #tpu.memory_space<vmem>>, vector<16xf32>,
            %add3A_1286 = arith.constant 48 : i32
            %add3A_1287 = arith.addi %mul3A_1268, %add3A_1286 : i32
            %get3A_1288 = arith.index_cast %add3A_1287 : i32 to index
            %get3A_1289 = tpu.vector_load %run_scoped3A[%get3A_1288] {strides = array<i32>} : memref<40960xf32, #tpu.memory_space<vmem>>, vector<16xf32>,
            %add3A_1290 = arith.constant 64 : i32
            %add3A_1291 = arith.addi %mul3A_1268, %add3A_1290 : i32
            %get3A_1292 = arith.index_cast %add3A_1291 : i32 to index
            %get3A_1293 = tpu.vector_load %run_scoped3A[%get3A_1292] {strides = array<i32>} : memref<40960xf32, #tpu.memory_space<vmem>>, vector<16xf32>,
            %add3A_1294 = arith.constant 80 : i32
            %add3A_1295 = arith.addi %mul3A_1268, %add3A_1294 : i32
            %get3A_1296 = arith.index_cast %add3A_1295 : i32 to index
            %get3A_1297 = tpu.vector_load %run_scoped3A[%get3A_1296] {strides = array<i32>} : memref<40960xf32, #tpu.memory_space<vmem>>, vector<16xf32>,
            %add3A_1298 = arith.constant 96 : i32
            %add3A_1299 = arith.addi %mul3A_1268, %add3A_1298 : i32
            %get3A_1300 = arith.index_cast %add3A_1299 : i32 to index
            %get3A_1301 = tpu.vector_load %run_scoped3A[%get3A_1300] {strides = array<i32>} : memref<40960xf32, #tpu.memory_space<vmem>>, vector<16xf32>,
            %add3A_1302 = arith.constant 112 : i32
            %add3A_1303 = arith.addi %mul3A_1268, %add3A_1302 : i32
            %get3A_1304 = arith.index_cast %add3A_1303 : i32 to index
            %get3A_1305 = tpu.vector_load %run_scoped3A[%get3A_1304] {strides = array<i32>} : memref<40960xf32, #tpu.memory_space<vmem>>, vector<16xf32>,
            %get3A_1306 = arith.index_cast %add3A_1273 : i32 to index
            %get3A_1307 = arith.constant 0 : index
            %get3A_1308 = tpu.vector_load %arg8[%get3A_1306, %get3A_1307] {strides = array<i32>} : memref<256x128xf32, #tpu.memory_space<vmem>>, vector<16xf32>,
            %get3A_1309 = arith.index_cast %add3A_1273 : i32 to index
            %get3A_1310 = arith.constant 16 : index
            %get3A_1311 = tpu.vector_load %arg8[%get3A_1309, %get3A_1310] {strides = array<i32>} : memref<256x128xf32, #tpu.memory_space<vmem>>, vector<16xf32>,
            %get3A_1312 = arith.index_cast %add3A_1273 : i32 to index
            %get3A_1313 = arith.constant 32 : index
            %get3A_1314 = tpu.vector_load %arg8[%get3A_1312, %get3A_1313] {strides = array<i32>} : memref<256x128xf32, #tpu.memory_space<vmem>>, vector<16xf32>,
            %get3A_1315 = arith.index_cast %add3A_1273 : i32 to index
            %get3A_1316 = arith.constant 48 : index
            %get3A_1317 = tpu.vector_load %arg8[%get3A_1315, %get3A_1316] {strides = array<i32>} : memref<256x128xf32, #tpu.memory_space<vmem>>, vector<16xf32>,
            %get3A_1318 = arith.index_cast %add3A_1273 : i32 to index
            %get3A_1319 = arith.constant 64 : index
            %get3A_1320 = tpu.vector_load %arg8[%get3A_1318, %get3A_1319] {strides = array<i32>} : memref<256x128xf32, #tpu.memory_space<vmem>>, vector<16xf32>,
            %get3A_1321 = arith.index_cast %add3A_1273 : i32 to index
            %get3A_1322 = arith.constant 80 : index
            %get3A_1323 = tpu.vector_load %arg8[%get3A_1321, %get3A_1322] {strides = array<i32>} : memref<256x128xf32, #tpu.memory_space<vmem>>, vector<16xf32>,
            %get3A_1324 = arith.index_cast %add3A_1273 : i32 to index
            %get3A_1325 = arith.constant 96 : index
            %get3A_1326 = tpu.vector_load %arg8[%get3A_1324, %get3A_1325] {strides = array<i32>} : memref<256x128xf32, #tpu.memory_space<vmem>>, vector<16xf32>,
            %get3A_1327 = arith.index_cast %add3A_1273 : i32 to index
            %get3A_1328 = arith.constant 112 : index
            %get3A_1329 = tpu.vector_load %arg8[%get3A_1327, %get3A_1328] {strides = array<i32>} : memref<256x128xf32, #tpu.memory_space<vmem>>, vector<16xf32>,
            %max3A_1330 = arith.maximumf %get3A_1277, %get3A_1308 : vector<16xf32>
            %add3A_1331 = arith.constant 0 : i32
            %add3A_1332 = arith.addi %mul3A_1268, %add3A_1331 : i32
            %swap3A_1333 = arith.index_cast %add3A_1332 : i32 to index
            %swap3A_1334 = tpu.vector_load %run_scoped3A[%swap3A_1333] {strides = array<i32>} : memref<40960xf32, #tpu.memory_space<vmem>>, vector<16xf32>,
            tpu.vector_store %run_scoped3A[%swap3A_1333], %max3A_1330 {strides = array<i32>} : memref<40960xf32, #tpu.memory_space<vmem>>, vector<16xf32>,
            %max3A_1335 = arith.maximumf %get3A_1281, %get3A_1311 : vector<16xf32>
            %add3A_1336 = arith.constant 16 : i32
            %add3A_1337 = arith.addi %mul3A_1268, %add3A_1336 : i32
            %swap3A_1338 = arith.index_cast %add3A_1337 : i32 to index
            %swap3A_1339 = tpu.vector_load %run_scoped3A[%swap3A_1338] {strides = array<i32>} : memref<40960xf32, #tpu.memory_space<vmem>>, vector<16xf32>,
            tpu.vector_store %run_scoped3A[%swap3A_1338], %max3A_1335 {strides = array<i32>} : memref<40960xf32, #tpu.memory_space<vmem>>, vector<16xf32>,
            %max3A_1340 = arith.maximumf %get3A_1285, %get3A_1314 : vector<16xf32>
            %add3A_1341 = arith.constant 32 : i32
            %add3A_1342 = arith.addi %mul3A_1268, %add3A_1341 : i32
            %swap3A_1343 = arith.index_cast %add3A_1342 : i32 to index
            %swap3A_1344 = tpu.vector_load %run_scoped3A[%swap3A_1343] {strides = array<i32>} : memref<40960xf32, #tpu.memory_space<vmem>>, vector<16xf32>,
            tpu.vector_store %run_scoped3A[%swap3A_1343], %max3A_1340 {strides = array<i32>} : memref<40960xf32, #tpu.memory_space<vmem>>, vector<16xf32>,
            %max3A_1345 = arith.maximumf %get3A_1289, %get3A_1317 : vector<16xf32>
            %add3A_1346 = arith.constant 48 : i32
            %add3A_1347 = arith.addi %mul3A_1268, %add3A_1346 : i32
            %swap3A_1348 = arith.index_cast %add3A_1347 : i32 to index
            %swap3A_1349 = tpu.vector_load %run_scoped3A[%swap3A_1348] {strides = array<i32>} : memref<40960xf32, #tpu.memory_space<vmem>>, vector<16xf32>,
            tpu.vector_store %run_scoped3A[%swap3A_1348], %max3A_1345 {strides = array<i32>} : memref<40960xf32, #tpu.memory_space<vmem>>, vector<16xf32>,
            %max3A_1350 = arith.maximumf %get3A_1293, %get3A_1320 : vector<16xf32>
            %add3A_1351 = arith.constant 64 : i32
            %add3A_1352 = arith.addi %mul3A_1268, %add3A_1351 : i32
            %swap3A_1353 = arith.index_cast %add3A_1352 : i32 to index
            %swap3A_1354 = tpu.vector_load %run_scoped3A[%swap3A_1353] {strides = array<i32>} : memref<40960xf32, #tpu.memory_space<vmem>>, vector<16xf32>,
            tpu.vector_store %run_scoped3A[%swap3A_1353], %max3A_1350 {strides = array<i32>} : memref<40960xf32, #tpu.memory_space<vmem>>, vector<16xf32>,
            %max3A_1355 = arith.maximumf %get3A_1297, %get3A_1323 : vector<16xf32>
            %add3A_1356 = arith.constant 80 : i32
            %add3A_1357 = arith.addi %mul3A_1268, %add3A_1356 : i32
            %swap3A_1358 = arith.index_cast %add3A_1357 : i32 to index
            %swap3A_1359 = tpu.vector_load %run_scoped3A[%swap3A_1358] {strides = array<i32>} : memref<40960xf32, #tpu.memory_space<vmem>>, vector<16xf32>,
            tpu.vector_store %run_scoped3A[%swap3A_1358], %max3A_1355 {strides = array<i32>} : memref<40960xf32, #tpu.memory_space<vmem>>, vector<16xf32>,
            %max3A_1360 = arith.maximumf %get3A_1301, %get3A_1326 : vector<16xf32>
            %add3A_1361 = arith.constant 96 : i32
            %add3A_1362 = arith.addi %mul3A_1268, %add3A_1361 : i32
            %swap3A_1363 = arith.index_cast %add3A_1362 : i32 to index
            %swap3A_1364 = tpu.vector_load %run_scoped3A[%swap3A_1363] {strides = array<i32>} : memref<40960xf32, #tpu.memory_space<vmem>>, vector<16xf32>,
            tpu.vector_store %run_scoped3A[%swap3A_1363], %max3A_1360 {strides = array<i32>} : memref<40960xf32, #tpu.memory_space<vmem>>, vector<16xf32>,
            %max3A_1365 = arith.maximumf %get3A_1305, %get3A_1329 : vector<16xf32>
            %add3A_1366 = arith.constant 112 : i32
            %add3A_1367 = arith.addi %mul3A_1268, %add3A_1366 : i32
            %swap3A_1368 = arith.index_cast %add3A_1367 : i32 to index
            %swap3A_1369 = tpu.vector_load %run_scoped3A[%swap3A_1368] {strides = array<i32>} : memref<40960xf32, #tpu.memory_space<vmem>>, vector<16xf32>,
            tpu.vector_store %run_scoped3A[%swap3A_1368], %max3A_1365 {strides = array<i32>} : memref<40960xf32, #tpu.memory_space<vmem>>, vector<16xf32>,
            %slice3A_1370 = vector.extract_strided_slice %get3A_217 {offsets = [11], sizes = [1], strides = [1]} : vector<16xi32> to vector<1xi32>
            %squeeze3A_1371 = vector.extract %slice3A_1370[0] : i32 from vector<1xi32>
            %mul3A_1372 = arith.constant 128 : i32
            %mul3A_1373 = arith.muli %squeeze3A_1371, %mul3A_1372 : i32
            %mul3A_1374 = arith.constant 16 : i32
            %mul3A_1375 = arith.muli %scan3A_211, %mul3A_1374 : i32
            %add3A_1376 = arith.addi %mul3A_184, %mul3A_1375 : i32
            %add3A_1377 = arith.constant 11 : i32
            %add3A_1378 = arith.addi %add3A_1376, %add3A_1377 : i32
            %add3A_1379 = arith.constant 0 : i32
            %add3A_1380 = arith.addi %mul3A_1373, %add3A_1379 : i32
            %get3A_1381 = arith.index_cast %add3A_1380 : i32 to index
            %get3A_1382 = tpu.vector_load %run_scoped3A[%get3A_1381] {strides = array<i32>} : memref<40960xf32, #tpu.memory_space<vmem>>, vector<16xf32>,
            %add3A_1383 = arith.constant 16 : i32
            %add3A_1384 = arith.addi %mul3A_1373, %add3A_1383 : i32
            %get3A_1385 = arith.index_cast %add3A_1384 : i32 to index
            %get3A_1386 = tpu.vector_load %run_scoped3A[%get3A_1385] {strides = array<i32>} : memref<40960xf32, #tpu.memory_space<vmem>>, vector<16xf32>,
            %add3A_1387 = arith.constant 32 : i32
            %add3A_1388 = arith.addi %mul3A_1373, %add3A_1387 : i32
            %get3A_1389 = arith.index_cast %add3A_1388 : i32 to index
            %get3A_1390 = tpu.vector_load %run_scoped3A[%get3A_1389] {strides = array<i32>} : memref<40960xf32, #tpu.memory_space<vmem>>, vector<16xf32>,
            %add3A_1391 = arith.constant 48 : i32
            %add3A_1392 = arith.addi %mul3A_1373, %add3A_1391 : i32
            %get3A_1393 = arith.index_cast %add3A_1392 : i32 to index
            %get3A_1394 = tpu.vector_load %run_scoped3A[%get3A_1393] {strides = array<i32>} : memref<40960xf32, #tpu.memory_space<vmem>>, vector<16xf32>,
            %add3A_1395 = arith.constant 64 : i32
            %add3A_1396 = arith.addi %mul3A_1373, %add3A_1395 : i32
            %get3A_1397 = arith.index_cast %add3A_1396 : i32 to index
            %get3A_1398 = tpu.vector_load %run_scoped3A[%get3A_1397] {strides = array<i32>} : memref<40960xf32, #tpu.memory_space<vmem>>, vector<16xf32>,
            %add3A_1399 = arith.constant 80 : i32
            %add3A_1400 = arith.addi %mul3A_1373, %add3A_1399 : i32
            %get3A_1401 = arith.index_cast %add3A_1400 : i32 to index
            %get3A_1402 = tpu.vector_load %run_scoped3A[%get3A_1401] {strides = array<i32>} : memref<40960xf32, #tpu.memory_space<vmem>>, vector<16xf32>,
            %add3A_1403 = arith.constant 96 : i32
            %add3A_1404 = arith.addi %mul3A_1373, %add3A_1403 : i32
            %get3A_1405 = arith.index_cast %add3A_1404 : i32 to index
            %get3A_1406 = tpu.vector_load %run_scoped3A[%get3A_1405] {strides = array<i32>} : memref<40960xf32, #tpu.memory_space<vmem>>, vector<16xf32>,
            %add3A_1407 = arith.constant 112 : i32
            %add3A_1408 = arith.addi %mul3A_1373, %add3A_1407 : i32
            %get3A_1409 = arith.index_cast %add3A_1408 : i32 to index
            %get3A_1410 = tpu.vector_load %run_scoped3A[%get3A_1409] {strides = array<i32>} : memref<40960xf32, #tpu.memory_space<vmem>>, vector<16xf32>,
            %get3A_1411 = arith.index_cast %add3A_1378 : i32 to index
            %get3A_1412 = arith.constant 0 : index
            %get3A_1413 = tpu.vector_load %arg8[%get3A_1411, %get3A_1412] {strides = array<i32>} : memref<256x128xf32, #tpu.memory_space<vmem>>, vector<16xf32>,
            %get3A_1414 = arith.index_cast %add3A_1378 : i32 to index
            %get3A_1415 = arith.constant 16 : index
            %get3A_1416 = tpu.vector_load %arg8[%get3A_1414, %get3A_1415] {strides = array<i32>} : memref<256x128xf32, #tpu.memory_space<vmem>>, vector<16xf32>,
            %get3A_1417 = arith.index_cast %add3A_1378 : i32 to index
            %get3A_1418 = arith.constant 32 : index
            %get3A_1419 = tpu.vector_load %arg8[%get3A_1417, %get3A_1418] {strides = array<i32>} : memref<256x128xf32, #tpu.memory_space<vmem>>, vector<16xf32>,
            %get3A_1420 = arith.index_cast %add3A_1378 : i32 to index
            %get3A_1421 = arith.constant 48 : index
            %get3A_1422 = tpu.vector_load %arg8[%get3A_1420, %get3A_1421] {strides = array<i32>} : memref<256x128xf32, #tpu.memory_space<vmem>>, vector<16xf32>,
            %get3A_1423 = arith.index_cast %add3A_1378 : i32 to index
            %get3A_1424 = arith.constant 64 : index
            %get3A_1425 = tpu.vector_load %arg8[%get3A_1423, %get3A_1424] {strides = array<i32>} : memref<256x128xf32, #tpu.memory_space<vmem>>, vector<16xf32>,
            %get3A_1426 = arith.index_cast %add3A_1378 : i32 to index
            %get3A_1427 = arith.constant 80 : index
            %get3A_1428 = tpu.vector_load %arg8[%get3A_1426, %get3A_1427] {strides = array<i32>} : memref<256x128xf32, #tpu.memory_space<vmem>>, vector<16xf32>,
            %get3A_1429 = arith.index_cast %add3A_1378 : i32 to index
            %get3A_1430 = arith.constant 96 : index
            %get3A_1431 = tpu.vector_load %arg8[%get3A_1429, %get3A_1430] {strides = array<i32>} : memref<256x128xf32, #tpu.memory_space<vmem>>, vector<16xf32>,
            %get3A_1432 = arith.index_cast %add3A_1378 : i32 to index
            %get3A_1433 = arith.constant 112 : index
            %get3A_1434 = tpu.vector_load %arg8[%get3A_1432, %get3A_1433] {strides = array<i32>} : memref<256x128xf32, #tpu.memory_space<vmem>>, vector<16xf32>,
            %max3A_1435 = arith.maximumf %get3A_1382, %get3A_1413 : vector<16xf32>
            %add3A_1436 = arith.constant 0 : i32
            %add3A_1437 = arith.addi %mul3A_1373, %add3A_1436 : i32
            %swap3A_1438 = arith.index_cast %add3A_1437 : i32 to index
            %swap3A_1439 = tpu.vector_load %run_scoped3A[%swap3A_1438] {strides = array<i32>} : memref<40960xf32, #tpu.memory_space<vmem>>, vector<16xf32>,
            tpu.vector_store %run_scoped3A[%swap3A_1438], %max3A_1435 {strides = array<i32>} : memref<40960xf32, #tpu.memory_space<vmem>>, vector<16xf32>,
            %max3A_1440 = arith.maximumf %get3A_1386, %get3A_1416 : vector<16xf32>
            %add3A_1441 = arith.constant 16 : i32
            %add3A_1442 = arith.addi %mul3A_1373, %add3A_1441 : i32
            %swap3A_1443 = arith.index_cast %add3A_1442 : i32 to index
            %swap3A_1444 = tpu.vector_load %run_scoped3A[%swap3A_1443] {strides = array<i32>} : memref<40960xf32, #tpu.memory_space<vmem>>, vector<16xf32>,
            tpu.vector_store %run_scoped3A[%swap3A_1443], %max3A_1440 {strides = array<i32>} : memref<40960xf32, #tpu.memory_space<vmem>>, vector<16xf32>,
            %max3A_1445 = arith.maximumf %get3A_1390, %get3A_1419 : vector<16xf32>
            %add3A_1446 = arith.constant 32 : i32
            %add3A_1447 = arith.addi %mul3A_1373, %add3A_1446 : i32
            %swap3A_1448 = arith.index_cast %add3A_1447 : i32 to index
            %swap3A_1449 = tpu.vector_load %run_scoped3A[%swap3A_1448] {strides = array<i32>} : memref<40960xf32, #tpu.memory_space<vmem>>, vector<16xf32>,
            tpu.vector_store %run_scoped3A[%swap3A_1448], %max3A_1445 {strides = array<i32>} : memref<40960xf32, #tpu.memory_space<vmem>>, vector<16xf32>,
            %max3A_1450 = arith.maximumf %get3A_1394, %get3A_1422 : vector<16xf32>
            %add3A_1451 = arith.constant 48 : i32
            %add3A_1452 = arith.addi %mul3A_1373, %add3A_1451 : i32
            %swap3A_1453 = arith.index_cast %add3A_1452 : i32 to index
            %swap3A_1454 = tpu.vector_load %run_scoped3A[%swap3A_1453] {strides = array<i32>} : memref<40960xf32, #tpu.memory_space<vmem>>, vector<16xf32>,
            tpu.vector_store %run_scoped3A[%swap3A_1453], %max3A_1450 {strides = array<i32>} : memref<40960xf32, #tpu.memory_space<vmem>>, vector<16xf32>,
            %max3A_1455 = arith.maximumf %get3A_1398, %get3A_1425 : vector<16xf32>
            %add3A_1456 = arith.constant 64 : i32
            %add3A_1457 = arith.addi %mul3A_1373, %add3A_1456 : i32
            %swap3A_1458 = arith.index_cast %add3A_1457 : i32 to index
            %swap3A_1459 = tpu.vector_load %run_scoped3A[%swap3A_1458] {strides = array<i32>} : memref<40960xf32, #tpu.memory_space<vmem>>, vector<16xf32>,
            tpu.vector_store %run_scoped3A[%swap3A_1458], %max3A_1455 {strides = array<i32>} : memref<40960xf32, #tpu.memory_space<vmem>>, vector<16xf32>,
            %max3A_1460 = arith.maximumf %get3A_1402, %get3A_1428 : vector<16xf32>
            %add3A_1461 = arith.constant 80 : i32
            %add3A_1462 = arith.addi %mul3A_1373, %add3A_1461 : i32
            %swap3A_1463 = arith.index_cast %add3A_1462 : i32 to index
            %swap3A_1464 = tpu.vector_load %run_scoped3A[%swap3A_1463] {strides = array<i32>} : memref<40960xf32, #tpu.memory_space<vmem>>, vector<16xf32>,
            tpu.vector_store %run_scoped3A[%swap3A_1463], %max3A_1460 {strides = array<i32>} : memref<40960xf32, #tpu.memory_space<vmem>>, vector<16xf32>,
            %max3A_1465 = arith.maximumf %get3A_1406, %get3A_1431 : vector<16xf32>
            %add3A_1466 = arith.constant 96 : i32
            %add3A_1467 = arith.addi %mul3A_1373, %add3A_1466 : i32
            %swap3A_1468 = arith.index_cast %add3A_1467 : i32 to index
            %swap3A_1469 = tpu.vector_load %run_scoped3A[%swap3A_1468] {strides = array<i32>} : memref<40960xf32, #tpu.memory_space<vmem>>, vector<16xf32>,
            tpu.vector_store %run_scoped3A[%swap3A_1468], %max3A_1465 {strides = array<i32>} : memref<40960xf32, #tpu.memory_space<vmem>>, vector<16xf32>,
            %max3A_1470 = arith.maximumf %get3A_1410, %get3A_1434 : vector<16xf32>
            %add3A_1471 = arith.constant 112 : i32
            %add3A_1472 = arith.addi %mul3A_1373, %add3A_1471 : i32
            %swap3A_1473 = arith.index_cast %add3A_1472 : i32 to index
            %swap3A_1474 = tpu.vector_load %run_scoped3A[%swap3A_1473] {strides = array<i32>} : memref<40960xf32, #tpu.memory_space<vmem>>, vector<16xf32>,
            tpu.vector_store %run_scoped3A[%swap3A_1473], %max3A_1470 {strides = array<i32>} : memref<40960xf32, #tpu.memory_space<vmem>>, vector<16xf32>,
            %slice3A_1475 = vector.extract_strided_slice %get3A_217 {offsets = [12], sizes = [1], strides = [1]} : vector<16xi32> to vector<1xi32>
            %squeeze3A_1476 = vector.extract %slice3A_1475[0] : i32 from vector<1xi32>
            %mul3A_1477 = arith.constant 128 : i32
            %mul3A_1478 = arith.muli %squeeze3A_1476, %mul3A_1477 : i32
            %mul3A_1479 = arith.constant 16 : i32
            %mul3A_1480 = arith.muli %scan3A_211, %mul3A_1479 : i32
            %add3A_1481 = arith.addi %mul3A_184, %mul3A_1480 : i32
            %add3A_1482 = arith.constant 12 : i32
            %add3A_1483 = arith.addi %add3A_1481, %add3A_1482 : i32
            %add3A_1484 = arith.constant 0 : i32
            %add3A_1485 = arith.addi %mul3A_1478, %add3A_1484 : i32
            %get3A_1486 = arith.index_cast %add3A_1485 : i32 to index
            %get3A_1487 = tpu.vector_load %run_scoped3A[%get3A_1486] {strides = array<i32>} : memref<40960xf32, #tpu.memory_space<vmem>>, vector<16xf32>,
            %add3A_1488 = arith.constant 16 : i32
            %add3A_1489 = arith.addi %mul3A_1478, %add3A_1488 : i32
            %get3A_1490 = arith.index_cast %add3A_1489 : i32 to index
            %get3A_1491 = tpu.vector_load %run_scoped3A[%get3A_1490] {strides = array<i32>} : memref<40960xf32, #tpu.memory_space<vmem>>, vector<16xf32>,
            %add3A_1492 = arith.constant 32 : i32
            %add3A_1493 = arith.addi %mul3A_1478, %add3A_1492 : i32
            %get3A_1494 = arith.index_cast %add3A_1493 : i32 to index
            %get3A_1495 = tpu.vector_load %run_scoped3A[%get3A_1494] {strides = array<i32>} : memref<40960xf32, #tpu.memory_space<vmem>>, vector<16xf32>,
            %add3A_1496 = arith.constant 48 : i32
            %add3A_1497 = arith.addi %mul3A_1478, %add3A_1496 : i32
            %get3A_1498 = arith.index_cast %add3A_1497 : i32 to index
            %get3A_1499 = tpu.vector_load %run_scoped3A[%get3A_1498] {strides = array<i32>} : memref<40960xf32, #tpu.memory_space<vmem>>, vector<16xf32>,
            %add3A_1500 = arith.constant 64 : i32
            %add3A_1501 = arith.addi %mul3A_1478, %add3A_1500 : i32
            %get3A_1502 = arith.index_cast %add3A_1501 : i32 to index
            %get3A_1503 = tpu.vector_load %run_scoped3A[%get3A_1502] {strides = array<i32>} : memref<40960xf32, #tpu.memory_space<vmem>>, vector<16xf32>,
            %add3A_1504 = arith.constant 80 : i32
            %add3A_1505 = arith.addi %mul3A_1478, %add3A_1504 : i32
            %get3A_1506 = arith.index_cast %add3A_1505 : i32 to index
            %get3A_1507 = tpu.vector_load %run_scoped3A[%get3A_1506] {strides = array<i32>} : memref<40960xf32, #tpu.memory_space<vmem>>, vector<16xf32>,
            %add3A_1508 = arith.constant 96 : i32
            %add3A_1509 = arith.addi %mul3A_1478, %add3A_1508 : i32
            %get3A_1510 = arith.index_cast %add3A_1509 : i32 to index
            %get3A_1511 = tpu.vector_load %run_scoped3A[%get3A_1510] {strides = array<i32>} : memref<40960xf32, #tpu.memory_space<vmem>>, vector<16xf32>,
            %add3A_1512 = arith.constant 112 : i32
            %add3A_1513 = arith.addi %mul3A_1478, %add3A_1512 : i32
            %get3A_1514 = arith.index_cast %add3A_1513 : i32 to index
            %get3A_1515 = tpu.vector_load %run_scoped3A[%get3A_1514] {strides = array<i32>} : memref<40960xf32, #tpu.memory_space<vmem>>, vector<16xf32>,
            %get3A_1516 = arith.index_cast %add3A_1483 : i32 to index
            %get3A_1517 = arith.constant 0 : index
            %get3A_1518 = tpu.vector_load %arg8[%get3A_1516, %get3A_1517] {strides = array<i32>} : memref<256x128xf32, #tpu.memory_space<vmem>>, vector<16xf32>,
            %get3A_1519 = arith.index_cast %add3A_1483 : i32 to index
            %get3A_1520 = arith.constant 16 : index
            %get3A_1521 = tpu.vector_load %arg8[%get3A_1519, %get3A_1520] {strides = array<i32>} : memref<256x128xf32, #tpu.memory_space<vmem>>, vector<16xf32>,
            %get3A_1522 = arith.index_cast %add3A_1483 : i32 to index
            %get3A_1523 = arith.constant 32 : index
            %get3A_1524 = tpu.vector_load %arg8[%get3A_1522, %get3A_1523] {strides = array<i32>} : memref<256x128xf32, #tpu.memory_space<vmem>>, vector<16xf32>,
            %get3A_1525 = arith.index_cast %add3A_1483 : i32 to index
            %get3A_1526 = arith.constant 48 : index
            %get3A_1527 = tpu.vector_load %arg8[%get3A_1525, %get3A_1526] {strides = array<i32>} : memref<256x128xf32, #tpu.memory_space<vmem>>, vector<16xf32>,
            %get3A_1528 = arith.index_cast %add3A_1483 : i32 to index
            %get3A_1529 = arith.constant 64 : index
            %get3A_1530 = tpu.vector_load %arg8[%get3A_1528, %get3A_1529] {strides = array<i32>} : memref<256x128xf32, #tpu.memory_space<vmem>>, vector<16xf32>,
            %get3A_1531 = arith.index_cast %add3A_1483 : i32 to index
            %get3A_1532 = arith.constant 80 : index
            %get3A_1533 = tpu.vector_load %arg8[%get3A_1531, %get3A_1532] {strides = array<i32>} : memref<256x128xf32, #tpu.memory_space<vmem>>, vector<16xf32>,
            %get3A_1534 = arith.index_cast %add3A_1483 : i32 to index
            %get3A_1535 = arith.constant 96 : index
            %get3A_1536 = tpu.vector_load %arg8[%get3A_1534, %get3A_1535] {strides = array<i32>} : memref<256x128xf32, #tpu.memory_space<vmem>>, vector<16xf32>,
            %get3A_1537 = arith.index_cast %add3A_1483 : i32 to index
            %get3A_1538 = arith.constant 112 : index
            %get3A_1539 = tpu.vector_load %arg8[%get3A_1537, %get3A_1538] {strides = array<i32>} : memref<256x128xf32, #tpu.memory_space<vmem>>, vector<16xf32>,
            %max3A_1540 = arith.maximumf %get3A_1487, %get3A_1518 : vector<16xf32>
            %add3A_1541 = arith.constant 0 : i32
            %add3A_1542 = arith.addi %mul3A_1478, %add3A_1541 : i32
            %swap3A_1543 = arith.index_cast %add3A_1542 : i32 to index
            %swap3A_1544 = tpu.vector_load %run_scoped3A[%swap3A_1543] {strides = array<i32>} : memref<40960xf32, #tpu.memory_space<vmem>>, vector<16xf32>,
            tpu.vector_store %run_scoped3A[%swap3A_1543], %max3A_1540 {strides = array<i32>} : memref<40960xf32, #tpu.memory_space<vmem>>, vector<16xf32>,
            %max3A_1545 = arith.maximumf %get3A_1491, %get3A_1521 : vector<16xf32>
            %add3A_1546 = arith.constant 16 : i32
            %add3A_1547 = arith.addi %mul3A_1478, %add3A_1546 : i32
            %swap3A_1548 = arith.index_cast %add3A_1547 : i32 to index
            %swap3A_1549 = tpu.vector_load %run_scoped3A[%swap3A_1548] {strides = array<i32>} : memref<40960xf32, #tpu.memory_space<vmem>>, vector<16xf32>,
            tpu.vector_store %run_scoped3A[%swap3A_1548], %max3A_1545 {strides = array<i32>} : memref<40960xf32, #tpu.memory_space<vmem>>, vector<16xf32>,
            %max3A_1550 = arith.maximumf %get3A_1495, %get3A_1524 : vector<16xf32>
            %add3A_1551 = arith.constant 32 : i32
            %add3A_1552 = arith.addi %mul3A_1478, %add3A_1551 : i32
            %swap3A_1553 = arith.index_cast %add3A_1552 : i32 to index
            %swap3A_1554 = tpu.vector_load %run_scoped3A[%swap3A_1553] {strides = array<i32>} : memref<40960xf32, #tpu.memory_space<vmem>>, vector<16xf32>,
            tpu.vector_store %run_scoped3A[%swap3A_1553], %max3A_1550 {strides = array<i32>} : memref<40960xf32, #tpu.memory_space<vmem>>, vector<16xf32>,
            %max3A_1555 = arith.maximumf %get3A_1499, %get3A_1527 : vector<16xf32>
            %add3A_1556 = arith.constant 48 : i32
            %add3A_1557 = arith.addi %mul3A_1478, %add3A_1556 : i32
            %swap3A_1558 = arith.index_cast %add3A_1557 : i32 to index
            %swap3A_1559 = tpu.vector_load %run_scoped3A[%swap3A_1558] {strides = array<i32>} : memref<40960xf32, #tpu.memory_space<vmem>>, vector<16xf32>,
            tpu.vector_store %run_scoped3A[%swap3A_1558], %max3A_1555 {strides = array<i32>} : memref<40960xf32, #tpu.memory_space<vmem>>, vector<16xf32>,
            %max3A_1560 = arith.maximumf %get3A_1503, %get3A_1530 : vector<16xf32>
            %add3A_1561 = arith.constant 64 : i32
            %add3A_1562 = arith.addi %mul3A_1478, %add3A_1561 : i32
            %swap3A_1563 = arith.index_cast %add3A_1562 : i32 to index
            %swap3A_1564 = tpu.vector_load %run_scoped3A[%swap3A_1563] {strides = array<i32>} : memref<40960xf32, #tpu.memory_space<vmem>>, vector<16xf32>,
            tpu.vector_store %run_scoped3A[%swap3A_1563], %max3A_1560 {strides = array<i32>} : memref<40960xf32, #tpu.memory_space<vmem>>, vector<16xf32>,
            %max3A_1565 = arith.maximumf %get3A_1507, %get3A_1533 : vector<16xf32>
            %add3A_1566 = arith.constant 80 : i32
            %add3A_1567 = arith.addi %mul3A_1478, %add3A_1566 : i32
            %swap3A_1568 = arith.index_cast %add3A_1567 : i32 to index
            %swap3A_1569 = tpu.vector_load %run_scoped3A[%swap3A_1568] {strides = array<i32>} : memref<40960xf32, #tpu.memory_space<vmem>>, vector<16xf32>,
            tpu.vector_store %run_scoped3A[%swap3A_1568], %max3A_1565 {strides = array<i32>} : memref<40960xf32, #tpu.memory_space<vmem>>, vector<16xf32>,
            %max3A_1570 = arith.maximumf %get3A_1511, %get3A_1536 : vector<16xf32>
            %add3A_1571 = arith.constant 96 : i32
            %add3A_1572 = arith.addi %mul3A_1478, %add3A_1571 : i32
            %swap3A_1573 = arith.index_cast %add3A_1572 : i32 to index
            %swap3A_1574 = tpu.vector_load %run_scoped3A[%swap3A_1573] {strides = array<i32>} : memref<40960xf32, #tpu.memory_space<vmem>>, vector<16xf32>,
            tpu.vector_store %run_scoped3A[%swap3A_1573], %max3A_1570 {strides = array<i32>} : memref<40960xf32, #tpu.memory_space<vmem>>, vector<16xf32>,
            %max3A_1575 = arith.maximumf %get3A_1515, %get3A_1539 : vector<16xf32>
            %add3A_1576 = arith.constant 112 : i32
            %add3A_1577 = arith.addi %mul3A_1478, %add3A_1576 : i32
            %swap3A_1578 = arith.index_cast %add3A_1577 : i32 to index
            %swap3A_1579 = tpu.vector_load %run_scoped3A[%swap3A_1578] {strides = array<i32>} : memref<40960xf32, #tpu.memory_space<vmem>>, vector<16xf32>,
            tpu.vector_store %run_scoped3A[%swap3A_1578], %max3A_1575 {strides = array<i32>} : memref<40960xf32, #tpu.memory_space<vmem>>, vector<16xf32>,
            %slice3A_1580 = vector.extract_strided_slice %get3A_217 {offsets = [13], sizes = [1], strides = [1]} : vector<16xi32> to vector<1xi32>
            %squeeze3A_1581 = vector.extract %slice3A_1580[0] : i32 from vector<1xi32>
            %mul3A_1582 = arith.constant 128 : i32
            %mul3A_1583 = arith.muli %squeeze3A_1581, %mul3A_1582 : i32
            %mul3A_1584 = arith.constant 16 : i32
            %mul3A_1585 = arith.muli %scan3A_211, %mul3A_1584 : i32
            %add3A_1586 = arith.addi %mul3A_184, %mul3A_1585 : i32
            %add3A_1587 = arith.constant 13 : i32
            %add3A_1588 = arith.addi %add3A_1586, %add3A_1587 : i32
            %add3A_1589 = arith.constant 0 : i32
            %add3A_1590 = arith.addi %mul3A_1583, %add3A_1589 : i32
            %get3A_1591 = arith.index_cast %add3A_1590 : i32 to index
            %get3A_1592 = tpu.vector_load %run_scoped3A[%get3A_1591] {strides = array<i32>} : memref<40960xf32, #tpu.memory_space<vmem>>, vector<16xf32>,
            %add3A_1593 = arith.constant 16 : i32
            %add3A_1594 = arith.addi %mul3A_1583, %add3A_1593 : i32
            %get3A_1595 = arith.index_cast %add3A_1594 : i32 to index
            %get3A_1596 = tpu.vector_load %run_scoped3A[%get3A_1595] {strides = array<i32>} : memref<40960xf32, #tpu.memory_space<vmem>>, vector<16xf32>,
            %add3A_1597 = arith.constant 32 : i32
            %add3A_1598 = arith.addi %mul3A_1583, %add3A_1597 : i32
            %get3A_1599 = arith.index_cast %add3A_1598 : i32 to index
            %get3A_1600 = tpu.vector_load %run_scoped3A[%get3A_1599] {strides = array<i32>} : memref<40960xf32, #tpu.memory_space<vmem>>, vector<16xf32>,
            %add3A_1601 = arith.constant 48 : i32
            %add3A_1602 = arith.addi %mul3A_1583, %add3A_1601 : i32
            %get3A_1603 = arith.index_cast %add3A_1602 : i32 to index
            %get3A_1604 = tpu.vector_load %run_scoped3A[%get3A_1603] {strides = array<i32>} : memref<40960xf32, #tpu.memory_space<vmem>>, vector<16xf32>,
            %add3A_1605 = arith.constant 64 : i32
            %add3A_1606 = arith.addi %mul3A_1583, %add3A_1605 : i32
            %get3A_1607 = arith.index_cast %add3A_1606 : i32 to index
            %get3A_1608 = tpu.vector_load %run_scoped3A[%get3A_1607] {strides = array<i32>} : memref<40960xf32, #tpu.memory_space<vmem>>, vector<16xf32>,
            %add3A_1609 = arith.constant 80 : i32
            %add3A_1610 = arith.addi %mul3A_1583, %add3A_1609 : i32
            %get3A_1611 = arith.index_cast %add3A_1610 : i32 to index
            %get3A_1612 = tpu.vector_load %run_scoped3A[%get3A_1611] {strides = array<i32>} : memref<40960xf32, #tpu.memory_space<vmem>>, vector<16xf32>,
            %add3A_1613 = arith.constant 96 : i32
            %add3A_1614 = arith.addi %mul3A_1583, %add3A_1613 : i32
            %get3A_1615 = arith.index_cast %add3A_1614 : i32 to index
            %get3A_1616 = tpu.vector_load %run_scoped3A[%get3A_1615] {strides = array<i32>} : memref<40960xf32, #tpu.memory_space<vmem>>, vector<16xf32>,
            %add3A_1617 = arith.constant 112 : i32
            %add3A_1618 = arith.addi %mul3A_1583, %add3A_1617 : i32
            %get3A_1619 = arith.index_cast %add3A_1618 : i32 to index
            %get3A_1620 = tpu.vector_load %run_scoped3A[%get3A_1619] {strides = array<i32>} : memref<40960xf32, #tpu.memory_space<vmem>>, vector<16xf32>,
            %get3A_1621 = arith.index_cast %add3A_1588 : i32 to index
            %get3A_1622 = arith.constant 0 : index
            %get3A_1623 = tpu.vector_load %arg8[%get3A_1621, %get3A_1622] {strides = array<i32>} : memref<256x128xf32, #tpu.memory_space<vmem>>, vector<16xf32>,
            %get3A_1624 = arith.index_cast %add3A_1588 : i32 to index
            %get3A_1625 = arith.constant 16 : index
            %get3A_1626 = tpu.vector_load %arg8[%get3A_1624, %get3A_1625] {strides = array<i32>} : memref<256x128xf32, #tpu.memory_space<vmem>>, vector<16xf32>,
            %get3A_1627 = arith.index_cast %add3A_1588 : i32 to index
            %get3A_1628 = arith.constant 32 : index
            %get3A_1629 = tpu.vector_load %arg8[%get3A_1627, %get3A_1628] {strides = array<i32>} : memref<256x128xf32, #tpu.memory_space<vmem>>, vector<16xf32>,
            %get3A_1630 = arith.index_cast %add3A_1588 : i32 to index
            %get3A_1631 = arith.constant 48 : index
            %get3A_1632 = tpu.vector_load %arg8[%get3A_1630, %get3A_1631] {strides = array<i32>} : memref<256x128xf32, #tpu.memory_space<vmem>>, vector<16xf32>,
            %get3A_1633 = arith.index_cast %add3A_1588 : i32 to index
            %get3A_1634 = arith.constant 64 : index
            %get3A_1635 = tpu.vector_load %arg8[%get3A_1633, %get3A_1634] {strides = array<i32>} : memref<256x128xf32, #tpu.memory_space<vmem>>, vector<16xf32>,
            %get3A_1636 = arith.index_cast %add3A_1588 : i32 to index
            %get3A_1637 = arith.constant 80 : index
            %get3A_1638 = tpu.vector_load %arg8[%get3A_1636, %get3A_1637] {strides = array<i32>} : memref<256x128xf32, #tpu.memory_space<vmem>>, vector<16xf32>,
            %get3A_1639 = arith.index_cast %add3A_1588 : i32 to index
            %get3A_1640 = arith.constant 96 : index
            %get3A_1641 = tpu.vector_load %arg8[%get3A_1639, %get3A_1640] {strides = array<i32>} : memref<256x128xf32, #tpu.memory_space<vmem>>, vector<16xf32>,
            %get3A_1642 = arith.index_cast %add3A_1588 : i32 to index
            %get3A_1643 = arith.constant 112 : index
            %get3A_1644 = tpu.vector_load %arg8[%get3A_1642, %get3A_1643] {strides = array<i32>} : memref<256x128xf32, #tpu.memory_space<vmem>>, vector<16xf32>,
            %max3A_1645 = arith.maximumf %get3A_1592, %get3A_1623 : vector<16xf32>
            %add3A_1646 = arith.constant 0 : i32
            %add3A_1647 = arith.addi %mul3A_1583, %add3A_1646 : i32
            %swap3A_1648 = arith.index_cast %add3A_1647 : i32 to index
            %swap3A_1649 = tpu.vector_load %run_scoped3A[%swap3A_1648] {strides = array<i32>} : memref<40960xf32, #tpu.memory_space<vmem>>, vector<16xf32>,
            tpu.vector_store %run_scoped3A[%swap3A_1648], %max3A_1645 {strides = array<i32>} : memref<40960xf32, #tpu.memory_space<vmem>>, vector<16xf32>,
            %max3A_1650 = arith.maximumf %get3A_1596, %get3A_1626 : vector<16xf32>
            %add3A_1651 = arith.constant 16 : i32
            %add3A_1652 = arith.addi %mul3A_1583, %add3A_1651 : i32
            %swap3A_1653 = arith.index_cast %add3A_1652 : i32 to index
            %swap3A_1654 = tpu.vector_load %run_scoped3A[%swap3A_1653] {strides = array<i32>} : memref<40960xf32, #tpu.memory_space<vmem>>, vector<16xf32>,
            tpu.vector_store %run_scoped3A[%swap3A_1653], %max3A_1650 {strides = array<i32>} : memref<40960xf32, #tpu.memory_space<vmem>>, vector<16xf32>,
            %max3A_1655 = arith.maximumf %get3A_1600, %get3A_1629 : vector<16xf32>
            %add3A_1656 = arith.constant 32 : i32
            %add3A_1657 = arith.addi %mul3A_1583, %add3A_1656 : i32
            %swap3A_1658 = arith.index_cast %add3A_1657 : i32 to index
            %swap3A_1659 = tpu.vector_load %run_scoped3A[%swap3A_1658] {strides = array<i32>} : memref<40960xf32, #tpu.memory_space<vmem>>, vector<16xf32>,
            tpu.vector_store %run_scoped3A[%swap3A_1658], %max3A_1655 {strides = array<i32>} : memref<40960xf32, #tpu.memory_space<vmem>>, vector<16xf32>,
            %max3A_1660 = arith.maximumf %get3A_1604, %get3A_1632 : vector<16xf32>
            %add3A_1661 = arith.constant 48 : i32
            %add3A_1662 = arith.addi %mul3A_1583, %add3A_1661 : i32
            %swap3A_1663 = arith.index_cast %add3A_1662 : i32 to index
            %swap3A_1664 = tpu.vector_load %run_scoped3A[%swap3A_1663] {strides = array<i32>} : memref<40960xf32, #tpu.memory_space<vmem>>, vector<16xf32>,
            tpu.vector_store %run_scoped3A[%swap3A_1663], %max3A_1660 {strides = array<i32>} : memref<40960xf32, #tpu.memory_space<vmem>>, vector<16xf32>,
            %max3A_1665 = arith.maximumf %get3A_1608, %get3A_1635 : vector<16xf32>
            %add3A_1666 = arith.constant 64 : i32
            %add3A_1667 = arith.addi %mul3A_1583, %add3A_1666 : i32
            %swap3A_1668 = arith.index_cast %add3A_1667 : i32 to index
            %swap3A_1669 = tpu.vector_load %run_scoped3A[%swap3A_1668] {strides = array<i32>} : memref<40960xf32, #tpu.memory_space<vmem>>, vector<16xf32>,
            tpu.vector_store %run_scoped3A[%swap3A_1668], %max3A_1665 {strides = array<i32>} : memref<40960xf32, #tpu.memory_space<vmem>>, vector<16xf32>,
            %max3A_1670 = arith.maximumf %get3A_1612, %get3A_1638 : vector<16xf32>
            %add3A_1671 = arith.constant 80 : i32
            %add3A_1672 = arith.addi %mul3A_1583, %add3A_1671 : i32
            %swap3A_1673 = arith.index_cast %add3A_1672 : i32 to index
            %swap3A_1674 = tpu.vector_load %run_scoped3A[%swap3A_1673] {strides = array<i32>} : memref<40960xf32, #tpu.memory_space<vmem>>, vector<16xf32>,
            tpu.vector_store %run_scoped3A[%swap3A_1673], %max3A_1670 {strides = array<i32>} : memref<40960xf32, #tpu.memory_space<vmem>>, vector<16xf32>,
            %max3A_1675 = arith.maximumf %get3A_1616, %get3A_1641 : vector<16xf32>
            %add3A_1676 = arith.constant 96 : i32
            %add3A_1677 = arith.addi %mul3A_1583, %add3A_1676 : i32
            %swap3A_1678 = arith.index_cast %add3A_1677 : i32 to index
            %swap3A_1679 = tpu.vector_load %run_scoped3A[%swap3A_1678] {strides = array<i32>} : memref<40960xf32, #tpu.memory_space<vmem>>, vector<16xf32>,
            tpu.vector_store %run_scoped3A[%swap3A_1678], %max3A_1675 {strides = array<i32>} : memref<40960xf32, #tpu.memory_space<vmem>>, vector<16xf32>,
            %max3A_1680 = arith.maximumf %get3A_1620, %get3A_1644 : vector<16xf32>
            %add3A_1681 = arith.constant 112 : i32
            %add3A_1682 = arith.addi %mul3A_1583, %add3A_1681 : i32
            %swap3A_1683 = arith.index_cast %add3A_1682 : i32 to index
            %swap3A_1684 = tpu.vector_load %run_scoped3A[%swap3A_1683] {strides = array<i32>} : memref<40960xf32, #tpu.memory_space<vmem>>, vector<16xf32>,
            tpu.vector_store %run_scoped3A[%swap3A_1683], %max3A_1680 {strides = array<i32>} : memref<40960xf32, #tpu.memory_space<vmem>>, vector<16xf32>,
            %slice3A_1685 = vector.extract_strided_slice %get3A_217 {offsets = [14], sizes = [1], strides = [1]} : vector<16xi32> to vector<1xi32>
            %squeeze3A_1686 = vector.extract %slice3A_1685[0] : i32 from vector<1xi32>
            %mul3A_1687 = arith.constant 128 : i32
            %mul3A_1688 = arith.muli %squeeze3A_1686, %mul3A_1687 : i32
            %mul3A_1689 = arith.constant 16 : i32
            %mul3A_1690 = arith.muli %scan3A_211, %mul3A_1689 : i32
            %add3A_1691 = arith.addi %mul3A_184, %mul3A_1690 : i32
            %add3A_1692 = arith.constant 14 : i32
            %add3A_1693 = arith.addi %add3A_1691, %add3A_1692 : i32
            %add3A_1694 = arith.constant 0 : i32
            %add3A_1695 = arith.addi %mul3A_1688, %add3A_1694 : i32
            %get3A_1696 = arith.index_cast %add3A_1695 : i32 to index
            %get3A_1697 = tpu.vector_load %run_scoped3A[%get3A_1696] {strides = array<i32>} : memref<40960xf32, #tpu.memory_space<vmem>>, vector<16xf32>,
            %add3A_1698 = arith.constant 16 : i32
            %add3A_1699 = arith.addi %mul3A_1688, %add3A_1698 : i32
            %get3A_1700 = arith.index_cast %add3A_1699 : i32 to index
            %get3A_1701 = tpu.vector_load %run_scoped3A[%get3A_1700] {strides = array<i32>} : memref<40960xf32, #tpu.memory_space<vmem>>, vector<16xf32>,
            %add3A_1702 = arith.constant 32 : i32
            %add3A_1703 = arith.addi %mul3A_1688, %add3A_1702 : i32
            %get3A_1704 = arith.index_cast %add3A_1703 : i32 to index
            %get3A_1705 = tpu.vector_load %run_scoped3A[%get3A_1704] {strides = array<i32>} : memref<40960xf32, #tpu.memory_space<vmem>>, vector<16xf32>,
            %add3A_1706 = arith.constant 48 : i32
            %add3A_1707 = arith.addi %mul3A_1688, %add3A_1706 : i32
            %get3A_1708 = arith.index_cast %add3A_1707 : i32 to index
            %get3A_1709 = tpu.vector_load %run_scoped3A[%get3A_1708] {strides = array<i32>} : memref<40960xf32, #tpu.memory_space<vmem>>, vector<16xf32>,
            %add3A_1710 = arith.constant 64 : i32
            %add3A_1711 = arith.addi %mul3A_1688, %add3A_1710 : i32
            %get3A_1712 = arith.index_cast %add3A_1711 : i32 to index
            %get3A_1713 = tpu.vector_load %run_scoped3A[%get3A_1712] {strides = array<i32>} : memref<40960xf32, #tpu.memory_space<vmem>>, vector<16xf32>,
            %add3A_1714 = arith.constant 80 : i32
            %add3A_1715 = arith.addi %mul3A_1688, %add3A_1714 : i32
            %get3A_1716 = arith.index_cast %add3A_1715 : i32 to index
            %get3A_1717 = tpu.vector_load %run_scoped3A[%get3A_1716] {strides = array<i32>} : memref<40960xf32, #tpu.memory_space<vmem>>, vector<16xf32>,
            %add3A_1718 = arith.constant 96 : i32
            %add3A_1719 = arith.addi %mul3A_1688, %add3A_1718 : i32
            %get3A_1720 = arith.index_cast %add3A_1719 : i32 to index
            %get3A_1721 = tpu.vector_load %run_scoped3A[%get3A_1720] {strides = array<i32>} : memref<40960xf32, #tpu.memory_space<vmem>>, vector<16xf32>,
            %add3A_1722 = arith.constant 112 : i32
            %add3A_1723 = arith.addi %mul3A_1688, %add3A_1722 : i32
            %get3A_1724 = arith.index_cast %add3A_1723 : i32 to index
            %get3A_1725 = tpu.vector_load %run_scoped3A[%get3A_1724] {strides = array<i32>} : memref<40960xf32, #tpu.memory_space<vmem>>, vector<16xf32>,
            %get3A_1726 = arith.index_cast %add3A_1693 : i32 to index
            %get3A_1727 = arith.constant 0 : index
            %get3A_1728 = tpu.vector_load %arg8[%get3A_1726, %get3A_1727] {strides = array<i32>} : memref<256x128xf32, #tpu.memory_space<vmem>>, vector<16xf32>,
            %get3A_1729 = arith.index_cast %add3A_1693 : i32 to index
            %get3A_1730 = arith.constant 16 : index
            %get3A_1731 = tpu.vector_load %arg8[%get3A_1729, %get3A_1730] {strides = array<i32>} : memref<256x128xf32, #tpu.memory_space<vmem>>, vector<16xf32>,
            %get3A_1732 = arith.index_cast %add3A_1693 : i32 to index
            %get3A_1733 = arith.constant 32 : index
            %get3A_1734 = tpu.vector_load %arg8[%get3A_1732, %get3A_1733] {strides = array<i32>} : memref<256x128xf32, #tpu.memory_space<vmem>>, vector<16xf32>,
            %get3A_1735 = arith.index_cast %add3A_1693 : i32 to index
            %get3A_1736 = arith.constant 48 : index
            %get3A_1737 = tpu.vector_load %arg8[%get3A_1735, %get3A_1736] {strides = array<i32>} : memref<256x128xf32, #tpu.memory_space<vmem>>, vector<16xf32>,
            %get3A_1738 = arith.index_cast %add3A_1693 : i32 to index
            %get3A_1739 = arith.constant 64 : index
            %get3A_1740 = tpu.vector_load %arg8[%get3A_1738, %get3A_1739] {strides = array<i32>} : memref<256x128xf32, #tpu.memory_space<vmem>>, vector<16xf32>,
            %get3A_1741 = arith.index_cast %add3A_1693 : i32 to index
            %get3A_1742 = arith.constant 80 : index
            %get3A_1743 = tpu.vector_load %arg8[%get3A_1741, %get3A_1742] {strides = array<i32>} : memref<256x128xf32, #tpu.memory_space<vmem>>, vector<16xf32>,
            %get3A_1744 = arith.index_cast %add3A_1693 : i32 to index
            %get3A_1745 = arith.constant 96 : index
            %get3A_1746 = tpu.vector_load %arg8[%get3A_1744, %get3A_1745] {strides = array<i32>} : memref<256x128xf32, #tpu.memory_space<vmem>>, vector<16xf32>,
            %get3A_1747 = arith.index_cast %add3A_1693 : i32 to index
            %get3A_1748 = arith.constant 112 : index
            %get3A_1749 = tpu.vector_load %arg8[%get3A_1747, %get3A_1748] {strides = array<i32>} : memref<256x128xf32, #tpu.memory_space<vmem>>, vector<16xf32>,
            %max3A_1750 = arith.maximumf %get3A_1697, %get3A_1728 : vector<16xf32>
            %add3A_1751 = arith.constant 0 : i32
            %add3A_1752 = arith.addi %mul3A_1688, %add3A_1751 : i32
            %swap3A_1753 = arith.index_cast %add3A_1752 : i32 to index
            %swap3A_1754 = tpu.vector_load %run_scoped3A[%swap3A_1753] {strides = array<i32>} : memref<40960xf32, #tpu.memory_space<vmem>>, vector<16xf32>,
            tpu.vector_store %run_scoped3A[%swap3A_1753], %max3A_1750 {strides = array<i32>} : memref<40960xf32, #tpu.memory_space<vmem>>, vector<16xf32>,
            %max3A_1755 = arith.maximumf %get3A_1701, %get3A_1731 : vector<16xf32>
            %add3A_1756 = arith.constant 16 : i32
            %add3A_1757 = arith.addi %mul3A_1688, %add3A_1756 : i32
            %swap3A_1758 = arith.index_cast %add3A_1757 : i32 to index
            %swap3A_1759 = tpu.vector_load %run_scoped3A[%swap3A_1758] {strides = array<i32>} : memref<40960xf32, #tpu.memory_space<vmem>>, vector<16xf32>,
            tpu.vector_store %run_scoped3A[%swap3A_1758], %max3A_1755 {strides = array<i32>} : memref<40960xf32, #tpu.memory_space<vmem>>, vector<16xf32>,
            %max3A_1760 = arith.maximumf %get3A_1705, %get3A_1734 : vector<16xf32>
            %add3A_1761 = arith.constant 32 : i32
            %add3A_1762 = arith.addi %mul3A_1688, %add3A_1761 : i32
            %swap3A_1763 = arith.index_cast %add3A_1762 : i32 to index
            %swap3A_1764 = tpu.vector_load %run_scoped3A[%swap3A_1763] {strides = array<i32>} : memref<40960xf32, #tpu.memory_space<vmem>>, vector<16xf32>,
            tpu.vector_store %run_scoped3A[%swap3A_1763], %max3A_1760 {strides = array<i32>} : memref<40960xf32, #tpu.memory_space<vmem>>, vector<16xf32>,
            %max3A_1765 = arith.maximumf %get3A_1709, %get3A_1737 : vector<16xf32>
            %add3A_1766 = arith.constant 48 : i32
            %add3A_1767 = arith.addi %mul3A_1688, %add3A_1766 : i32
            %swap3A_1768 = arith.index_cast %add3A_1767 : i32 to index
            %swap3A_1769 = tpu.vector_load %run_scoped3A[%swap3A_1768] {strides = array<i32>} : memref<40960xf32, #tpu.memory_space<vmem>>, vector<16xf32>,
            tpu.vector_store %run_scoped3A[%swap3A_1768], %max3A_1765 {strides = array<i32>} : memref<40960xf32, #tpu.memory_space<vmem>>, vector<16xf32>,
            %max3A_1770 = arith.maximumf %get3A_1713, %get3A_1740 : vector<16xf32>
            %add3A_1771 = arith.constant 64 : i32
            %add3A_1772 = arith.addi %mul3A_1688, %add3A_1771 : i32
            %swap3A_1773 = arith.index_cast %add3A_1772 : i32 to index
            %swap3A_1774 = tpu.vector_load %run_scoped3A[%swap3A_1773] {strides = array<i32>} : memref<40960xf32, #tpu.memory_space<vmem>>, vector<16xf32>,
            tpu.vector_store %run_scoped3A[%swap3A_1773], %max3A_1770 {strides = array<i32>} : memref<40960xf32, #tpu.memory_space<vmem>>, vector<16xf32>,
            %max3A_1775 = arith.maximumf %get3A_1717, %get3A_1743 : vector<16xf32>
            %add3A_1776 = arith.constant 80 : i32
            %add3A_1777 = arith.addi %mul3A_1688, %add3A_1776 : i32
            %swap3A_1778 = arith.index_cast %add3A_1777 : i32 to index
            %swap3A_1779 = tpu.vector_load %run_scoped3A[%swap3A_1778] {strides = array<i32>} : memref<40960xf32, #tpu.memory_space<vmem>>, vector<16xf32>,
            tpu.vector_store %run_scoped3A[%swap3A_1778], %max3A_1775 {strides = array<i32>} : memref<40960xf32, #tpu.memory_space<vmem>>, vector<16xf32>,
            %max3A_1780 = arith.maximumf %get3A_1721, %get3A_1746 : vector<16xf32>
            %add3A_1781 = arith.constant 96 : i32
            %add3A_1782 = arith.addi %mul3A_1688, %add3A_1781 : i32
            %swap3A_1783 = arith.index_cast %add3A_1782 : i32 to index
            %swap3A_1784 = tpu.vector_load %run_scoped3A[%swap3A_1783] {strides = array<i32>} : memref<40960xf32, #tpu.memory_space<vmem>>, vector<16xf32>,
            tpu.vector_store %run_scoped3A[%swap3A_1783], %max3A_1780 {strides = array<i32>} : memref<40960xf32, #tpu.memory_space<vmem>>, vector<16xf32>,
            %max3A_1785 = arith.maximumf %get3A_1725, %get3A_1749 : vector<16xf32>
            %add3A_1786 = arith.constant 112 : i32
            %add3A_1787 = arith.addi %mul3A_1688, %add3A_1786 : i32
            %swap3A_1788 = arith.index_cast %add3A_1787 : i32 to index
            %swap3A_1789 = tpu.vector_load %run_scoped3A[%swap3A_1788] {strides = array<i32>} : memref<40960xf32, #tpu.memory_space<vmem>>, vector<16xf32>,
            tpu.vector_store %run_scoped3A[%swap3A_1788], %max3A_1785 {strides = array<i32>} : memref<40960xf32, #tpu.memory_space<vmem>>, vector<16xf32>,
            %slice3A_1790 = vector.extract_strided_slice %get3A_217 {offsets = [15], sizes = [1], strides = [1]} : vector<16xi32> to vector<1xi32>
            %squeeze3A_1791 = vector.extract %slice3A_1790[0] : i32 from vector<1xi32>
            %mul3A_1792 = arith.constant 128 : i32
            %mul3A_1793 = arith.muli %squeeze3A_1791, %mul3A_1792 : i32
            %mul3A_1794 = arith.constant 16 : i32
            %mul3A_1795 = arith.muli %scan3A_211, %mul3A_1794 : i32
            %add3A_1796 = arith.addi %mul3A_184, %mul3A_1795 : i32
            %add3A_1797 = arith.constant 15 : i32
            %add3A_1798 = arith.addi %add3A_1796, %add3A_1797 : i32
            %add3A_1799 = arith.constant 0 : i32
            %add3A_1800 = arith.addi %mul3A_1793, %add3A_1799 : i32
            %get3A_1801 = arith.index_cast %add3A_1800 : i32 to index
            %get3A_1802 = tpu.vector_load %run_scoped3A[%get3A_1801] {strides = array<i32>} : memref<40960xf32, #tpu.memory_space<vmem>>, vector<16xf32>,
            %add3A_1803 = arith.constant 16 : i32
            %add3A_1804 = arith.addi %mul3A_1793, %add3A_1803 : i32
            %get3A_1805 = arith.index_cast %add3A_1804 : i32 to index
            %get3A_1806 = tpu.vector_load %run_scoped3A[%get3A_1805] {strides = array<i32>} : memref<40960xf32, #tpu.memory_space<vmem>>, vector<16xf32>,
            %add3A_1807 = arith.constant 32 : i32
            %add3A_1808 = arith.addi %mul3A_1793, %add3A_1807 : i32
            %get3A_1809 = arith.index_cast %add3A_1808 : i32 to index
            %get3A_1810 = tpu.vector_load %run_scoped3A[%get3A_1809] {strides = array<i32>} : memref<40960xf32, #tpu.memory_space<vmem>>, vector<16xf32>,
            %add3A_1811 = arith.constant 48 : i32
            %add3A_1812 = arith.addi %mul3A_1793, %add3A_1811 : i32
            %get3A_1813 = arith.index_cast %add3A_1812 : i32 to index
            %get3A_1814 = tpu.vector_load %run_scoped3A[%get3A_1813] {strides = array<i32>} : memref<40960xf32, #tpu.memory_space<vmem>>, vector<16xf32>,
            %add3A_1815 = arith.constant 64 : i32
            %add3A_1816 = arith.addi %mul3A_1793, %add3A_1815 : i32
            %get3A_1817 = arith.index_cast %add3A_1816 : i32 to index
            %get3A_1818 = tpu.vector_load %run_scoped3A[%get3A_1817] {strides = array<i32>} : memref<40960xf32, #tpu.memory_space<vmem>>, vector<16xf32>,
            %add3A_1819 = arith.constant 80 : i32
            %add3A_1820 = arith.addi %mul3A_1793, %add3A_1819 : i32
            %get3A_1821 = arith.index_cast %add3A_1820 : i32 to index
            %get3A_1822 = tpu.vector_load %run_scoped3A[%get3A_1821] {strides = array<i32>} : memref<40960xf32, #tpu.memory_space<vmem>>, vector<16xf32>,
            %add3A_1823 = arith.constant 96 : i32
            %add3A_1824 = arith.addi %mul3A_1793, %add3A_1823 : i32
            %get3A_1825 = arith.index_cast %add3A_1824 : i32 to index
            %get3A_1826 = tpu.vector_load %run_scoped3A[%get3A_1825] {strides = array<i32>} : memref<40960xf32, #tpu.memory_space<vmem>>, vector<16xf32>,
            %add3A_1827 = arith.constant 112 : i32
            %add3A_1828 = arith.addi %mul3A_1793, %add3A_1827 : i32
            %get3A_1829 = arith.index_cast %add3A_1828 : i32 to index
            %get3A_1830 = tpu.vector_load %run_scoped3A[%get3A_1829] {strides = array<i32>} : memref<40960xf32, #tpu.memory_space<vmem>>, vector<16xf32>,
            %get3A_1831 = arith.index_cast %add3A_1798 : i32 to index
            %get3A_1832 = arith.constant 0 : index
            %get3A_1833 = tpu.vector_load %arg8[%get3A_1831, %get3A_1832] {strides = array<i32>} : memref<256x128xf32, #tpu.memory_space<vmem>>, vector<16xf32>,
            %get3A_1834 = arith.index_cast %add3A_1798 : i32 to index
            %get3A_1835 = arith.constant 16 : index
            %get3A_1836 = tpu.vector_load %arg8[%get3A_1834, %get3A_1835] {strides = array<i32>} : memref<256x128xf32, #tpu.memory_space<vmem>>, vector<16xf32>,
            %get3A_1837 = arith.index_cast %add3A_1798 : i32 to index
            %get3A_1838 = arith.constant 32 : index
            %get3A_1839 = tpu.vector_load %arg8[%get3A_1837, %get3A_1838] {strides = array<i32>} : memref<256x128xf32, #tpu.memory_space<vmem>>, vector<16xf32>,
            %get3A_1840 = arith.index_cast %add3A_1798 : i32 to index
            %get3A_1841 = arith.constant 48 : index
            %get3A_1842 = tpu.vector_load %arg8[%get3A_1840, %get3A_1841] {strides = array<i32>} : memref<256x128xf32, #tpu.memory_space<vmem>>, vector<16xf32>,
            %get3A_1843 = arith.index_cast %add3A_1798 : i32 to index
            %get3A_1844 = arith.constant 64 : index
            %get3A_1845 = tpu.vector_load %arg8[%get3A_1843, %get3A_1844] {strides = array<i32>} : memref<256x128xf32, #tpu.memory_space<vmem>>, vector<16xf32>,
            %get3A_1846 = arith.index_cast %add3A_1798 : i32 to index
            %get3A_1847 = arith.constant 80 : index
            %get3A_1848 = tpu.vector_load %arg8[%get3A_1846, %get3A_1847] {strides = array<i32>} : memref<256x128xf32, #tpu.memory_space<vmem>>, vector<16xf32>,
            %get3A_1849 = arith.index_cast %add3A_1798 : i32 to index
            %get3A_1850 = arith.constant 96 : index
            %get3A_1851 = tpu.vector_load %arg8[%get3A_1849, %get3A_1850] {strides = array<i32>} : memref<256x128xf32, #tpu.memory_space<vmem>>, vector<16xf32>,
            %get3A_1852 = arith.index_cast %add3A_1798 : i32 to index
            %get3A_1853 = arith.constant 112 : index
            %get3A_1854 = tpu.vector_load %arg8[%get3A_1852, %get3A_1853] {strides = array<i32>} : memref<256x128xf32, #tpu.memory_space<vmem>>, vector<16xf32>,
            %max3A_1855 = arith.maximumf %get3A_1802, %get3A_1833 : vector<16xf32>
            %add3A_1856 = arith.constant 0 : i32
            %add3A_1857 = arith.addi %mul3A_1793, %add3A_1856 : i32
            %swap3A_1858 = arith.index_cast %add3A_1857 : i32 to index
            %swap3A_1859 = tpu.vector_load %run_scoped3A[%swap3A_1858] {strides = array<i32>} : memref<40960xf32, #tpu.memory_space<vmem>>, vector<16xf32>,
            tpu.vector_store %run_scoped3A[%swap3A_1858], %max3A_1855 {strides = array<i32>} : memref<40960xf32, #tpu.memory_space<vmem>>, vector<16xf32>,
            %max3A_1860 = arith.maximumf %get3A_1806, %get3A_1836 : vector<16xf32>
            %add3A_1861 = arith.constant 16 : i32
            %add3A_1862 = arith.addi %mul3A_1793, %add3A_1861 : i32
            %swap3A_1863 = arith.index_cast %add3A_1862 : i32 to index
            %swap3A_1864 = tpu.vector_load %run_scoped3A[%swap3A_1863] {strides = array<i32>} : memref<40960xf32, #tpu.memory_space<vmem>>, vector<16xf32>,
            tpu.vector_store %run_scoped3A[%swap3A_1863], %max3A_1860 {strides = array<i32>} : memref<40960xf32, #tpu.memory_space<vmem>>, vector<16xf32>,
            %max3A_1865 = arith.maximumf %get3A_1810, %get3A_1839 : vector<16xf32>
            %add3A_1866 = arith.constant 32 : i32
            %add3A_1867 = arith.addi %mul3A_1793, %add3A_1866 : i32
            %swap3A_1868 = arith.index_cast %add3A_1867 : i32 to index
            %swap3A_1869 = tpu.vector_load %run_scoped3A[%swap3A_1868] {strides = array<i32>} : memref<40960xf32, #tpu.memory_space<vmem>>, vector<16xf32>,
            tpu.vector_store %run_scoped3A[%swap3A_1868], %max3A_1865 {strides = array<i32>} : memref<40960xf32, #tpu.memory_space<vmem>>, vector<16xf32>,
            %max3A_1870 = arith.maximumf %get3A_1814, %get3A_1842 : vector<16xf32>
            %add3A_1871 = arith.constant 48 : i32
            %add3A_1872 = arith.addi %mul3A_1793, %add3A_1871 : i32
            %swap3A_1873 = arith.index_cast %add3A_1872 : i32 to index
            %swap3A_1874 = tpu.vector_load %run_scoped3A[%swap3A_1873] {strides = array<i32>} : memref<40960xf32, #tpu.memory_space<vmem>>, vector<16xf32>,
            tpu.vector_store %run_scoped3A[%swap3A_1873], %max3A_1870 {strides = array<i32>} : memref<40960xf32, #tpu.memory_space<vmem>>, vector<16xf32>,
            %max3A_1875 = arith.maximumf %get3A_1818, %get3A_1845 : vector<16xf32>
            %add3A_1876 = arith.constant 64 : i32
            %add3A_1877 = arith.addi %mul3A_1793, %add3A_1876 : i32
            %swap3A_1878 = arith.index_cast %add3A_1877 : i32 to index
            %swap3A_1879 = tpu.vector_load %run_scoped3A[%swap3A_1878] {strides = array<i32>} : memref<40960xf32, #tpu.memory_space<vmem>>, vector<16xf32>,
            tpu.vector_store %run_scoped3A[%swap3A_1878], %max3A_1875 {strides = array<i32>} : memref<40960xf32, #tpu.memory_space<vmem>>, vector<16xf32>,
            %max3A_1880 = arith.maximumf %get3A_1822, %get3A_1848 : vector<16xf32>
            %add3A_1881 = arith.constant 80 : i32
            %add3A_1882 = arith.addi %mul3A_1793, %add3A_1881 : i32
            %swap3A_1883 = arith.index_cast %add3A_1882 : i32 to index
            %swap3A_1884 = tpu.vector_load %run_scoped3A[%swap3A_1883] {strides = array<i32>} : memref<40960xf32, #tpu.memory_space<vmem>>, vector<16xf32>,
            tpu.vector_store %run_scoped3A[%swap3A_1883], %max3A_1880 {strides = array<i32>} : memref<40960xf32, #tpu.memory_space<vmem>>, vector<16xf32>,
            %max3A_1885 = arith.maximumf %get3A_1826, %get3A_1851 : vector<16xf32>
            %add3A_1886 = arith.constant 96 : i32
            %add3A_1887 = arith.addi %mul3A_1793, %add3A_1886 : i32
            %swap3A_1888 = arith.index_cast %add3A_1887 : i32 to index
            %swap3A_1889 = tpu.vector_load %run_scoped3A[%swap3A_1888] {strides = array<i32>} : memref<40960xf32, #tpu.memory_space<vmem>>, vector<16xf32>,
            tpu.vector_store %run_scoped3A[%swap3A_1888], %max3A_1885 {strides = array<i32>} : memref<40960xf32, #tpu.memory_space<vmem>>, vector<16xf32>,
            %max3A_1890 = arith.maximumf %get3A_1830, %get3A_1854 : vector<16xf32>
            %add3A_1891 = arith.constant 112 : i32
            %add3A_1892 = arith.addi %mul3A_1793, %add3A_1891 : i32
            %swap3A_1893 = arith.index_cast %add3A_1892 : i32 to index
            %swap3A_1894 = tpu.vector_load %run_scoped3A[%swap3A_1893] {strides = array<i32>} : memref<40960xf32, #tpu.memory_space<vmem>>, vector<16xf32>,
            tpu.vector_store %run_scoped3A[%swap3A_1893], %max3A_1890 {strides = array<i32>} : memref<40960xf32, #tpu.memory_space<vmem>>, vector<16xf32>,
          }
          %scan3A_210 = arith.constant 8 : i32
        }
        %while3A_178 = arith.constant 1 : i32
        scf.for %while3A_180 = %while3A_176 to %while3A_172 step %while3A_178  : i32 {
          %rem3A_181 = arith.constant 2 : i32
          %rem3A_182 = arith.remsi %while3A_180, %rem3A_181 : i32
          %mul3A_183 = arith.constant 128 : i32
          %mul3A_184 = arith.muli %rem3A_182, %mul3A_183 : i32
          %add3A_185 = arith.constant 1 : i32
          %add3A_186 = arith.addi %while3A_180, %add3A_185 : i32
          %rem3A_187 = arith.constant 2 : i32
          %rem3A_188 = arith.remsi %add3A_186, %rem3A_187 : i32
          %mul3A_189 = arith.constant 128 : i32
          %mul3A_190 = arith.muli %rem3A_188, %mul3A_189 : i32
          %add3A_191 = arith.constant 1 : i32
          %add3A_192 = arith.addi %while3A_180, %add3A_191 : i32
          %lt3A_193 = arith.cmpi slt, %add3A_192, %select_n3A : i32
          %convert_element_type3A_194 = arith.extui %lt3A_193 : i1 to i32
          %cond3A_195 = arith.constant 0 : i32
          %cond3A_196 = arith.cmpi ne, %convert_element_type3A_194, %cond3A_195 : i32
          scf.if %cond3A_196 {
            %add3A_211 = arith.constant 1 : i32
            %add3A_212 = arith.addi %while3A_180, %add3A_211 : i32
            %mul3A_213 = arith.constant 128 : i32
            %mul3A_214 = arith.muli %add3A_212, %mul3A_213 : i32
            %dma_start3A_215 = arith.constant 0 : i32
            %dma_start3A_216 = tpu.memref_slice %arg8[%mul3A_190, %dma_start3A_215] : memref<256x128xf32, #tpu.memory_space<vmem>> -> memref<128x128xf32, #tpu.memory_space<vmem>>
            %dma_start3A_217 = tpu.memref_slice %arg6[%mul3A_214] : memref<3072xi32, #tpu.memory_space<vmem>> -> memref<128xi32, #tpu.memory_space<vmem>>
            %dma_start3A_218 = arith.constant 0 : i32
            %dma_start3A_219 = arith.constant 0 : i32
            %dma_start3A_220 = tpu.memref_slice %arg9[%dma_start3A_218, %dma_start3A_219] : memref<5120x128xf32, #tpu.memory_space<vmem_shared>> -> memref<5120x128xf32, #tpu.memory_space<vmem_shared>>
            tpu.enqueue_indirect_dma source(%dma_start3A_220 : memref<5120x128xf32, #tpu.memory_space<vmem_shared>>) target(%dma_start3A_216 : memref<128x128xf32, #tpu.memory_space<vmem>>) offsets(%dma_start3A_217 : memref<128xi32, #tpu.memory_space<vmem>>) semaphore(%arg12 : memref<!tpu.dma_semaphore, #tpu.memory_space<semaphore_mem>>)
          } else {
          }
          %mul3A_197 = arith.constant 128 : i32
          %mul3A_198 = arith.muli %while3A_180, %mul3A_197 : i32
          %dma_wait3A_199 = arith.constant 0 : i32
          %dma_wait3A_200 = tpu.memref_slice %arg8[%mul3A_184, %dma_wait3A_199] : memref<256x128xf32, #tpu.memory_space<vmem>> -> memref<128x128xf32, #tpu.memory_space<vmem>>
          %dma_wait3A_201 = tpu.memref_slice %arg6[%mul3A_198] : memref<3072xi32, #tpu.memory_space<vmem>> -> memref<128xi32, #tpu.memory_space<vmem>>
          %dma_wait3A_202 = arith.constant 0 : i32
          %dma_wait3A_203 = arith.constant 0 : i32
          %dma_wait3A_204 = tpu.memref_slice %arg9[%dma_wait3A_202, %dma_wait3A_203] : memref<5120x128xf32, #tpu.memory_space<vmem_shared>> -> memref<5120x128xf32, #tpu.memory_space<vmem_shared>>
          tpu.wait_indirect_dma semaphore(%arg12 : memref<!tpu.dma_semaphore, #tpu.memory_space<semaphore_mem>>) src(%dma_wait3A_204 : memref<5120x128xf32, #tpu.memory_space<vmem_shared>>) dst(%dma_wait3A_200 : memref<128x128xf32, #tpu.memory_space<vmem>>)
          %scan3A_205 = arith.constant 0 : i32
          %scan3A_206 = arith.constant 0 : i32
          %scan3A_207 = arith.constant 8 : i32
          %scan3A_208 = arith.addi %scan3A_206, %scan3A_207 : i32
          %scan3A_209 = arith.constant 1 : i32
          scf.for %scan3A_211 = %scan3A_206 to %scan3A_208 step %scan3A_209  : i32 {
            %mul3A_212 = arith.constant 128 : i32
            %mul3A_213 = arith.muli %while3A_180, %mul3A_212 : i32
            %mul3A_214 = arith.constant 16 : i32
            %mul3A_215 = arith.muli %scan3A_211, %mul3A_214 : i32
            %add3A_216 = arith.addi %mul3A_213, %mul3A_215 : i32
            %get3A = arith.index_cast %add3A_216 : i32 to index
            %get3A_217 = tpu.vector_load %arg7[%get3A] {strides = array<i32>} : memref<3072xi32, #tpu.memory_space<vmem>>, vector<16xi32>,
            %slice3A = vector.extract_strided_slice %get3A_217 {offsets = [0], sizes = [1], strides = [1]} : vector<16xi32> to vector<1xi32>
            %squeeze3A = vector.extract %slice3A[0] : i32 from vector<1xi32>
            %mul3A_218 = arith.constant 128 : i32
            %mul3A_219 = arith.muli %squeeze3A, %mul3A_218 : i32
            %mul3A_220 = arith.constant 16 : i32
            %mul3A_221 = arith.muli %scan3A_211, %mul3A_220 : i32
            %add3A_222 = arith.addi %mul3A_184, %mul3A_221 : i32
            %add3A_223 = arith.constant 0 : i32
            %add3A_224 = arith.addi %add3A_222, %add3A_223 : i32
            %add3A_225 = arith.constant 0 : i32
            %add3A_226 = arith.addi %mul3A_219, %add3A_225 : i32
            %get3A_227 = arith.index_cast %add3A_226 : i32 to index
            %get3A_228 = tpu.vector_load %run_scoped3A[%get3A_227] {strides = array<i32>} : memref<40960xf32, #tpu.memory_space<vmem>>, vector<16xf32>,
            %add3A_229 = arith.constant 16 : i32
            %add3A_230 = arith.addi %mul3A_219, %add3A_229 : i32
            %get3A_231 = arith.index_cast %add3A_230 : i32 to index
            %get3A_232 = tpu.vector_load %run_scoped3A[%get3A_231] {strides = array<i32>} : memref<40960xf32, #tpu.memory_space<vmem>>, vector<16xf32>,
            %add3A_233 = arith.constant 32 : i32
            %add3A_234 = arith.addi %mul3A_219, %add3A_233 : i32
            %get3A_235 = arith.index_cast %add3A_234 : i32 to index
            %get3A_236 = tpu.vector_load %run_scoped3A[%get3A_235] {strides = array<i32>} : memref<40960xf32, #tpu.memory_space<vmem>>, vector<16xf32>,
            %add3A_237 = arith.constant 48 : i32
            %add3A_238 = arith.addi %mul3A_219, %add3A_237 : i32
            %get3A_239 = arith.index_cast %add3A_238 : i32 to index
            %get3A_240 = tpu.vector_load %run_scoped3A[%get3A_239] {strides = array<i32>} : memref<40960xf32, #tpu.memory_space<vmem>>, vector<16xf32>,
            %add3A_241 = arith.constant 64 : i32
            %add3A_242 = arith.addi %mul3A_219, %add3A_241 : i32
            %get3A_243 = arith.index_cast %add3A_242 : i32 to index
            %get3A_244 = tpu.vector_load %run_scoped3A[%get3A_243] {strides = array<i32>} : memref<40960xf32, #tpu.memory_space<vmem>>, vector<16xf32>,
            %add3A_245 = arith.constant 80 : i32
            %add3A_246 = arith.addi %mul3A_219, %add3A_245 : i32
            %get3A_247 = arith.index_cast %add3A_246 : i32 to index
            %get3A_248 = tpu.vector_load %run_scoped3A[%get3A_247] {strides = array<i32>} : memref<40960xf32, #tpu.memory_space<vmem>>, vector<16xf32>,
            %add3A_249 = arith.constant 96 : i32
            %add3A_250 = arith.addi %mul3A_219, %add3A_249 : i32
            %get3A_251 = arith.index_cast %add3A_250 : i32 to index
            %get3A_252 = tpu.vector_load %run_scoped3A[%get3A_251] {strides = array<i32>} : memref<40960xf32, #tpu.memory_space<vmem>>, vector<16xf32>,
            %add3A_253 = arith.constant 112 : i32
            %add3A_254 = arith.addi %mul3A_219, %add3A_253 : i32
            %get3A_255 = arith.index_cast %add3A_254 : i32 to index
            %get3A_256 = tpu.vector_load %run_scoped3A[%get3A_255] {strides = array<i32>} : memref<40960xf32, #tpu.memory_space<vmem>>, vector<16xf32>,
            %get3A_257 = arith.index_cast %add3A_224 : i32 to index
            %get3A_258 = arith.constant 0 : index
            %get3A_259 = tpu.vector_load %arg8[%get3A_257, %get3A_258] {strides = array<i32>} : memref<256x128xf32, #tpu.memory_space<vmem>>, vector<16xf32>,
            %get3A_260 = arith.index_cast %add3A_224 : i32 to index
            %get3A_261 = arith.constant 16 : index
            %get3A_262 = tpu.vector_load %arg8[%get3A_260, %get3A_261] {strides = array<i32>} : memref<256x128xf32, #tpu.memory_space<vmem>>, vector<16xf32>,
            %get3A_263 = arith.index_cast %add3A_224 : i32 to index
            %get3A_264 = arith.constant 32 : index
            %get3A_265 = tpu.vector_load %arg8[%get3A_263, %get3A_264] {strides = array<i32>} : memref<256x128xf32, #tpu.memory_space<vmem>>, vector<16xf32>,
            %get3A_266 = arith.index_cast %add3A_224 : i32 to index
            %get3A_267 = arith.constant 48 : index
            %get3A_268 = tpu.vector_load %arg8[%get3A_266, %get3A_267] {strides = array<i32>} : memref<256x128xf32, #tpu.memory_space<vmem>>, vector<16xf32>,
            %get3A_269 = arith.index_cast %add3A_224 : i32 to index
            %get3A_270 = arith.constant 64 : index
            %get3A_271 = tpu.vector_load %arg8[%get3A_269, %get3A_270] {strides = array<i32>} : memref<256x128xf32, #tpu.memory_space<vmem>>, vector<16xf32>,
            %get3A_272 = arith.index_cast %add3A_224 : i32 to index
            %get3A_273 = arith.constant 80 : index
            %get3A_274 = tpu.vector_load %arg8[%get3A_272, %get3A_273] {strides = array<i32>} : memref<256x128xf32, #tpu.memory_space<vmem>>, vector<16xf32>,
            %get3A_275 = arith.index_cast %add3A_224 : i32 to index
            %get3A_276 = arith.constant 96 : index
            %get3A_277 = tpu.vector_load %arg8[%get3A_275, %get3A_276] {strides = array<i32>} : memref<256x128xf32, #tpu.memory_space<vmem>>, vector<16xf32>,
            %get3A_278 = arith.index_cast %add3A_224 : i32 to index
            %get3A_279 = arith.constant 112 : index
            %get3A_280 = tpu.vector_load %arg8[%get3A_278, %get3A_279] {strides = array<i32>} : memref<256x128xf32, #tpu.memory_space<vmem>>, vector<16xf32>,
            %max3A = arith.maximumf %get3A_228, %get3A_259 : vector<16xf32>
            %add3A_281 = arith.constant 0 : i32
            %add3A_282 = arith.addi %mul3A_219, %add3A_281 : i32
            %swap3A_283 = arith.index_cast %add3A_282 : i32 to index
            %swap3A_284 = tpu.vector_load %run_scoped3A[%swap3A_283] {strides = array<i32>} : memref<40960xf32, #tpu.memory_space<vmem>>, vector<16xf32>,
            tpu.vector_store %run_scoped3A[%swap3A_283], %max3A {strides = array<i32>} : memref<40960xf32, #tpu.memory_space<vmem>>, vector<16xf32>,
            %max3A_285 = arith.maximumf %get3A_232, %get3A_262 : vector<16xf32>
            %add3A_286 = arith.constant 16 : i32
            %add3A_287 = arith.addi %mul3A_219, %add3A_286 : i32
            %swap3A_288 = arith.index_cast %add3A_287 : i32 to index
            %swap3A_289 = tpu.vector_load %run_scoped3A[%swap3A_288] {strides = array<i32>} : memref<40960xf32, #tpu.memory_space<vmem>>, vector<16xf32>,
            tpu.vector_store %run_scoped3A[%swap3A_288], %max3A_285 {strides = array<i32>} : memref<40960xf32, #tpu.memory_space<vmem>>, vector<16xf32>,
            %max3A_290 = arith.maximumf %get3A_236, %get3A_265 : vector<16xf32>
            %add3A_291 = arith.constant 32 : i32
            %add3A_292 = arith.addi %mul3A_219, %add3A_291 : i32
            %swap3A_293 = arith.index_cast %add3A_292 : i32 to index
            %swap3A_294 = tpu.vector_load %run_scoped3A[%swap3A_293] {strides = array<i32>} : memref<40960xf32, #tpu.memory_space<vmem>>, vector<16xf32>,
            tpu.vector_store %run_scoped3A[%swap3A_293], %max3A_290 {strides = array<i32>} : memref<40960xf32, #tpu.memory_space<vmem>>, vector<16xf32>,
            %max3A_295 = arith.maximumf %get3A_240, %get3A_268 : vector<16xf32>
            %add3A_296 = arith.constant 48 : i32
            %add3A_297 = arith.addi %mul3A_219, %add3A_296 : i32
            %swap3A_298 = arith.index_cast %add3A_297 : i32 to index
            %swap3A_299 = tpu.vector_load %run_scoped3A[%swap3A_298] {strides = array<i32>} : memref<40960xf32, #tpu.memory_space<vmem>>, vector<16xf32>,
            tpu.vector_store %run_scoped3A[%swap3A_298], %max3A_295 {strides = array<i32>} : memref<40960xf32, #tpu.memory_space<vmem>>, vector<16xf32>,
            %max3A_300 = arith.maximumf %get3A_244, %get3A_271 : vector<16xf32>
            %add3A_301 = arith.constant 64 : i32
            %add3A_302 = arith.addi %mul3A_219, %add3A_301 : i32
            %swap3A_303 = arith.index_cast %add3A_302 : i32 to index
            %swap3A_304 = tpu.vector_load %run_scoped3A[%swap3A_303] {strides = array<i32>} : memref<40960xf32, #tpu.memory_space<vmem>>, vector<16xf32>,
            tpu.vector_store %run_scoped3A[%swap3A_303], %max3A_300 {strides = array<i32>} : memref<40960xf32, #tpu.memory_space<vmem>>, vector<16xf32>,
            %max3A_305 = arith.maximumf %get3A_248, %get3A_274 : vector<16xf32>
            %add3A_306 = arith.constant 80 : i32
            %add3A_307 = arith.addi %mul3A_219, %add3A_306 : i32
            %swap3A_308 = arith.index_cast %add3A_307 : i32 to index
            %swap3A_309 = tpu.vector_load %run_scoped3A[%swap3A_308] {strides = array<i32>} : memref<40960xf32, #tpu.memory_space<vmem>>, vector<16xf32>,
            tpu.vector_store %run_scoped3A[%swap3A_308], %max3A_305 {strides = array<i32>} : memref<40960xf32, #tpu.memory_space<vmem>>, vector<16xf32>,
            %max3A_310 = arith.maximumf %get3A_252, %get3A_277 : vector<16xf32>
            %add3A_311 = arith.constant 96 : i32
            %add3A_312 = arith.addi %mul3A_219, %add3A_311 : i32
            %swap3A_313 = arith.index_cast %add3A_312 : i32 to index
            %swap3A_314 = tpu.vector_load %run_scoped3A[%swap3A_313] {strides = array<i32>} : memref<40960xf32, #tpu.memory_space<vmem>>, vector<16xf32>,
            tpu.vector_store %run_scoped3A[%swap3A_313], %max3A_310 {strides = array<i32>} : memref<40960xf32, #tpu.memory_space<vmem>>, vector<16xf32>,
            %max3A_315 = arith.maximumf %get3A_256, %get3A_280 : vector<16xf32>
            %add3A_316 = arith.constant 112 : i32
            %add3A_317 = arith.addi %mul3A_219, %add3A_316 : i32
            %swap3A_318 = arith.index_cast %add3A_317 : i32 to index
            %swap3A_319 = tpu.vector_load %run_scoped3A[%swap3A_318] {strides = array<i32>} : memref<40960xf32, #tpu.memory_space<vmem>>, vector<16xf32>,
            tpu.vector_store %run_scoped3A[%swap3A_318], %max3A_315 {strides = array<i32>} : memref<40960xf32, #tpu.memory_space<vmem>>, vector<16xf32>,
            %slice3A_320 = vector.extract_strided_slice %get3A_217 {offsets = [1], sizes = [1], strides = [1]} : vector<16xi32> to vector<1xi32>
            %squeeze3A_321 = vector.extract %slice3A_320[0] : i32 from vector<1xi32>
            %mul3A_322 = arith.constant 128 : i32
            %mul3A_323 = arith.muli %squeeze3A_321, %mul3A_322 : i32
            %mul3A_324 = arith.constant 16 : i32
            %mul3A_325 = arith.muli %scan3A_211, %mul3A_324 : i32
            %add3A_326 = arith.addi %mul3A_184, %mul3A_325 : i32
            %add3A_327 = arith.constant 1 : i32
            %add3A_328 = arith.addi %add3A_326, %add3A_327 : i32
            %add3A_329 = arith.constant 0 : i32
            %add3A_330 = arith.addi %mul3A_323, %add3A_329 : i32
            %get3A_331 = arith.index_cast %add3A_330 : i32 to index
            %get3A_332 = tpu.vector_load %run_scoped3A[%get3A_331] {strides = array<i32>} : memref<40960xf32, #tpu.memory_space<vmem>>, vector<16xf32>,
            %add3A_333 = arith.constant 16 : i32
            %add3A_334 = arith.addi %mul3A_323, %add3A_333 : i32
            %get3A_335 = arith.index_cast %add3A_334 : i32 to index
            %get3A_336 = tpu.vector_load %run_scoped3A[%get3A_335] {strides = array<i32>} : memref<40960xf32, #tpu.memory_space<vmem>>, vector<16xf32>,
            %add3A_337 = arith.constant 32 : i32
            %add3A_338 = arith.addi %mul3A_323, %add3A_337 : i32
            %get3A_339 = arith.index_cast %add3A_338 : i32 to index
            %get3A_340 = tpu.vector_load %run_scoped3A[%get3A_339] {strides = array<i32>} : memref<40960xf32, #tpu.memory_space<vmem>>, vector<16xf32>,
            %add3A_341 = arith.constant 48 : i32
            %add3A_342 = arith.addi %mul3A_323, %add3A_341 : i32
            %get3A_343 = arith.index_cast %add3A_342 : i32 to index
            %get3A_344 = tpu.vector_load %run_scoped3A[%get3A_343] {strides = array<i32>} : memref<40960xf32, #tpu.memory_space<vmem>>, vector<16xf32>,
            %add3A_345 = arith.constant 64 : i32
            %add3A_346 = arith.addi %mul3A_323, %add3A_345 : i32
            %get3A_347 = arith.index_cast %add3A_346 : i32 to index
            %get3A_348 = tpu.vector_load %run_scoped3A[%get3A_347] {strides = array<i32>} : memref<40960xf32, #tpu.memory_space<vmem>>, vector<16xf32>,
            %add3A_349 = arith.constant 80 : i32
            %add3A_350 = arith.addi %mul3A_323, %add3A_349 : i32
            %get3A_351 = arith.index_cast %add3A_350 : i32 to index
            %get3A_352 = tpu.vector_load %run_scoped3A[%get3A_351] {strides = array<i32>} : memref<40960xf32, #tpu.memory_space<vmem>>, vector<16xf32>,
            %add3A_353 = arith.constant 96 : i32
            %add3A_354 = arith.addi %mul3A_323, %add3A_353 : i32
            %get3A_355 = arith.index_cast %add3A_354 : i32 to index
            %get3A_356 = tpu.vector_load %run_scoped3A[%get3A_355] {strides = array<i32>} : memref<40960xf32, #tpu.memory_space<vmem>>, vector<16xf32>,
            %add3A_357 = arith.constant 112 : i32
            %add3A_358 = arith.addi %mul3A_323, %add3A_357 : i32
            %get3A_359 = arith.index_cast %add3A_358 : i32 to index
            %get3A_360 = tpu.vector_load %run_scoped3A[%get3A_359] {strides = array<i32>} : memref<40960xf32, #tpu.memory_space<vmem>>, vector<16xf32>,
            %get3A_361 = arith.index_cast %add3A_328 : i32 to index
            %get3A_362 = arith.constant 0 : index
            %get3A_363 = tpu.vector_load %arg8[%get3A_361, %get3A_362] {strides = array<i32>} : memref<256x128xf32, #tpu.memory_space<vmem>>, vector<16xf32>,
            %get3A_364 = arith.index_cast %add3A_328 : i32 to index
            %get3A_365 = arith.constant 16 : index
            %get3A_366 = tpu.vector_load %arg8[%get3A_364, %get3A_365] {strides = array<i32>} : memref<256x128xf32, #tpu.memory_space<vmem>>, vector<16xf32>,
            %get3A_367 = arith.index_cast %add3A_328 : i32 to index
            %get3A_368 = arith.constant 32 : index
            %get3A_369 = tpu.vector_load %arg8[%get3A_367, %get3A_368] {strides = array<i32>} : memref<256x128xf32, #tpu.memory_space<vmem>>, vector<16xf32>,
            %get3A_370 = arith.index_cast %add3A_328 : i32 to index
            %get3A_371 = arith.constant 48 : index
            %get3A_372 = tpu.vector_load %arg8[%get3A_370, %get3A_371] {strides = array<i32>} : memref<256x128xf32, #tpu.memory_space<vmem>>, vector<16xf32>,
            %get3A_373 = arith.index_cast %add3A_328 : i32 to index
            %get3A_374 = arith.constant 64 : index
            %get3A_375 = tpu.vector_load %arg8[%get3A_373, %get3A_374] {strides = array<i32>} : memref<256x128xf32, #tpu.memory_space<vmem>>, vector<16xf32>,
            %get3A_376 = arith.index_cast %add3A_328 : i32 to index
            %get3A_377 = arith.constant 80 : index
            %get3A_378 = tpu.vector_load %arg8[%get3A_376, %get3A_377] {strides = array<i32>} : memref<256x128xf32, #tpu.memory_space<vmem>>, vector<16xf32>,
            %get3A_379 = arith.index_cast %add3A_328 : i32 to index
            %get3A_380 = arith.constant 96 : index
            %get3A_381 = tpu.vector_load %arg8[%get3A_379, %get3A_380] {strides = array<i32>} : memref<256x128xf32, #tpu.memory_space<vmem>>, vector<16xf32>,
            %get3A_382 = arith.index_cast %add3A_328 : i32 to index
            %get3A_383 = arith.constant 112 : index
            %get3A_384 = tpu.vector_load %arg8[%get3A_382, %get3A_383] {strides = array<i32>} : memref<256x128xf32, #tpu.memory_space<vmem>>, vector<16xf32>,
            %max3A_385 = arith.maximumf %get3A_332, %get3A_363 : vector<16xf32>
            %add3A_386 = arith.constant 0 : i32
            %add3A_387 = arith.addi %mul3A_323, %add3A_386 : i32
            %swap3A_388 = arith.index_cast %add3A_387 : i32 to index
            %swap3A_389 = tpu.vector_load %run_scoped3A[%swap3A_388] {strides = array<i32>} : memref<40960xf32, #tpu.memory_space<vmem>>, vector<16xf32>,
            tpu.vector_store %run_scoped3A[%swap3A_388], %max3A_385 {strides = array<i32>} : memref<40960xf32, #tpu.memory_space<vmem>>, vector<16xf32>,
            %max3A_390 = arith.maximumf %get3A_336, %get3A_366 : vector<16xf32>
            %add3A_391 = arith.constant 16 : i32
            %add3A_392 = arith.addi %mul3A_323, %add3A_391 : i32
            %swap3A_393 = arith.index_cast %add3A_392 : i32 to index
            %swap3A_394 = tpu.vector_load %run_scoped3A[%swap3A_393] {strides = array<i32>} : memref<40960xf32, #tpu.memory_space<vmem>>, vector<16xf32>,
            tpu.vector_store %run_scoped3A[%swap3A_393], %max3A_390 {strides = array<i32>} : memref<40960xf32, #tpu.memory_space<vmem>>, vector<16xf32>,
            %max3A_395 = arith.maximumf %get3A_340, %get3A_369 : vector<16xf32>
            %add3A_396 = arith.constant 32 : i32
            %add3A_397 = arith.addi %mul3A_323, %add3A_396 : i32
            %swap3A_398 = arith.index_cast %add3A_397 : i32 to index
            %swap3A_399 = tpu.vector_load %run_scoped3A[%swap3A_398] {strides = array<i32>} : memref<40960xf32, #tpu.memory_space<vmem>>, vector<16xf32>,
            tpu.vector_store %run_scoped3A[%swap3A_398], %max3A_395 {strides = array<i32>} : memref<40960xf32, #tpu.memory_space<vmem>>, vector<16xf32>,
            %max3A_400 = arith.maximumf %get3A_344, %get3A_372 : vector<16xf32>
            %add3A_401 = arith.constant 48 : i32
            %add3A_402 = arith.addi %mul3A_323, %add3A_401 : i32
            %swap3A_403 = arith.index_cast %add3A_402 : i32 to index
            %swap3A_404 = tpu.vector_load %run_scoped3A[%swap3A_403] {strides = array<i32>} : memref<40960xf32, #tpu.memory_space<vmem>>, vector<16xf32>,
            tpu.vector_store %run_scoped3A[%swap3A_403], %max3A_400 {strides = array<i32>} : memref<40960xf32, #tpu.memory_space<vmem>>, vector<16xf32>,
            %max3A_405 = arith.maximumf %get3A_348, %get3A_375 : vector<16xf32>
            %add3A_406 = arith.constant 64 : i32
            %add3A_407 = arith.addi %mul3A_323, %add3A_406 : i32
            %swap3A_408 = arith.index_cast %add3A_407 : i32 to index
            %swap3A_409 = tpu.vector_load %run_scoped3A[%swap3A_408] {strides = array<i32>} : memref<40960xf32, #tpu.memory_space<vmem>>, vector<16xf32>,
            tpu.vector_store %run_scoped3A[%swap3A_408], %max3A_405 {strides = array<i32>} : memref<40960xf32, #tpu.memory_space<vmem>>, vector<16xf32>,
            %max3A_410 = arith.maximumf %get3A_352, %get3A_378 : vector<16xf32>
            %add3A_411 = arith.constant 80 : i32
            %add3A_412 = arith.addi %mul3A_323, %add3A_411 : i32
            %swap3A_413 = arith.index_cast %add3A_412 : i32 to index
            %swap3A_414 = tpu.vector_load %run_scoped3A[%swap3A_413] {strides = array<i32>} : memref<40960xf32, #tpu.memory_space<vmem>>, vector<16xf32>,
            tpu.vector_store %run_scoped3A[%swap3A_413], %max3A_410 {strides = array<i32>} : memref<40960xf32, #tpu.memory_space<vmem>>, vector<16xf32>,
            %max3A_415 = arith.maximumf %get3A_356, %get3A_381 : vector<16xf32>
            %add3A_416 = arith.constant 96 : i32
            %add3A_417 = arith.addi %mul3A_323, %add3A_416 : i32
            %swap3A_418 = arith.index_cast %add3A_417 : i32 to index
            %swap3A_419 = tpu.vector_load %run_scoped3A[%swap3A_418] {strides = array<i32>} : memref<40960xf32, #tpu.memory_space<vmem>>, vector<16xf32>,
            tpu.vector_store %run_scoped3A[%swap3A_418], %max3A_415 {strides = array<i32>} : memref<40960xf32, #tpu.memory_space<vmem>>, vector<16xf32>,
            %max3A_420 = arith.maximumf %get3A_360, %get3A_384 : vector<16xf32>
            %add3A_421 = arith.constant 112 : i32
            %add3A_422 = arith.addi %mul3A_323, %add3A_421 : i32
            %swap3A_423 = arith.index_cast %add3A_422 : i32 to index
            %swap3A_424 = tpu.vector_load %run_scoped3A[%swap3A_423] {strides = array<i32>} : memref<40960xf32, #tpu.memory_space<vmem>>, vector<16xf32>,
            tpu.vector_store %run_scoped3A[%swap3A_423], %max3A_420 {strides = array<i32>} : memref<40960xf32, #tpu.memory_space<vmem>>, vector<16xf32>,
            %slice3A_425 = vector.extract_strided_slice %get3A_217 {offsets = [2], sizes = [1], strides = [1]} : vector<16xi32> to vector<1xi32>
            %squeeze3A_426 = vector.extract %slice3A_425[0] : i32 from vector<1xi32>
            %mul3A_427 = arith.constant 128 : i32
            %mul3A_428 = arith.muli %squeeze3A_426, %mul3A_427 : i32
            %mul3A_429 = arith.constant 16 : i32
            %mul3A_430 = arith.muli %scan3A_211, %mul3A_429 : i32
            %add3A_431 = arith.addi %mul3A_184, %mul3A_430 : i32
            %add3A_432 = arith.constant 2 : i32
            %add3A_433 = arith.addi %add3A_431, %add3A_432 : i32
            %add3A_434 = arith.constant 0 : i32
            %add3A_435 = arith.addi %mul3A_428, %add3A_434 : i32
            %get3A_436 = arith.index_cast %add3A_435 : i32 to index
            %get3A_437 = tpu.vector_load %run_scoped3A[%get3A_436] {strides = array<i32>} : memref<40960xf32, #tpu.memory_space<vmem>>, vector<16xf32>,
            %add3A_438 = arith.constant 16 : i32
            %add3A_439 = arith.addi %mul3A_428, %add3A_438 : i32
            %get3A_440 = arith.index_cast %add3A_439 : i32 to index
            %get3A_441 = tpu.vector_load %run_scoped3A[%get3A_440] {strides = array<i32>} : memref<40960xf32, #tpu.memory_space<vmem>>, vector<16xf32>,
            %add3A_442 = arith.constant 32 : i32
            %add3A_443 = arith.addi %mul3A_428, %add3A_442 : i32
            %get3A_444 = arith.index_cast %add3A_443 : i32 to index
            %get3A_445 = tpu.vector_load %run_scoped3A[%get3A_444] {strides = array<i32>} : memref<40960xf32, #tpu.memory_space<vmem>>, vector<16xf32>,
            %add3A_446 = arith.constant 48 : i32
            %add3A_447 = arith.addi %mul3A_428, %add3A_446 : i32
            %get3A_448 = arith.index_cast %add3A_447 : i32 to index
            %get3A_449 = tpu.vector_load %run_scoped3A[%get3A_448] {strides = array<i32>} : memref<40960xf32, #tpu.memory_space<vmem>>, vector<16xf32>,
            %add3A_450 = arith.constant 64 : i32
            %add3A_451 = arith.addi %mul3A_428, %add3A_450 : i32
            %get3A_452 = arith.index_cast %add3A_451 : i32 to index
            %get3A_453 = tpu.vector_load %run_scoped3A[%get3A_452] {strides = array<i32>} : memref<40960xf32, #tpu.memory_space<vmem>>, vector<16xf32>,
            %add3A_454 = arith.constant 80 : i32
            %add3A_455 = arith.addi %mul3A_428, %add3A_454 : i32
            %get3A_456 = arith.index_cast %add3A_455 : i32 to index
            %get3A_457 = tpu.vector_load %run_scoped3A[%get3A_456] {strides = array<i32>} : memref<40960xf32, #tpu.memory_space<vmem>>, vector<16xf32>,
            %add3A_458 = arith.constant 96 : i32
            %add3A_459 = arith.addi %mul3A_428, %add3A_458 : i32
            %get3A_460 = arith.index_cast %add3A_459 : i32 to index
            %get3A_461 = tpu.vector_load %run_scoped3A[%get3A_460] {strides = array<i32>} : memref<40960xf32, #tpu.memory_space<vmem>>, vector<16xf32>,
            %add3A_462 = arith.constant 112 : i32
            %add3A_463 = arith.addi %mul3A_428, %add3A_462 : i32
            %get3A_464 = arith.index_cast %add3A_463 : i32 to index
            %get3A_465 = tpu.vector_load %run_scoped3A[%get3A_464] {strides = array<i32>} : memref<40960xf32, #tpu.memory_space<vmem>>, vector<16xf32>,
            %get3A_466 = arith.index_cast %add3A_433 : i32 to index
            %get3A_467 = arith.constant 0 : index
            %get3A_468 = tpu.vector_load %arg8[%get3A_466, %get3A_467] {strides = array<i32>} : memref<256x128xf32, #tpu.memory_space<vmem>>, vector<16xf32>,
            %get3A_469 = arith.index_cast %add3A_433 : i32 to index
            %get3A_470 = arith.constant 16 : index
            %get3A_471 = tpu.vector_load %arg8[%get3A_469, %get3A_470] {strides = array<i32>} : memref<256x128xf32, #tpu.memory_space<vmem>>, vector<16xf32>,
            %get3A_472 = arith.index_cast %add3A_433 : i32 to index
            %get3A_473 = arith.constant 32 : index
            %get3A_474 = tpu.vector_load %arg8[%get3A_472, %get3A_473] {strides = array<i32>} : memref<256x128xf32, #tpu.memory_space<vmem>>, vector<16xf32>,
            %get3A_475 = arith.index_cast %add3A_433 : i32 to index
            %get3A_476 = arith.constant 48 : index
            %get3A_477 = tpu.vector_load %arg8[%get3A_475, %get3A_476] {strides = array<i32>} : memref<256x128xf32, #tpu.memory_space<vmem>>, vector<16xf32>,
            %get3A_478 = arith.index_cast %add3A_433 : i32 to index
            %get3A_479 = arith.constant 64 : index
            %get3A_480 = tpu.vector_load %arg8[%get3A_478, %get3A_479] {strides = array<i32>} : memref<256x128xf32, #tpu.memory_space<vmem>>, vector<16xf32>,
            %get3A_481 = arith.index_cast %add3A_433 : i32 to index
            %get3A_482 = arith.constant 80 : index
            %get3A_483 = tpu.vector_load %arg8[%get3A_481, %get3A_482] {strides = array<i32>} : memref<256x128xf32, #tpu.memory_space<vmem>>, vector<16xf32>,
            %get3A_484 = arith.index_cast %add3A_433 : i32 to index
            %get3A_485 = arith.constant 96 : index
            %get3A_486 = tpu.vector_load %arg8[%get3A_484, %get3A_485] {strides = array<i32>} : memref<256x128xf32, #tpu.memory_space<vmem>>, vector<16xf32>,
            %get3A_487 = arith.index_cast %add3A_433 : i32 to index
            %get3A_488 = arith.constant 112 : index
            %get3A_489 = tpu.vector_load %arg8[%get3A_487, %get3A_488] {strides = array<i32>} : memref<256x128xf32, #tpu.memory_space<vmem>>, vector<16xf32>,
            %max3A_490 = arith.maximumf %get3A_437, %get3A_468 : vector<16xf32>
            %add3A_491 = arith.constant 0 : i32
            %add3A_492 = arith.addi %mul3A_428, %add3A_491 : i32
            %swap3A_493 = arith.index_cast %add3A_492 : i32 to index
            %swap3A_494 = tpu.vector_load %run_scoped3A[%swap3A_493] {strides = array<i32>} : memref<40960xf32, #tpu.memory_space<vmem>>, vector<16xf32>,
            tpu.vector_store %run_scoped3A[%swap3A_493], %max3A_490 {strides = array<i32>} : memref<40960xf32, #tpu.memory_space<vmem>>, vector<16xf32>,
            %max3A_495 = arith.maximumf %get3A_441, %get3A_471 : vector<16xf32>
            %add3A_496 = arith.constant 16 : i32
            %add3A_497 = arith.addi %mul3A_428, %add3A_496 : i32
            %swap3A_498 = arith.index_cast %add3A_497 : i32 to index
            %swap3A_499 = tpu.vector_load %run_scoped3A[%swap3A_498] {strides = array<i32>} : memref<40960xf32, #tpu.memory_space<vmem>>, vector<16xf32>,
            tpu.vector_store %run_scoped3A[%swap3A_498], %max3A_495 {strides = array<i32>} : memref<40960xf32, #tpu.memory_space<vmem>>, vector<16xf32>,
            %max3A_500 = arith.maximumf %get3A_445, %get3A_474 : vector<16xf32>
            %add3A_501 = arith.constant 32 : i32
            %add3A_502 = arith.addi %mul3A_428, %add3A_501 : i32
            %swap3A_503 = arith.index_cast %add3A_502 : i32 to index
            %swap3A_504 = tpu.vector_load %run_scoped3A[%swap3A_503] {strides = array<i32>} : memref<40960xf32, #tpu.memory_space<vmem>>, vector<16xf32>,
            tpu.vector_store %run_scoped3A[%swap3A_503], %max3A_500 {strides = array<i32>} : memref<40960xf32, #tpu.memory_space<vmem>>, vector<16xf32>,
            %max3A_505 = arith.maximumf %get3A_449, %get3A_477 : vector<16xf32>
            %add3A_506 = arith.constant 48 : i32
            %add3A_507 = arith.addi %mul3A_428, %add3A_506 : i32
            %swap3A_508 = arith.index_cast %add3A_507 : i32 to index
            %swap3A_509 = tpu.vector_load %run_scoped3A[%swap3A_508] {strides = array<i32>} : memref<40960xf32, #tpu.memory_space<vmem>>, vector<16xf32>,
            tpu.vector_store %run_scoped3A[%swap3A_508], %max3A_505 {strides = array<i32>} : memref<40960xf32, #tpu.memory_space<vmem>>, vector<16xf32>,
            %max3A_510 = arith.maximumf %get3A_453, %get3A_480 : vector<16xf32>
            %add3A_511 = arith.constant 64 : i32
            %add3A_512 = arith.addi %mul3A_428, %add3A_511 : i32
            %swap3A_513 = arith.index_cast %add3A_512 : i32 to index
            %swap3A_514 = tpu.vector_load %run_scoped3A[%swap3A_513] {strides = array<i32>} : memref<40960xf32, #tpu.memory_space<vmem>>, vector<16xf32>,
            tpu.vector_store %run_scoped3A[%swap3A_513], %max3A_510 {strides = array<i32>} : memref<40960xf32, #tpu.memory_space<vmem>>, vector<16xf32>,
            %max3A_515 = arith.maximumf %get3A_457, %get3A_483 : vector<16xf32>
            %add3A_516 = arith.constant 80 : i32
            %add3A_517 = arith.addi %mul3A_428, %add3A_516 : i32
            %swap3A_518 = arith.index_cast %add3A_517 : i32 to index
            %swap3A_519 = tpu.vector_load %run_scoped3A[%swap3A_518] {strides = array<i32>} : memref<40960xf32, #tpu.memory_space<vmem>>, vector<16xf32>,
            tpu.vector_store %run_scoped3A[%swap3A_518], %max3A_515 {strides = array<i32>} : memref<40960xf32, #tpu.memory_space<vmem>>, vector<16xf32>,
            %max3A_520 = arith.maximumf %get3A_461, %get3A_486 : vector<16xf32>
            %add3A_521 = arith.constant 96 : i32
            %add3A_522 = arith.addi %mul3A_428, %add3A_521 : i32
            %swap3A_523 = arith.index_cast %add3A_522 : i32 to index
            %swap3A_524 = tpu.vector_load %run_scoped3A[%swap3A_523] {strides = array<i32>} : memref<40960xf32, #tpu.memory_space<vmem>>, vector<16xf32>,
            tpu.vector_store %run_scoped3A[%swap3A_523], %max3A_520 {strides = array<i32>} : memref<40960xf32, #tpu.memory_space<vmem>>, vector<16xf32>,
            %max3A_525 = arith.maximumf %get3A_465, %get3A_489 : vector<16xf32>
            %add3A_526 = arith.constant 112 : i32
            %add3A_527 = arith.addi %mul3A_428, %add3A_526 : i32
            %swap3A_528 = arith.index_cast %add3A_527 : i32 to index
            %swap3A_529 = tpu.vector_load %run_scoped3A[%swap3A_528] {strides = array<i32>} : memref<40960xf32, #tpu.memory_space<vmem>>, vector<16xf32>,
            tpu.vector_store %run_scoped3A[%swap3A_528], %max3A_525 {strides = array<i32>} : memref<40960xf32, #tpu.memory_space<vmem>>, vector<16xf32>,
            %slice3A_530 = vector.extract_strided_slice %get3A_217 {offsets = [3], sizes = [1], strides = [1]} : vector<16xi32> to vector<1xi32>
            %squeeze3A_531 = vector.extract %slice3A_530[0] : i32 from vector<1xi32>
            %mul3A_532 = arith.constant 128 : i32
            %mul3A_533 = arith.muli %squeeze3A_531, %mul3A_532 : i32
            %mul3A_534 = arith.constant 16 : i32
            %mul3A_535 = arith.muli %scan3A_211, %mul3A_534 : i32
            %add3A_536 = arith.addi %mul3A_184, %mul3A_535 : i32
            %add3A_537 = arith.constant 3 : i32
            %add3A_538 = arith.addi %add3A_536, %add3A_537 : i32
            %add3A_539 = arith.constant 0 : i32
            %add3A_540 = arith.addi %mul3A_533, %add3A_539 : i32
            %get3A_541 = arith.index_cast %add3A_540 : i32 to index
            %get3A_542 = tpu.vector_load %run_scoped3A[%get3A_541] {strides = array<i32>} : memref<40960xf32, #tpu.memory_space<vmem>>, vector<16xf32>,
            %add3A_543 = arith.constant 16 : i32
            %add3A_544 = arith.addi %mul3A_533, %add3A_543 : i32
            %get3A_545 = arith.index_cast %add3A_544 : i32 to index
            %get3A_546 = tpu.vector_load %run_scoped3A[%get3A_545] {strides = array<i32>} : memref<40960xf32, #tpu.memory_space<vmem>>, vector<16xf32>,
            %add3A_547 = arith.constant 32 : i32
            %add3A_548 = arith.addi %mul3A_533, %add3A_547 : i32
            %get3A_549 = arith.index_cast %add3A_548 : i32 to index
            %get3A_550 = tpu.vector_load %run_scoped3A[%get3A_549] {strides = array<i32>} : memref<40960xf32, #tpu.memory_space<vmem>>, vector<16xf32>,
            %add3A_551 = arith.constant 48 : i32
            %add3A_552 = arith.addi %mul3A_533, %add3A_551 : i32
            %get3A_553 = arith.index_cast %add3A_552 : i32 to index
            %get3A_554 = tpu.vector_load %run_scoped3A[%get3A_553] {strides = array<i32>} : memref<40960xf32, #tpu.memory_space<vmem>>, vector<16xf32>,
            %add3A_555 = arith.constant 64 : i32
            %add3A_556 = arith.addi %mul3A_533, %add3A_555 : i32
            %get3A_557 = arith.index_cast %add3A_556 : i32 to index
            %get3A_558 = tpu.vector_load %run_scoped3A[%get3A_557] {strides = array<i32>} : memref<40960xf32, #tpu.memory_space<vmem>>, vector<16xf32>,
            %add3A_559 = arith.constant 80 : i32
            %add3A_560 = arith.addi %mul3A_533, %add3A_559 : i32
            %get3A_561 = arith.index_cast %add3A_560 : i32 to index
            %get3A_562 = tpu.vector_load %run_scoped3A[%get3A_561] {strides = array<i32>} : memref<40960xf32, #tpu.memory_space<vmem>>, vector<16xf32>,
            %add3A_563 = arith.constant 96 : i32
            %add3A_564 = arith.addi %mul3A_533, %add3A_563 : i32
            %get3A_565 = arith.index_cast %add3A_564 : i32 to index
            %get3A_566 = tpu.vector_load %run_scoped3A[%get3A_565] {strides = array<i32>} : memref<40960xf32, #tpu.memory_space<vmem>>, vector<16xf32>,
            %add3A_567 = arith.constant 112 : i32
            %add3A_568 = arith.addi %mul3A_533, %add3A_567 : i32
            %get3A_569 = arith.index_cast %add3A_568 : i32 to index
            %get3A_570 = tpu.vector_load %run_scoped3A[%get3A_569] {strides = array<i32>} : memref<40960xf32, #tpu.memory_space<vmem>>, vector<16xf32>,
            %get3A_571 = arith.index_cast %add3A_538 : i32 to index
            %get3A_572 = arith.constant 0 : index
            %get3A_573 = tpu.vector_load %arg8[%get3A_571, %get3A_572] {strides = array<i32>} : memref<256x128xf32, #tpu.memory_space<vmem>>, vector<16xf32>,
            %get3A_574 = arith.index_cast %add3A_538 : i32 to index
            %get3A_575 = arith.constant 16 : index
            %get3A_576 = tpu.vector_load %arg8[%get3A_574, %get3A_575] {strides = array<i32>} : memref<256x128xf32, #tpu.memory_space<vmem>>, vector<16xf32>,
            %get3A_577 = arith.index_cast %add3A_538 : i32 to index
            %get3A_578 = arith.constant 32 : index
            %get3A_579 = tpu.vector_load %arg8[%get3A_577, %get3A_578] {strides = array<i32>} : memref<256x128xf32, #tpu.memory_space<vmem>>, vector<16xf32>,
            %get3A_580 = arith.index_cast %add3A_538 : i32 to index
            %get3A_581 = arith.constant 48 : index
            %get3A_582 = tpu.vector_load %arg8[%get3A_580, %get3A_581] {strides = array<i32>} : memref<256x128xf32, #tpu.memory_space<vmem>>, vector<16xf32>,
            %get3A_583 = arith.index_cast %add3A_538 : i32 to index
            %get3A_584 = arith.constant 64 : index
            %get3A_585 = tpu.vector_load %arg8[%get3A_583, %get3A_584] {strides = array<i32>} : memref<256x128xf32, #tpu.memory_space<vmem>>, vector<16xf32>,
            %get3A_586 = arith.index_cast %add3A_538 : i32 to index
            %get3A_587 = arith.constant 80 : index
            %get3A_588 = tpu.vector_load %arg8[%get3A_586, %get3A_587] {strides = array<i32>} : memref<256x128xf32, #tpu.memory_space<vmem>>, vector<16xf32>,
            %get3A_589 = arith.index_cast %add3A_538 : i32 to index
            %get3A_590 = arith.constant 96 : index
            %get3A_591 = tpu.vector_load %arg8[%get3A_589, %get3A_590] {strides = array<i32>} : memref<256x128xf32, #tpu.memory_space<vmem>>, vector<16xf32>,
            %get3A_592 = arith.index_cast %add3A_538 : i32 to index
            %get3A_593 = arith.constant 112 : index
            %get3A_594 = tpu.vector_load %arg8[%get3A_592, %get3A_593] {strides = array<i32>} : memref<256x128xf32, #tpu.memory_space<vmem>>, vector<16xf32>,
            %max3A_595 = arith.maximumf %get3A_542, %get3A_573 : vector<16xf32>
            %add3A_596 = arith.constant 0 : i32
            %add3A_597 = arith.addi %mul3A_533, %add3A_596 : i32
            %swap3A_598 = arith.index_cast %add3A_597 : i32 to index
            %swap3A_599 = tpu.vector_load %run_scoped3A[%swap3A_598] {strides = array<i32>} : memref<40960xf32, #tpu.memory_space<vmem>>, vector<16xf32>,
            tpu.vector_store %run_scoped3A[%swap3A_598], %max3A_595 {strides = array<i32>} : memref<40960xf32, #tpu.memory_space<vmem>>, vector<16xf32>,
            %max3A_600 = arith.maximumf %get3A_546, %get3A_576 : vector<16xf32>
            %add3A_601 = arith.constant 16 : i32
            %add3A_602 = arith.addi %mul3A_533, %add3A_601 : i32
            %swap3A_603 = arith.index_cast %add3A_602 : i32 to index
            %swap3A_604 = tpu.vector_load %run_scoped3A[%swap3A_603] {strides = array<i32>} : memref<40960xf32, #tpu.memory_space<vmem>>, vector<16xf32>,
            tpu.vector_store %run_scoped3A[%swap3A_603], %max3A_600 {strides = array<i32>} : memref<40960xf32, #tpu.memory_space<vmem>>, vector<16xf32>,
            %max3A_605 = arith.maximumf %get3A_550, %get3A_579 : vector<16xf32>
            %add3A_606 = arith.constant 32 : i32
            %add3A_607 = arith.addi %mul3A_533, %add3A_606 : i32
            %swap3A_608 = arith.index_cast %add3A_607 : i32 to index
            %swap3A_609 = tpu.vector_load %run_scoped3A[%swap3A_608] {strides = array<i32>} : memref<40960xf32, #tpu.memory_space<vmem>>, vector<16xf32>,
            tpu.vector_store %run_scoped3A[%swap3A_608], %max3A_605 {strides = array<i32>} : memref<40960xf32, #tpu.memory_space<vmem>>, vector<16xf32>,
            %max3A_610 = arith.maximumf %get3A_554, %get3A_582 : vector<16xf32>
            %add3A_611 = arith.constant 48 : i32
            %add3A_612 = arith.addi %mul3A_533, %add3A_611 : i32
            %swap3A_613 = arith.index_cast %add3A_612 : i32 to index
            %swap3A_614 = tpu.vector_load %run_scoped3A[%swap3A_613] {strides = array<i32>} : memref<40960xf32, #tpu.memory_space<vmem>>, vector<16xf32>,
            tpu.vector_store %run_scoped3A[%swap3A_613], %max3A_610 {strides = array<i32>} : memref<40960xf32, #tpu.memory_space<vmem>>, vector<16xf32>,
            %max3A_615 = arith.maximumf %get3A_558, %get3A_585 : vector<16xf32>
            %add3A_616 = arith.constant 64 : i32
            %add3A_617 = arith.addi %mul3A_533, %add3A_616 : i32
            %swap3A_618 = arith.index_cast %add3A_617 : i32 to index
            %swap3A_619 = tpu.vector_load %run_scoped3A[%swap3A_618] {strides = array<i32>} : memref<40960xf32, #tpu.memory_space<vmem>>, vector<16xf32>,
            tpu.vector_store %run_scoped3A[%swap3A_618], %max3A_615 {strides = array<i32>} : memref<40960xf32, #tpu.memory_space<vmem>>, vector<16xf32>,
            %max3A_620 = arith.maximumf %get3A_562, %get3A_588 : vector<16xf32>
            %add3A_621 = arith.constant 80 : i32
            %add3A_622 = arith.addi %mul3A_533, %add3A_621 : i32
            %swap3A_623 = arith.index_cast %add3A_622 : i32 to index
            %swap3A_624 = tpu.vector_load %run_scoped3A[%swap3A_623] {strides = array<i32>} : memref<40960xf32, #tpu.memory_space<vmem>>, vector<16xf32>,
            tpu.vector_store %run_scoped3A[%swap3A_623], %max3A_620 {strides = array<i32>} : memref<40960xf32, #tpu.memory_space<vmem>>, vector<16xf32>,
            %max3A_625 = arith.maximumf %get3A_566, %get3A_591 : vector<16xf32>
            %add3A_626 = arith.constant 96 : i32
            %add3A_627 = arith.addi %mul3A_533, %add3A_626 : i32
            %swap3A_628 = arith.index_cast %add3A_627 : i32 to index
            %swap3A_629 = tpu.vector_load %run_scoped3A[%swap3A_628] {strides = array<i32>} : memref<40960xf32, #tpu.memory_space<vmem>>, vector<16xf32>,
            tpu.vector_store %run_scoped3A[%swap3A_628], %max3A_625 {strides = array<i32>} : memref<40960xf32, #tpu.memory_space<vmem>>, vector<16xf32>,
            %max3A_630 = arith.maximumf %get3A_570, %get3A_594 : vector<16xf32>
            %add3A_631 = arith.constant 112 : i32
            %add3A_632 = arith.addi %mul3A_533, %add3A_631 : i32
            %swap3A_633 = arith.index_cast %add3A_632 : i32 to index
            %swap3A_634 = tpu.vector_load %run_scoped3A[%swap3A_633] {strides = array<i32>} : memref<40960xf32, #tpu.memory_space<vmem>>, vector<16xf32>,
            tpu.vector_store %run_scoped3A[%swap3A_633], %max3A_630 {strides = array<i32>} : memref<40960xf32, #tpu.memory_space<vmem>>, vector<16xf32>,
            %slice3A_635 = vector.extract_strided_slice %get3A_217 {offsets = [4], sizes = [1], strides = [1]} : vector<16xi32> to vector<1xi32>
            %squeeze3A_636 = vector.extract %slice3A_635[0] : i32 from vector<1xi32>
            %mul3A_637 = arith.constant 128 : i32
            %mul3A_638 = arith.muli %squeeze3A_636, %mul3A_637 : i32
            %mul3A_639 = arith.constant 16 : i32
            %mul3A_640 = arith.muli %scan3A_211, %mul3A_639 : i32
            %add3A_641 = arith.addi %mul3A_184, %mul3A_640 : i32
            %add3A_642 = arith.constant 4 : i32
            %add3A_643 = arith.addi %add3A_641, %add3A_642 : i32
            %add3A_644 = arith.constant 0 : i32
            %add3A_645 = arith.addi %mul3A_638, %add3A_644 : i32
            %get3A_646 = arith.index_cast %add3A_645 : i32 to index
            %get3A_647 = tpu.vector_load %run_scoped3A[%get3A_646] {strides = array<i32>} : memref<40960xf32, #tpu.memory_space<vmem>>, vector<16xf32>,
            %add3A_648 = arith.constant 16 : i32
            %add3A_649 = arith.addi %mul3A_638, %add3A_648 : i32
            %get3A_650 = arith.index_cast %add3A_649 : i32 to index
            %get3A_651 = tpu.vector_load %run_scoped3A[%get3A_650] {strides = array<i32>} : memref<40960xf32, #tpu.memory_space<vmem>>, vector<16xf32>,
            %add3A_652 = arith.constant 32 : i32
            %add3A_653 = arith.addi %mul3A_638, %add3A_652 : i32
            %get3A_654 = arith.index_cast %add3A_653 : i32 to index
            %get3A_655 = tpu.vector_load %run_scoped3A[%get3A_654] {strides = array<i32>} : memref<40960xf32, #tpu.memory_space<vmem>>, vector<16xf32>,
            %add3A_656 = arith.constant 48 : i32
            %add3A_657 = arith.addi %mul3A_638, %add3A_656 : i32
            %get3A_658 = arith.index_cast %add3A_657 : i32 to index
            %get3A_659 = tpu.vector_load %run_scoped3A[%get3A_658] {strides = array<i32>} : memref<40960xf32, #tpu.memory_space<vmem>>, vector<16xf32>,
            %add3A_660 = arith.constant 64 : i32
            %add3A_661 = arith.addi %mul3A_638, %add3A_660 : i32
            %get3A_662 = arith.index_cast %add3A_661 : i32 to index
            %get3A_663 = tpu.vector_load %run_scoped3A[%get3A_662] {strides = array<i32>} : memref<40960xf32, #tpu.memory_space<vmem>>, vector<16xf32>,
            %add3A_664 = arith.constant 80 : i32
            %add3A_665 = arith.addi %mul3A_638, %add3A_664 : i32
            %get3A_666 = arith.index_cast %add3A_665 : i32 to index
            %get3A_667 = tpu.vector_load %run_scoped3A[%get3A_666] {strides = array<i32>} : memref<40960xf32, #tpu.memory_space<vmem>>, vector<16xf32>,
            %add3A_668 = arith.constant 96 : i32
            %add3A_669 = arith.addi %mul3A_638, %add3A_668 : i32
            %get3A_670 = arith.index_cast %add3A_669 : i32 to index
            %get3A_671 = tpu.vector_load %run_scoped3A[%get3A_670] {strides = array<i32>} : memref<40960xf32, #tpu.memory_space<vmem>>, vector<16xf32>,
            %add3A_672 = arith.constant 112 : i32
            %add3A_673 = arith.addi %mul3A_638, %add3A_672 : i32
            %get3A_674 = arith.index_cast %add3A_673 : i32 to index
            %get3A_675 = tpu.vector_load %run_scoped3A[%get3A_674] {strides = array<i32>} : memref<40960xf32, #tpu.memory_space<vmem>>, vector<16xf32>,
            %get3A_676 = arith.index_cast %add3A_643 : i32 to index
            %get3A_677 = arith.constant 0 : index
            %get3A_678 = tpu.vector_load %arg8[%get3A_676, %get3A_677] {strides = array<i32>} : memref<256x128xf32, #tpu.memory_space<vmem>>, vector<16xf32>,
            %get3A_679 = arith.index_cast %add3A_643 : i32 to index
            %get3A_680 = arith.constant 16 : index
            %get3A_681 = tpu.vector_load %arg8[%get3A_679, %get3A_680] {strides = array<i32>} : memref<256x128xf32, #tpu.memory_space<vmem>>, vector<16xf32>,
            %get3A_682 = arith.index_cast %add3A_643 : i32 to index
            %get3A_683 = arith.constant 32 : index
            %get3A_684 = tpu.vector_load %arg8[%get3A_682, %get3A_683] {strides = array<i32>} : memref<256x128xf32, #tpu.memory_space<vmem>>, vector<16xf32>,
            %get3A_685 = arith.index_cast %add3A_643 : i32 to index
            %get3A_686 = arith.constant 48 : index
            %get3A_687 = tpu.vector_load %arg8[%get3A_685, %get3A_686] {strides = array<i32>} : memref<256x128xf32, #tpu.memory_space<vmem>>, vector<16xf32>,
            %get3A_688 = arith.index_cast %add3A_643 : i32 to index
            %get3A_689 = arith.constant 64 : index
            %get3A_690 = tpu.vector_load %arg8[%get3A_688, %get3A_689] {strides = array<i32>} : memref<256x128xf32, #tpu.memory_space<vmem>>, vector<16xf32>,
            %get3A_691 = arith.index_cast %add3A_643 : i32 to index
            %get3A_692 = arith.constant 80 : index
            %get3A_693 = tpu.vector_load %arg8[%get3A_691, %get3A_692] {strides = array<i32>} : memref<256x128xf32, #tpu.memory_space<vmem>>, vector<16xf32>,
            %get3A_694 = arith.index_cast %add3A_643 : i32 to index
            %get3A_695 = arith.constant 96 : index
            %get3A_696 = tpu.vector_load %arg8[%get3A_694, %get3A_695] {strides = array<i32>} : memref<256x128xf32, #tpu.memory_space<vmem>>, vector<16xf32>,
            %get3A_697 = arith.index_cast %add3A_643 : i32 to index
            %get3A_698 = arith.constant 112 : index
            %get3A_699 = tpu.vector_load %arg8[%get3A_697, %get3A_698] {strides = array<i32>} : memref<256x128xf32, #tpu.memory_space<vmem>>, vector<16xf32>,
            %max3A_700 = arith.maximumf %get3A_647, %get3A_678 : vector<16xf32>
            %add3A_701 = arith.constant 0 : i32
            %add3A_702 = arith.addi %mul3A_638, %add3A_701 : i32
            %swap3A_703 = arith.index_cast %add3A_702 : i32 to index
            %swap3A_704 = tpu.vector_load %run_scoped3A[%swap3A_703] {strides = array<i32>} : memref<40960xf32, #tpu.memory_space<vmem>>, vector<16xf32>,
            tpu.vector_store %run_scoped3A[%swap3A_703], %max3A_700 {strides = array<i32>} : memref<40960xf32, #tpu.memory_space<vmem>>, vector<16xf32>,
            %max3A_705 = arith.maximumf %get3A_651, %get3A_681 : vector<16xf32>
            %add3A_706 = arith.constant 16 : i32
            %add3A_707 = arith.addi %mul3A_638, %add3A_706 : i32
            %swap3A_708 = arith.index_cast %add3A_707 : i32 to index
            %swap3A_709 = tpu.vector_load %run_scoped3A[%swap3A_708] {strides = array<i32>} : memref<40960xf32, #tpu.memory_space<vmem>>, vector<16xf32>,
            tpu.vector_store %run_scoped3A[%swap3A_708], %max3A_705 {strides = array<i32>} : memref<40960xf32, #tpu.memory_space<vmem>>, vector<16xf32>,
            %max3A_710 = arith.maximumf %get3A_655, %get3A_684 : vector<16xf32>
            %add3A_711 = arith.constant 32 : i32
            %add3A_712 = arith.addi %mul3A_638, %add3A_711 : i32
            %swap3A_713 = arith.index_cast %add3A_712 : i32 to index
            %swap3A_714 = tpu.vector_load %run_scoped3A[%swap3A_713] {strides = array<i32>} : memref<40960xf32, #tpu.memory_space<vmem>>, vector<16xf32>,
            tpu.vector_store %run_scoped3A[%swap3A_713], %max3A_710 {strides = array<i32>} : memref<40960xf32, #tpu.memory_space<vmem>>, vector<16xf32>,
            %max3A_715 = arith.maximumf %get3A_659, %get3A_687 : vector<16xf32>
            %add3A_716 = arith.constant 48 : i32
            %add3A_717 = arith.addi %mul3A_638, %add3A_716 : i32
            %swap3A_718 = arith.index_cast %add3A_717 : i32 to index
            %swap3A_719 = tpu.vector_load %run_scoped3A[%swap3A_718] {strides = array<i32>} : memref<40960xf32, #tpu.memory_space<vmem>>, vector<16xf32>,
            tpu.vector_store %run_scoped3A[%swap3A_718], %max3A_715 {strides = array<i32>} : memref<40960xf32, #tpu.memory_space<vmem>>, vector<16xf32>,
            %max3A_720 = arith.maximumf %get3A_663, %get3A_690 : vector<16xf32>
            %add3A_721 = arith.constant 64 : i32
            %add3A_722 = arith.addi %mul3A_638, %add3A_721 : i32
            %swap3A_723 = arith.index_cast %add3A_722 : i32 to index
            %swap3A_724 = tpu.vector_load %run_scoped3A[%swap3A_723] {strides = array<i32>} : memref<40960xf32, #tpu.memory_space<vmem>>, vector<16xf32>,
            tpu.vector_store %run_scoped3A[%swap3A_723], %max3A_720 {strides = array<i32>} : memref<40960xf32, #tpu.memory_space<vmem>>, vector<16xf32>,
            %max3A_725 = arith.maximumf %get3A_667, %get3A_693 : vector<16xf32>
            %add3A_726 = arith.constant 80 : i32
            %add3A_727 = arith.addi %mul3A_638, %add3A_726 : i32
            %swap3A_728 = arith.index_cast %add3A_727 : i32 to index
            %swap3A_729 = tpu.vector_load %run_scoped3A[%swap3A_728] {strides = array<i32>} : memref<40960xf32, #tpu.memory_space<vmem>>, vector<16xf32>,
            tpu.vector_store %run_scoped3A[%swap3A_728], %max3A_725 {strides = array<i32>} : memref<40960xf32, #tpu.memory_space<vmem>>, vector<16xf32>,
            %max3A_730 = arith.maximumf %get3A_671, %get3A_696 : vector<16xf32>
            %add3A_731 = arith.constant 96 : i32
            %add3A_732 = arith.addi %mul3A_638, %add3A_731 : i32
            %swap3A_733 = arith.index_cast %add3A_732 : i32 to index
            %swap3A_734 = tpu.vector_load %run_scoped3A[%swap3A_733] {strides = array<i32>} : memref<40960xf32, #tpu.memory_space<vmem>>, vector<16xf32>,
            tpu.vector_store %run_scoped3A[%swap3A_733], %max3A_730 {strides = array<i32>} : memref<40960xf32, #tpu.memory_space<vmem>>, vector<16xf32>,
            %max3A_735 = arith.maximumf %get3A_675, %get3A_699 : vector<16xf32>
            %add3A_736 = arith.constant 112 : i32
            %add3A_737 = arith.addi %mul3A_638, %add3A_736 : i32
            %swap3A_738 = arith.index_cast %add3A_737 : i32 to index
            %swap3A_739 = tpu.vector_load %run_scoped3A[%swap3A_738] {strides = array<i32>} : memref<40960xf32, #tpu.memory_space<vmem>>, vector<16xf32>,
            tpu.vector_store %run_scoped3A[%swap3A_738], %max3A_735 {strides = array<i32>} : memref<40960xf32, #tpu.memory_space<vmem>>, vector<16xf32>,
            %slice3A_740 = vector.extract_strided_slice %get3A_217 {offsets = [5], sizes = [1], strides = [1]} : vector<16xi32> to vector<1xi32>
            %squeeze3A_741 = vector.extract %slice3A_740[0] : i32 from vector<1xi32>
            %mul3A_742 = arith.constant 128 : i32
            %mul3A_743 = arith.muli %squeeze3A_741, %mul3A_742 : i32
            %mul3A_744 = arith.constant 16 : i32
            %mul3A_745 = arith.muli %scan3A_211, %mul3A_744 : i32
            %add3A_746 = arith.addi %mul3A_184, %mul3A_745 : i32
            %add3A_747 = arith.constant 5 : i32
            %add3A_748 = arith.addi %add3A_746, %add3A_747 : i32
            %add3A_749 = arith.constant 0 : i32
            %add3A_750 = arith.addi %mul3A_743, %add3A_749 : i32
            %get3A_751 = arith.index_cast %add3A_750 : i32 to index
            %get3A_752 = tpu.vector_load %run_scoped3A[%get3A_751] {strides = array<i32>} : memref<40960xf32, #tpu.memory_space<vmem>>, vector<16xf32>,
            %add3A_753 = arith.constant 16 : i32
            %add3A_754 = arith.addi %mul3A_743, %add3A_753 : i32
            %get3A_755 = arith.index_cast %add3A_754 : i32 to index
            %get3A_756 = tpu.vector_load %run_scoped3A[%get3A_755] {strides = array<i32>} : memref<40960xf32, #tpu.memory_space<vmem>>, vector<16xf32>,
            %add3A_757 = arith.constant 32 : i32
            %add3A_758 = arith.addi %mul3A_743, %add3A_757 : i32
            %get3A_759 = arith.index_cast %add3A_758 : i32 to index
            %get3A_760 = tpu.vector_load %run_scoped3A[%get3A_759] {strides = array<i32>} : memref<40960xf32, #tpu.memory_space<vmem>>, vector<16xf32>,
            %add3A_761 = arith.constant 48 : i32
            %add3A_762 = arith.addi %mul3A_743, %add3A_761 : i32
            %get3A_763 = arith.index_cast %add3A_762 : i32 to index
            %get3A_764 = tpu.vector_load %run_scoped3A[%get3A_763] {strides = array<i32>} : memref<40960xf32, #tpu.memory_space<vmem>>, vector<16xf32>,
            %add3A_765 = arith.constant 64 : i32
            %add3A_766 = arith.addi %mul3A_743, %add3A_765 : i32
            %get3A_767 = arith.index_cast %add3A_766 : i32 to index
            %get3A_768 = tpu.vector_load %run_scoped3A[%get3A_767] {strides = array<i32>} : memref<40960xf32, #tpu.memory_space<vmem>>, vector<16xf32>,
            %add3A_769 = arith.constant 80 : i32
            %add3A_770 = arith.addi %mul3A_743, %add3A_769 : i32
            %get3A_771 = arith.index_cast %add3A_770 : i32 to index
            %get3A_772 = tpu.vector_load %run_scoped3A[%get3A_771] {strides = array<i32>} : memref<40960xf32, #tpu.memory_space<vmem>>, vector<16xf32>,
            %add3A_773 = arith.constant 96 : i32
            %add3A_774 = arith.addi %mul3A_743, %add3A_773 : i32
            %get3A_775 = arith.index_cast %add3A_774 : i32 to index
            %get3A_776 = tpu.vector_load %run_scoped3A[%get3A_775] {strides = array<i32>} : memref<40960xf32, #tpu.memory_space<vmem>>, vector<16xf32>,
            %add3A_777 = arith.constant 112 : i32
            %add3A_778 = arith.addi %mul3A_743, %add3A_777 : i32
            %get3A_779 = arith.index_cast %add3A_778 : i32 to index
            %get3A_780 = tpu.vector_load %run_scoped3A[%get3A_779] {strides = array<i32>} : memref<40960xf32, #tpu.memory_space<vmem>>, vector<16xf32>,
            %get3A_781 = arith.index_cast %add3A_748 : i32 to index
            %get3A_782 = arith.constant 0 : index
            %get3A_783 = tpu.vector_load %arg8[%get3A_781, %get3A_782] {strides = array<i32>} : memref<256x128xf32, #tpu.memory_space<vmem>>, vector<16xf32>,
            %get3A_784 = arith.index_cast %add3A_748 : i32 to index
            %get3A_785 = arith.constant 16 : index
            %get3A_786 = tpu.vector_load %arg8[%get3A_784, %get3A_785] {strides = array<i32>} : memref<256x128xf32, #tpu.memory_space<vmem>>, vector<16xf32>,
            %get3A_787 = arith.index_cast %add3A_748 : i32 to index
            %get3A_788 = arith.constant 32 : index
            %get3A_789 = tpu.vector_load %arg8[%get3A_787, %get3A_788] {strides = array<i32>} : memref<256x128xf32, #tpu.memory_space<vmem>>, vector<16xf32>,
            %get3A_790 = arith.index_cast %add3A_748 : i32 to index
            %get3A_791 = arith.constant 48 : index
            %get3A_792 = tpu.vector_load %arg8[%get3A_790, %get3A_791] {strides = array<i32>} : memref<256x128xf32, #tpu.memory_space<vmem>>, vector<16xf32>,
            %get3A_793 = arith.index_cast %add3A_748 : i32 to index
            %get3A_794 = arith.constant 64 : index
            %get3A_795 = tpu.vector_load %arg8[%get3A_793, %get3A_794] {strides = array<i32>} : memref<256x128xf32, #tpu.memory_space<vmem>>, vector<16xf32>,
            %get3A_796 = arith.index_cast %add3A_748 : i32 to index
            %get3A_797 = arith.constant 80 : index
            %get3A_798 = tpu.vector_load %arg8[%get3A_796, %get3A_797] {strides = array<i32>} : memref<256x128xf32, #tpu.memory_space<vmem>>, vector<16xf32>,
            %get3A_799 = arith.index_cast %add3A_748 : i32 to index
            %get3A_800 = arith.constant 96 : index
            %get3A_801 = tpu.vector_load %arg8[%get3A_799, %get3A_800] {strides = array<i32>} : memref<256x128xf32, #tpu.memory_space<vmem>>, vector<16xf32>,
            %get3A_802 = arith.index_cast %add3A_748 : i32 to index
            %get3A_803 = arith.constant 112 : index
            %get3A_804 = tpu.vector_load %arg8[%get3A_802, %get3A_803] {strides = array<i32>} : memref<256x128xf32, #tpu.memory_space<vmem>>, vector<16xf32>,
            %max3A_805 = arith.maximumf %get3A_752, %get3A_783 : vector<16xf32>
            %add3A_806 = arith.constant 0 : i32
            %add3A_807 = arith.addi %mul3A_743, %add3A_806 : i32
            %swap3A_808 = arith.index_cast %add3A_807 : i32 to index
            %swap3A_809 = tpu.vector_load %run_scoped3A[%swap3A_808] {strides = array<i32>} : memref<40960xf32, #tpu.memory_space<vmem>>, vector<16xf32>,
            tpu.vector_store %run_scoped3A[%swap3A_808], %max3A_805 {strides = array<i32>} : memref<40960xf32, #tpu.memory_space<vmem>>, vector<16xf32>,
            %max3A_810 = arith.maximumf %get3A_756, %get3A_786 : vector<16xf32>
            %add3A_811 = arith.constant 16 : i32
            %add3A_812 = arith.addi %mul3A_743, %add3A_811 : i32
            %swap3A_813 = arith.index_cast %add3A_812 : i32 to index
            %swap3A_814 = tpu.vector_load %run_scoped3A[%swap3A_813] {strides = array<i32>} : memref<40960xf32, #tpu.memory_space<vmem>>, vector<16xf32>,
            tpu.vector_store %run_scoped3A[%swap3A_813], %max3A_810 {strides = array<i32>} : memref<40960xf32, #tpu.memory_space<vmem>>, vector<16xf32>,
            %max3A_815 = arith.maximumf %get3A_760, %get3A_789 : vector<16xf32>
            %add3A_816 = arith.constant 32 : i32
            %add3A_817 = arith.addi %mul3A_743, %add3A_816 : i32
            %swap3A_818 = arith.index_cast %add3A_817 : i32 to index
            %swap3A_819 = tpu.vector_load %run_scoped3A[%swap3A_818] {strides = array<i32>} : memref<40960xf32, #tpu.memory_space<vmem>>, vector<16xf32>,
            tpu.vector_store %run_scoped3A[%swap3A_818], %max3A_815 {strides = array<i32>} : memref<40960xf32, #tpu.memory_space<vmem>>, vector<16xf32>,
            %max3A_820 = arith.maximumf %get3A_764, %get3A_792 : vector<16xf32>
            %add3A_821 = arith.constant 48 : i32
            %add3A_822 = arith.addi %mul3A_743, %add3A_821 : i32
            %swap3A_823 = arith.index_cast %add3A_822 : i32 to index
            %swap3A_824 = tpu.vector_load %run_scoped3A[%swap3A_823] {strides = array<i32>} : memref<40960xf32, #tpu.memory_space<vmem>>, vector<16xf32>,
            tpu.vector_store %run_scoped3A[%swap3A_823], %max3A_820 {strides = array<i32>} : memref<40960xf32, #tpu.memory_space<vmem>>, vector<16xf32>,
            %max3A_825 = arith.maximumf %get3A_768, %get3A_795 : vector<16xf32>
            %add3A_826 = arith.constant 64 : i32
            %add3A_827 = arith.addi %mul3A_743, %add3A_826 : i32
            %swap3A_828 = arith.index_cast %add3A_827 : i32 to index
            %swap3A_829 = tpu.vector_load %run_scoped3A[%swap3A_828] {strides = array<i32>} : memref<40960xf32, #tpu.memory_space<vmem>>, vector<16xf32>,
            tpu.vector_store %run_scoped3A[%swap3A_828], %max3A_825 {strides = array<i32>} : memref<40960xf32, #tpu.memory_space<vmem>>, vector<16xf32>,
            %max3A_830 = arith.maximumf %get3A_772, %get3A_798 : vector<16xf32>
            %add3A_831 = arith.constant 80 : i32
            %add3A_832 = arith.addi %mul3A_743, %add3A_831 : i32
            %swap3A_833 = arith.index_cast %add3A_832 : i32 to index
            %swap3A_834 = tpu.vector_load %run_scoped3A[%swap3A_833] {strides = array<i32>} : memref<40960xf32, #tpu.memory_space<vmem>>, vector<16xf32>,
            tpu.vector_store %run_scoped3A[%swap3A_833], %max3A_830 {strides = array<i32>} : memref<40960xf32, #tpu.memory_space<vmem>>, vector<16xf32>,
            %max3A_835 = arith.maximumf %get3A_776, %get3A_801 : vector<16xf32>
            %add3A_836 = arith.constant 96 : i32
            %add3A_837 = arith.addi %mul3A_743, %add3A_836 : i32
            %swap3A_838 = arith.index_cast %add3A_837 : i32 to index
            %swap3A_839 = tpu.vector_load %run_scoped3A[%swap3A_838] {strides = array<i32>} : memref<40960xf32, #tpu.memory_space<vmem>>, vector<16xf32>,
            tpu.vector_store %run_scoped3A[%swap3A_838], %max3A_835 {strides = array<i32>} : memref<40960xf32, #tpu.memory_space<vmem>>, vector<16xf32>,
            %max3A_840 = arith.maximumf %get3A_780, %get3A_804 : vector<16xf32>
            %add3A_841 = arith.constant 112 : i32
            %add3A_842 = arith.addi %mul3A_743, %add3A_841 : i32
            %swap3A_843 = arith.index_cast %add3A_842 : i32 to index
            %swap3A_844 = tpu.vector_load %run_scoped3A[%swap3A_843] {strides = array<i32>} : memref<40960xf32, #tpu.memory_space<vmem>>, vector<16xf32>,
            tpu.vector_store %run_scoped3A[%swap3A_843], %max3A_840 {strides = array<i32>} : memref<40960xf32, #tpu.memory_space<vmem>>, vector<16xf32>,
            %slice3A_845 = vector.extract_strided_slice %get3A_217 {offsets = [6], sizes = [1], strides = [1]} : vector<16xi32> to vector<1xi32>
            %squeeze3A_846 = vector.extract %slice3A_845[0] : i32 from vector<1xi32>
            %mul3A_847 = arith.constant 128 : i32
            %mul3A_848 = arith.muli %squeeze3A_846, %mul3A_847 : i32
            %mul3A_849 = arith.constant 16 : i32
            %mul3A_850 = arith.muli %scan3A_211, %mul3A_849 : i32
            %add3A_851 = arith.addi %mul3A_184, %mul3A_850 : i32
            %add3A_852 = arith.constant 6 : i32
            %add3A_853 = arith.addi %add3A_851, %add3A_852 : i32
            %add3A_854 = arith.constant 0 : i32
            %add3A_855 = arith.addi %mul3A_848, %add3A_854 : i32
            %get3A_856 = arith.index_cast %add3A_855 : i32 to index
            %get3A_857 = tpu.vector_load %run_scoped3A[%get3A_856] {strides = array<i32>} : memref<40960xf32, #tpu.memory_space<vmem>>, vector<16xf32>,
            %add3A_858 = arith.constant 16 : i32
            %add3A_859 = arith.addi %mul3A_848, %add3A_858 : i32
            %get3A_860 = arith.index_cast %add3A_859 : i32 to index
            %get3A_861 = tpu.vector_load %run_scoped3A[%get3A_860] {strides = array<i32>} : memref<40960xf32, #tpu.memory_space<vmem>>, vector<16xf32>,
            %add3A_862 = arith.constant 32 : i32
            %add3A_863 = arith.addi %mul3A_848, %add3A_862 : i32
            %get3A_864 = arith.index_cast %add3A_863 : i32 to index
            %get3A_865 = tpu.vector_load %run_scoped3A[%get3A_864] {strides = array<i32>} : memref<40960xf32, #tpu.memory_space<vmem>>, vector<16xf32>,
            %add3A_866 = arith.constant 48 : i32
            %add3A_867 = arith.addi %mul3A_848, %add3A_866 : i32
            %get3A_868 = arith.index_cast %add3A_867 : i32 to index
            %get3A_869 = tpu.vector_load %run_scoped3A[%get3A_868] {strides = array<i32>} : memref<40960xf32, #tpu.memory_space<vmem>>, vector<16xf32>,
            %add3A_870 = arith.constant 64 : i32
            %add3A_871 = arith.addi %mul3A_848, %add3A_870 : i32
            %get3A_872 = arith.index_cast %add3A_871 : i32 to index
            %get3A_873 = tpu.vector_load %run_scoped3A[%get3A_872] {strides = array<i32>} : memref<40960xf32, #tpu.memory_space<vmem>>, vector<16xf32>,
            %add3A_874 = arith.constant 80 : i32
            %add3A_875 = arith.addi %mul3A_848, %add3A_874 : i32
            %get3A_876 = arith.index_cast %add3A_875 : i32 to index
            %get3A_877 = tpu.vector_load %run_scoped3A[%get3A_876] {strides = array<i32>} : memref<40960xf32, #tpu.memory_space<vmem>>, vector<16xf32>,
            %add3A_878 = arith.constant 96 : i32
            %add3A_879 = arith.addi %mul3A_848, %add3A_878 : i32
            %get3A_880 = arith.index_cast %add3A_879 : i32 to index
            %get3A_881 = tpu.vector_load %run_scoped3A[%get3A_880] {strides = array<i32>} : memref<40960xf32, #tpu.memory_space<vmem>>, vector<16xf32>,
            %add3A_882 = arith.constant 112 : i32
            %add3A_883 = arith.addi %mul3A_848, %add3A_882 : i32
            %get3A_884 = arith.index_cast %add3A_883 : i32 to index
            %get3A_885 = tpu.vector_load %run_scoped3A[%get3A_884] {strides = array<i32>} : memref<40960xf32, #tpu.memory_space<vmem>>, vector<16xf32>,
            %get3A_886 = arith.index_cast %add3A_853 : i32 to index
            %get3A_887 = arith.constant 0 : index
            %get3A_888 = tpu.vector_load %arg8[%get3A_886, %get3A_887] {strides = array<i32>} : memref<256x128xf32, #tpu.memory_space<vmem>>, vector<16xf32>,
            %get3A_889 = arith.index_cast %add3A_853 : i32 to index
            %get3A_890 = arith.constant 16 : index
            %get3A_891 = tpu.vector_load %arg8[%get3A_889, %get3A_890] {strides = array<i32>} : memref<256x128xf32, #tpu.memory_space<vmem>>, vector<16xf32>,
            %get3A_892 = arith.index_cast %add3A_853 : i32 to index
            %get3A_893 = arith.constant 32 : index
            %get3A_894 = tpu.vector_load %arg8[%get3A_892, %get3A_893] {strides = array<i32>} : memref<256x128xf32, #tpu.memory_space<vmem>>, vector<16xf32>,
            %get3A_895 = arith.index_cast %add3A_853 : i32 to index
            %get3A_896 = arith.constant 48 : index
            %get3A_897 = tpu.vector_load %arg8[%get3A_895, %get3A_896] {strides = array<i32>} : memref<256x128xf32, #tpu.memory_space<vmem>>, vector<16xf32>,
            %get3A_898 = arith.index_cast %add3A_853 : i32 to index
            %get3A_899 = arith.constant 64 : index
            %get3A_900 = tpu.vector_load %arg8[%get3A_898, %get3A_899] {strides = array<i32>} : memref<256x128xf32, #tpu.memory_space<vmem>>, vector<16xf32>,
            %get3A_901 = arith.index_cast %add3A_853 : i32 to index
            %get3A_902 = arith.constant 80 : index
            %get3A_903 = tpu.vector_load %arg8[%get3A_901, %get3A_902] {strides = array<i32>} : memref<256x128xf32, #tpu.memory_space<vmem>>, vector<16xf32>,
            %get3A_904 = arith.index_cast %add3A_853 : i32 to index
            %get3A_905 = arith.constant 96 : index
            %get3A_906 = tpu.vector_load %arg8[%get3A_904, %get3A_905] {strides = array<i32>} : memref<256x128xf32, #tpu.memory_space<vmem>>, vector<16xf32>,
            %get3A_907 = arith.index_cast %add3A_853 : i32 to index
            %get3A_908 = arith.constant 112 : index
            %get3A_909 = tpu.vector_load %arg8[%get3A_907, %get3A_908] {strides = array<i32>} : memref<256x128xf32, #tpu.memory_space<vmem>>, vector<16xf32>,
            %max3A_910 = arith.maximumf %get3A_857, %get3A_888 : vector<16xf32>
            %add3A_911 = arith.constant 0 : i32
            %add3A_912 = arith.addi %mul3A_848, %add3A_911 : i32
            %swap3A_913 = arith.index_cast %add3A_912 : i32 to index
            %swap3A_914 = tpu.vector_load %run_scoped3A[%swap3A_913] {strides = array<i32>} : memref<40960xf32, #tpu.memory_space<vmem>>, vector<16xf32>,
            tpu.vector_store %run_scoped3A[%swap3A_913], %max3A_910 {strides = array<i32>} : memref<40960xf32, #tpu.memory_space<vmem>>, vector<16xf32>,
            %max3A_915 = arith.maximumf %get3A_861, %get3A_891 : vector<16xf32>
            %add3A_916 = arith.constant 16 : i32
            %add3A_917 = arith.addi %mul3A_848, %add3A_916 : i32
            %swap3A_918 = arith.index_cast %add3A_917 : i32 to index
            %swap3A_919 = tpu.vector_load %run_scoped3A[%swap3A_918] {strides = array<i32>} : memref<40960xf32, #tpu.memory_space<vmem>>, vector<16xf32>,
            tpu.vector_store %run_scoped3A[%swap3A_918], %max3A_915 {strides = array<i32>} : memref<40960xf32, #tpu.memory_space<vmem>>, vector<16xf32>,
            %max3A_920 = arith.maximumf %get3A_865, %get3A_894 : vector<16xf32>
            %add3A_921 = arith.constant 32 : i32
            %add3A_922 = arith.addi %mul3A_848, %add3A_921 : i32
            %swap3A_923 = arith.index_cast %add3A_922 : i32 to index
            %swap3A_924 = tpu.vector_load %run_scoped3A[%swap3A_923] {strides = array<i32>} : memref<40960xf32, #tpu.memory_space<vmem>>, vector<16xf32>,
            tpu.vector_store %run_scoped3A[%swap3A_923], %max3A_920 {strides = array<i32>} : memref<40960xf32, #tpu.memory_space<vmem>>, vector<16xf32>,
            %max3A_925 = arith.maximumf %get3A_869, %get3A_897 : vector<16xf32>
            %add3A_926 = arith.constant 48 : i32
            %add3A_927 = arith.addi %mul3A_848, %add3A_926 : i32
            %swap3A_928 = arith.index_cast %add3A_927 : i32 to index
            %swap3A_929 = tpu.vector_load %run_scoped3A[%swap3A_928] {strides = array<i32>} : memref<40960xf32, #tpu.memory_space<vmem>>, vector<16xf32>,
            tpu.vector_store %run_scoped3A[%swap3A_928], %max3A_925 {strides = array<i32>} : memref<40960xf32, #tpu.memory_space<vmem>>, vector<16xf32>,
            %max3A_930 = arith.maximumf %get3A_873, %get3A_900 : vector<16xf32>
            %add3A_931 = arith.constant 64 : i32
            %add3A_932 = arith.addi %mul3A_848, %add3A_931 : i32
            %swap3A_933 = arith.index_cast %add3A_932 : i32 to index
            %swap3A_934 = tpu.vector_load %run_scoped3A[%swap3A_933] {strides = array<i32>} : memref<40960xf32, #tpu.memory_space<vmem>>, vector<16xf32>,
            tpu.vector_store %run_scoped3A[%swap3A_933], %max3A_930 {strides = array<i32>} : memref<40960xf32, #tpu.memory_space<vmem>>, vector<16xf32>,
            %max3A_935 = arith.maximumf %get3A_877, %get3A_903 : vector<16xf32>
            %add3A_936 = arith.constant 80 : i32
            %add3A_937 = arith.addi %mul3A_848, %add3A_936 : i32
            %swap3A_938 = arith.index_cast %add3A_937 : i32 to index
            %swap3A_939 = tpu.vector_load %run_scoped3A[%swap3A_938] {strides = array<i32>} : memref<40960xf32, #tpu.memory_space<vmem>>, vector<16xf32>,
            tpu.vector_store %run_scoped3A[%swap3A_938], %max3A_935 {strides = array<i32>} : memref<40960xf32, #tpu.memory_space<vmem>>, vector<16xf32>,
            %max3A_940 = arith.maximumf %get3A_881, %get3A_906 : vector<16xf32>
            %add3A_941 = arith.constant 96 : i32
            %add3A_942 = arith.addi %mul3A_848, %add3A_941 : i32
            %swap3A_943 = arith.index_cast %add3A_942 : i32 to index
            %swap3A_944 = tpu.vector_load %run_scoped3A[%swap3A_943] {strides = array<i32>} : memref<40960xf32, #tpu.memory_space<vmem>>, vector<16xf32>,
            tpu.vector_store %run_scoped3A[%swap3A_943], %max3A_940 {strides = array<i32>} : memref<40960xf32, #tpu.memory_space<vmem>>, vector<16xf32>,
            %max3A_945 = arith.maximumf %get3A_885, %get3A_909 : vector<16xf32>
            %add3A_946 = arith.constant 112 : i32
            %add3A_947 = arith.addi %mul3A_848, %add3A_946 : i32
            %swap3A_948 = arith.index_cast %add3A_947 : i32 to index
            %swap3A_949 = tpu.vector_load %run_scoped3A[%swap3A_948] {strides = array<i32>} : memref<40960xf32, #tpu.memory_space<vmem>>, vector<16xf32>,
            tpu.vector_store %run_scoped3A[%swap3A_948], %max3A_945 {strides = array<i32>} : memref<40960xf32, #tpu.memory_space<vmem>>, vector<16xf32>,
            %slice3A_950 = vector.extract_strided_slice %get3A_217 {offsets = [7], sizes = [1], strides = [1]} : vector<16xi32> to vector<1xi32>
            %squeeze3A_951 = vector.extract %slice3A_950[0] : i32 from vector<1xi32>
            %mul3A_952 = arith.constant 128 : i32
            %mul3A_953 = arith.muli %squeeze3A_951, %mul3A_952 : i32
            %mul3A_954 = arith.constant 16 : i32
            %mul3A_955 = arith.muli %scan3A_211, %mul3A_954 : i32
            %add3A_956 = arith.addi %mul3A_184, %mul3A_955 : i32
            %add3A_957 = arith.constant 7 : i32
            %add3A_958 = arith.addi %add3A_956, %add3A_957 : i32
            %add3A_959 = arith.constant 0 : i32
            %add3A_960 = arith.addi %mul3A_953, %add3A_959 : i32
            %get3A_961 = arith.index_cast %add3A_960 : i32 to index
            %get3A_962 = tpu.vector_load %run_scoped3A[%get3A_961] {strides = array<i32>} : memref<40960xf32, #tpu.memory_space<vmem>>, vector<16xf32>,
            %add3A_963 = arith.constant 16 : i32
            %add3A_964 = arith.addi %mul3A_953, %add3A_963 : i32
            %get3A_965 = arith.index_cast %add3A_964 : i32 to index
            %get3A_966 = tpu.vector_load %run_scoped3A[%get3A_965] {strides = array<i32>} : memref<40960xf32, #tpu.memory_space<vmem>>, vector<16xf32>,
            %add3A_967 = arith.constant 32 : i32
            %add3A_968 = arith.addi %mul3A_953, %add3A_967 : i32
            %get3A_969 = arith.index_cast %add3A_968 : i32 to index
            %get3A_970 = tpu.vector_load %run_scoped3A[%get3A_969] {strides = array<i32>} : memref<40960xf32, #tpu.memory_space<vmem>>, vector<16xf32>,
            %add3A_971 = arith.constant 48 : i32
            %add3A_972 = arith.addi %mul3A_953, %add3A_971 : i32
            %get3A_973 = arith.index_cast %add3A_972 : i32 to index
            %get3A_974 = tpu.vector_load %run_scoped3A[%get3A_973] {strides = array<i32>} : memref<40960xf32, #tpu.memory_space<vmem>>, vector<16xf32>,
            %add3A_975 = arith.constant 64 : i32
            %add3A_976 = arith.addi %mul3A_953, %add3A_975 : i32
            %get3A_977 = arith.index_cast %add3A_976 : i32 to index
            %get3A_978 = tpu.vector_load %run_scoped3A[%get3A_977] {strides = array<i32>} : memref<40960xf32, #tpu.memory_space<vmem>>, vector<16xf32>,
            %add3A_979 = arith.constant 80 : i32
            %add3A_980 = arith.addi %mul3A_953, %add3A_979 : i32
            %get3A_981 = arith.index_cast %add3A_980 : i32 to index
            %get3A_982 = tpu.vector_load %run_scoped3A[%get3A_981] {strides = array<i32>} : memref<40960xf32, #tpu.memory_space<vmem>>, vector<16xf32>,
            %add3A_983 = arith.constant 96 : i32
            %add3A_984 = arith.addi %mul3A_953, %add3A_983 : i32
            %get3A_985 = arith.index_cast %add3A_984 : i32 to index
            %get3A_986 = tpu.vector_load %run_scoped3A[%get3A_985] {strides = array<i32>} : memref<40960xf32, #tpu.memory_space<vmem>>, vector<16xf32>,
            %add3A_987 = arith.constant 112 : i32
            %add3A_988 = arith.addi %mul3A_953, %add3A_987 : i32
            %get3A_989 = arith.index_cast %add3A_988 : i32 to index
            %get3A_990 = tpu.vector_load %run_scoped3A[%get3A_989] {strides = array<i32>} : memref<40960xf32, #tpu.memory_space<vmem>>, vector<16xf32>,
            %get3A_991 = arith.index_cast %add3A_958 : i32 to index
            %get3A_992 = arith.constant 0 : index
            %get3A_993 = tpu.vector_load %arg8[%get3A_991, %get3A_992] {strides = array<i32>} : memref<256x128xf32, #tpu.memory_space<vmem>>, vector<16xf32>,
            %get3A_994 = arith.index_cast %add3A_958 : i32 to index
            %get3A_995 = arith.constant 16 : index
            %get3A_996 = tpu.vector_load %arg8[%get3A_994, %get3A_995] {strides = array<i32>} : memref<256x128xf32, #tpu.memory_space<vmem>>, vector<16xf32>,
            %get3A_997 = arith.index_cast %add3A_958 : i32 to index
            %get3A_998 = arith.constant 32 : index
            %get3A_999 = tpu.vector_load %arg8[%get3A_997, %get3A_998] {strides = array<i32>} : memref<256x128xf32, #tpu.memory_space<vmem>>, vector<16xf32>,
            %get3A_1000 = arith.index_cast %add3A_958 : i32 to index
            %get3A_1001 = arith.constant 48 : index
            %get3A_1002 = tpu.vector_load %arg8[%get3A_1000, %get3A_1001] {strides = array<i32>} : memref<256x128xf32, #tpu.memory_space<vmem>>, vector<16xf32>,
            %get3A_1003 = arith.index_cast %add3A_958 : i32 to index
            %get3A_1004 = arith.constant 64 : index
            %get3A_1005 = tpu.vector_load %arg8[%get3A_1003, %get3A_1004] {strides = array<i32>} : memref<256x128xf32, #tpu.memory_space<vmem>>, vector<16xf32>,
            %get3A_1006 = arith.index_cast %add3A_958 : i32 to index
            %get3A_1007 = arith.constant 80 : index
            %get3A_1008 = tpu.vector_load %arg8[%get3A_1006, %get3A_1007] {strides = array<i32>} : memref<256x128xf32, #tpu.memory_space<vmem>>, vector<16xf32>,
            %get3A_1009 = arith.index_cast %add3A_958 : i32 to index
            %get3A_1010 = arith.constant 96 : index
            %get3A_1011 = tpu.vector_load %arg8[%get3A_1009, %get3A_1010] {strides = array<i32>} : memref<256x128xf32, #tpu.memory_space<vmem>>, vector<16xf32>,
            %get3A_1012 = arith.index_cast %add3A_958 : i32 to index
            %get3A_1013 = arith.constant 112 : index
            %get3A_1014 = tpu.vector_load %arg8[%get3A_1012, %get3A_1013] {strides = array<i32>} : memref<256x128xf32, #tpu.memory_space<vmem>>, vector<16xf32>,
            %max3A_1015 = arith.maximumf %get3A_962, %get3A_993 : vector<16xf32>
            %add3A_1016 = arith.constant 0 : i32
            %add3A_1017 = arith.addi %mul3A_953, %add3A_1016 : i32
            %swap3A_1018 = arith.index_cast %add3A_1017 : i32 to index
            %swap3A_1019 = tpu.vector_load %run_scoped3A[%swap3A_1018] {strides = array<i32>} : memref<40960xf32, #tpu.memory_space<vmem>>, vector<16xf32>,
            tpu.vector_store %run_scoped3A[%swap3A_1018], %max3A_1015 {strides = array<i32>} : memref<40960xf32, #tpu.memory_space<vmem>>, vector<16xf32>,
            %max3A_1020 = arith.maximumf %get3A_966, %get3A_996 : vector<16xf32>
            %add3A_1021 = arith.constant 16 : i32
            %add3A_1022 = arith.addi %mul3A_953, %add3A_1021 : i32
            %swap3A_1023 = arith.index_cast %add3A_1022 : i32 to index
            %swap3A_1024 = tpu.vector_load %run_scoped3A[%swap3A_1023] {strides = array<i32>} : memref<40960xf32, #tpu.memory_space<vmem>>, vector<16xf32>,
            tpu.vector_store %run_scoped3A[%swap3A_1023], %max3A_1020 {strides = array<i32>} : memref<40960xf32, #tpu.memory_space<vmem>>, vector<16xf32>,
            %max3A_1025 = arith.maximumf %get3A_970, %get3A_999 : vector<16xf32>
            %add3A_1026 = arith.constant 32 : i32
            %add3A_1027 = arith.addi %mul3A_953, %add3A_1026 : i32
            %swap3A_1028 = arith.index_cast %add3A_1027 : i32 to index
            %swap3A_1029 = tpu.vector_load %run_scoped3A[%swap3A_1028] {strides = array<i32>} : memref<40960xf32, #tpu.memory_space<vmem>>, vector<16xf32>,
            tpu.vector_store %run_scoped3A[%swap3A_1028], %max3A_1025 {strides = array<i32>} : memref<40960xf32, #tpu.memory_space<vmem>>, vector<16xf32>,
            %max3A_1030 = arith.maximumf %get3A_974, %get3A_1002 : vector<16xf32>
            %add3A_1031 = arith.constant 48 : i32
            %add3A_1032 = arith.addi %mul3A_953, %add3A_1031 : i32
            %swap3A_1033 = arith.index_cast %add3A_1032 : i32 to index
            %swap3A_1034 = tpu.vector_load %run_scoped3A[%swap3A_1033] {strides = array<i32>} : memref<40960xf32, #tpu.memory_space<vmem>>, vector<16xf32>,
            tpu.vector_store %run_scoped3A[%swap3A_1033], %max3A_1030 {strides = array<i32>} : memref<40960xf32, #tpu.memory_space<vmem>>, vector<16xf32>,
            %max3A_1035 = arith.maximumf %get3A_978, %get3A_1005 : vector<16xf32>
            %add3A_1036 = arith.constant 64 : i32
            %add3A_1037 = arith.addi %mul3A_953, %add3A_1036 : i32
            %swap3A_1038 = arith.index_cast %add3A_1037 : i32 to index
            %swap3A_1039 = tpu.vector_load %run_scoped3A[%swap3A_1038] {strides = array<i32>} : memref<40960xf32, #tpu.memory_space<vmem>>, vector<16xf32>,
            tpu.vector_store %run_scoped3A[%swap3A_1038], %max3A_1035 {strides = array<i32>} : memref<40960xf32, #tpu.memory_space<vmem>>, vector<16xf32>,
            %max3A_1040 = arith.maximumf %get3A_982, %get3A_1008 : vector<16xf32>
            %add3A_1041 = arith.constant 80 : i32
            %add3A_1042 = arith.addi %mul3A_953, %add3A_1041 : i32
            %swap3A_1043 = arith.index_cast %add3A_1042 : i32 to index
            %swap3A_1044 = tpu.vector_load %run_scoped3A[%swap3A_1043] {strides = array<i32>} : memref<40960xf32, #tpu.memory_space<vmem>>, vector<16xf32>,
            tpu.vector_store %run_scoped3A[%swap3A_1043], %max3A_1040 {strides = array<i32>} : memref<40960xf32, #tpu.memory_space<vmem>>, vector<16xf32>,
            %max3A_1045 = arith.maximumf %get3A_986, %get3A_1011 : vector<16xf32>
            %add3A_1046 = arith.constant 96 : i32
            %add3A_1047 = arith.addi %mul3A_953, %add3A_1046 : i32
            %swap3A_1048 = arith.index_cast %add3A_1047 : i32 to index
            %swap3A_1049 = tpu.vector_load %run_scoped3A[%swap3A_1048] {strides = array<i32>} : memref<40960xf32, #tpu.memory_space<vmem>>, vector<16xf32>,
            tpu.vector_store %run_scoped3A[%swap3A_1048], %max3A_1045 {strides = array<i32>} : memref<40960xf32, #tpu.memory_space<vmem>>, vector<16xf32>,
            %max3A_1050 = arith.maximumf %get3A_990, %get3A_1014 : vector<16xf32>
            %add3A_1051 = arith.constant 112 : i32
            %add3A_1052 = arith.addi %mul3A_953, %add3A_1051 : i32
            %swap3A_1053 = arith.index_cast %add3A_1052 : i32 to index
            %swap3A_1054 = tpu.vector_load %run_scoped3A[%swap3A_1053] {strides = array<i32>} : memref<40960xf32, #tpu.memory_space<vmem>>, vector<16xf32>,
            tpu.vector_store %run_scoped3A[%swap3A_1053], %max3A_1050 {strides = array<i32>} : memref<40960xf32, #tpu.memory_space<vmem>>, vector<16xf32>,
            %slice3A_1055 = vector.extract_strided_slice %get3A_217 {offsets = [8], sizes = [1], strides = [1]} : vector<16xi32> to vector<1xi32>
            %squeeze3A_1056 = vector.extract %slice3A_1055[0] : i32 from vector<1xi32>
            %mul3A_1057 = arith.constant 128 : i32
            %mul3A_1058 = arith.muli %squeeze3A_1056, %mul3A_1057 : i32
            %mul3A_1059 = arith.constant 16 : i32
            %mul3A_1060 = arith.muli %scan3A_211, %mul3A_1059 : i32
            %add3A_1061 = arith.addi %mul3A_184, %mul3A_1060 : i32
            %add3A_1062 = arith.constant 8 : i32
            %add3A_1063 = arith.addi %add3A_1061, %add3A_1062 : i32
            %add3A_1064 = arith.constant 0 : i32
            %add3A_1065 = arith.addi %mul3A_1058, %add3A_1064 : i32
            %get3A_1066 = arith.index_cast %add3A_1065 : i32 to index
            %get3A_1067 = tpu.vector_load %run_scoped3A[%get3A_1066] {strides = array<i32>} : memref<40960xf32, #tpu.memory_space<vmem>>, vector<16xf32>,
            %add3A_1068 = arith.constant 16 : i32
            %add3A_1069 = arith.addi %mul3A_1058, %add3A_1068 : i32
            %get3A_1070 = arith.index_cast %add3A_1069 : i32 to index
            %get3A_1071 = tpu.vector_load %run_scoped3A[%get3A_1070] {strides = array<i32>} : memref<40960xf32, #tpu.memory_space<vmem>>, vector<16xf32>,
            %add3A_1072 = arith.constant 32 : i32
            %add3A_1073 = arith.addi %mul3A_1058, %add3A_1072 : i32
            %get3A_1074 = arith.index_cast %add3A_1073 : i32 to index
            %get3A_1075 = tpu.vector_load %run_scoped3A[%get3A_1074] {strides = array<i32>} : memref<40960xf32, #tpu.memory_space<vmem>>, vector<16xf32>,
            %add3A_1076 = arith.constant 48 : i32
            %add3A_1077 = arith.addi %mul3A_1058, %add3A_1076 : i32
            %get3A_1078 = arith.index_cast %add3A_1077 : i32 to index
            %get3A_1079 = tpu.vector_load %run_scoped3A[%get3A_1078] {strides = array<i32>} : memref<40960xf32, #tpu.memory_space<vmem>>, vector<16xf32>,
            %add3A_1080 = arith.constant 64 : i32
            %add3A_1081 = arith.addi %mul3A_1058, %add3A_1080 : i32
            %get3A_1082 = arith.index_cast %add3A_1081 : i32 to index
            %get3A_1083 = tpu.vector_load %run_scoped3A[%get3A_1082] {strides = array<i32>} : memref<40960xf32, #tpu.memory_space<vmem>>, vector<16xf32>,
            %add3A_1084 = arith.constant 80 : i32
            %add3A_1085 = arith.addi %mul3A_1058, %add3A_1084 : i32
            %get3A_1086 = arith.index_cast %add3A_1085 : i32 to index
            %get3A_1087 = tpu.vector_load %run_scoped3A[%get3A_1086] {strides = array<i32>} : memref<40960xf32, #tpu.memory_space<vmem>>, vector<16xf32>,
            %add3A_1088 = arith.constant 96 : i32
            %add3A_1089 = arith.addi %mul3A_1058, %add3A_1088 : i32
            %get3A_1090 = arith.index_cast %add3A_1089 : i32 to index
            %get3A_1091 = tpu.vector_load %run_scoped3A[%get3A_1090] {strides = array<i32>} : memref<40960xf32, #tpu.memory_space<vmem>>, vector<16xf32>,
            %add3A_1092 = arith.constant 112 : i32
            %add3A_1093 = arith.addi %mul3A_1058, %add3A_1092 : i32
            %get3A_1094 = arith.index_cast %add3A_1093 : i32 to index
            %get3A_1095 = tpu.vector_load %run_scoped3A[%get3A_1094] {strides = array<i32>} : memref<40960xf32, #tpu.memory_space<vmem>>, vector<16xf32>,
            %get3A_1096 = arith.index_cast %add3A_1063 : i32 to index
            %get3A_1097 = arith.constant 0 : index
            %get3A_1098 = tpu.vector_load %arg8[%get3A_1096, %get3A_1097] {strides = array<i32>} : memref<256x128xf32, #tpu.memory_space<vmem>>, vector<16xf32>,
            %get3A_1099 = arith.index_cast %add3A_1063 : i32 to index
            %get3A_1100 = arith.constant 16 : index
            %get3A_1101 = tpu.vector_load %arg8[%get3A_1099, %get3A_1100] {strides = array<i32>} : memref<256x128xf32, #tpu.memory_space<vmem>>, vector<16xf32>,
            %get3A_1102 = arith.index_cast %add3A_1063 : i32 to index
            %get3A_1103 = arith.constant 32 : index
            %get3A_1104 = tpu.vector_load %arg8[%get3A_1102, %get3A_1103] {strides = array<i32>} : memref<256x128xf32, #tpu.memory_space<vmem>>, vector<16xf32>,
            %get3A_1105 = arith.index_cast %add3A_1063 : i32 to index
            %get3A_1106 = arith.constant 48 : index
            %get3A_1107 = tpu.vector_load %arg8[%get3A_1105, %get3A_1106] {strides = array<i32>} : memref<256x128xf32, #tpu.memory_space<vmem>>, vector<16xf32>,
            %get3A_1108 = arith.index_cast %add3A_1063 : i32 to index
            %get3A_1109 = arith.constant 64 : index
            %get3A_1110 = tpu.vector_load %arg8[%get3A_1108, %get3A_1109] {strides = array<i32>} : memref<256x128xf32, #tpu.memory_space<vmem>>, vector<16xf32>,
            %get3A_1111 = arith.index_cast %add3A_1063 : i32 to index
            %get3A_1112 = arith.constant 80 : index
            %get3A_1113 = tpu.vector_load %arg8[%get3A_1111, %get3A_1112] {strides = array<i32>} : memref<256x128xf32, #tpu.memory_space<vmem>>, vector<16xf32>,
            %get3A_1114 = arith.index_cast %add3A_1063 : i32 to index
            %get3A_1115 = arith.constant 96 : index
            %get3A_1116 = tpu.vector_load %arg8[%get3A_1114, %get3A_1115] {strides = array<i32>} : memref<256x128xf32, #tpu.memory_space<vmem>>, vector<16xf32>,
            %get3A_1117 = arith.index_cast %add3A_1063 : i32 to index
            %get3A_1118 = arith.constant 112 : index
            %get3A_1119 = tpu.vector_load %arg8[%get3A_1117, %get3A_1118] {strides = array<i32>} : memref<256x128xf32, #tpu.memory_space<vmem>>, vector<16xf32>,
            %max3A_1120 = arith.maximumf %get3A_1067, %get3A_1098 : vector<16xf32>
            %add3A_1121 = arith.constant 0 : i32
            %add3A_1122 = arith.addi %mul3A_1058, %add3A_1121 : i32
            %swap3A_1123 = arith.index_cast %add3A_1122 : i32 to index
            %swap3A_1124 = tpu.vector_load %run_scoped3A[%swap3A_1123] {strides = array<i32>} : memref<40960xf32, #tpu.memory_space<vmem>>, vector<16xf32>,
            tpu.vector_store %run_scoped3A[%swap3A_1123], %max3A_1120 {strides = array<i32>} : memref<40960xf32, #tpu.memory_space<vmem>>, vector<16xf32>,
            %max3A_1125 = arith.maximumf %get3A_1071, %get3A_1101 : vector<16xf32>
            %add3A_1126 = arith.constant 16 : i32
            %add3A_1127 = arith.addi %mul3A_1058, %add3A_1126 : i32
            %swap3A_1128 = arith.index_cast %add3A_1127 : i32 to index
            %swap3A_1129 = tpu.vector_load %run_scoped3A[%swap3A_1128] {strides = array<i32>} : memref<40960xf32, #tpu.memory_space<vmem>>, vector<16xf32>,
            tpu.vector_store %run_scoped3A[%swap3A_1128], %max3A_1125 {strides = array<i32>} : memref<40960xf32, #tpu.memory_space<vmem>>, vector<16xf32>,
            %max3A_1130 = arith.maximumf %get3A_1075, %get3A_1104 : vector<16xf32>
            %add3A_1131 = arith.constant 32 : i32
            %add3A_1132 = arith.addi %mul3A_1058, %add3A_1131 : i32
            %swap3A_1133 = arith.index_cast %add3A_1132 : i32 to index
            %swap3A_1134 = tpu.vector_load %run_scoped3A[%swap3A_1133] {strides = array<i32>} : memref<40960xf32, #tpu.memory_space<vmem>>, vector<16xf32>,
            tpu.vector_store %run_scoped3A[%swap3A_1133], %max3A_1130 {strides = array<i32>} : memref<40960xf32, #tpu.memory_space<vmem>>, vector<16xf32>,
            %max3A_1135 = arith.maximumf %get3A_1079, %get3A_1107 : vector<16xf32>
            %add3A_1136 = arith.constant 48 : i32
            %add3A_1137 = arith.addi %mul3A_1058, %add3A_1136 : i32
            %swap3A_1138 = arith.index_cast %add3A_1137 : i32 to index
            %swap3A_1139 = tpu.vector_load %run_scoped3A[%swap3A_1138] {strides = array<i32>} : memref<40960xf32, #tpu.memory_space<vmem>>, vector<16xf32>,
            tpu.vector_store %run_scoped3A[%swap3A_1138], %max3A_1135 {strides = array<i32>} : memref<40960xf32, #tpu.memory_space<vmem>>, vector<16xf32>,
            %max3A_1140 = arith.maximumf %get3A_1083, %get3A_1110 : vector<16xf32>
            %add3A_1141 = arith.constant 64 : i32
            %add3A_1142 = arith.addi %mul3A_1058, %add3A_1141 : i32
            %swap3A_1143 = arith.index_cast %add3A_1142 : i32 to index
            %swap3A_1144 = tpu.vector_load %run_scoped3A[%swap3A_1143] {strides = array<i32>} : memref<40960xf32, #tpu.memory_space<vmem>>, vector<16xf32>,
            tpu.vector_store %run_scoped3A[%swap3A_1143], %max3A_1140 {strides = array<i32>} : memref<40960xf32, #tpu.memory_space<vmem>>, vector<16xf32>,
            %max3A_1145 = arith.maximumf %get3A_1087, %get3A_1113 : vector<16xf32>
            %add3A_1146 = arith.constant 80 : i32
            %add3A_1147 = arith.addi %mul3A_1058, %add3A_1146 : i32
            %swap3A_1148 = arith.index_cast %add3A_1147 : i32 to index
            %swap3A_1149 = tpu.vector_load %run_scoped3A[%swap3A_1148] {strides = array<i32>} : memref<40960xf32, #tpu.memory_space<vmem>>, vector<16xf32>,
            tpu.vector_store %run_scoped3A[%swap3A_1148], %max3A_1145 {strides = array<i32>} : memref<40960xf32, #tpu.memory_space<vmem>>, vector<16xf32>,
            %max3A_1150 = arith.maximumf %get3A_1091, %get3A_1116 : vector<16xf32>
            %add3A_1151 = arith.constant 96 : i32
            %add3A_1152 = arith.addi %mul3A_1058, %add3A_1151 : i32
            %swap3A_1153 = arith.index_cast %add3A_1152 : i32 to index
            %swap3A_1154 = tpu.vector_load %run_scoped3A[%swap3A_1153] {strides = array<i32>} : memref<40960xf32, #tpu.memory_space<vmem>>, vector<16xf32>,
            tpu.vector_store %run_scoped3A[%swap3A_1153], %max3A_1150 {strides = array<i32>} : memref<40960xf32, #tpu.memory_space<vmem>>, vector<16xf32>,
            %max3A_1155 = arith.maximumf %get3A_1095, %get3A_1119 : vector<16xf32>
            %add3A_1156 = arith.constant 112 : i32
            %add3A_1157 = arith.addi %mul3A_1058, %add3A_1156 : i32
            %swap3A_1158 = arith.index_cast %add3A_1157 : i32 to index
            %swap3A_1159 = tpu.vector_load %run_scoped3A[%swap3A_1158] {strides = array<i32>} : memref<40960xf32, #tpu.memory_space<vmem>>, vector<16xf32>,
            tpu.vector_store %run_scoped3A[%swap3A_1158], %max3A_1155 {strides = array<i32>} : memref<40960xf32, #tpu.memory_space<vmem>>, vector<16xf32>,
            %slice3A_1160 = vector.extract_strided_slice %get3A_217 {offsets = [9], sizes = [1], strides = [1]} : vector<16xi32> to vector<1xi32>
            %squeeze3A_1161 = vector.extract %slice3A_1160[0] : i32 from vector<1xi32>
            %mul3A_1162 = arith.constant 128 : i32
            %mul3A_1163 = arith.muli %squeeze3A_1161, %mul3A_1162 : i32
            %mul3A_1164 = arith.constant 16 : i32
            %mul3A_1165 = arith.muli %scan3A_211, %mul3A_1164 : i32
            %add3A_1166 = arith.addi %mul3A_184, %mul3A_1165 : i32
            %add3A_1167 = arith.constant 9 : i32
            %add3A_1168 = arith.addi %add3A_1166, %add3A_1167 : i32
            %add3A_1169 = arith.constant 0 : i32
            %add3A_1170 = arith.addi %mul3A_1163, %add3A_1169 : i32
            %get3A_1171 = arith.index_cast %add3A_1170 : i32 to index
            %get3A_1172 = tpu.vector_load %run_scoped3A[%get3A_1171] {strides = array<i32>} : memref<40960xf32, #tpu.memory_space<vmem>>, vector<16xf32>,
            %add3A_1173 = arith.constant 16 : i32
            %add3A_1174 = arith.addi %mul3A_1163, %add3A_1173 : i32
            %get3A_1175 = arith.index_cast %add3A_1174 : i32 to index
            %get3A_1176 = tpu.vector_load %run_scoped3A[%get3A_1175] {strides = array<i32>} : memref<40960xf32, #tpu.memory_space<vmem>>, vector<16xf32>,
            %add3A_1177 = arith.constant 32 : i32
            %add3A_1178 = arith.addi %mul3A_1163, %add3A_1177 : i32
            %get3A_1179 = arith.index_cast %add3A_1178 : i32 to index
            %get3A_1180 = tpu.vector_load %run_scoped3A[%get3A_1179] {strides = array<i32>} : memref<40960xf32, #tpu.memory_space<vmem>>, vector<16xf32>,
            %add3A_1181 = arith.constant 48 : i32
            %add3A_1182 = arith.addi %mul3A_1163, %add3A_1181 : i32
            %get3A_1183 = arith.index_cast %add3A_1182 : i32 to index
            %get3A_1184 = tpu.vector_load %run_scoped3A[%get3A_1183] {strides = array<i32>} : memref<40960xf32, #tpu.memory_space<vmem>>, vector<16xf32>,
            %add3A_1185 = arith.constant 64 : i32
            %add3A_1186 = arith.addi %mul3A_1163, %add3A_1185 : i32
            %get3A_1187 = arith.index_cast %add3A_1186 : i32 to index
            %get3A_1188 = tpu.vector_load %run_scoped3A[%get3A_1187] {strides = array<i32>} : memref<40960xf32, #tpu.memory_space<vmem>>, vector<16xf32>,
            %add3A_1189 = arith.constant 80 : i32
            %add3A_1190 = arith.addi %mul3A_1163, %add3A_1189 : i32
            %get3A_1191 = arith.index_cast %add3A_1190 : i32 to index
            %get3A_1192 = tpu.vector_load %run_scoped3A[%get3A_1191] {strides = array<i32>} : memref<40960xf32, #tpu.memory_space<vmem>>, vector<16xf32>,
            %add3A_1193 = arith.constant 96 : i32
            %add3A_1194 = arith.addi %mul3A_1163, %add3A_1193 : i32
            %get3A_1195 = arith.index_cast %add3A_1194 : i32 to index
            %get3A_1196 = tpu.vector_load %run_scoped3A[%get3A_1195] {strides = array<i32>} : memref<40960xf32, #tpu.memory_space<vmem>>, vector<16xf32>,
            %add3A_1197 = arith.constant 112 : i32
            %add3A_1198 = arith.addi %mul3A_1163, %add3A_1197 : i32
            %get3A_1199 = arith.index_cast %add3A_1198 : i32 to index
            %get3A_1200 = tpu.vector_load %run_scoped3A[%get3A_1199] {strides = array<i32>} : memref<40960xf32, #tpu.memory_space<vmem>>, vector<16xf32>,
            %get3A_1201 = arith.index_cast %add3A_1168 : i32 to index
            %get3A_1202 = arith.constant 0 : index
            %get3A_1203 = tpu.vector_load %arg8[%get3A_1201, %get3A_1202] {strides = array<i32>} : memref<256x128xf32, #tpu.memory_space<vmem>>, vector<16xf32>,
            %get3A_1204 = arith.index_cast %add3A_1168 : i32 to index
            %get3A_1205 = arith.constant 16 : index
            %get3A_1206 = tpu.vector_load %arg8[%get3A_1204, %get3A_1205] {strides = array<i32>} : memref<256x128xf32, #tpu.memory_space<vmem>>, vector<16xf32>,
            %get3A_1207 = arith.index_cast %add3A_1168 : i32 to index
            %get3A_1208 = arith.constant 32 : index
            %get3A_1209 = tpu.vector_load %arg8[%get3A_1207, %get3A_1208] {strides = array<i32>} : memref<256x128xf32, #tpu.memory_space<vmem>>, vector<16xf32>,
            %get3A_1210 = arith.index_cast %add3A_1168 : i32 to index
            %get3A_1211 = arith.constant 48 : index
            %get3A_1212 = tpu.vector_load %arg8[%get3A_1210, %get3A_1211] {strides = array<i32>} : memref<256x128xf32, #tpu.memory_space<vmem>>, vector<16xf32>,
            %get3A_1213 = arith.index_cast %add3A_1168 : i32 to index
            %get3A_1214 = arith.constant 64 : index
            %get3A_1215 = tpu.vector_load %arg8[%get3A_1213, %get3A_1214] {strides = array<i32>} : memref<256x128xf32, #tpu.memory_space<vmem>>, vector<16xf32>,
            %get3A_1216 = arith.index_cast %add3A_1168 : i32 to index
            %get3A_1217 = arith.constant 80 : index
            %get3A_1218 = tpu.vector_load %arg8[%get3A_1216, %get3A_1217] {strides = array<i32>} : memref<256x128xf32, #tpu.memory_space<vmem>>, vector<16xf32>,
            %get3A_1219 = arith.index_cast %add3A_1168 : i32 to index
            %get3A_1220 = arith.constant 96 : index
            %get3A_1221 = tpu.vector_load %arg8[%get3A_1219, %get3A_1220] {strides = array<i32>} : memref<256x128xf32, #tpu.memory_space<vmem>>, vector<16xf32>,
            %get3A_1222 = arith.index_cast %add3A_1168 : i32 to index
            %get3A_1223 = arith.constant 112 : index
            %get3A_1224 = tpu.vector_load %arg8[%get3A_1222, %get3A_1223] {strides = array<i32>} : memref<256x128xf32, #tpu.memory_space<vmem>>, vector<16xf32>,
            %max3A_1225 = arith.maximumf %get3A_1172, %get3A_1203 : vector<16xf32>
            %add3A_1226 = arith.constant 0 : i32
            %add3A_1227 = arith.addi %mul3A_1163, %add3A_1226 : i32
            %swap3A_1228 = arith.index_cast %add3A_1227 : i32 to index
            %swap3A_1229 = tpu.vector_load %run_scoped3A[%swap3A_1228] {strides = array<i32>} : memref<40960xf32, #tpu.memory_space<vmem>>, vector<16xf32>,
            tpu.vector_store %run_scoped3A[%swap3A_1228], %max3A_1225 {strides = array<i32>} : memref<40960xf32, #tpu.memory_space<vmem>>, vector<16xf32>,
            %max3A_1230 = arith.maximumf %get3A_1176, %get3A_1206 : vector<16xf32>
            %add3A_1231 = arith.constant 16 : i32
            %add3A_1232 = arith.addi %mul3A_1163, %add3A_1231 : i32
            %swap3A_1233 = arith.index_cast %add3A_1232 : i32 to index
            %swap3A_1234 = tpu.vector_load %run_scoped3A[%swap3A_1233] {strides = array<i32>} : memref<40960xf32, #tpu.memory_space<vmem>>, vector<16xf32>,
            tpu.vector_store %run_scoped3A[%swap3A_1233], %max3A_1230 {strides = array<i32>} : memref<40960xf32, #tpu.memory_space<vmem>>, vector<16xf32>,
            %max3A_1235 = arith.maximumf %get3A_1180, %get3A_1209 : vector<16xf32>
            %add3A_1236 = arith.constant 32 : i32
            %add3A_1237 = arith.addi %mul3A_1163, %add3A_1236 : i32
            %swap3A_1238 = arith.index_cast %add3A_1237 : i32 to index
            %swap3A_1239 = tpu.vector_load %run_scoped3A[%swap3A_1238] {strides = array<i32>} : memref<40960xf32, #tpu.memory_space<vmem>>, vector<16xf32>,
            tpu.vector_store %run_scoped3A[%swap3A_1238], %max3A_1235 {strides = array<i32>} : memref<40960xf32, #tpu.memory_space<vmem>>, vector<16xf32>,
            %max3A_1240 = arith.maximumf %get3A_1184, %get3A_1212 : vector<16xf32>
            %add3A_1241 = arith.constant 48 : i32
            %add3A_1242 = arith.addi %mul3A_1163, %add3A_1241 : i32
            %swap3A_1243 = arith.index_cast %add3A_1242 : i32 to index
            %swap3A_1244 = tpu.vector_load %run_scoped3A[%swap3A_1243] {strides = array<i32>} : memref<40960xf32, #tpu.memory_space<vmem>>, vector<16xf32>,
            tpu.vector_store %run_scoped3A[%swap3A_1243], %max3A_1240 {strides = array<i32>} : memref<40960xf32, #tpu.memory_space<vmem>>, vector<16xf32>,
            %max3A_1245 = arith.maximumf %get3A_1188, %get3A_1215 : vector<16xf32>
            %add3A_1246 = arith.constant 64 : i32
            %add3A_1247 = arith.addi %mul3A_1163, %add3A_1246 : i32
            %swap3A_1248 = arith.index_cast %add3A_1247 : i32 to index
            %swap3A_1249 = tpu.vector_load %run_scoped3A[%swap3A_1248] {strides = array<i32>} : memref<40960xf32, #tpu.memory_space<vmem>>, vector<16xf32>,
            tpu.vector_store %run_scoped3A[%swap3A_1248], %max3A_1245 {strides = array<i32>} : memref<40960xf32, #tpu.memory_space<vmem>>, vector<16xf32>,
            %max3A_1250 = arith.maximumf %get3A_1192, %get3A_1218 : vector<16xf32>
            %add3A_1251 = arith.constant 80 : i32
            %add3A_1252 = arith.addi %mul3A_1163, %add3A_1251 : i32
            %swap3A_1253 = arith.index_cast %add3A_1252 : i32 to index
            %swap3A_1254 = tpu.vector_load %run_scoped3A[%swap3A_1253] {strides = array<i32>} : memref<40960xf32, #tpu.memory_space<vmem>>, vector<16xf32>,
            tpu.vector_store %run_scoped3A[%swap3A_1253], %max3A_1250 {strides = array<i32>} : memref<40960xf32, #tpu.memory_space<vmem>>, vector<16xf32>,
            %max3A_1255 = arith.maximumf %get3A_1196, %get3A_1221 : vector<16xf32>
            %add3A_1256 = arith.constant 96 : i32
            %add3A_1257 = arith.addi %mul3A_1163, %add3A_1256 : i32
            %swap3A_1258 = arith.index_cast %add3A_1257 : i32 to index
            %swap3A_1259 = tpu.vector_load %run_scoped3A[%swap3A_1258] {strides = array<i32>} : memref<40960xf32, #tpu.memory_space<vmem>>, vector<16xf32>,
            tpu.vector_store %run_scoped3A[%swap3A_1258], %max3A_1255 {strides = array<i32>} : memref<40960xf32, #tpu.memory_space<vmem>>, vector<16xf32>,
            %max3A_1260 = arith.maximumf %get3A_1200, %get3A_1224 : vector<16xf32>
            %add3A_1261 = arith.constant 112 : i32
            %add3A_1262 = arith.addi %mul3A_1163, %add3A_1261 : i32
            %swap3A_1263 = arith.index_cast %add3A_1262 : i32 to index
            %swap3A_1264 = tpu.vector_load %run_scoped3A[%swap3A_1263] {strides = array<i32>} : memref<40960xf32, #tpu.memory_space<vmem>>, vector<16xf32>,
            tpu.vector_store %run_scoped3A[%swap3A_1263], %max3A_1260 {strides = array<i32>} : memref<40960xf32, #tpu.memory_space<vmem>>, vector<16xf32>,
            %slice3A_1265 = vector.extract_strided_slice %get3A_217 {offsets = [10], sizes = [1], strides = [1]} : vector<16xi32> to vector<1xi32>
            %squeeze3A_1266 = vector.extract %slice3A_1265[0] : i32 from vector<1xi32>
            %mul3A_1267 = arith.constant 128 : i32
            %mul3A_1268 = arith.muli %squeeze3A_1266, %mul3A_1267 : i32
            %mul3A_1269 = arith.constant 16 : i32
            %mul3A_1270 = arith.muli %scan3A_211, %mul3A_1269 : i32
            %add3A_1271 = arith.addi %mul3A_184, %mul3A_1270 : i32
            %add3A_1272 = arith.constant 10 : i32
            %add3A_1273 = arith.addi %add3A_1271, %add3A_1272 : i32
            %add3A_1274 = arith.constant 0 : i32
            %add3A_1275 = arith.addi %mul3A_1268, %add3A_1274 : i32
            %get3A_1276 = arith.index_cast %add3A_1275 : i32 to index
            %get3A_1277 = tpu.vector_load %run_scoped3A[%get3A_1276] {strides = array<i32>} : memref<40960xf32, #tpu.memory_space<vmem>>, vector<16xf32>,
            %add3A_1278 = arith.constant 16 : i32
            %add3A_1279 = arith.addi %mul3A_1268, %add3A_1278 : i32
            %get3A_1280 = arith.index_cast %add3A_1279 : i32 to index
            %get3A_1281 = tpu.vector_load %run_scoped3A[%get3A_1280] {strides = array<i32>} : memref<40960xf32, #tpu.memory_space<vmem>>, vector<16xf32>,
            %add3A_1282 = arith.constant 32 : i32
            %add3A_1283 = arith.addi %mul3A_1268, %add3A_1282 : i32
            %get3A_1284 = arith.index_cast %add3A_1283 : i32 to index
            %get3A_1285 = tpu.vector_load %run_scoped3A[%get3A_1284] {strides = array<i32>} : memref<40960xf32, #tpu.memory_space<vmem>>, vector<16xf32>,
            %add3A_1286 = arith.constant 48 : i32
            %add3A_1287 = arith.addi %mul3A_1268, %add3A_1286 : i32
            %get3A_1288 = arith.index_cast %add3A_1287 : i32 to index
            %get3A_1289 = tpu.vector_load %run_scoped3A[%get3A_1288] {strides = array<i32>} : memref<40960xf32, #tpu.memory_space<vmem>>, vector<16xf32>,
            %add3A_1290 = arith.constant 64 : i32
            %add3A_1291 = arith.addi %mul3A_1268, %add3A_1290 : i32
            %get3A_1292 = arith.index_cast %add3A_1291 : i32 to index
            %get3A_1293 = tpu.vector_load %run_scoped3A[%get3A_1292] {strides = array<i32>} : memref<40960xf32, #tpu.memory_space<vmem>>, vector<16xf32>,
            %add3A_1294 = arith.constant 80 : i32
            %add3A_1295 = arith.addi %mul3A_1268, %add3A_1294 : i32
            %get3A_1296 = arith.index_cast %add3A_1295 : i32 to index
            %get3A_1297 = tpu.vector_load %run_scoped3A[%get3A_1296] {strides = array<i32>} : memref<40960xf32, #tpu.memory_space<vmem>>, vector<16xf32>,
            %add3A_1298 = arith.constant 96 : i32
            %add3A_1299 = arith.addi %mul3A_1268, %add3A_1298 : i32
            %get3A_1300 = arith.index_cast %add3A_1299 : i32 to index
            %get3A_1301 = tpu.vector_load %run_scoped3A[%get3A_1300] {strides = array<i32>} : memref<40960xf32, #tpu.memory_space<vmem>>, vector<16xf32>,
            %add3A_1302 = arith.constant 112 : i32
            %add3A_1303 = arith.addi %mul3A_1268, %add3A_1302 : i32
            %get3A_1304 = arith.index_cast %add3A_1303 : i32 to index
            %get3A_1305 = tpu.vector_load %run_scoped3A[%get3A_1304] {strides = array<i32>} : memref<40960xf32, #tpu.memory_space<vmem>>, vector<16xf32>,
            %get3A_1306 = arith.index_cast %add3A_1273 : i32 to index
            %get3A_1307 = arith.constant 0 : index
            %get3A_1308 = tpu.vector_load %arg8[%get3A_1306, %get3A_1307] {strides = array<i32>} : memref<256x128xf32, #tpu.memory_space<vmem>>, vector<16xf32>,
            %get3A_1309 = arith.index_cast %add3A_1273 : i32 to index
            %get3A_1310 = arith.constant 16 : index
            %get3A_1311 = tpu.vector_load %arg8[%get3A_1309, %get3A_1310] {strides = array<i32>} : memref<256x128xf32, #tpu.memory_space<vmem>>, vector<16xf32>,
            %get3A_1312 = arith.index_cast %add3A_1273 : i32 to index
            %get3A_1313 = arith.constant 32 : index
            %get3A_1314 = tpu.vector_load %arg8[%get3A_1312, %get3A_1313] {strides = array<i32>} : memref<256x128xf32, #tpu.memory_space<vmem>>, vector<16xf32>,
            %get3A_1315 = arith.index_cast %add3A_1273 : i32 to index
            %get3A_1316 = arith.constant 48 : index
            %get3A_1317 = tpu.vector_load %arg8[%get3A_1315, %get3A_1316] {strides = array<i32>} : memref<256x128xf32, #tpu.memory_space<vmem>>, vector<16xf32>,
            %get3A_1318 = arith.index_cast %add3A_1273 : i32 to index
            %get3A_1319 = arith.constant 64 : index
            %get3A_1320 = tpu.vector_load %arg8[%get3A_1318, %get3A_1319] {strides = array<i32>} : memref<256x128xf32, #tpu.memory_space<vmem>>, vector<16xf32>,
            %get3A_1321 = arith.index_cast %add3A_1273 : i32 to index
            %get3A_1322 = arith.constant 80 : index
            %get3A_1323 = tpu.vector_load %arg8[%get3A_1321, %get3A_1322] {strides = array<i32>} : memref<256x128xf32, #tpu.memory_space<vmem>>, vector<16xf32>,
            %get3A_1324 = arith.index_cast %add3A_1273 : i32 to index
            %get3A_1325 = arith.constant 96 : index
            %get3A_1326 = tpu.vector_load %arg8[%get3A_1324, %get3A_1325] {strides = array<i32>} : memref<256x128xf32, #tpu.memory_space<vmem>>, vector<16xf32>,
            %get3A_1327 = arith.index_cast %add3A_1273 : i32 to index
            %get3A_1328 = arith.constant 112 : index
            %get3A_1329 = tpu.vector_load %arg8[%get3A_1327, %get3A_1328] {strides = array<i32>} : memref<256x128xf32, #tpu.memory_space<vmem>>, vector<16xf32>,
            %max3A_1330 = arith.maximumf %get3A_1277, %get3A_1308 : vector<16xf32>
            %add3A_1331 = arith.constant 0 : i32
            %add3A_1332 = arith.addi %mul3A_1268, %add3A_1331 : i32
            %swap3A_1333 = arith.index_cast %add3A_1332 : i32 to index
            %swap3A_1334 = tpu.vector_load %run_scoped3A[%swap3A_1333] {strides = array<i32>} : memref<40960xf32, #tpu.memory_space<vmem>>, vector<16xf32>,
            tpu.vector_store %run_scoped3A[%swap3A_1333], %max3A_1330 {strides = array<i32>} : memref<40960xf32, #tpu.memory_space<vmem>>, vector<16xf32>,
            %max3A_1335 = arith.maximumf %get3A_1281, %get3A_1311 : vector<16xf32>
            %add3A_1336 = arith.constant 16 : i32
            %add3A_1337 = arith.addi %mul3A_1268, %add3A_1336 : i32
            %swap3A_1338 = arith.index_cast %add3A_1337 : i32 to index
            %swap3A_1339 = tpu.vector_load %run_scoped3A[%swap3A_1338] {strides = array<i32>} : memref<40960xf32, #tpu.memory_space<vmem>>, vector<16xf32>,
            tpu.vector_store %run_scoped3A[%swap3A_1338], %max3A_1335 {strides = array<i32>} : memref<40960xf32, #tpu.memory_space<vmem>>, vector<16xf32>,
            %max3A_1340 = arith.maximumf %get3A_1285, %get3A_1314 : vector<16xf32>
            %add3A_1341 = arith.constant 32 : i32
            %add3A_1342 = arith.addi %mul3A_1268, %add3A_1341 : i32
            %swap3A_1343 = arith.index_cast %add3A_1342 : i32 to index
            %swap3A_1344 = tpu.vector_load %run_scoped3A[%swap3A_1343] {strides = array<i32>} : memref<40960xf32, #tpu.memory_space<vmem>>, vector<16xf32>,
            tpu.vector_store %run_scoped3A[%swap3A_1343], %max3A_1340 {strides = array<i32>} : memref<40960xf32, #tpu.memory_space<vmem>>, vector<16xf32>,
            %max3A_1345 = arith.maximumf %get3A_1289, %get3A_1317 : vector<16xf32>
            %add3A_1346 = arith.constant 48 : i32
            %add3A_1347 = arith.addi %mul3A_1268, %add3A_1346 : i32
            %swap3A_1348 = arith.index_cast %add3A_1347 : i32 to index
            %swap3A_1349 = tpu.vector_load %run_scoped3A[%swap3A_1348] {strides = array<i32>} : memref<40960xf32, #tpu.memory_space<vmem>>, vector<16xf32>,
            tpu.vector_store %run_scoped3A[%swap3A_1348], %max3A_1345 {strides = array<i32>} : memref<40960xf32, #tpu.memory_space<vmem>>, vector<16xf32>,
            %max3A_1350 = arith.maximumf %get3A_1293, %get3A_1320 : vector<16xf32>
            %add3A_1351 = arith.constant 64 : i32
            %add3A_1352 = arith.addi %mul3A_1268, %add3A_1351 : i32
            %swap3A_1353 = arith.index_cast %add3A_1352 : i32 to index
            %swap3A_1354 = tpu.vector_load %run_scoped3A[%swap3A_1353] {strides = array<i32>} : memref<40960xf32, #tpu.memory_space<vmem>>, vector<16xf32>,
            tpu.vector_store %run_scoped3A[%swap3A_1353], %max3A_1350 {strides = array<i32>} : memref<40960xf32, #tpu.memory_space<vmem>>, vector<16xf32>,
            %max3A_1355 = arith.maximumf %get3A_1297, %get3A_1323 : vector<16xf32>
            %add3A_1356 = arith.constant 80 : i32
            %add3A_1357 = arith.addi %mul3A_1268, %add3A_1356 : i32
            %swap3A_1358 = arith.index_cast %add3A_1357 : i32 to index
            %swap3A_1359 = tpu.vector_load %run_scoped3A[%swap3A_1358] {strides = array<i32>} : memref<40960xf32, #tpu.memory_space<vmem>>, vector<16xf32>,
            tpu.vector_store %run_scoped3A[%swap3A_1358], %max3A_1355 {strides = array<i32>} : memref<40960xf32, #tpu.memory_space<vmem>>, vector<16xf32>,
            %max3A_1360 = arith.maximumf %get3A_1301, %get3A_1326 : vector<16xf32>
            %add3A_1361 = arith.constant 96 : i32
            %add3A_1362 = arith.addi %mul3A_1268, %add3A_1361 : i32
            %swap3A_1363 = arith.index_cast %add3A_1362 : i32 to index
            %swap3A_1364 = tpu.vector_load %run_scoped3A[%swap3A_1363] {strides = array<i32>} : memref<40960xf32, #tpu.memory_space<vmem>>, vector<16xf32>,
            tpu.vector_store %run_scoped3A[%swap3A_1363], %max3A_1360 {strides = array<i32>} : memref<40960xf32, #tpu.memory_space<vmem>>, vector<16xf32>,
            %max3A_1365 = arith.maximumf %get3A_1305, %get3A_1329 : vector<16xf32>
            %add3A_1366 = arith.constant 112 : i32
            %add3A_1367 = arith.addi %mul3A_1268, %add3A_1366 : i32
            %swap3A_1368 = arith.index_cast %add3A_1367 : i32 to index
            %swap3A_1369 = tpu.vector_load %run_scoped3A[%swap3A_1368] {strides = array<i32>} : memref<40960xf32, #tpu.memory_space<vmem>>, vector<16xf32>,
            tpu.vector_store %run_scoped3A[%swap3A_1368], %max3A_1365 {strides = array<i32>} : memref<40960xf32, #tpu.memory_space<vmem>>, vector<16xf32>,
            %slice3A_1370 = vector.extract_strided_slice %get3A_217 {offsets = [11], sizes = [1], strides = [1]} : vector<16xi32> to vector<1xi32>
            %squeeze3A_1371 = vector.extract %slice3A_1370[0] : i32 from vector<1xi32>
            %mul3A_1372 = arith.constant 128 : i32
            %mul3A_1373 = arith.muli %squeeze3A_1371, %mul3A_1372 : i32
            %mul3A_1374 = arith.constant 16 : i32
            %mul3A_1375 = arith.muli %scan3A_211, %mul3A_1374 : i32
            %add3A_1376 = arith.addi %mul3A_184, %mul3A_1375 : i32
            %add3A_1377 = arith.constant 11 : i32
            %add3A_1378 = arith.addi %add3A_1376, %add3A_1377 : i32
            %add3A_1379 = arith.constant 0 : i32
            %add3A_1380 = arith.addi %mul3A_1373, %add3A_1379 : i32
            %get3A_1381 = arith.index_cast %add3A_1380 : i32 to index
            %get3A_1382 = tpu.vector_load %run_scoped3A[%get3A_1381] {strides = array<i32>} : memref<40960xf32, #tpu.memory_space<vmem>>, vector<16xf32>,
            %add3A_1383 = arith.constant 16 : i32
            %add3A_1384 = arith.addi %mul3A_1373, %add3A_1383 : i32
            %get3A_1385 = arith.index_cast %add3A_1384 : i32 to index
            %get3A_1386 = tpu.vector_load %run_scoped3A[%get3A_1385] {strides = array<i32>} : memref<40960xf32, #tpu.memory_space<vmem>>, vector<16xf32>,
            %add3A_1387 = arith.constant 32 : i32
            %add3A_1388 = arith.addi %mul3A_1373, %add3A_1387 : i32
            %get3A_1389 = arith.index_cast %add3A_1388 : i32 to index
            %get3A_1390 = tpu.vector_load %run_scoped3A[%get3A_1389] {strides = array<i32>} : memref<40960xf32, #tpu.memory_space<vmem>>, vector<16xf32>,
            %add3A_1391 = arith.constant 48 : i32
            %add3A_1392 = arith.addi %mul3A_1373, %add3A_1391 : i32
            %get3A_1393 = arith.index_cast %add3A_1392 : i32 to index
            %get3A_1394 = tpu.vector_load %run_scoped3A[%get3A_1393] {strides = array<i32>} : memref<40960xf32, #tpu.memory_space<vmem>>, vector<16xf32>,
            %add3A_1395 = arith.constant 64 : i32
            %add3A_1396 = arith.addi %mul3A_1373, %add3A_1395 : i32
            %get3A_1397 = arith.index_cast %add3A_1396 : i32 to index
            %get3A_1398 = tpu.vector_load %run_scoped3A[%get3A_1397] {strides = array<i32>} : memref<40960xf32, #tpu.memory_space<vmem>>, vector<16xf32>,
            %add3A_1399 = arith.constant 80 : i32
            %add3A_1400 = arith.addi %mul3A_1373, %add3A_1399 : i32
            %get3A_1401 = arith.index_cast %add3A_1400 : i32 to index
            %get3A_1402 = tpu.vector_load %run_scoped3A[%get3A_1401] {strides = array<i32>} : memref<40960xf32, #tpu.memory_space<vmem>>, vector<16xf32>,
            %add3A_1403 = arith.constant 96 : i32
            %add3A_1404 = arith.addi %mul3A_1373, %add3A_1403 : i32
            %get3A_1405 = arith.index_cast %add3A_1404 : i32 to index
            %get3A_1406 = tpu.vector_load %run_scoped3A[%get3A_1405] {strides = array<i32>} : memref<40960xf32, #tpu.memory_space<vmem>>, vector<16xf32>,
            %add3A_1407 = arith.constant 112 : i32
            %add3A_1408 = arith.addi %mul3A_1373, %add3A_1407 : i32
            %get3A_1409 = arith.index_cast %add3A_1408 : i32 to index
            %get3A_1410 = tpu.vector_load %run_scoped3A[%get3A_1409] {strides = array<i32>} : memref<40960xf32, #tpu.memory_space<vmem>>, vector<16xf32>,
            %get3A_1411 = arith.index_cast %add3A_1378 : i32 to index
            %get3A_1412 = arith.constant 0 : index
            %get3A_1413 = tpu.vector_load %arg8[%get3A_1411, %get3A_1412] {strides = array<i32>} : memref<256x128xf32, #tpu.memory_space<vmem>>, vector<16xf32>,
            %get3A_1414 = arith.index_cast %add3A_1378 : i32 to index
            %get3A_1415 = arith.constant 16 : index
            %get3A_1416 = tpu.vector_load %arg8[%get3A_1414, %get3A_1415] {strides = array<i32>} : memref<256x128xf32, #tpu.memory_space<vmem>>, vector<16xf32>,
            %get3A_1417 = arith.index_cast %add3A_1378 : i32 to index
            %get3A_1418 = arith.constant 32 : index
            %get3A_1419 = tpu.vector_load %arg8[%get3A_1417, %get3A_1418] {strides = array<i32>} : memref<256x128xf32, #tpu.memory_space<vmem>>, vector<16xf32>,
            %get3A_1420 = arith.index_cast %add3A_1378 : i32 to index
            %get3A_1421 = arith.constant 48 : index
            %get3A_1422 = tpu.vector_load %arg8[%get3A_1420, %get3A_1421] {strides = array<i32>} : memref<256x128xf32, #tpu.memory_space<vmem>>, vector<16xf32>,
            %get3A_1423 = arith.index_cast %add3A_1378 : i32 to index
            %get3A_1424 = arith.constant 64 : index
            %get3A_1425 = tpu.vector_load %arg8[%get3A_1423, %get3A_1424] {strides = array<i32>} : memref<256x128xf32, #tpu.memory_space<vmem>>, vector<16xf32>,
            %get3A_1426 = arith.index_cast %add3A_1378 : i32 to index
            %get3A_1427 = arith.constant 80 : index
            %get3A_1428 = tpu.vector_load %arg8[%get3A_1426, %get3A_1427] {strides = array<i32>} : memref<256x128xf32, #tpu.memory_space<vmem>>, vector<16xf32>,
            %get3A_1429 = arith.index_cast %add3A_1378 : i32 to index
            %get3A_1430 = arith.constant 96 : index
            %get3A_1431 = tpu.vector_load %arg8[%get3A_1429, %get3A_1430] {strides = array<i32>} : memref<256x128xf32, #tpu.memory_space<vmem>>, vector<16xf32>,
            %get3A_1432 = arith.index_cast %add3A_1378 : i32 to index
            %get3A_1433 = arith.constant 112 : index
            %get3A_1434 = tpu.vector_load %arg8[%get3A_1432, %get3A_1433] {strides = array<i32>} : memref<256x128xf32, #tpu.memory_space<vmem>>, vector<16xf32>,
            %max3A_1435 = arith.maximumf %get3A_1382, %get3A_1413 : vector<16xf32>
            %add3A_1436 = arith.constant 0 : i32
            %add3A_1437 = arith.addi %mul3A_1373, %add3A_1436 : i32
            %swap3A_1438 = arith.index_cast %add3A_1437 : i32 to index
            %swap3A_1439 = tpu.vector_load %run_scoped3A[%swap3A_1438] {strides = array<i32>} : memref<40960xf32, #tpu.memory_space<vmem>>, vector<16xf32>,
            tpu.vector_store %run_scoped3A[%swap3A_1438], %max3A_1435 {strides = array<i32>} : memref<40960xf32, #tpu.memory_space<vmem>>, vector<16xf32>,
            %max3A_1440 = arith.maximumf %get3A_1386, %get3A_1416 : vector<16xf32>
            %add3A_1441 = arith.constant 16 : i32
            %add3A_1442 = arith.addi %mul3A_1373, %add3A_1441 : i32
            %swap3A_1443 = arith.index_cast %add3A_1442 : i32 to index
            %swap3A_1444 = tpu.vector_load %run_scoped3A[%swap3A_1443] {strides = array<i32>} : memref<40960xf32, #tpu.memory_space<vmem>>, vector<16xf32>,
            tpu.vector_store %run_scoped3A[%swap3A_1443], %max3A_1440 {strides = array<i32>} : memref<40960xf32, #tpu.memory_space<vmem>>, vector<16xf32>,
            %max3A_1445 = arith.maximumf %get3A_1390, %get3A_1419 : vector<16xf32>
            %add3A_1446 = arith.constant 32 : i32
            %add3A_1447 = arith.addi %mul3A_1373, %add3A_1446 : i32
            %swap3A_1448 = arith.index_cast %add3A_1447 : i32 to index
            %swap3A_1449 = tpu.vector_load %run_scoped3A[%swap3A_1448] {strides = array<i32>} : memref<40960xf32, #tpu.memory_space<vmem>>, vector<16xf32>,
            tpu.vector_store %run_scoped3A[%swap3A_1448], %max3A_1445 {strides = array<i32>} : memref<40960xf32, #tpu.memory_space<vmem>>, vector<16xf32>,
            %max3A_1450 = arith.maximumf %get3A_1394, %get3A_1422 : vector<16xf32>
            %add3A_1451 = arith.constant 48 : i32
            %add3A_1452 = arith.addi %mul3A_1373, %add3A_1451 : i32
            %swap3A_1453 = arith.index_cast %add3A_1452 : i32 to index
            %swap3A_1454 = tpu.vector_load %run_scoped3A[%swap3A_1453] {strides = array<i32>} : memref<40960xf32, #tpu.memory_space<vmem>>, vector<16xf32>,
            tpu.vector_store %run_scoped3A[%swap3A_1453], %max3A_1450 {strides = array<i32>} : memref<40960xf32, #tpu.memory_space<vmem>>, vector<16xf32>,
            %max3A_1455 = arith.maximumf %get3A_1398, %get3A_1425 : vector<16xf32>
            %add3A_1456 = arith.constant 64 : i32
            %add3A_1457 = arith.addi %mul3A_1373, %add3A_1456 : i32
            %swap3A_1458 = arith.index_cast %add3A_1457 : i32 to index
            %swap3A_1459 = tpu.vector_load %run_scoped3A[%swap3A_1458] {strides = array<i32>} : memref<40960xf32, #tpu.memory_space<vmem>>, vector<16xf32>,
            tpu.vector_store %run_scoped3A[%swap3A_1458], %max3A_1455 {strides = array<i32>} : memref<40960xf32, #tpu.memory_space<vmem>>, vector<16xf32>,
            %max3A_1460 = arith.maximumf %get3A_1402, %get3A_1428 : vector<16xf32>
            %add3A_1461 = arith.constant 80 : i32
            %add3A_1462 = arith.addi %mul3A_1373, %add3A_1461 : i32
            %swap3A_1463 = arith.index_cast %add3A_1462 : i32 to index
            %swap3A_1464 = tpu.vector_load %run_scoped3A[%swap3A_1463] {strides = array<i32>} : memref<40960xf32, #tpu.memory_space<vmem>>, vector<16xf32>,
            tpu.vector_store %run_scoped3A[%swap3A_1463], %max3A_1460 {strides = array<i32>} : memref<40960xf32, #tpu.memory_space<vmem>>, vector<16xf32>,
            %max3A_1465 = arith.maximumf %get3A_1406, %get3A_1431 : vector<16xf32>
            %add3A_1466 = arith.constant 96 : i32
            %add3A_1467 = arith.addi %mul3A_1373, %add3A_1466 : i32
            %swap3A_1468 = arith.index_cast %add3A_1467 : i32 to index
            %swap3A_1469 = tpu.vector_load %run_scoped3A[%swap3A_1468] {strides = array<i32>} : memref<40960xf32, #tpu.memory_space<vmem>>, vector<16xf32>,
            tpu.vector_store %run_scoped3A[%swap3A_1468], %max3A_1465 {strides = array<i32>} : memref<40960xf32, #tpu.memory_space<vmem>>, vector<16xf32>,
            %max3A_1470 = arith.maximumf %get3A_1410, %get3A_1434 : vector<16xf32>
            %add3A_1471 = arith.constant 112 : i32
            %add3A_1472 = arith.addi %mul3A_1373, %add3A_1471 : i32
            %swap3A_1473 = arith.index_cast %add3A_1472 : i32 to index
            %swap3A_1474 = tpu.vector_load %run_scoped3A[%swap3A_1473] {strides = array<i32>} : memref<40960xf32, #tpu.memory_space<vmem>>, vector<16xf32>,
            tpu.vector_store %run_scoped3A[%swap3A_1473], %max3A_1470 {strides = array<i32>} : memref<40960xf32, #tpu.memory_space<vmem>>, vector<16xf32>,
            %slice3A_1475 = vector.extract_strided_slice %get3A_217 {offsets = [12], sizes = [1], strides = [1]} : vector<16xi32> to vector<1xi32>
            %squeeze3A_1476 = vector.extract %slice3A_1475[0] : i32 from vector<1xi32>
            %mul3A_1477 = arith.constant 128 : i32
            %mul3A_1478 = arith.muli %squeeze3A_1476, %mul3A_1477 : i32
            %mul3A_1479 = arith.constant 16 : i32
            %mul3A_1480 = arith.muli %scan3A_211, %mul3A_1479 : i32
            %add3A_1481 = arith.addi %mul3A_184, %mul3A_1480 : i32
            %add3A_1482 = arith.constant 12 : i32
            %add3A_1483 = arith.addi %add3A_1481, %add3A_1482 : i32
            %add3A_1484 = arith.constant 0 : i32
            %add3A_1485 = arith.addi %mul3A_1478, %add3A_1484 : i32
            %get3A_1486 = arith.index_cast %add3A_1485 : i32 to index
            %get3A_1487 = tpu.vector_load %run_scoped3A[%get3A_1486] {strides = array<i32>} : memref<40960xf32, #tpu.memory_space<vmem>>, vector<16xf32>,
            %add3A_1488 = arith.constant 16 : i32
            %add3A_1489 = arith.addi %mul3A_1478, %add3A_1488 : i32
            %get3A_1490 = arith.index_cast %add3A_1489 : i32 to index
            %get3A_1491 = tpu.vector_load %run_scoped3A[%get3A_1490] {strides = array<i32>} : memref<40960xf32, #tpu.memory_space<vmem>>, vector<16xf32>,
            %add3A_1492 = arith.constant 32 : i32
            %add3A_1493 = arith.addi %mul3A_1478, %add3A_1492 : i32
            %get3A_1494 = arith.index_cast %add3A_1493 : i32 to index
            %get3A_1495 = tpu.vector_load %run_scoped3A[%get3A_1494] {strides = array<i32>} : memref<40960xf32, #tpu.memory_space<vmem>>, vector<16xf32>,
            %add3A_1496 = arith.constant 48 : i32
            %add3A_1497 = arith.addi %mul3A_1478, %add3A_1496 : i32
            %get3A_1498 = arith.index_cast %add3A_1497 : i32 to index
            %get3A_1499 = tpu.vector_load %run_scoped3A[%get3A_1498] {strides = array<i32>} : memref<40960xf32, #tpu.memory_space<vmem>>, vector<16xf32>,
            %add3A_1500 = arith.constant 64 : i32
            %add3A_1501 = arith.addi %mul3A_1478, %add3A_1500 : i32
            %get3A_1502 = arith.index_cast %add3A_1501 : i32 to index
            %get3A_1503 = tpu.vector_load %run_scoped3A[%get3A_1502] {strides = array<i32>} : memref<40960xf32, #tpu.memory_space<vmem>>, vector<16xf32>,
            %add3A_1504 = arith.constant 80 : i32
            %add3A_1505 = arith.addi %mul3A_1478, %add3A_1504 : i32
            %get3A_1506 = arith.index_cast %add3A_1505 : i32 to index
            %get3A_1507 = tpu.vector_load %run_scoped3A[%get3A_1506] {strides = array<i32>} : memref<40960xf32, #tpu.memory_space<vmem>>, vector<16xf32>,
            %add3A_1508 = arith.constant 96 : i32
            %add3A_1509 = arith.addi %mul3A_1478, %add3A_1508 : i32
            %get3A_1510 = arith.index_cast %add3A_1509 : i32 to index
            %get3A_1511 = tpu.vector_load %run_scoped3A[%get3A_1510] {strides = array<i32>} : memref<40960xf32, #tpu.memory_space<vmem>>, vector<16xf32>,
            %add3A_1512 = arith.constant 112 : i32
            %add3A_1513 = arith.addi %mul3A_1478, %add3A_1512 : i32
            %get3A_1514 = arith.index_cast %add3A_1513 : i32 to index
            %get3A_1515 = tpu.vector_load %run_scoped3A[%get3A_1514] {strides = array<i32>} : memref<40960xf32, #tpu.memory_space<vmem>>, vector<16xf32>,
            %get3A_1516 = arith.index_cast %add3A_1483 : i32 to index
            %get3A_1517 = arith.constant 0 : index
            %get3A_1518 = tpu.vector_load %arg8[%get3A_1516, %get3A_1517] {strides = array<i32>} : memref<256x128xf32, #tpu.memory_space<vmem>>, vector<16xf32>,
            %get3A_1519 = arith.index_cast %add3A_1483 : i32 to index
            %get3A_1520 = arith.constant 16 : index
            %get3A_1521 = tpu.vector_load %arg8[%get3A_1519, %get3A_1520] {strides = array<i32>} : memref<256x128xf32, #tpu.memory_space<vmem>>, vector<16xf32>,
            %get3A_1522 = arith.index_cast %add3A_1483 : i32 to index
            %get3A_1523 = arith.constant 32 : index
            %get3A_1524 = tpu.vector_load %arg8[%get3A_1522, %get3A_1523] {strides = array<i32>} : memref<256x128xf32, #tpu.memory_space<vmem>>, vector<16xf32>,
            %get3A_1525 = arith.index_cast %add3A_1483 : i32 to index
            %get3A_1526 = arith.constant 48 : index
            %get3A_1527 = tpu.vector_load %arg8[%get3A_1525, %get3A_1526] {strides = array<i32>} : memref<256x128xf32, #tpu.memory_space<vmem>>, vector<16xf32>,
            %get3A_1528 = arith.index_cast %add3A_1483 : i32 to index
            %get3A_1529 = arith.constant 64 : index
            %get3A_1530 = tpu.vector_load %arg8[%get3A_1528, %get3A_1529] {strides = array<i32>} : memref<256x128xf32, #tpu.memory_space<vmem>>, vector<16xf32>,
            %get3A_1531 = arith.index_cast %add3A_1483 : i32 to index
            %get3A_1532 = arith.constant 80 : index
            %get3A_1533 = tpu.vector_load %arg8[%get3A_1531, %get3A_1532] {strides = array<i32>} : memref<256x128xf32, #tpu.memory_space<vmem>>, vector<16xf32>,
            %get3A_1534 = arith.index_cast %add3A_1483 : i32 to index
            %get3A_1535 = arith.constant 96 : index
            %get3A_1536 = tpu.vector_load %arg8[%get3A_1534, %get3A_1535] {strides = array<i32>} : memref<256x128xf32, #tpu.memory_space<vmem>>, vector<16xf32>,
            %get3A_1537 = arith.index_cast %add3A_1483 : i32 to index
            %get3A_1538 = arith.constant 112 : index
            %get3A_1539 = tpu.vector_load %arg8[%get3A_1537, %get3A_1538] {strides = array<i32>} : memref<256x128xf32, #tpu.memory_space<vmem>>, vector<16xf32>,
            %max3A_1540 = arith.maximumf %get3A_1487, %get3A_1518 : vector<16xf32>
            %add3A_1541 = arith.constant 0 : i32
            %add3A_1542 = arith.addi %mul3A_1478, %add3A_1541 : i32
            %swap3A_1543 = arith.index_cast %add3A_1542 : i32 to index
            %swap3A_1544 = tpu.vector_load %run_scoped3A[%swap3A_1543] {strides = array<i32>} : memref<40960xf32, #tpu.memory_space<vmem>>, vector<16xf32>,
            tpu.vector_store %run_scoped3A[%swap3A_1543], %max3A_1540 {strides = array<i32>} : memref<40960xf32, #tpu.memory_space<vmem>>, vector<16xf32>,
            %max3A_1545 = arith.maximumf %get3A_1491, %get3A_1521 : vector<16xf32>
            %add3A_1546 = arith.constant 16 : i32
            %add3A_1547 = arith.addi %mul3A_1478, %add3A_1546 : i32
            %swap3A_1548 = arith.index_cast %add3A_1547 : i32 to index
            %swap3A_1549 = tpu.vector_load %run_scoped3A[%swap3A_1548] {strides = array<i32>} : memref<40960xf32, #tpu.memory_space<vmem>>, vector<16xf32>,
            tpu.vector_store %run_scoped3A[%swap3A_1548], %max3A_1545 {strides = array<i32>} : memref<40960xf32, #tpu.memory_space<vmem>>, vector<16xf32>,
            %max3A_1550 = arith.maximumf %get3A_1495, %get3A_1524 : vector<16xf32>
            %add3A_1551 = arith.constant 32 : i32
            %add3A_1552 = arith.addi %mul3A_1478, %add3A_1551 : i32
            %swap3A_1553 = arith.index_cast %add3A_1552 : i32 to index
            %swap3A_1554 = tpu.vector_load %run_scoped3A[%swap3A_1553] {strides = array<i32>} : memref<40960xf32, #tpu.memory_space<vmem>>, vector<16xf32>,
            tpu.vector_store %run_scoped3A[%swap3A_1553], %max3A_1550 {strides = array<i32>} : memref<40960xf32, #tpu.memory_space<vmem>>, vector<16xf32>,
            %max3A_1555 = arith.maximumf %get3A_1499, %get3A_1527 : vector<16xf32>
            %add3A_1556 = arith.constant 48 : i32
            %add3A_1557 = arith.addi %mul3A_1478, %add3A_1556 : i32
            %swap3A_1558 = arith.index_cast %add3A_1557 : i32 to index
            %swap3A_1559 = tpu.vector_load %run_scoped3A[%swap3A_1558] {strides = array<i32>} : memref<40960xf32, #tpu.memory_space<vmem>>, vector<16xf32>,
            tpu.vector_store %run_scoped3A[%swap3A_1558], %max3A_1555 {strides = array<i32>} : memref<40960xf32, #tpu.memory_space<vmem>>, vector<16xf32>,
            %max3A_1560 = arith.maximumf %get3A_1503, %get3A_1530 : vector<16xf32>
            %add3A_1561 = arith.constant 64 : i32
            %add3A_1562 = arith.addi %mul3A_1478, %add3A_1561 : i32
            %swap3A_1563 = arith.index_cast %add3A_1562 : i32 to index
            %swap3A_1564 = tpu.vector_load %run_scoped3A[%swap3A_1563] {strides = array<i32>} : memref<40960xf32, #tpu.memory_space<vmem>>, vector<16xf32>,
            tpu.vector_store %run_scoped3A[%swap3A_1563], %max3A_1560 {strides = array<i32>} : memref<40960xf32, #tpu.memory_space<vmem>>, vector<16xf32>,
            %max3A_1565 = arith.maximumf %get3A_1507, %get3A_1533 : vector<16xf32>
            %add3A_1566 = arith.constant 80 : i32
            %add3A_1567 = arith.addi %mul3A_1478, %add3A_1566 : i32
            %swap3A_1568 = arith.index_cast %add3A_1567 : i32 to index
            %swap3A_1569 = tpu.vector_load %run_scoped3A[%swap3A_1568] {strides = array<i32>} : memref<40960xf32, #tpu.memory_space<vmem>>, vector<16xf32>,
            tpu.vector_store %run_scoped3A[%swap3A_1568], %max3A_1565 {strides = array<i32>} : memref<40960xf32, #tpu.memory_space<vmem>>, vector<16xf32>,
            %max3A_1570 = arith.maximumf %get3A_1511, %get3A_1536 : vector<16xf32>
            %add3A_1571 = arith.constant 96 : i32
            %add3A_1572 = arith.addi %mul3A_1478, %add3A_1571 : i32
            %swap3A_1573 = arith.index_cast %add3A_1572 : i32 to index
            %swap3A_1574 = tpu.vector_load %run_scoped3A[%swap3A_1573] {strides = array<i32>} : memref<40960xf32, #tpu.memory_space<vmem>>, vector<16xf32>,
            tpu.vector_store %run_scoped3A[%swap3A_1573], %max3A_1570 {strides = array<i32>} : memref<40960xf32, #tpu.memory_space<vmem>>, vector<16xf32>,
            %max3A_1575 = arith.maximumf %get3A_1515, %get3A_1539 : vector<16xf32>
            %add3A_1576 = arith.constant 112 : i32
            %add3A_1577 = arith.addi %mul3A_1478, %add3A_1576 : i32
            %swap3A_1578 = arith.index_cast %add3A_1577 : i32 to index
            %swap3A_1579 = tpu.vector_load %run_scoped3A[%swap3A_1578] {strides = array<i32>} : memref<40960xf32, #tpu.memory_space<vmem>>, vector<16xf32>,
            tpu.vector_store %run_scoped3A[%swap3A_1578], %max3A_1575 {strides = array<i32>} : memref<40960xf32, #tpu.memory_space<vmem>>, vector<16xf32>,
            %slice3A_1580 = vector.extract_strided_slice %get3A_217 {offsets = [13], sizes = [1], strides = [1]} : vector<16xi32> to vector<1xi32>
            %squeeze3A_1581 = vector.extract %slice3A_1580[0] : i32 from vector<1xi32>
            %mul3A_1582 = arith.constant 128 : i32
            %mul3A_1583 = arith.muli %squeeze3A_1581, %mul3A_1582 : i32
            %mul3A_1584 = arith.constant 16 : i32
            %mul3A_1585 = arith.muli %scan3A_211, %mul3A_1584 : i32
            %add3A_1586 = arith.addi %mul3A_184, %mul3A_1585 : i32
            %add3A_1587 = arith.constant 13 : i32
            %add3A_1588 = arith.addi %add3A_1586, %add3A_1587 : i32
            %add3A_1589 = arith.constant 0 : i32
            %add3A_1590 = arith.addi %mul3A_1583, %add3A_1589 : i32
            %get3A_1591 = arith.index_cast %add3A_1590 : i32 to index
            %get3A_1592 = tpu.vector_load %run_scoped3A[%get3A_1591] {strides = array<i32>} : memref<40960xf32, #tpu.memory_space<vmem>>, vector<16xf32>,
            %add3A_1593 = arith.constant 16 : i32
            %add3A_1594 = arith.addi %mul3A_1583, %add3A_1593 : i32
            %get3A_1595 = arith.index_cast %add3A_1594 : i32 to index
            %get3A_1596 = tpu.vector_load %run_scoped3A[%get3A_1595] {strides = array<i32>} : memref<40960xf32, #tpu.memory_space<vmem>>, vector<16xf32>,
            %add3A_1597 = arith.constant 32 : i32
            %add3A_1598 = arith.addi %mul3A_1583, %add3A_1597 : i32
            %get3A_1599 = arith.index_cast %add3A_1598 : i32 to index
            %get3A_1600 = tpu.vector_load %run_scoped3A[%get3A_1599] {strides = array<i32>} : memref<40960xf32, #tpu.memory_space<vmem>>, vector<16xf32>,
            %add3A_1601 = arith.constant 48 : i32
            %add3A_1602 = arith.addi %mul3A_1583, %add3A_1601 : i32
            %get3A_1603 = arith.index_cast %add3A_1602 : i32 to index
            %get3A_1604 = tpu.vector_load %run_scoped3A[%get3A_1603] {strides = array<i32>} : memref<40960xf32, #tpu.memory_space<vmem>>, vector<16xf32>,
            %add3A_1605 = arith.constant 64 : i32
            %add3A_1606 = arith.addi %mul3A_1583, %add3A_1605 : i32
            %get3A_1607 = arith.index_cast %add3A_1606 : i32 to index
            %get3A_1608 = tpu.vector_load %run_scoped3A[%get3A_1607] {strides = array<i32>} : memref<40960xf32, #tpu.memory_space<vmem>>, vector<16xf32>,
            %add3A_1609 = arith.constant 80 : i32
            %add3A_1610 = arith.addi %mul3A_1583, %add3A_1609 : i32
            %get3A_1611 = arith.index_cast %add3A_1610 : i32 to index
            %get3A_1612 = tpu.vector_load %run_scoped3A[%get3A_1611] {strides = array<i32>} : memref<40960xf32, #tpu.memory_space<vmem>>, vector<16xf32>,
            %add3A_1613 = arith.constant 96 : i32
            %add3A_1614 = arith.addi %mul3A_1583, %add3A_1613 : i32
            %get3A_1615 = arith.index_cast %add3A_1614 : i32 to index
            %get3A_1616 = tpu.vector_load %run_scoped3A[%get3A_1615] {strides = array<i32>} : memref<40960xf32, #tpu.memory_space<vmem>>, vector<16xf32>,
            %add3A_1617 = arith.constant 112 : i32
            %add3A_1618 = arith.addi %mul3A_1583, %add3A_1617 : i32
            %get3A_1619 = arith.index_cast %add3A_1618 : i32 to index
            %get3A_1620 = tpu.vector_load %run_scoped3A[%get3A_1619] {strides = array<i32>} : memref<40960xf32, #tpu.memory_space<vmem>>, vector<16xf32>,
            %get3A_1621 = arith.index_cast %add3A_1588 : i32 to index
            %get3A_1622 = arith.constant 0 : index
            %get3A_1623 = tpu.vector_load %arg8[%get3A_1621, %get3A_1622] {strides = array<i32>} : memref<256x128xf32, #tpu.memory_space<vmem>>, vector<16xf32>,
            %get3A_1624 = arith.index_cast %add3A_1588 : i32 to index
            %get3A_1625 = arith.constant 16 : index
            %get3A_1626 = tpu.vector_load %arg8[%get3A_1624, %get3A_1625] {strides = array<i32>} : memref<256x128xf32, #tpu.memory_space<vmem>>, vector<16xf32>,
            %get3A_1627 = arith.index_cast %add3A_1588 : i32 to index
            %get3A_1628 = arith.constant 32 : index
            %get3A_1629 = tpu.vector_load %arg8[%get3A_1627, %get3A_1628] {strides = array<i32>} : memref<256x128xf32, #tpu.memory_space<vmem>>, vector<16xf32>,
            %get3A_1630 = arith.index_cast %add3A_1588 : i32 to index
            %get3A_1631 = arith.constant 48 : index
            %get3A_1632 = tpu.vector_load %arg8[%get3A_1630, %get3A_1631] {strides = array<i32>} : memref<256x128xf32, #tpu.memory_space<vmem>>, vector<16xf32>,
            %get3A_1633 = arith.index_cast %add3A_1588 : i32 to index
            %get3A_1634 = arith.constant 64 : index
            %get3A_1635 = tpu.vector_load %arg8[%get3A_1633, %get3A_1634] {strides = array<i32>} : memref<256x128xf32, #tpu.memory_space<vmem>>, vector<16xf32>,
            %get3A_1636 = arith.index_cast %add3A_1588 : i32 to index
            %get3A_1637 = arith.constant 80 : index
            %get3A_1638 = tpu.vector_load %arg8[%get3A_1636, %get3A_1637] {strides = array<i32>} : memref<256x128xf32, #tpu.memory_space<vmem>>, vector<16xf32>,
            %get3A_1639 = arith.index_cast %add3A_1588 : i32 to index
            %get3A_1640 = arith.constant 96 : index
            %get3A_1641 = tpu.vector_load %arg8[%get3A_1639, %get3A_1640] {strides = array<i32>} : memref<256x128xf32, #tpu.memory_space<vmem>>, vector<16xf32>,
            %get3A_1642 = arith.index_cast %add3A_1588 : i32 to index
            %get3A_1643 = arith.constant 112 : index
            %get3A_1644 = tpu.vector_load %arg8[%get3A_1642, %get3A_1643] {strides = array<i32>} : memref<256x128xf32, #tpu.memory_space<vmem>>, vector<16xf32>,
            %max3A_1645 = arith.maximumf %get3A_1592, %get3A_1623 : vector<16xf32>
            %add3A_1646 = arith.constant 0 : i32
            %add3A_1647 = arith.addi %mul3A_1583, %add3A_1646 : i32
            %swap3A_1648 = arith.index_cast %add3A_1647 : i32 to index
            %swap3A_1649 = tpu.vector_load %run_scoped3A[%swap3A_1648] {strides = array<i32>} : memref<40960xf32, #tpu.memory_space<vmem>>, vector<16xf32>,
            tpu.vector_store %run_scoped3A[%swap3A_1648], %max3A_1645 {strides = array<i32>} : memref<40960xf32, #tpu.memory_space<vmem>>, vector<16xf32>,
            %max3A_1650 = arith.maximumf %get3A_1596, %get3A_1626 : vector<16xf32>
            %add3A_1651 = arith.constant 16 : i32
            %add3A_1652 = arith.addi %mul3A_1583, %add3A_1651 : i32
            %swap3A_1653 = arith.index_cast %add3A_1652 : i32 to index
            %swap3A_1654 = tpu.vector_load %run_scoped3A[%swap3A_1653] {strides = array<i32>} : memref<40960xf32, #tpu.memory_space<vmem>>, vector<16xf32>,
            tpu.vector_store %run_scoped3A[%swap3A_1653], %max3A_1650 {strides = array<i32>} : memref<40960xf32, #tpu.memory_space<vmem>>, vector<16xf32>,
            %max3A_1655 = arith.maximumf %get3A_1600, %get3A_1629 : vector<16xf32>
            %add3A_1656 = arith.constant 32 : i32
            %add3A_1657 = arith.addi %mul3A_1583, %add3A_1656 : i32
            %swap3A_1658 = arith.index_cast %add3A_1657 : i32 to index
            %swap3A_1659 = tpu.vector_load %run_scoped3A[%swap3A_1658] {strides = array<i32>} : memref<40960xf32, #tpu.memory_space<vmem>>, vector<16xf32>,
            tpu.vector_store %run_scoped3A[%swap3A_1658], %max3A_1655 {strides = array<i32>} : memref<40960xf32, #tpu.memory_space<vmem>>, vector<16xf32>,
            %max3A_1660 = arith.maximumf %get3A_1604, %get3A_1632 : vector<16xf32>
            %add3A_1661 = arith.constant 48 : i32
            %add3A_1662 = arith.addi %mul3A_1583, %add3A_1661 : i32
            %swap3A_1663 = arith.index_cast %add3A_1662 : i32 to index
            %swap3A_1664 = tpu.vector_load %run_scoped3A[%swap3A_1663] {strides = array<i32>} : memref<40960xf32, #tpu.memory_space<vmem>>, vector<16xf32>,
            tpu.vector_store %run_scoped3A[%swap3A_1663], %max3A_1660 {strides = array<i32>} : memref<40960xf32, #tpu.memory_space<vmem>>, vector<16xf32>,
            %max3A_1665 = arith.maximumf %get3A_1608, %get3A_1635 : vector<16xf32>
            %add3A_1666 = arith.constant 64 : i32
            %add3A_1667 = arith.addi %mul3A_1583, %add3A_1666 : i32
            %swap3A_1668 = arith.index_cast %add3A_1667 : i32 to index
            %swap3A_1669 = tpu.vector_load %run_scoped3A[%swap3A_1668] {strides = array<i32>} : memref<40960xf32, #tpu.memory_space<vmem>>, vector<16xf32>,
            tpu.vector_store %run_scoped3A[%swap3A_1668], %max3A_1665 {strides = array<i32>} : memref<40960xf32, #tpu.memory_space<vmem>>, vector<16xf32>,
            %max3A_1670 = arith.maximumf %get3A_1612, %get3A_1638 : vector<16xf32>
            %add3A_1671 = arith.constant 80 : i32
            %add3A_1672 = arith.addi %mul3A_1583, %add3A_1671 : i32
            %swap3A_1673 = arith.index_cast %add3A_1672 : i32 to index
            %swap3A_1674 = tpu.vector_load %run_scoped3A[%swap3A_1673] {strides = array<i32>} : memref<40960xf32, #tpu.memory_space<vmem>>, vector<16xf32>,
            tpu.vector_store %run_scoped3A[%swap3A_1673], %max3A_1670 {strides = array<i32>} : memref<40960xf32, #tpu.memory_space<vmem>>, vector<16xf32>,
            %max3A_1675 = arith.maximumf %get3A_1616, %get3A_1641 : vector<16xf32>
            %add3A_1676 = arith.constant 96 : i32
            %add3A_1677 = arith.addi %mul3A_1583, %add3A_1676 : i32
            %swap3A_1678 = arith.index_cast %add3A_1677 : i32 to index
            %swap3A_1679 = tpu.vector_load %run_scoped3A[%swap3A_1678] {strides = array<i32>} : memref<40960xf32, #tpu.memory_space<vmem>>, vector<16xf32>,
            tpu.vector_store %run_scoped3A[%swap3A_1678], %max3A_1675 {strides = array<i32>} : memref<40960xf32, #tpu.memory_space<vmem>>, vector<16xf32>,
            %max3A_1680 = arith.maximumf %get3A_1620, %get3A_1644 : vector<16xf32>
            %add3A_1681 = arith.constant 112 : i32
            %add3A_1682 = arith.addi %mul3A_1583, %add3A_1681 : i32
            %swap3A_1683 = arith.index_cast %add3A_1682 : i32 to index
            %swap3A_1684 = tpu.vector_load %run_scoped3A[%swap3A_1683] {strides = array<i32>} : memref<40960xf32, #tpu.memory_space<vmem>>, vector<16xf32>,
            tpu.vector_store %run_scoped3A[%swap3A_1683], %max3A_1680 {strides = array<i32>} : memref<40960xf32, #tpu.memory_space<vmem>>, vector<16xf32>,
            %slice3A_1685 = vector.extract_strided_slice %get3A_217 {offsets = [14], sizes = [1], strides = [1]} : vector<16xi32> to vector<1xi32>
            %squeeze3A_1686 = vector.extract %slice3A_1685[0] : i32 from vector<1xi32>
            %mul3A_1687 = arith.constant 128 : i32
            %mul3A_1688 = arith.muli %squeeze3A_1686, %mul3A_1687 : i32
            %mul3A_1689 = arith.constant 16 : i32
            %mul3A_1690 = arith.muli %scan3A_211, %mul3A_1689 : i32
            %add3A_1691 = arith.addi %mul3A_184, %mul3A_1690 : i32
            %add3A_1692 = arith.constant 14 : i32
            %add3A_1693 = arith.addi %add3A_1691, %add3A_1692 : i32
            %add3A_1694 = arith.constant 0 : i32
            %add3A_1695 = arith.addi %mul3A_1688, %add3A_1694 : i32
            %get3A_1696 = arith.index_cast %add3A_1695 : i32 to index
            %get3A_1697 = tpu.vector_load %run_scoped3A[%get3A_1696] {strides = array<i32>} : memref<40960xf32, #tpu.memory_space<vmem>>, vector<16xf32>,
            %add3A_1698 = arith.constant 16 : i32
            %add3A_1699 = arith.addi %mul3A_1688, %add3A_1698 : i32
            %get3A_1700 = arith.index_cast %add3A_1699 : i32 to index
            %get3A_1701 = tpu.vector_load %run_scoped3A[%get3A_1700] {strides = array<i32>} : memref<40960xf32, #tpu.memory_space<vmem>>, vector<16xf32>,
            %add3A_1702 = arith.constant 32 : i32
            %add3A_1703 = arith.addi %mul3A_1688, %add3A_1702 : i32
            %get3A_1704 = arith.index_cast %add3A_1703 : i32 to index
            %get3A_1705 = tpu.vector_load %run_scoped3A[%get3A_1704] {strides = array<i32>} : memref<40960xf32, #tpu.memory_space<vmem>>, vector<16xf32>,
            %add3A_1706 = arith.constant 48 : i32
            %add3A_1707 = arith.addi %mul3A_1688, %add3A_1706 : i32
            %get3A_1708 = arith.index_cast %add3A_1707 : i32 to index
            %get3A_1709 = tpu.vector_load %run_scoped3A[%get3A_1708] {strides = array<i32>} : memref<40960xf32, #tpu.memory_space<vmem>>, vector<16xf32>,
            %add3A_1710 = arith.constant 64 : i32
            %add3A_1711 = arith.addi %mul3A_1688, %add3A_1710 : i32
            %get3A_1712 = arith.index_cast %add3A_1711 : i32 to index
            %get3A_1713 = tpu.vector_load %run_scoped3A[%get3A_1712] {strides = array<i32>} : memref<40960xf32, #tpu.memory_space<vmem>>, vector<16xf32>,
            %add3A_1714 = arith.constant 80 : i32
            %add3A_1715 = arith.addi %mul3A_1688, %add3A_1714 : i32
            %get3A_1716 = arith.index_cast %add3A_1715 : i32 to index
            %get3A_1717 = tpu.vector_load %run_scoped3A[%get3A_1716] {strides = array<i32>} : memref<40960xf32, #tpu.memory_space<vmem>>, vector<16xf32>,
            %add3A_1718 = arith.constant 96 : i32
            %add3A_1719 = arith.addi %mul3A_1688, %add3A_1718 : i32
            %get3A_1720 = arith.index_cast %add3A_1719 : i32 to index
            %get3A_1721 = tpu.vector_load %run_scoped3A[%get3A_1720] {strides = array<i32>} : memref<40960xf32, #tpu.memory_space<vmem>>, vector<16xf32>,
            %add3A_1722 = arith.constant 112 : i32
            %add3A_1723 = arith.addi %mul3A_1688, %add3A_1722 : i32
            %get3A_1724 = arith.index_cast %add3A_1723 : i32 to index
            %get3A_1725 = tpu.vector_load %run_scoped3A[%get3A_1724] {strides = array<i32>} : memref<40960xf32, #tpu.memory_space<vmem>>, vector<16xf32>,
            %get3A_1726 = arith.index_cast %add3A_1693 : i32 to index
            %get3A_1727 = arith.constant 0 : index
            %get3A_1728 = tpu.vector_load %arg8[%get3A_1726, %get3A_1727] {strides = array<i32>} : memref<256x128xf32, #tpu.memory_space<vmem>>, vector<16xf32>,
            %get3A_1729 = arith.index_cast %add3A_1693 : i32 to index
            %get3A_1730 = arith.constant 16 : index
            %get3A_1731 = tpu.vector_load %arg8[%get3A_1729, %get3A_1730] {strides = array<i32>} : memref<256x128xf32, #tpu.memory_space<vmem>>, vector<16xf32>,
            %get3A_1732 = arith.index_cast %add3A_1693 : i32 to index
            %get3A_1733 = arith.constant 32 : index
            %get3A_1734 = tpu.vector_load %arg8[%get3A_1732, %get3A_1733] {strides = array<i32>} : memref<256x128xf32, #tpu.memory_space<vmem>>, vector<16xf32>,
            %get3A_1735 = arith.index_cast %add3A_1693 : i32 to index
            %get3A_1736 = arith.constant 48 : index
            %get3A_1737 = tpu.vector_load %arg8[%get3A_1735, %get3A_1736] {strides = array<i32>} : memref<256x128xf32, #tpu.memory_space<vmem>>, vector<16xf32>,
            %get3A_1738 = arith.index_cast %add3A_1693 : i32 to index
            %get3A_1739 = arith.constant 64 : index
            %get3A_1740 = tpu.vector_load %arg8[%get3A_1738, %get3A_1739] {strides = array<i32>} : memref<256x128xf32, #tpu.memory_space<vmem>>, vector<16xf32>,
            %get3A_1741 = arith.index_cast %add3A_1693 : i32 to index
            %get3A_1742 = arith.constant 80 : index
            %get3A_1743 = tpu.vector_load %arg8[%get3A_1741, %get3A_1742] {strides = array<i32>} : memref<256x128xf32, #tpu.memory_space<vmem>>, vector<16xf32>,
            %get3A_1744 = arith.index_cast %add3A_1693 : i32 to index
            %get3A_1745 = arith.constant 96 : index
            %get3A_1746 = tpu.vector_load %arg8[%get3A_1744, %get3A_1745] {strides = array<i32>} : memref<256x128xf32, #tpu.memory_space<vmem>>, vector<16xf32>,
            %get3A_1747 = arith.index_cast %add3A_1693 : i32 to index
            %get3A_1748 = arith.constant 112 : index
            %get3A_1749 = tpu.vector_load %arg8[%get3A_1747, %get3A_1748] {strides = array<i32>} : memref<256x128xf32, #tpu.memory_space<vmem>>, vector<16xf32>,
            %max3A_1750 = arith.maximumf %get3A_1697, %get3A_1728 : vector<16xf32>
            %add3A_1751 = arith.constant 0 : i32
            %add3A_1752 = arith.addi %mul3A_1688, %add3A_1751 : i32
            %swap3A_1753 = arith.index_cast %add3A_1752 : i32 to index
            %swap3A_1754 = tpu.vector_load %run_scoped3A[%swap3A_1753] {strides = array<i32>} : memref<40960xf32, #tpu.memory_space<vmem>>, vector<16xf32>,
            tpu.vector_store %run_scoped3A[%swap3A_1753], %max3A_1750 {strides = array<i32>} : memref<40960xf32, #tpu.memory_space<vmem>>, vector<16xf32>,
            %max3A_1755 = arith.maximumf %get3A_1701, %get3A_1731 : vector<16xf32>
            %add3A_1756 = arith.constant 16 : i32
            %add3A_1757 = arith.addi %mul3A_1688, %add3A_1756 : i32
            %swap3A_1758 = arith.index_cast %add3A_1757 : i32 to index
            %swap3A_1759 = tpu.vector_load %run_scoped3A[%swap3A_1758] {strides = array<i32>} : memref<40960xf32, #tpu.memory_space<vmem>>, vector<16xf32>,
            tpu.vector_store %run_scoped3A[%swap3A_1758], %max3A_1755 {strides = array<i32>} : memref<40960xf32, #tpu.memory_space<vmem>>, vector<16xf32>,
            %max3A_1760 = arith.maximumf %get3A_1705, %get3A_1734 : vector<16xf32>
            %add3A_1761 = arith.constant 32 : i32
            %add3A_1762 = arith.addi %mul3A_1688, %add3A_1761 : i32
            %swap3A_1763 = arith.index_cast %add3A_1762 : i32 to index
            %swap3A_1764 = tpu.vector_load %run_scoped3A[%swap3A_1763] {strides = array<i32>} : memref<40960xf32, #tpu.memory_space<vmem>>, vector<16xf32>,
            tpu.vector_store %run_scoped3A[%swap3A_1763], %max3A_1760 {strides = array<i32>} : memref<40960xf32, #tpu.memory_space<vmem>>, vector<16xf32>,
            %max3A_1765 = arith.maximumf %get3A_1709, %get3A_1737 : vector<16xf32>
            %add3A_1766 = arith.constant 48 : i32
            %add3A_1767 = arith.addi %mul3A_1688, %add3A_1766 : i32
            %swap3A_1768 = arith.index_cast %add3A_1767 : i32 to index
            %swap3A_1769 = tpu.vector_load %run_scoped3A[%swap3A_1768] {strides = array<i32>} : memref<40960xf32, #tpu.memory_space<vmem>>, vector<16xf32>,
            tpu.vector_store %run_scoped3A[%swap3A_1768], %max3A_1765 {strides = array<i32>} : memref<40960xf32, #tpu.memory_space<vmem>>, vector<16xf32>,
            %max3A_1770 = arith.maximumf %get3A_1713, %get3A_1740 : vector<16xf32>
            %add3A_1771 = arith.constant 64 : i32
            %add3A_1772 = arith.addi %mul3A_1688, %add3A_1771 : i32
            %swap3A_1773 = arith.index_cast %add3A_1772 : i32 to index
            %swap3A_1774 = tpu.vector_load %run_scoped3A[%swap3A_1773] {strides = array<i32>} : memref<40960xf32, #tpu.memory_space<vmem>>, vector<16xf32>,
            tpu.vector_store %run_scoped3A[%swap3A_1773], %max3A_1770 {strides = array<i32>} : memref<40960xf32, #tpu.memory_space<vmem>>, vector<16xf32>,
            %max3A_1775 = arith.maximumf %get3A_1717, %get3A_1743 : vector<16xf32>
            %add3A_1776 = arith.constant 80 : i32
            %add3A_1777 = arith.addi %mul3A_1688, %add3A_1776 : i32
            %swap3A_1778 = arith.index_cast %add3A_1777 : i32 to index
            %swap3A_1779 = tpu.vector_load %run_scoped3A[%swap3A_1778] {strides = array<i32>} : memref<40960xf32, #tpu.memory_space<vmem>>, vector<16xf32>,
            tpu.vector_store %run_scoped3A[%swap3A_1778], %max3A_1775 {strides = array<i32>} : memref<40960xf32, #tpu.memory_space<vmem>>, vector<16xf32>,
            %max3A_1780 = arith.maximumf %get3A_1721, %get3A_1746 : vector<16xf32>
            %add3A_1781 = arith.constant 96 : i32
            %add3A_1782 = arith.addi %mul3A_1688, %add3A_1781 : i32
            %swap3A_1783 = arith.index_cast %add3A_1782 : i32 to index
            %swap3A_1784 = tpu.vector_load %run_scoped3A[%swap3A_1783] {strides = array<i32>} : memref<40960xf32, #tpu.memory_space<vmem>>, vector<16xf32>,
            tpu.vector_store %run_scoped3A[%swap3A_1783], %max3A_1780 {strides = array<i32>} : memref<40960xf32, #tpu.memory_space<vmem>>, vector<16xf32>,
            %max3A_1785 = arith.maximumf %get3A_1725, %get3A_1749 : vector<16xf32>
            %add3A_1786 = arith.constant 112 : i32
            %add3A_1787 = arith.addi %mul3A_1688, %add3A_1786 : i32
            %swap3A_1788 = arith.index_cast %add3A_1787 : i32 to index
            %swap3A_1789 = tpu.vector_load %run_scoped3A[%swap3A_1788] {strides = array<i32>} : memref<40960xf32, #tpu.memory_space<vmem>>, vector<16xf32>,
            tpu.vector_store %run_scoped3A[%swap3A_1788], %max3A_1785 {strides = array<i32>} : memref<40960xf32, #tpu.memory_space<vmem>>, vector<16xf32>,
            %slice3A_1790 = vector.extract_strided_slice %get3A_217 {offsets = [15], sizes = [1], strides = [1]} : vector<16xi32> to vector<1xi32>
            %squeeze3A_1791 = vector.extract %slice3A_1790[0] : i32 from vector<1xi32>
            %mul3A_1792 = arith.constant 128 : i32
            %mul3A_1793 = arith.muli %squeeze3A_1791, %mul3A_1792 : i32
            %mul3A_1794 = arith.constant 16 : i32
            %mul3A_1795 = arith.muli %scan3A_211, %mul3A_1794 : i32
            %add3A_1796 = arith.addi %mul3A_184, %mul3A_1795 : i32
            %add3A_1797 = arith.constant 15 : i32
            %add3A_1798 = arith.addi %add3A_1796, %add3A_1797 : i32
            %add3A_1799 = arith.constant 0 : i32
            %add3A_1800 = arith.addi %mul3A_1793, %add3A_1799 : i32
            %get3A_1801 = arith.index_cast %add3A_1800 : i32 to index
            %get3A_1802 = tpu.vector_load %run_scoped3A[%get3A_1801] {strides = array<i32>} : memref<40960xf32, #tpu.memory_space<vmem>>, vector<16xf32>,
            %add3A_1803 = arith.constant 16 : i32
            %add3A_1804 = arith.addi %mul3A_1793, %add3A_1803 : i32
            %get3A_1805 = arith.index_cast %add3A_1804 : i32 to index
            %get3A_1806 = tpu.vector_load %run_scoped3A[%get3A_1805] {strides = array<i32>} : memref<40960xf32, #tpu.memory_space<vmem>>, vector<16xf32>,
            %add3A_1807 = arith.constant 32 : i32
            %add3A_1808 = arith.addi %mul3A_1793, %add3A_1807 : i32
            %get3A_1809 = arith.index_cast %add3A_1808 : i32 to index
            %get3A_1810 = tpu.vector_load %run_scoped3A[%get3A_1809] {strides = array<i32>} : memref<40960xf32, #tpu.memory_space<vmem>>, vector<16xf32>,
            %add3A_1811 = arith.constant 48 : i32
            %add3A_1812 = arith.addi %mul3A_1793, %add3A_1811 : i32
            %get3A_1813 = arith.index_cast %add3A_1812 : i32 to index
            %get3A_1814 = tpu.vector_load %run_scoped3A[%get3A_1813] {strides = array<i32>} : memref<40960xf32, #tpu.memory_space<vmem>>, vector<16xf32>,
            %add3A_1815 = arith.constant 64 : i32
            %add3A_1816 = arith.addi %mul3A_1793, %add3A_1815 : i32
            %get3A_1817 = arith.index_cast %add3A_1816 : i32 to index
            %get3A_1818 = tpu.vector_load %run_scoped3A[%get3A_1817] {strides = array<i32>} : memref<40960xf32, #tpu.memory_space<vmem>>, vector<16xf32>,
            %add3A_1819 = arith.constant 80 : i32
            %add3A_1820 = arith.addi %mul3A_1793, %add3A_1819 : i32
            %get3A_1821 = arith.index_cast %add3A_1820 : i32 to index
            %get3A_1822 = tpu.vector_load %run_scoped3A[%get3A_1821] {strides = array<i32>} : memref<40960xf32, #tpu.memory_space<vmem>>, vector<16xf32>,
            %add3A_1823 = arith.constant 96 : i32
            %add3A_1824 = arith.addi %mul3A_1793, %add3A_1823 : i32
            %get3A_1825 = arith.index_cast %add3A_1824 : i32 to index
            %get3A_1826 = tpu.vector_load %run_scoped3A[%get3A_1825] {strides = array<i32>} : memref<40960xf32, #tpu.memory_space<vmem>>, vector<16xf32>,
            %add3A_1827 = arith.constant 112 : i32
            %add3A_1828 = arith.addi %mul3A_1793, %add3A_1827 : i32
            %get3A_1829 = arith.index_cast %add3A_1828 : i32 to index
            %get3A_1830 = tpu.vector_load %run_scoped3A[%get3A_1829] {strides = array<i32>} : memref<40960xf32, #tpu.memory_space<vmem>>, vector<16xf32>,
            %get3A_1831 = arith.index_cast %add3A_1798 : i32 to index
            %get3A_1832 = arith.constant 0 : index
            %get3A_1833 = tpu.vector_load %arg8[%get3A_1831, %get3A_1832] {strides = array<i32>} : memref<256x128xf32, #tpu.memory_space<vmem>>, vector<16xf32>,
            %get3A_1834 = arith.index_cast %add3A_1798 : i32 to index
            %get3A_1835 = arith.constant 16 : index
            %get3A_1836 = tpu.vector_load %arg8[%get3A_1834, %get3A_1835] {strides = array<i32>} : memref<256x128xf32, #tpu.memory_space<vmem>>, vector<16xf32>,
            %get3A_1837 = arith.index_cast %add3A_1798 : i32 to index
            %get3A_1838 = arith.constant 32 : index
            %get3A_1839 = tpu.vector_load %arg8[%get3A_1837, %get3A_1838] {strides = array<i32>} : memref<256x128xf32, #tpu.memory_space<vmem>>, vector<16xf32>,
            %get3A_1840 = arith.index_cast %add3A_1798 : i32 to index
            %get3A_1841 = arith.constant 48 : index
            %get3A_1842 = tpu.vector_load %arg8[%get3A_1840, %get3A_1841] {strides = array<i32>} : memref<256x128xf32, #tpu.memory_space<vmem>>, vector<16xf32>,
            %get3A_1843 = arith.index_cast %add3A_1798 : i32 to index
            %get3A_1844 = arith.constant 64 : index
            %get3A_1845 = tpu.vector_load %arg8[%get3A_1843, %get3A_1844] {strides = array<i32>} : memref<256x128xf32, #tpu.memory_space<vmem>>, vector<16xf32>,
            %get3A_1846 = arith.index_cast %add3A_1798 : i32 to index
            %get3A_1847 = arith.constant 80 : index
            %get3A_1848 = tpu.vector_load %arg8[%get3A_1846, %get3A_1847] {strides = array<i32>} : memref<256x128xf32, #tpu.memory_space<vmem>>, vector<16xf32>,
            %get3A_1849 = arith.index_cast %add3A_1798 : i32 to index
            %get3A_1850 = arith.constant 96 : index
            %get3A_1851 = tpu.vector_load %arg8[%get3A_1849, %get3A_1850] {strides = array<i32>} : memref<256x128xf32, #tpu.memory_space<vmem>>, vector<16xf32>,
            %get3A_1852 = arith.index_cast %add3A_1798 : i32 to index
            %get3A_1853 = arith.constant 112 : index
            %get3A_1854 = tpu.vector_load %arg8[%get3A_1852, %get3A_1853] {strides = array<i32>} : memref<256x128xf32, #tpu.memory_space<vmem>>, vector<16xf32>,
            %max3A_1855 = arith.maximumf %get3A_1802, %get3A_1833 : vector<16xf32>
            %add3A_1856 = arith.constant 0 : i32
            %add3A_1857 = arith.addi %mul3A_1793, %add3A_1856 : i32
            %swap3A_1858 = arith.index_cast %add3A_1857 : i32 to index
            %swap3A_1859 = tpu.vector_load %run_scoped3A[%swap3A_1858] {strides = array<i32>} : memref<40960xf32, #tpu.memory_space<vmem>>, vector<16xf32>,
            tpu.vector_store %run_scoped3A[%swap3A_1858], %max3A_1855 {strides = array<i32>} : memref<40960xf32, #tpu.memory_space<vmem>>, vector<16xf32>,
            %max3A_1860 = arith.maximumf %get3A_1806, %get3A_1836 : vector<16xf32>
            %add3A_1861 = arith.constant 16 : i32
            %add3A_1862 = arith.addi %mul3A_1793, %add3A_1861 : i32
            %swap3A_1863 = arith.index_cast %add3A_1862 : i32 to index
            %swap3A_1864 = tpu.vector_load %run_scoped3A[%swap3A_1863] {strides = array<i32>} : memref<40960xf32, #tpu.memory_space<vmem>>, vector<16xf32>,
            tpu.vector_store %run_scoped3A[%swap3A_1863], %max3A_1860 {strides = array<i32>} : memref<40960xf32, #tpu.memory_space<vmem>>, vector<16xf32>,
            %max3A_1865 = arith.maximumf %get3A_1810, %get3A_1839 : vector<16xf32>
            %add3A_1866 = arith.constant 32 : i32
            %add3A_1867 = arith.addi %mul3A_1793, %add3A_1866 : i32
            %swap3A_1868 = arith.index_cast %add3A_1867 : i32 to index
            %swap3A_1869 = tpu.vector_load %run_scoped3A[%swap3A_1868] {strides = array<i32>} : memref<40960xf32, #tpu.memory_space<vmem>>, vector<16xf32>,
            tpu.vector_store %run_scoped3A[%swap3A_1868], %max3A_1865 {strides = array<i32>} : memref<40960xf32, #tpu.memory_space<vmem>>, vector<16xf32>,
            %max3A_1870 = arith.maximumf %get3A_1814, %get3A_1842 : vector<16xf32>
            %add3A_1871 = arith.constant 48 : i32
            %add3A_1872 = arith.addi %mul3A_1793, %add3A_1871 : i32
            %swap3A_1873 = arith.index_cast %add3A_1872 : i32 to index
            %swap3A_1874 = tpu.vector_load %run_scoped3A[%swap3A_1873] {strides = array<i32>} : memref<40960xf32, #tpu.memory_space<vmem>>, vector<16xf32>,
            tpu.vector_store %run_scoped3A[%swap3A_1873], %max3A_1870 {strides = array<i32>} : memref<40960xf32, #tpu.memory_space<vmem>>, vector<16xf32>,
            %max3A_1875 = arith.maximumf %get3A_1818, %get3A_1845 : vector<16xf32>
            %add3A_1876 = arith.constant 64 : i32
            %add3A_1877 = arith.addi %mul3A_1793, %add3A_1876 : i32
            %swap3A_1878 = arith.index_cast %add3A_1877 : i32 to index
            %swap3A_1879 = tpu.vector_load %run_scoped3A[%swap3A_1878] {strides = array<i32>} : memref<40960xf32, #tpu.memory_space<vmem>>, vector<16xf32>,
            tpu.vector_store %run_scoped3A[%swap3A_1878], %max3A_1875 {strides = array<i32>} : memref<40960xf32, #tpu.memory_space<vmem>>, vector<16xf32>,
            %max3A_1880 = arith.maximumf %get3A_1822, %get3A_1848 : vector<16xf32>
            %add3A_1881 = arith.constant 80 : i32
            %add3A_1882 = arith.addi %mul3A_1793, %add3A_1881 : i32
            %swap3A_1883 = arith.index_cast %add3A_1882 : i32 to index
            %swap3A_1884 = tpu.vector_load %run_scoped3A[%swap3A_1883] {strides = array<i32>} : memref<40960xf32, #tpu.memory_space<vmem>>, vector<16xf32>,
            tpu.vector_store %run_scoped3A[%swap3A_1883], %max3A_1880 {strides = array<i32>} : memref<40960xf32, #tpu.memory_space<vmem>>, vector<16xf32>,
            %max3A_1885 = arith.maximumf %get3A_1826, %get3A_1851 : vector<16xf32>
            %add3A_1886 = arith.constant 96 : i32
            %add3A_1887 = arith.addi %mul3A_1793, %add3A_1886 : i32
            %swap3A_1888 = arith.index_cast %add3A_1887 : i32 to index
            %swap3A_1889 = tpu.vector_load %run_scoped3A[%swap3A_1888] {strides = array<i32>} : memref<40960xf32, #tpu.memory_space<vmem>>, vector<16xf32>,
            tpu.vector_store %run_scoped3A[%swap3A_1888], %max3A_1885 {strides = array<i32>} : memref<40960xf32, #tpu.memory_space<vmem>>, vector<16xf32>,
            %max3A_1890 = arith.maximumf %get3A_1830, %get3A_1854 : vector<16xf32>
            %add3A_1891 = arith.constant 112 : i32
            %add3A_1892 = arith.addi %mul3A_1793, %add3A_1891 : i32
            %swap3A_1893 = arith.index_cast %add3A_1892 : i32 to index
            %swap3A_1894 = tpu.vector_load %run_scoped3A[%swap3A_1893] {strides = array<i32>} : memref<40960xf32, #tpu.memory_space<vmem>>, vector<16xf32>,
            tpu.vector_store %run_scoped3A[%swap3A_1893], %max3A_1890 {strides = array<i32>} : memref<40960xf32, #tpu.memory_space<vmem>>, vector<16xf32>,
          }
          %scan3A_210 = arith.constant 8 : i32
        }
        %barrier3A_179 = arith.constant 0 : index
        tpu.barrier barrier_id(%barrier3A_179)
      }
      %scan3A_30 = arith.constant 125 : i32
      %lt3A = arith.constant 31 : i32
      %lt3A_31 = arith.cmpi slt, %add3A, %lt3A : i32
      %convert_element_type3A_32 = arith.extui %lt3A_31 : i1 to i32
      %cond3A_33 = arith.constant 0 : i32
      %cond3A_34 = arith.cmpi ne, %convert_element_type3A_32, %cond3A_33 : i32
      scf.if %cond3A_34 {
        %mul3A_40 = arith.constant 128 : i32
        %mul3A_41 = arith.muli %mul3A_2, %mul3A_40 : i32
        "tpu.region"() ({
          %run_scoped3A_42 = tpu.sem_alloc : memref<!tpu.dma_semaphore, #tpu.memory_space<semaphore_mem>>
          %dma_start3A_43 = arith.constant 0 : i32
          %dma_start3A_44 = tpu.memref_slice %run_scoped3A[%dma_start3A_43] : memref<40960xf32, #tpu.memory_space<vmem>> -> memref<40064xf32, #tpu.memory_space<vmem>>
          %dma_start3A_45 = tpu.memref_slice %arg4[%mul3A_41] : memref<1280000xf32, #tpu.memory_space<hbm>> -> memref<40064xf32, #tpu.memory_space<hbm>>
          %dma_start3A_46 = tpu.memref_slice %arg4[%mul3A_41] : memref<1280000xf32, #tpu.memory_space<hbm>> -> memref<40064xf32, #tpu.memory_space<hbm>>
          %dma_start3A_47 = arith.constant 0 : i32
          %dma_start3A_48 = tpu.memref_slice %run_scoped3A[%dma_start3A_47] : memref<40960xf32, #tpu.memory_space<vmem>> -> memref<40064xf32, #tpu.memory_space<vmem>>
          tpu.enqueue_dma source(%dma_start3A_48 : memref<40064xf32, #tpu.memory_space<vmem>>) target(%dma_start3A_46 : memref<40064xf32, #tpu.memory_space<hbm>>) target_semaphore(%run_scoped3A_42 : memref<!tpu.dma_semaphore, #tpu.memory_space<semaphore_mem>>)
          %dma_wait3A = arith.constant 0 : i32
          %dma_wait3A_49 = tpu.memref_slice %run_scoped3A[%dma_wait3A] : memref<40960xf32, #tpu.memory_space<vmem>> -> memref<40064xf32, #tpu.memory_space<vmem>>
          %dma_wait3A_50 = tpu.memref_slice %arg4[%mul3A_41] : memref<1280000xf32, #tpu.memory_space<hbm>> -> memref<40064xf32, #tpu.memory_space<hbm>>
          %dma_wait3A_51 = tpu.memref_slice %arg4[%mul3A_41] : memref<1280000xf32, #tpu.memory_space<hbm>> -> memref<40064xf32, #tpu.memory_space<hbm>>
          %dma_wait3A_52 = arith.constant 0 : i32
          %dma_wait3A_53 = tpu.memref_slice %run_scoped3A[%dma_wait3A_52] : memref<40960xf32, #tpu.memory_space<vmem>> -> memref<40064xf32, #tpu.memory_space<vmem>>
          tpu.wait_dma2 semaphore(%run_scoped3A_42 : memref<!tpu.dma_semaphore, #tpu.memory_space<semaphore_mem>>) src(%dma_wait3A_53 : memref<40064xf32, #tpu.memory_space<vmem>>) dst(%dma_wait3A_51 : memref<40064xf32, #tpu.memory_space<hbm>>)
          tpu.yield
        }) : () -> ()
      } else {
      }
      %eq3A_35 = arith.constant 31 : i32
      %eq3A_36 = arith.cmpi eq, %add3A, %eq3A_35 : i32
      %convert_element_type3A_37 = arith.extui %eq3A_36 : i1 to i32
      %cond3A_38 = arith.constant 0 : i32
      %cond3A_39 = arith.cmpi ne, %convert_element_type3A_37, %cond3A_38 : i32
      scf.if %cond3A_39 {
        %mul3A_40 = arith.constant 128 : i32
        %mul3A_41 = arith.muli %mul3A_2, %mul3A_40 : i32
        "tpu.region"() ({
          %run_scoped3A_42 = tpu.sem_alloc : memref<!tpu.dma_semaphore, #tpu.memory_space<semaphore_mem>>
          %dma_start3A_43 = arith.constant 0 : i32
          %dma_start3A_44 = tpu.memref_slice %run_scoped3A[%dma_start3A_43] : memref<40960xf32, #tpu.memory_space<vmem>> -> memref<38016xf32, #tpu.memory_space<vmem>>
          %dma_start3A_45 = tpu.memref_slice %arg4[%mul3A_41] : memref<1280000xf32, #tpu.memory_space<hbm>> -> memref<38016xf32, #tpu.memory_space<hbm>>
          %dma_start3A_46 = tpu.memref_slice %arg4[%mul3A_41] : memref<1280000xf32, #tpu.memory_space<hbm>> -> memref<38016xf32, #tpu.memory_space<hbm>>
          %dma_start3A_47 = arith.constant 0 : i32
          %dma_start3A_48 = tpu.memref_slice %run_scoped3A[%dma_start3A_47] : memref<40960xf32, #tpu.memory_space<vmem>> -> memref<38016xf32, #tpu.memory_space<vmem>>
          tpu.enqueue_dma source(%dma_start3A_48 : memref<38016xf32, #tpu.memory_space<vmem>>) target(%dma_start3A_46 : memref<38016xf32, #tpu.memory_space<hbm>>) target_semaphore(%run_scoped3A_42 : memref<!tpu.dma_semaphore, #tpu.memory_space<semaphore_mem>>)
          %dma_wait3A = arith.constant 0 : i32
          %dma_wait3A_49 = tpu.memref_slice %run_scoped3A[%dma_wait3A] : memref<40960xf32, #tpu.memory_space<vmem>> -> memref<38016xf32, #tpu.memory_space<vmem>>
          %dma_wait3A_50 = tpu.memref_slice %arg4[%mul3A_41] : memref<1280000xf32, #tpu.memory_space<hbm>> -> memref<38016xf32, #tpu.memory_space<hbm>>
          %dma_wait3A_51 = tpu.memref_slice %arg4[%mul3A_41] : memref<1280000xf32, #tpu.memory_space<hbm>> -> memref<38016xf32, #tpu.memory_space<hbm>>
          %dma_wait3A_52 = arith.constant 0 : i32
          %dma_wait3A_53 = tpu.memref_slice %run_scoped3A[%dma_wait3A_52] : memref<40960xf32, #tpu.memory_space<vmem>> -> memref<38016xf32, #tpu.memory_space<vmem>>
          tpu.wait_dma2 semaphore(%run_scoped3A_42 : memref<!tpu.dma_semaphore, #tpu.memory_space<semaphore_mem>>) src(%dma_wait3A_53 : memref<38016xf32, #tpu.memory_space<vmem>>) dst(%dma_wait3A_51 : memref<38016xf32, #tpu.memory_space<hbm>>)
          tpu.yield
        }) : () -> ()
      } else {
      }
      tpu.yield
    }) : () -> ()
    return
  }
}

#map = affine_map<(d0, d1) -> (0)>
#map1 = affine_map<(d0, d1) -> (0, 0)>
module attributes {stable_mosaic.version = 14 : i64} {
  func.func @_gather_body(%arg0: i32, %arg1: i32, %arg2: memref<320000xi32, #tpu.memory_space<hbm>>, %arg3: memref<320000xi32, #tpu.memory_space<hbm>>, %arg4: memref<10000x128xf32, #tpu.memory_space<hbm>>, %arg5: memref<320000x128xf32, #tpu.memory_space<hbm>>, %arg6: memref<320000x128xf32, #tpu.memory_space<hbm>>, %arg7: memref<10000xi32, #tpu.memory_space<vmem>>, %arg8: memref<400x128xf32, #tpu.memory_space<vmem>>, %arg9: memref<!tpu.dma_semaphore, #tpu.memory_space<semaphore_mem>>) attributes {dimension_semantics = [#tpu.dimension_semantics<core_parallel>, #tpu.dimension_semantics<subcore_parallel>], iteration_bounds = array<i64: 2, 16>, scalar_prefetch = 0 : i64, scratch_operands = 3 : i64, tpu.core_type = #tpu.core_type<sc_vector_subcore>, window_params = [{transform_indices = #map}, {transform_indices = #map}, {transform_indices = #map1}, {transform_indices = #map1}, {transform_indices = #map1}]} {
    %mul3A = arith.constant 2 : i32
    %mul3A_0 = arith.muli %arg1, %mul3A : i32
    %add3A = arith.addi %mul3A_0, %arg0 : i32
    %mul3A_1 = arith.constant 10000 : i32
    %mul3A_2 = arith.muli %add3A, %mul3A_1 : i32
    "tpu.region"() ({
      %run_scoped3A = tpu.sem_alloc : memref<!tpu.dma_semaphore, #tpu.memory_space<semaphore_mem>>
      %dma_start3A = tpu.memref_slice %arg2[%mul3A_2] : memref<320000xi32, #tpu.memory_space<hbm>> -> memref<10000xi32, #tpu.memory_space<hbm>>
      %dma_start3A_14 = tpu.memref_slice %arg2[%mul3A_2] : memref<320000xi32, #tpu.memory_space<hbm>> -> memref<10000xi32, #tpu.memory_space<hbm>>
      tpu.enqueue_dma source(%dma_start3A_14 : memref<10000xi32, #tpu.memory_space<hbm>>) target(%arg7 : memref<10000xi32, #tpu.memory_space<vmem>>) target_semaphore(%run_scoped3A : memref<!tpu.dma_semaphore, #tpu.memory_space<semaphore_mem>>)
      %dma_wait3A = tpu.memref_slice %arg2[%mul3A_2] : memref<320000xi32, #tpu.memory_space<hbm>> -> memref<10000xi32, #tpu.memory_space<hbm>>
      %dma_wait3A_15 = tpu.memref_slice %arg2[%mul3A_2] : memref<320000xi32, #tpu.memory_space<hbm>> -> memref<10000xi32, #tpu.memory_space<hbm>>
      tpu.wait_dma2 semaphore(%run_scoped3A : memref<!tpu.dma_semaphore, #tpu.memory_space<semaphore_mem>>) src(%dma_wait3A_15 : memref<10000xi32, #tpu.memory_space<hbm>>) dst(%arg7 : memref<10000xi32, #tpu.memory_space<vmem>>)
      tpu.yield
    }) : () -> ()
    %scan3A = arith.constant 0 : i32
    %scan3A_3 = arith.constant 0 : i32
    %scan3A_4 = arith.constant 25 : i32
    %scan3A_5 = arith.addi %scan3A_3, %scan3A_4 : i32
    %scan3A_6 = arith.constant 1 : i32
    scf.for %scan3A_14 = %scan3A_3 to %scan3A_5 step %scan3A_6  : i32 {
      %mul3A_15 = arith.constant 400 : i32
      %mul3A_16 = arith.muli %scan3A_14, %mul3A_15 : i32
      %add3A_17 = arith.constant 0 : i32
      %add3A_18 = arith.addi %mul3A_16, %add3A_17 : i32
      %dma_start3A = arith.constant 0 : i32
      %dma_start3A_19 = arith.constant 0 : i32
      %dma_start3A_20 = tpu.memref_slice %arg8[%dma_start3A, %dma_start3A_19] : memref<400x128xf32, #tpu.memory_space<vmem>> -> memref<80x128xf32, #tpu.memory_space<vmem>>
      %dma_start3A_21 = tpu.memref_slice %arg7[%add3A_18] : memref<10000xi32, #tpu.memory_space<vmem>> -> memref<80xi32, #tpu.memory_space<vmem>>
      %dma_start3A_22 = arith.constant 0 : i32
      %dma_start3A_23 = arith.constant 0 : i32
      %dma_start3A_24 = tpu.memref_slice %arg4[%dma_start3A_22, %dma_start3A_23] : memref<10000x128xf32, #tpu.memory_space<hbm>> -> memref<10000x128xf32, #tpu.memory_space<hbm>>
      tpu.enqueue_indirect_dma source(%dma_start3A_24 : memref<10000x128xf32, #tpu.memory_space<hbm>>) target(%dma_start3A_20 : memref<80x128xf32, #tpu.memory_space<vmem>>) offsets(%dma_start3A_21 : memref<80xi32, #tpu.memory_space<vmem>>) semaphore(%arg9 : memref<!tpu.dma_semaphore, #tpu.memory_space<semaphore_mem>>)
      %mul3A_25 = arith.constant 400 : i32
      %mul3A_26 = arith.muli %scan3A_14, %mul3A_25 : i32
      %add3A_27 = arith.constant 80 : i32
      %add3A_28 = arith.addi %mul3A_26, %add3A_27 : i32
      %dma_start3A_29 = arith.constant 80 : i32
      %dma_start3A_30 = arith.constant 0 : i32
      %dma_start3A_31 = tpu.memref_slice %arg8[%dma_start3A_29, %dma_start3A_30] : memref<400x128xf32, #tpu.memory_space<vmem>> -> memref<80x128xf32, #tpu.memory_space<vmem>>
      %dma_start3A_32 = tpu.memref_slice %arg7[%add3A_28] : memref<10000xi32, #tpu.memory_space<vmem>> -> memref<80xi32, #tpu.memory_space<vmem>>
      %dma_start3A_33 = arith.constant 0 : i32
      %dma_start3A_34 = arith.constant 0 : i32
      %dma_start3A_35 = tpu.memref_slice %arg4[%dma_start3A_33, %dma_start3A_34] : memref<10000x128xf32, #tpu.memory_space<hbm>> -> memref<10000x128xf32, #tpu.memory_space<hbm>>
      tpu.enqueue_indirect_dma source(%dma_start3A_35 : memref<10000x128xf32, #tpu.memory_space<hbm>>) target(%dma_start3A_31 : memref<80x128xf32, #tpu.memory_space<vmem>>) offsets(%dma_start3A_32 : memref<80xi32, #tpu.memory_space<vmem>>) semaphore(%arg9 : memref<!tpu.dma_semaphore, #tpu.memory_space<semaphore_mem>>)
      %mul3A_36 = arith.constant 400 : i32
      %mul3A_37 = arith.muli %scan3A_14, %mul3A_36 : i32
      %add3A_38 = arith.constant 160 : i32
      %add3A_39 = arith.addi %mul3A_37, %add3A_38 : i32
      %dma_start3A_40 = arith.constant 160 : i32
      %dma_start3A_41 = arith.constant 0 : i32
      %dma_start3A_42 = tpu.memref_slice %arg8[%dma_start3A_40, %dma_start3A_41] : memref<400x128xf32, #tpu.memory_space<vmem>> -> memref<80x128xf32, #tpu.memory_space<vmem>>
      %dma_start3A_43 = tpu.memref_slice %arg7[%add3A_39] : memref<10000xi32, #tpu.memory_space<vmem>> -> memref<80xi32, #tpu.memory_space<vmem>>
      %dma_start3A_44 = arith.constant 0 : i32
      %dma_start3A_45 = arith.constant 0 : i32
      %dma_start3A_46 = tpu.memref_slice %arg4[%dma_start3A_44, %dma_start3A_45] : memref<10000x128xf32, #tpu.memory_space<hbm>> -> memref<10000x128xf32, #tpu.memory_space<hbm>>
      tpu.enqueue_indirect_dma source(%dma_start3A_46 : memref<10000x128xf32, #tpu.memory_space<hbm>>) target(%dma_start3A_42 : memref<80x128xf32, #tpu.memory_space<vmem>>) offsets(%dma_start3A_43 : memref<80xi32, #tpu.memory_space<vmem>>) semaphore(%arg9 : memref<!tpu.dma_semaphore, #tpu.memory_space<semaphore_mem>>)
      %mul3A_47 = arith.constant 400 : i32
      %mul3A_48 = arith.muli %scan3A_14, %mul3A_47 : i32
      %add3A_49 = arith.constant 240 : i32
      %add3A_50 = arith.addi %mul3A_48, %add3A_49 : i32
      %dma_start3A_51 = arith.constant 240 : i32
      %dma_start3A_52 = arith.constant 0 : i32
      %dma_start3A_53 = tpu.memref_slice %arg8[%dma_start3A_51, %dma_start3A_52] : memref<400x128xf32, #tpu.memory_space<vmem>> -> memref<80x128xf32, #tpu.memory_space<vmem>>
      %dma_start3A_54 = tpu.memref_slice %arg7[%add3A_50] : memref<10000xi32, #tpu.memory_space<vmem>> -> memref<80xi32, #tpu.memory_space<vmem>>
      %dma_start3A_55 = arith.constant 0 : i32
      %dma_start3A_56 = arith.constant 0 : i32
      %dma_start3A_57 = tpu.memref_slice %arg4[%dma_start3A_55, %dma_start3A_56] : memref<10000x128xf32, #tpu.memory_space<hbm>> -> memref<10000x128xf32, #tpu.memory_space<hbm>>
      tpu.enqueue_indirect_dma source(%dma_start3A_57 : memref<10000x128xf32, #tpu.memory_space<hbm>>) target(%dma_start3A_53 : memref<80x128xf32, #tpu.memory_space<vmem>>) offsets(%dma_start3A_54 : memref<80xi32, #tpu.memory_space<vmem>>) semaphore(%arg9 : memref<!tpu.dma_semaphore, #tpu.memory_space<semaphore_mem>>)
      %mul3A_58 = arith.constant 400 : i32
      %mul3A_59 = arith.muli %scan3A_14, %mul3A_58 : i32
      %add3A_60 = arith.constant 320 : i32
      %add3A_61 = arith.addi %mul3A_59, %add3A_60 : i32
      %dma_start3A_62 = arith.constant 320 : i32
      %dma_start3A_63 = arith.constant 0 : i32
      %dma_start3A_64 = tpu.memref_slice %arg8[%dma_start3A_62, %dma_start3A_63] : memref<400x128xf32, #tpu.memory_space<vmem>> -> memref<80x128xf32, #tpu.memory_space<vmem>>
      %dma_start3A_65 = tpu.memref_slice %arg7[%add3A_61] : memref<10000xi32, #tpu.memory_space<vmem>> -> memref<80xi32, #tpu.memory_space<vmem>>
      %dma_start3A_66 = arith.constant 0 : i32
      %dma_start3A_67 = arith.constant 0 : i32
      %dma_start3A_68 = tpu.memref_slice %arg4[%dma_start3A_66, %dma_start3A_67] : memref<10000x128xf32, #tpu.memory_space<hbm>> -> memref<10000x128xf32, #tpu.memory_space<hbm>>
      tpu.enqueue_indirect_dma source(%dma_start3A_68 : memref<10000x128xf32, #tpu.memory_space<hbm>>) target(%dma_start3A_64 : memref<80x128xf32, #tpu.memory_space<vmem>>) offsets(%dma_start3A_65 : memref<80xi32, #tpu.memory_space<vmem>>) semaphore(%arg9 : memref<!tpu.dma_semaphore, #tpu.memory_space<semaphore_mem>>)
      %dma_wait3A = arith.constant 0 : i32
      %dma_wait3A_69 = arith.constant 0 : i32
      %dma_wait3A_70 = tpu.memref_slice %arg8[%dma_wait3A, %dma_wait3A_69] : memref<400x128xf32, #tpu.memory_space<vmem>> -> memref<80x128xf32, #tpu.memory_space<vmem>>
      %dma_wait3A_71 = tpu.memref_slice %arg7[%add3A_18] : memref<10000xi32, #tpu.memory_space<vmem>> -> memref<80xi32, #tpu.memory_space<vmem>>
      %dma_wait3A_72 = arith.constant 0 : i32
      %dma_wait3A_73 = arith.constant 0 : i32
      %dma_wait3A_74 = tpu.memref_slice %arg4[%dma_wait3A_72, %dma_wait3A_73] : memref<10000x128xf32, #tpu.memory_space<hbm>> -> memref<10000x128xf32, #tpu.memory_space<hbm>>
      tpu.wait_indirect_dma semaphore(%arg9 : memref<!tpu.dma_semaphore, #tpu.memory_space<semaphore_mem>>) src(%dma_wait3A_74 : memref<10000x128xf32, #tpu.memory_space<hbm>>) dst(%dma_wait3A_70 : memref<80x128xf32, #tpu.memory_space<vmem>>)
      %dma_wait3A_75 = arith.constant 80 : i32
      %dma_wait3A_76 = arith.constant 0 : i32
      %dma_wait3A_77 = tpu.memref_slice %arg8[%dma_wait3A_75, %dma_wait3A_76] : memref<400x128xf32, #tpu.memory_space<vmem>> -> memref<80x128xf32, #tpu.memory_space<vmem>>
      %dma_wait3A_78 = tpu.memref_slice %arg7[%add3A_28] : memref<10000xi32, #tpu.memory_space<vmem>> -> memref<80xi32, #tpu.memory_space<vmem>>
      %dma_wait3A_79 = arith.constant 0 : i32
      %dma_wait3A_80 = arith.constant 0 : i32
      %dma_wait3A_81 = tpu.memref_slice %arg4[%dma_wait3A_79, %dma_wait3A_80] : memref<10000x128xf32, #tpu.memory_space<hbm>> -> memref<10000x128xf32, #tpu.memory_space<hbm>>
      tpu.wait_indirect_dma semaphore(%arg9 : memref<!tpu.dma_semaphore, #tpu.memory_space<semaphore_mem>>) src(%dma_wait3A_81 : memref<10000x128xf32, #tpu.memory_space<hbm>>) dst(%dma_wait3A_77 : memref<80x128xf32, #tpu.memory_space<vmem>>)
      %dma_wait3A_82 = arith.constant 160 : i32
      %dma_wait3A_83 = arith.constant 0 : i32
      %dma_wait3A_84 = tpu.memref_slice %arg8[%dma_wait3A_82, %dma_wait3A_83] : memref<400x128xf32, #tpu.memory_space<vmem>> -> memref<80x128xf32, #tpu.memory_space<vmem>>
      %dma_wait3A_85 = tpu.memref_slice %arg7[%add3A_39] : memref<10000xi32, #tpu.memory_space<vmem>> -> memref<80xi32, #tpu.memory_space<vmem>>
      %dma_wait3A_86 = arith.constant 0 : i32
      %dma_wait3A_87 = arith.constant 0 : i32
      %dma_wait3A_88 = tpu.memref_slice %arg4[%dma_wait3A_86, %dma_wait3A_87] : memref<10000x128xf32, #tpu.memory_space<hbm>> -> memref<10000x128xf32, #tpu.memory_space<hbm>>
      tpu.wait_indirect_dma semaphore(%arg9 : memref<!tpu.dma_semaphore, #tpu.memory_space<semaphore_mem>>) src(%dma_wait3A_88 : memref<10000x128xf32, #tpu.memory_space<hbm>>) dst(%dma_wait3A_84 : memref<80x128xf32, #tpu.memory_space<vmem>>)
      %dma_wait3A_89 = arith.constant 240 : i32
      %dma_wait3A_90 = arith.constant 0 : i32
      %dma_wait3A_91 = tpu.memref_slice %arg8[%dma_wait3A_89, %dma_wait3A_90] : memref<400x128xf32, #tpu.memory_space<vmem>> -> memref<80x128xf32, #tpu.memory_space<vmem>>
      %dma_wait3A_92 = tpu.memref_slice %arg7[%add3A_50] : memref<10000xi32, #tpu.memory_space<vmem>> -> memref<80xi32, #tpu.memory_space<vmem>>
      %dma_wait3A_93 = arith.constant 0 : i32
      %dma_wait3A_94 = arith.constant 0 : i32
      %dma_wait3A_95 = tpu.memref_slice %arg4[%dma_wait3A_93, %dma_wait3A_94] : memref<10000x128xf32, #tpu.memory_space<hbm>> -> memref<10000x128xf32, #tpu.memory_space<hbm>>
      tpu.wait_indirect_dma semaphore(%arg9 : memref<!tpu.dma_semaphore, #tpu.memory_space<semaphore_mem>>) src(%dma_wait3A_95 : memref<10000x128xf32, #tpu.memory_space<hbm>>) dst(%dma_wait3A_91 : memref<80x128xf32, #tpu.memory_space<vmem>>)
      %dma_wait3A_96 = arith.constant 320 : i32
      %dma_wait3A_97 = arith.constant 0 : i32
      %dma_wait3A_98 = tpu.memref_slice %arg8[%dma_wait3A_96, %dma_wait3A_97] : memref<400x128xf32, #tpu.memory_space<vmem>> -> memref<80x128xf32, #tpu.memory_space<vmem>>
      %dma_wait3A_99 = tpu.memref_slice %arg7[%add3A_61] : memref<10000xi32, #tpu.memory_space<vmem>> -> memref<80xi32, #tpu.memory_space<vmem>>
      %dma_wait3A_100 = arith.constant 0 : i32
      %dma_wait3A_101 = arith.constant 0 : i32
      %dma_wait3A_102 = tpu.memref_slice %arg4[%dma_wait3A_100, %dma_wait3A_101] : memref<10000x128xf32, #tpu.memory_space<hbm>> -> memref<10000x128xf32, #tpu.memory_space<hbm>>
      tpu.wait_indirect_dma semaphore(%arg9 : memref<!tpu.dma_semaphore, #tpu.memory_space<semaphore_mem>>) src(%dma_wait3A_102 : memref<10000x128xf32, #tpu.memory_space<hbm>>) dst(%dma_wait3A_98 : memref<80x128xf32, #tpu.memory_space<vmem>>)
      %mul3A_103 = arith.constant 400 : i32
      %mul3A_104 = arith.muli %scan3A_14, %mul3A_103 : i32
      %add3A_105 = arith.addi %mul3A_2, %mul3A_104 : i32
      "tpu.region"() ({
        %run_scoped3A = tpu.sem_alloc : memref<!tpu.dma_semaphore, #tpu.memory_space<semaphore_mem>>
        %dma_start3A_106 = arith.constant 0 : i32
        %dma_start3A_107 = tpu.memref_slice %arg5[%add3A_105, %dma_start3A_106] : memref<320000x128xf32, #tpu.memory_space<hbm>> -> memref<400x128xf32, #tpu.memory_space<hbm>>
        %dma_start3A_108 = arith.constant 0 : i32
        %dma_start3A_109 = tpu.memref_slice %arg5[%add3A_105, %dma_start3A_108] : memref<320000x128xf32, #tpu.memory_space<hbm>> -> memref<400x128xf32, #tpu.memory_space<hbm>>
        tpu.enqueue_dma source(%arg8 : memref<400x128xf32, #tpu.memory_space<vmem>>) target(%dma_start3A_109 : memref<400x128xf32, #tpu.memory_space<hbm>>) target_semaphore(%run_scoped3A : memref<!tpu.dma_semaphore, #tpu.memory_space<semaphore_mem>>)
        %dma_wait3A_110 = arith.constant 0 : i32
        %dma_wait3A_111 = tpu.memref_slice %arg5[%add3A_105, %dma_wait3A_110] : memref<320000x128xf32, #tpu.memory_space<hbm>> -> memref<400x128xf32, #tpu.memory_space<hbm>>
        %dma_wait3A_112 = arith.constant 0 : i32
        %dma_wait3A_113 = tpu.memref_slice %arg5[%add3A_105, %dma_wait3A_112] : memref<320000x128xf32, #tpu.memory_space<hbm>> -> memref<400x128xf32, #tpu.memory_space<hbm>>
        tpu.wait_dma2 semaphore(%run_scoped3A : memref<!tpu.dma_semaphore, #tpu.memory_space<semaphore_mem>>) src(%arg8 : memref<400x128xf32, #tpu.memory_space<vmem>>) dst(%dma_wait3A_113 : memref<400x128xf32, #tpu.memory_space<hbm>>)
        tpu.yield
      }) : () -> ()
    }
    %scan3A_7 = arith.constant 25 : i32
    "tpu.region"() ({
      %run_scoped3A = tpu.sem_alloc : memref<!tpu.dma_semaphore, #tpu.memory_space<semaphore_mem>>
      %dma_start3A = tpu.memref_slice %arg3[%mul3A_2] : memref<320000xi32, #tpu.memory_space<hbm>> -> memref<10000xi32, #tpu.memory_space<hbm>>
      %dma_start3A_14 = tpu.memref_slice %arg3[%mul3A_2] : memref<320000xi32, #tpu.memory_space<hbm>> -> memref<10000xi32, #tpu.memory_space<hbm>>
      tpu.enqueue_dma source(%dma_start3A_14 : memref<10000xi32, #tpu.memory_space<hbm>>) target(%arg7 : memref<10000xi32, #tpu.memory_space<vmem>>) target_semaphore(%run_scoped3A : memref<!tpu.dma_semaphore, #tpu.memory_space<semaphore_mem>>)
      %dma_wait3A = tpu.memref_slice %arg3[%mul3A_2] : memref<320000xi32, #tpu.memory_space<hbm>> -> memref<10000xi32, #tpu.memory_space<hbm>>
      %dma_wait3A_15 = tpu.memref_slice %arg3[%mul3A_2] : memref<320000xi32, #tpu.memory_space<hbm>> -> memref<10000xi32, #tpu.memory_space<hbm>>
      tpu.wait_dma2 semaphore(%run_scoped3A : memref<!tpu.dma_semaphore, #tpu.memory_space<semaphore_mem>>) src(%dma_wait3A_15 : memref<10000xi32, #tpu.memory_space<hbm>>) dst(%arg7 : memref<10000xi32, #tpu.memory_space<vmem>>)
      tpu.yield
    }) : () -> ()
    %scan3A_8 = arith.constant 0 : i32
    %scan3A_9 = arith.constant 0 : i32
    %scan3A_10 = arith.constant 25 : i32
    %scan3A_11 = arith.addi %scan3A_9, %scan3A_10 : i32
    %scan3A_12 = arith.constant 1 : i32
    scf.for %scan3A_14 = %scan3A_9 to %scan3A_11 step %scan3A_12  : i32 {
      %mul3A_15 = arith.constant 400 : i32
      %mul3A_16 = arith.muli %scan3A_14, %mul3A_15 : i32
      %add3A_17 = arith.constant 0 : i32
      %add3A_18 = arith.addi %mul3A_16, %add3A_17 : i32
      %dma_start3A = arith.constant 0 : i32
      %dma_start3A_19 = arith.constant 0 : i32
      %dma_start3A_20 = tpu.memref_slice %arg8[%dma_start3A, %dma_start3A_19] : memref<400x128xf32, #tpu.memory_space<vmem>> -> memref<80x128xf32, #tpu.memory_space<vmem>>
      %dma_start3A_21 = tpu.memref_slice %arg7[%add3A_18] : memref<10000xi32, #tpu.memory_space<vmem>> -> memref<80xi32, #tpu.memory_space<vmem>>
      %dma_start3A_22 = arith.constant 0 : i32
      %dma_start3A_23 = arith.constant 0 : i32
      %dma_start3A_24 = tpu.memref_slice %arg4[%dma_start3A_22, %dma_start3A_23] : memref<10000x128xf32, #tpu.memory_space<hbm>> -> memref<10000x128xf32, #tpu.memory_space<hbm>>
      tpu.enqueue_indirect_dma source(%dma_start3A_24 : memref<10000x128xf32, #tpu.memory_space<hbm>>) target(%dma_start3A_20 : memref<80x128xf32, #tpu.memory_space<vmem>>) offsets(%dma_start3A_21 : memref<80xi32, #tpu.memory_space<vmem>>) semaphore(%arg9 : memref<!tpu.dma_semaphore, #tpu.memory_space<semaphore_mem>>)
      %mul3A_25 = arith.constant 400 : i32
      %mul3A_26 = arith.muli %scan3A_14, %mul3A_25 : i32
      %add3A_27 = arith.constant 80 : i32
      %add3A_28 = arith.addi %mul3A_26, %add3A_27 : i32
      %dma_start3A_29 = arith.constant 80 : i32
      %dma_start3A_30 = arith.constant 0 : i32
      %dma_start3A_31 = tpu.memref_slice %arg8[%dma_start3A_29, %dma_start3A_30] : memref<400x128xf32, #tpu.memory_space<vmem>> -> memref<80x128xf32, #tpu.memory_space<vmem>>
      %dma_start3A_32 = tpu.memref_slice %arg7[%add3A_28] : memref<10000xi32, #tpu.memory_space<vmem>> -> memref<80xi32, #tpu.memory_space<vmem>>
      %dma_start3A_33 = arith.constant 0 : i32
      %dma_start3A_34 = arith.constant 0 : i32
      %dma_start3A_35 = tpu.memref_slice %arg4[%dma_start3A_33, %dma_start3A_34] : memref<10000x128xf32, #tpu.memory_space<hbm>> -> memref<10000x128xf32, #tpu.memory_space<hbm>>
      tpu.enqueue_indirect_dma source(%dma_start3A_35 : memref<10000x128xf32, #tpu.memory_space<hbm>>) target(%dma_start3A_31 : memref<80x128xf32, #tpu.memory_space<vmem>>) offsets(%dma_start3A_32 : memref<80xi32, #tpu.memory_space<vmem>>) semaphore(%arg9 : memref<!tpu.dma_semaphore, #tpu.memory_space<semaphore_mem>>)
      %mul3A_36 = arith.constant 400 : i32
      %mul3A_37 = arith.muli %scan3A_14, %mul3A_36 : i32
      %add3A_38 = arith.constant 160 : i32
      %add3A_39 = arith.addi %mul3A_37, %add3A_38 : i32
      %dma_start3A_40 = arith.constant 160 : i32
      %dma_start3A_41 = arith.constant 0 : i32
      %dma_start3A_42 = tpu.memref_slice %arg8[%dma_start3A_40, %dma_start3A_41] : memref<400x128xf32, #tpu.memory_space<vmem>> -> memref<80x128xf32, #tpu.memory_space<vmem>>
      %dma_start3A_43 = tpu.memref_slice %arg7[%add3A_39] : memref<10000xi32, #tpu.memory_space<vmem>> -> memref<80xi32, #tpu.memory_space<vmem>>
      %dma_start3A_44 = arith.constant 0 : i32
      %dma_start3A_45 = arith.constant 0 : i32
      %dma_start3A_46 = tpu.memref_slice %arg4[%dma_start3A_44, %dma_start3A_45] : memref<10000x128xf32, #tpu.memory_space<hbm>> -> memref<10000x128xf32, #tpu.memory_space<hbm>>
      tpu.enqueue_indirect_dma source(%dma_start3A_46 : memref<10000x128xf32, #tpu.memory_space<hbm>>) target(%dma_start3A_42 : memref<80x128xf32, #tpu.memory_space<vmem>>) offsets(%dma_start3A_43 : memref<80xi32, #tpu.memory_space<vmem>>) semaphore(%arg9 : memref<!tpu.dma_semaphore, #tpu.memory_space<semaphore_mem>>)
      %mul3A_47 = arith.constant 400 : i32
      %mul3A_48 = arith.muli %scan3A_14, %mul3A_47 : i32
      %add3A_49 = arith.constant 240 : i32
      %add3A_50 = arith.addi %mul3A_48, %add3A_49 : i32
      %dma_start3A_51 = arith.constant 240 : i32
      %dma_start3A_52 = arith.constant 0 : i32
      %dma_start3A_53 = tpu.memref_slice %arg8[%dma_start3A_51, %dma_start3A_52] : memref<400x128xf32, #tpu.memory_space<vmem>> -> memref<80x128xf32, #tpu.memory_space<vmem>>
      %dma_start3A_54 = tpu.memref_slice %arg7[%add3A_50] : memref<10000xi32, #tpu.memory_space<vmem>> -> memref<80xi32, #tpu.memory_space<vmem>>
      %dma_start3A_55 = arith.constant 0 : i32
      %dma_start3A_56 = arith.constant 0 : i32
      %dma_start3A_57 = tpu.memref_slice %arg4[%dma_start3A_55, %dma_start3A_56] : memref<10000x128xf32, #tpu.memory_space<hbm>> -> memref<10000x128xf32, #tpu.memory_space<hbm>>
      tpu.enqueue_indirect_dma source(%dma_start3A_57 : memref<10000x128xf32, #tpu.memory_space<hbm>>) target(%dma_start3A_53 : memref<80x128xf32, #tpu.memory_space<vmem>>) offsets(%dma_start3A_54 : memref<80xi32, #tpu.memory_space<vmem>>) semaphore(%arg9 : memref<!tpu.dma_semaphore, #tpu.memory_space<semaphore_mem>>)
      %mul3A_58 = arith.constant 400 : i32
      %mul3A_59 = arith.muli %scan3A_14, %mul3A_58 : i32
      %add3A_60 = arith.constant 320 : i32
      %add3A_61 = arith.addi %mul3A_59, %add3A_60 : i32
      %dma_start3A_62 = arith.constant 320 : i32
      %dma_start3A_63 = arith.constant 0 : i32
      %dma_start3A_64 = tpu.memref_slice %arg8[%dma_start3A_62, %dma_start3A_63] : memref<400x128xf32, #tpu.memory_space<vmem>> -> memref<80x128xf32, #tpu.memory_space<vmem>>
      %dma_start3A_65 = tpu.memref_slice %arg7[%add3A_61] : memref<10000xi32, #tpu.memory_space<vmem>> -> memref<80xi32, #tpu.memory_space<vmem>>
      %dma_start3A_66 = arith.constant 0 : i32
      %dma_start3A_67 = arith.constant 0 : i32
      %dma_start3A_68 = tpu.memref_slice %arg4[%dma_start3A_66, %dma_start3A_67] : memref<10000x128xf32, #tpu.memory_space<hbm>> -> memref<10000x128xf32, #tpu.memory_space<hbm>>
      tpu.enqueue_indirect_dma source(%dma_start3A_68 : memref<10000x128xf32, #tpu.memory_space<hbm>>) target(%dma_start3A_64 : memref<80x128xf32, #tpu.memory_space<vmem>>) offsets(%dma_start3A_65 : memref<80xi32, #tpu.memory_space<vmem>>) semaphore(%arg9 : memref<!tpu.dma_semaphore, #tpu.memory_space<semaphore_mem>>)
      %dma_wait3A = arith.constant 0 : i32
      %dma_wait3A_69 = arith.constant 0 : i32
      %dma_wait3A_70 = tpu.memref_slice %arg8[%dma_wait3A, %dma_wait3A_69] : memref<400x128xf32, #tpu.memory_space<vmem>> -> memref<80x128xf32, #tpu.memory_space<vmem>>
      %dma_wait3A_71 = tpu.memref_slice %arg7[%add3A_18] : memref<10000xi32, #tpu.memory_space<vmem>> -> memref<80xi32, #tpu.memory_space<vmem>>
      %dma_wait3A_72 = arith.constant 0 : i32
      %dma_wait3A_73 = arith.constant 0 : i32
      %dma_wait3A_74 = tpu.memref_slice %arg4[%dma_wait3A_72, %dma_wait3A_73] : memref<10000x128xf32, #tpu.memory_space<hbm>> -> memref<10000x128xf32, #tpu.memory_space<hbm>>
      tpu.wait_indirect_dma semaphore(%arg9 : memref<!tpu.dma_semaphore, #tpu.memory_space<semaphore_mem>>) src(%dma_wait3A_74 : memref<10000x128xf32, #tpu.memory_space<hbm>>) dst(%dma_wait3A_70 : memref<80x128xf32, #tpu.memory_space<vmem>>)
      %dma_wait3A_75 = arith.constant 80 : i32
      %dma_wait3A_76 = arith.constant 0 : i32
      %dma_wait3A_77 = tpu.memref_slice %arg8[%dma_wait3A_75, %dma_wait3A_76] : memref<400x128xf32, #tpu.memory_space<vmem>> -> memref<80x128xf32, #tpu.memory_space<vmem>>
      %dma_wait3A_78 = tpu.memref_slice %arg7[%add3A_28] : memref<10000xi32, #tpu.memory_space<vmem>> -> memref<80xi32, #tpu.memory_space<vmem>>
      %dma_wait3A_79 = arith.constant 0 : i32
      %dma_wait3A_80 = arith.constant 0 : i32
      %dma_wait3A_81 = tpu.memref_slice %arg4[%dma_wait3A_79, %dma_wait3A_80] : memref<10000x128xf32, #tpu.memory_space<hbm>> -> memref<10000x128xf32, #tpu.memory_space<hbm>>
      tpu.wait_indirect_dma semaphore(%arg9 : memref<!tpu.dma_semaphore, #tpu.memory_space<semaphore_mem>>) src(%dma_wait3A_81 : memref<10000x128xf32, #tpu.memory_space<hbm>>) dst(%dma_wait3A_77 : memref<80x128xf32, #tpu.memory_space<vmem>>)
      %dma_wait3A_82 = arith.constant 160 : i32
      %dma_wait3A_83 = arith.constant 0 : i32
      %dma_wait3A_84 = tpu.memref_slice %arg8[%dma_wait3A_82, %dma_wait3A_83] : memref<400x128xf32, #tpu.memory_space<vmem>> -> memref<80x128xf32, #tpu.memory_space<vmem>>
      %dma_wait3A_85 = tpu.memref_slice %arg7[%add3A_39] : memref<10000xi32, #tpu.memory_space<vmem>> -> memref<80xi32, #tpu.memory_space<vmem>>
      %dma_wait3A_86 = arith.constant 0 : i32
      %dma_wait3A_87 = arith.constant 0 : i32
      %dma_wait3A_88 = tpu.memref_slice %arg4[%dma_wait3A_86, %dma_wait3A_87] : memref<10000x128xf32, #tpu.memory_space<hbm>> -> memref<10000x128xf32, #tpu.memory_space<hbm>>
      tpu.wait_indirect_dma semaphore(%arg9 : memref<!tpu.dma_semaphore, #tpu.memory_space<semaphore_mem>>) src(%dma_wait3A_88 : memref<10000x128xf32, #tpu.memory_space<hbm>>) dst(%dma_wait3A_84 : memref<80x128xf32, #tpu.memory_space<vmem>>)
      %dma_wait3A_89 = arith.constant 240 : i32
      %dma_wait3A_90 = arith.constant 0 : i32
      %dma_wait3A_91 = tpu.memref_slice %arg8[%dma_wait3A_89, %dma_wait3A_90] : memref<400x128xf32, #tpu.memory_space<vmem>> -> memref<80x128xf32, #tpu.memory_space<vmem>>
      %dma_wait3A_92 = tpu.memref_slice %arg7[%add3A_50] : memref<10000xi32, #tpu.memory_space<vmem>> -> memref<80xi32, #tpu.memory_space<vmem>>
      %dma_wait3A_93 = arith.constant 0 : i32
      %dma_wait3A_94 = arith.constant 0 : i32
      %dma_wait3A_95 = tpu.memref_slice %arg4[%dma_wait3A_93, %dma_wait3A_94] : memref<10000x128xf32, #tpu.memory_space<hbm>> -> memref<10000x128xf32, #tpu.memory_space<hbm>>
      tpu.wait_indirect_dma semaphore(%arg9 : memref<!tpu.dma_semaphore, #tpu.memory_space<semaphore_mem>>) src(%dma_wait3A_95 : memref<10000x128xf32, #tpu.memory_space<hbm>>) dst(%dma_wait3A_91 : memref<80x128xf32, #tpu.memory_space<vmem>>)
      %dma_wait3A_96 = arith.constant 320 : i32
      %dma_wait3A_97 = arith.constant 0 : i32
      %dma_wait3A_98 = tpu.memref_slice %arg8[%dma_wait3A_96, %dma_wait3A_97] : memref<400x128xf32, #tpu.memory_space<vmem>> -> memref<80x128xf32, #tpu.memory_space<vmem>>
      %dma_wait3A_99 = tpu.memref_slice %arg7[%add3A_61] : memref<10000xi32, #tpu.memory_space<vmem>> -> memref<80xi32, #tpu.memory_space<vmem>>
      %dma_wait3A_100 = arith.constant 0 : i32
      %dma_wait3A_101 = arith.constant 0 : i32
      %dma_wait3A_102 = tpu.memref_slice %arg4[%dma_wait3A_100, %dma_wait3A_101] : memref<10000x128xf32, #tpu.memory_space<hbm>> -> memref<10000x128xf32, #tpu.memory_space<hbm>>
      tpu.wait_indirect_dma semaphore(%arg9 : memref<!tpu.dma_semaphore, #tpu.memory_space<semaphore_mem>>) src(%dma_wait3A_102 : memref<10000x128xf32, #tpu.memory_space<hbm>>) dst(%dma_wait3A_98 : memref<80x128xf32, #tpu.memory_space<vmem>>)
      %mul3A_103 = arith.constant 400 : i32
      %mul3A_104 = arith.muli %scan3A_14, %mul3A_103 : i32
      %add3A_105 = arith.addi %mul3A_2, %mul3A_104 : i32
      "tpu.region"() ({
        %run_scoped3A = tpu.sem_alloc : memref<!tpu.dma_semaphore, #tpu.memory_space<semaphore_mem>>
        %dma_start3A_106 = arith.constant 0 : i32
        %dma_start3A_107 = tpu.memref_slice %arg6[%add3A_105, %dma_start3A_106] : memref<320000x128xf32, #tpu.memory_space<hbm>> -> memref<400x128xf32, #tpu.memory_space<hbm>>
        %dma_start3A_108 = arith.constant 0 : i32
        %dma_start3A_109 = tpu.memref_slice %arg6[%add3A_105, %dma_start3A_108] : memref<320000x128xf32, #tpu.memory_space<hbm>> -> memref<400x128xf32, #tpu.memory_space<hbm>>
        tpu.enqueue_dma source(%arg8 : memref<400x128xf32, #tpu.memory_space<vmem>>) target(%dma_start3A_109 : memref<400x128xf32, #tpu.memory_space<hbm>>) target_semaphore(%run_scoped3A : memref<!tpu.dma_semaphore, #tpu.memory_space<semaphore_mem>>)
        %dma_wait3A_110 = arith.constant 0 : i32
        %dma_wait3A_111 = tpu.memref_slice %arg6[%add3A_105, %dma_wait3A_110] : memref<320000x128xf32, #tpu.memory_space<hbm>> -> memref<400x128xf32, #tpu.memory_space<hbm>>
        %dma_wait3A_112 = arith.constant 0 : i32
        %dma_wait3A_113 = tpu.memref_slice %arg6[%add3A_105, %dma_wait3A_112] : memref<320000x128xf32, #tpu.memory_space<hbm>> -> memref<400x128xf32, #tpu.memory_space<hbm>>
        tpu.wait_dma2 semaphore(%run_scoped3A : memref<!tpu.dma_semaphore, #tpu.memory_space<semaphore_mem>>) src(%arg8 : memref<400x128xf32, #tpu.memory_space<vmem>>) dst(%dma_wait3A_113 : memref<400x128xf32, #tpu.memory_space<hbm>>)
        tpu.yield
      }) : () -> ()
    }
    %scan3A_13 = arith.constant 25 : i32
    return
  }
}

module attributes {stable_mosaic.version = 14 : i64} {
  func.func @_edge_body(%arg0: i32, %arg1: memref<3200x128xf32, #tpu.memory_space<vmem>>, %arg2: memref<3200x128xf32, #tpu.memory_space<vmem>>, %arg3: memref<3200x16xf32, #tpu.memory_space<vmem>>, %arg4: memref<128x144xf32, #tpu.memory_space<vmem>>, %arg5: memref<16x144xf32, #tpu.memory_space<vmem>>, %arg6: memref<128x144xf32, #tpu.memory_space<vmem>>, %arg7: memref<1x144xf32, #tpu.memory_space<vmem>>, %arg8: memref<144x16xf32, #tpu.memory_space<vmem>>, %arg9: memref<1x16xf32, #tpu.memory_space<vmem>>, %arg10: memref<128x128xf32, #tpu.memory_space<vmem>>, %arg11: memref<1x128xf32, #tpu.memory_space<vmem>>, %arg12: memref<16x16xf32, #tpu.memory_space<vmem>>, %arg13: memref<1x16xf32, #tpu.memory_space<vmem>>, %arg14: memref<144x144xf32, #tpu.memory_space<vmem>>, %arg15: memref<1x144xf32, #tpu.memory_space<vmem>>, %arg16: memref<144x128xf32, #tpu.memory_space<vmem>>, %arg17: memref<1x128xf32, #tpu.memory_space<vmem>>, %arg18: memref<128x8xf32, #tpu.memory_space<vmem>>, %arg19: memref<8x128xf32, #tpu.memory_space<vmem>>, %arg20: memref<128x128xf32, #tpu.memory_space<vmem>>, %arg21: memref<1x128xf32, #tpu.memory_space<vmem>>, %arg22: memref<3200x16xf32, #tpu.memory_space<vmem>>, %arg23: memref<3200x128xf32, #tpu.memory_space<vmem>>) attributes {dimension_semantics = [#tpu.dimension_semantics<arbitrary>], iteration_bounds = array<i64: 100>, scalar_prefetch = 0 : i64, scratch_operands = 0 : i64, tpu.core_type = #tpu.core_type<tc>, window_params = [{transform_indices = @transform_0, window_bounds = array<i64: 3200, 128>}, {transform_indices = @transform_1, window_bounds = array<i64: 3200, 128>}, {transform_indices = @transform_2, window_bounds = array<i64: 3200, 16>}, {pipeline_mode = #tpu.pipeline_mode<synchronous>, transform_indices = @transform_3, window_bounds = array<i64: 128, 144>}, {pipeline_mode = #tpu.pipeline_mode<synchronous>, transform_indices = @transform_4, window_bounds = array<i64: 16, 144>}, {pipeline_mode = #tpu.pipeline_mode<synchronous>, transform_indices = @transform_5, window_bounds = array<i64: 128, 144>}, {pipeline_mode = #tpu.pipeline_mode<synchronous>, transform_indices = @transform_6, window_bounds = array<i64: 1, 144>}, {pipeline_mode = #tpu.pipeline_mode<synchronous>, transform_indices = @transform_7, window_bounds = array<i64: 144, 16>}, {pipeline_mode = #tpu.pipeline_mode<synchronous>, transform_indices = @transform_8, window_bounds = array<i64: 1, 16>}, {pipeline_mode = #tpu.pipeline_mode<synchronous>, transform_indices = @transform_9, window_bounds = array<i64: 128, 128>}, {pipeline_mode = #tpu.pipeline_mode<synchronous>, transform_indices = @transform_10, window_bounds = array<i64: 1, 128>}, {pipeline_mode = #tpu.pipeline_mode<synchronous>, transform_indices = @transform_11, window_bounds = array<i64: 16, 16>}, {pipeline_mode = #tpu.pipeline_mode<synchronous>, transform_indices = @transform_12, window_bounds = array<i64: 1, 16>}, {pipeline_mode = #tpu.pipeline_mode<synchronous>, transform_indices = @transform_13, window_bounds = array<i64: 144, 144>}, {pipeline_mode = #tpu.pipeline_mode<synchronous>, transform_indices = @transform_14, window_bounds = array<i64: 1, 144>}, {pipeline_mode = #tpu.pipeline_mode<synchronous>, transform_indices = @transform_15, window_bounds = array<i64: 144, 128>}, {pipeline_mode = #tpu.pipeline_mode<synchronous>, transform_indices = @transform_16, window_bounds = array<i64: 1, 128>}, {pipeline_mode = #tpu.pipeline_mode<synchronous>, transform_indices = @transform_17, window_bounds = array<i64: 128, 8>}, {pipeline_mode = #tpu.pipeline_mode<synchronous>, transform_indices = @transform_18, window_bounds = array<i64: 8, 128>}, {pipeline_mode = #tpu.pipeline_mode<synchronous>, transform_indices = @transform_19, window_bounds = array<i64: 128, 128>}, {pipeline_mode = #tpu.pipeline_mode<synchronous>, transform_indices = @transform_20, window_bounds = array<i64: 1, 128>}, {transform_indices = @transform_21, window_bounds = array<i64: 3200, 16>}, {transform_indices = @transform_22, window_bounds = array<i64: 3200, 128>}]} {
    %get3A = arith.constant 0 : index
    %get3A_0 = arith.constant 0 : index
    %get3A_1 = vector.load %arg1[%get3A, %get3A_0] : memref<3200x128xf32, #tpu.memory_space<vmem>>, vector<3200x128xf32>
    %get3A_2 = arith.constant 0 : index
    %get3A_3 = arith.constant 0 : index
    %get3A_4 = vector.load %arg2[%get3A_2, %get3A_3] : memref<3200x128xf32, #tpu.memory_space<vmem>>, vector<3200x128xf32>
    %get3A_5 = arith.constant 0 : index
    %get3A_6 = arith.constant 0 : index
    %get3A_7 = vector.load %arg3[%get3A_5, %get3A_6] : memref<3200x16xf32, #tpu.memory_space<vmem>>, vector<3200x16xf32>
    %get3A_8 = arith.constant 0 : index
    %get3A_9 = arith.constant 0 : index
    %get3A_10 = vector.load %arg4[%get3A_8, %get3A_9] : memref<128x144xf32, #tpu.memory_space<vmem>>, vector<128x144xf32>
    %dot_general3A = arith.constant dense<0.000000e+00> : vector<3200x144xf32>
    %dot_general3A_11 = tpu.matmul %get3A_1, %get3A_10, %dot_general3A {dimension_numbers = #tpu.dot_dimension_numbers<[1], [0], [0], [1], [0, 0, 1, 1], [], []>, transpose_lhs_hint = false} : vector<3200x128xf32>, vector<128x144xf32>, vector<3200x144xf32> -> vector<3200x144xf32>
    %get3A_12 = arith.constant 0 : index
    %get3A_13 = arith.constant 0 : index
    %get3A_14 = vector.load %arg5[%get3A_12, %get3A_13] : memref<16x144xf32, #tpu.memory_space<vmem>>, vector<16x144xf32>
    %dot_general3A_15 = arith.constant dense<0.000000e+00> : vector<3200x144xf32>
    %dot_general3A_16 = tpu.matmul %get3A_7, %get3A_14, %dot_general3A_15 {dimension_numbers = #tpu.dot_dimension_numbers<[1], [0], [0], [1], [0, 0, 1, 1], [], []>, transpose_lhs_hint = false} : vector<3200x16xf32>, vector<16x144xf32>, vector<3200x144xf32> -> vector<3200x144xf32>
    %add3A = arith.addf %dot_general3A_11, %dot_general3A_16 : vector<3200x144xf32>
    %get3A_17 = arith.constant 0 : index
    %get3A_18 = arith.constant 0 : index
    %get3A_19 = vector.load %arg6[%get3A_17, %get3A_18] : memref<128x144xf32, #tpu.memory_space<vmem>>, vector<128x144xf32>
    %dot_general3A_20 = arith.constant dense<0.000000e+00> : vector<3200x144xf32>
    %dot_general3A_21 = tpu.matmul %get3A_4, %get3A_19, %dot_general3A_20 {dimension_numbers = #tpu.dot_dimension_numbers<[1], [0], [0], [1], [0, 0, 1, 1], [], []>, transpose_lhs_hint = false} : vector<3200x128xf32>, vector<128x144xf32>, vector<3200x144xf32> -> vector<3200x144xf32>
    %add3A_22 = arith.addf %add3A, %dot_general3A_21 : vector<3200x144xf32>
    %get3A_23 = arith.constant 0 : index
    %get3A_24 = arith.constant 0 : index
    %get3A_25 = vector.load %arg7[%get3A_23, %get3A_24] : memref<1x144xf32, #tpu.memory_space<vmem>>, vector<1x144xf32>
    %add3A_26 = vector.broadcast %get3A_25 : vector<1x144xf32> to vector<3200x144xf32>
    %add3A_27 = arith.addf %add3A_22, %add3A_26 : vector<3200x144xf32>
    %max3A = arith.constant 0.000000e+00 : f32
    %max3A_28 = vector.broadcast %max3A : f32 to vector<3200x144xf32>
    %max3A_29 = arith.maximumf %add3A_27, %max3A_28 : vector<3200x144xf32>
    %get3A_30 = arith.constant 0 : index
    %get3A_31 = arith.constant 0 : index
    %get3A_32 = vector.load %arg8[%get3A_30, %get3A_31] : memref<144x16xf32, #tpu.memory_space<vmem>>, vector<144x16xf32>
    %dot_general3A_33 = arith.constant dense<0.000000e+00> : vector<3200x16xf32>
    %dot_general3A_34 = tpu.matmul %max3A_29, %get3A_32, %dot_general3A_33 {dimension_numbers = #tpu.dot_dimension_numbers<[1], [0], [0], [1], [0, 0, 1, 1], [], []>, transpose_lhs_hint = false} : vector<3200x144xf32>, vector<144x16xf32>, vector<3200x16xf32> -> vector<3200x16xf32>
    %get3A_35 = arith.constant 0 : index
    %get3A_36 = arith.constant 0 : index
    %get3A_37 = vector.load %arg9[%get3A_35, %get3A_36] : memref<1x16xf32, #tpu.memory_space<vmem>>, vector<1x16xf32>
    %add3A_38 = vector.broadcast %get3A_37 : vector<1x16xf32> to vector<3200x16xf32>
    %add3A_39 = arith.addf %dot_general3A_34, %add3A_38 : vector<3200x16xf32>
    %swap3A = arith.constant 0 : index
    %swap3A_40 = arith.constant 0 : index
    %swap3A_41 = vector.load %arg22[%swap3A, %swap3A_40] : memref<3200x16xf32, #tpu.memory_space<vmem>>, vector<3200x16xf32>
    tpu.vector_store %arg22[%swap3A, %swap3A_40], %add3A_39 {strides = array<i32>} : memref<3200x16xf32, #tpu.memory_space<vmem>>, vector<3200x16xf32>,
    %get3A_42 = arith.constant 0 : index
    %get3A_43 = arith.constant 0 : index
    %get3A_44 = vector.load %arg10[%get3A_42, %get3A_43] : memref<128x128xf32, #tpu.memory_space<vmem>>, vector<128x128xf32>
    %dot_general3A_45 = arith.constant dense<0.000000e+00> : vector<3200x128xf32>
    %dot_general3A_46 = tpu.matmul %get3A_1, %get3A_44, %dot_general3A_45 {dimension_numbers = #tpu.dot_dimension_numbers<[1], [0], [0], [1], [0, 0, 1, 1], [], []>, transpose_lhs_hint = false} : vector<3200x128xf32>, vector<128x128xf32>, vector<3200x128xf32> -> vector<3200x128xf32>
    %get3A_47 = arith.constant 0 : index
    %get3A_48 = arith.constant 0 : index
    %get3A_49 = vector.load %arg11[%get3A_47, %get3A_48] : memref<1x128xf32, #tpu.memory_space<vmem>>, vector<1x128xf32>
    %add3A_50 = vector.broadcast %get3A_49 : vector<1x128xf32> to vector<3200x128xf32>
    %add3A_51 = arith.addf %dot_general3A_46, %add3A_50 : vector<3200x128xf32>
    %get3A_52 = arith.constant 0 : index
    %get3A_53 = arith.constant 0 : index
    %get3A_54 = vector.load %arg12[%get3A_52, %get3A_53] : memref<16x16xf32, #tpu.memory_space<vmem>>, vector<16x16xf32>
    %dot_general3A_55 = arith.constant dense<0.000000e+00> : vector<3200x16xf32>
    %dot_general3A_56 = tpu.matmul %get3A_7, %get3A_54, %dot_general3A_55 {dimension_numbers = #tpu.dot_dimension_numbers<[1], [0], [0], [1], [0, 0, 1, 1], [], []>, transpose_lhs_hint = false} : vector<3200x16xf32>, vector<16x16xf32>, vector<3200x16xf32> -> vector<3200x16xf32>
    %get3A_57 = arith.constant 0 : index
    %get3A_58 = arith.constant 0 : index
    %get3A_59 = vector.load %arg13[%get3A_57, %get3A_58] : memref<1x16xf32, #tpu.memory_space<vmem>>, vector<1x16xf32>
    %add3A_60 = vector.broadcast %get3A_59 : vector<1x16xf32> to vector<3200x16xf32>
    %add3A_61 = arith.addf %dot_general3A_56, %add3A_60 : vector<3200x16xf32>
    %concatenate3A = tpu.concatenate %add3A_51, %add3A_61 in 1 : vector<3200x128xf32>, vector<3200x16xf32> -> vector<3200x144xf32>
    %get3A_62 = arith.constant 0 : index
    %get3A_63 = arith.constant 0 : index
    %get3A_64 = vector.load %arg14[%get3A_62, %get3A_63] : memref<144x144xf32, #tpu.memory_space<vmem>>, vector<144x144xf32>
    %dot_general3A_65 = arith.constant dense<0.000000e+00> : vector<3200x144xf32>
    %dot_general3A_66 = tpu.matmul %concatenate3A, %get3A_64, %dot_general3A_65 {dimension_numbers = #tpu.dot_dimension_numbers<[1], [0], [0], [1], [0, 0, 1, 1], [], []>, transpose_lhs_hint = false} : vector<3200x144xf32>, vector<144x144xf32>, vector<3200x144xf32> -> vector<3200x144xf32>
    %get3A_67 = arith.constant 0 : index
    %get3A_68 = arith.constant 0 : index
    %get3A_69 = vector.load %arg15[%get3A_67, %get3A_68] : memref<1x144xf32, #tpu.memory_space<vmem>>, vector<1x144xf32>
    %add3A_70 = vector.broadcast %get3A_69 : vector<1x144xf32> to vector<3200x144xf32>
    %add3A_71 = arith.addf %dot_general3A_66, %add3A_70 : vector<3200x144xf32>
    %max3A_72 = arith.constant 0.000000e+00 : f32
    %max3A_73 = vector.broadcast %max3A_72 : f32 to vector<3200x144xf32>
    %max3A_74 = arith.maximumf %add3A_71, %max3A_73 : vector<3200x144xf32>
    %get3A_75 = arith.constant 0 : index
    %get3A_76 = arith.constant 0 : index
    %get3A_77 = vector.load %arg16[%get3A_75, %get3A_76] : memref<144x128xf32, #tpu.memory_space<vmem>>, vector<144x128xf32>
    %dot_general3A_78 = arith.constant dense<0.000000e+00> : vector<3200x128xf32>
    %dot_general3A_79 = tpu.matmul %max3A_74, %get3A_77, %dot_general3A_78 {dimension_numbers = #tpu.dot_dimension_numbers<[1], [0], [0], [1], [0, 0, 1, 1], [], []>, transpose_lhs_hint = false} : vector<3200x144xf32>, vector<144x128xf32>, vector<3200x128xf32> -> vector<3200x128xf32>
    %get3A_80 = arith.constant 0 : index
    %get3A_81 = arith.constant 0 : index
    %get3A_82 = vector.load %arg17[%get3A_80, %get3A_81] : memref<1x128xf32, #tpu.memory_space<vmem>>, vector<1x128xf32>
    %add3A_83 = vector.broadcast %get3A_82 : vector<1x128xf32> to vector<3200x128xf32>
    %add3A_84 = arith.addf %dot_general3A_79, %add3A_83 : vector<3200x128xf32>
    %reduce_max3A = arith.constant dense<0xFF800000> : vector<3200xf32>
    %reduce_max3A_85 = vector.multi_reduction <maximumf>, %add3A_84, %reduce_max3A [1] : vector<3200x128xf32> to vector<3200xf32>
    %broadcast_in_dim3A = vector.shape_cast %reduce_max3A_85 : vector<3200xf32> to vector<3200x1xf32>
    %sub3A = vector.broadcast %broadcast_in_dim3A : vector<3200x1xf32> to vector<3200x128xf32>
    %sub3A_86 = arith.subf %add3A_84, %sub3A : vector<3200x128xf32>
    %exp3A = math.exp %sub3A_86 : vector<3200x128xf32>
    %get3A_87 = arith.constant 0 : index
    %get3A_88 = arith.constant 0 : index
    %get3A_89 = vector.load %arg18[%get3A_87, %get3A_88] : memref<128x8xf32, #tpu.memory_space<vmem>>, vector<128x8xf32>
    %dot_general3A_90 = arith.constant dense<0.000000e+00> : vector<3200x8xf32>
    %dot_general3A_91 = tpu.matmul %exp3A, %get3A_89, %dot_general3A_90 {dimension_numbers = #tpu.dot_dimension_numbers<[1], [0], [0], [1], [0, 0, 1, 1], [], []>, transpose_lhs_hint = false} : vector<3200x128xf32>, vector<128x8xf32>, vector<3200x8xf32> -> vector<3200x8xf32>
    %get3A_92 = arith.constant 0 : index
    %get3A_93 = arith.constant 0 : index
    %get3A_94 = vector.load %arg19[%get3A_92, %get3A_93] : memref<8x128xf32, #tpu.memory_space<vmem>>, vector<8x128xf32>
    %dot_general3A_95 = arith.constant dense<0.000000e+00> : vector<3200x128xf32>
    %dot_general3A_96 = tpu.matmul %dot_general3A_91, %get3A_94, %dot_general3A_95 {dimension_numbers = #tpu.dot_dimension_numbers<[1], [0], [0], [1], [0, 0, 1, 1], [], []>, transpose_lhs_hint = false} : vector<3200x8xf32>, vector<8x128xf32>, vector<3200x128xf32> -> vector<3200x128xf32>
    %div3A = arith.divf %exp3A, %dot_general3A_96 : vector<3200x128xf32>
    %get3A_97 = arith.constant 0 : index
    %get3A_98 = arith.constant 0 : index
    %get3A_99 = vector.load %arg20[%get3A_97, %get3A_98] : memref<128x128xf32, #tpu.memory_space<vmem>>, vector<128x128xf32>
    %dot_general3A_100 = arith.constant dense<0.000000e+00> : vector<3200x128xf32>
    %dot_general3A_101 = tpu.matmul %get3A_4, %get3A_99, %dot_general3A_100 {dimension_numbers = #tpu.dot_dimension_numbers<[1], [0], [0], [1], [0, 0, 1, 1], [], []>, transpose_lhs_hint = false} : vector<3200x128xf32>, vector<128x128xf32>, vector<3200x128xf32> -> vector<3200x128xf32>
    %get3A_102 = arith.constant 0 : index
    %get3A_103 = arith.constant 0 : index
    %get3A_104 = vector.load %arg21[%get3A_102, %get3A_103] : memref<1x128xf32, #tpu.memory_space<vmem>>, vector<1x128xf32>
    %add3A_105 = vector.broadcast %get3A_104 : vector<1x128xf32> to vector<3200x128xf32>
    %add3A_106 = arith.addf %dot_general3A_101, %add3A_105 : vector<3200x128xf32>
    %mul3A = arith.mulf %div3A, %add3A_106 : vector<3200x128xf32>
    %swap3A_107 = arith.constant 0 : index
    %swap3A_108 = arith.constant 0 : index
    %swap3A_109 = vector.load %arg23[%swap3A_107, %swap3A_108] : memref<3200x128xf32, #tpu.memory_space<vmem>>, vector<3200x128xf32>
    tpu.vector_store %arg23[%swap3A_107, %swap3A_108], %mul3A {strides = array<i32>} : memref<3200x128xf32, #tpu.memory_space<vmem>>, vector<3200x128xf32>,
    return
  }
  func.func @transform_0(%arg0: i32) -> (i32, i32) {
    %c0_i32 = arith.constant 0 : i32
    %c0_i32_0 = arith.constant 0 : i32
    return %arg0, %c0_i32 : i32, i32
  }
  func.func @transform_1(%arg0: i32) -> (i32, i32) {
    %c0_i32 = arith.constant 0 : i32
    %c0_i32_0 = arith.constant 0 : i32
    return %arg0, %c0_i32 : i32, i32
  }
  func.func @transform_2(%arg0: i32) -> (i32, i32) {
    %c0_i32 = arith.constant 0 : i32
    %c0_i32_0 = arith.constant 0 : i32
    return %arg0, %c0_i32 : i32, i32
  }
  func.func @transform_3(%arg0: i32) -> (i32, i32) {
    %c0_i32 = arith.constant 0 : i32
    %c0_i32_0 = arith.constant 0 : i32
    %c0_i32_1 = arith.constant 0 : i32
    return %c0_i32, %c0_i32_0 : i32, i32
  }
  func.func @transform_4(%arg0: i32) -> (i32, i32) {
    %c0_i32 = arith.constant 0 : i32
    %c0_i32_0 = arith.constant 0 : i32
    %c0_i32_1 = arith.constant 0 : i32
    return %c0_i32, %c0_i32_0 : i32, i32
  }
  func.func @transform_5(%arg0: i32) -> (i32, i32) {
    %c0_i32 = arith.constant 0 : i32
    %c0_i32_0 = arith.constant 0 : i32
    %c0_i32_1 = arith.constant 0 : i32
    return %c0_i32, %c0_i32_0 : i32, i32
  }
  func.func @transform_6(%arg0: i32) -> (i32, i32) {
    %c0_i32 = arith.constant 0 : i32
    %c0_i32_0 = arith.constant 0 : i32
    %c0_i32_1 = arith.constant 0 : i32
    return %c0_i32, %c0_i32_0 : i32, i32
  }
  func.func @transform_7(%arg0: i32) -> (i32, i32) {
    %c0_i32 = arith.constant 0 : i32
    %c0_i32_0 = arith.constant 0 : i32
    %c0_i32_1 = arith.constant 0 : i32
    return %c0_i32, %c0_i32_0 : i32, i32
  }
  func.func @transform_8(%arg0: i32) -> (i32, i32) {
    %c0_i32 = arith.constant 0 : i32
    %c0_i32_0 = arith.constant 0 : i32
    %c0_i32_1 = arith.constant 0 : i32
    return %c0_i32, %c0_i32_0 : i32, i32
  }
  func.func @transform_9(%arg0: i32) -> (i32, i32) {
    %c0_i32 = arith.constant 0 : i32
    %c0_i32_0 = arith.constant 0 : i32
    %c0_i32_1 = arith.constant 0 : i32
    return %c0_i32, %c0_i32_0 : i32, i32
  }
  func.func @transform_10(%arg0: i32) -> (i32, i32) {
    %c0_i32 = arith.constant 0 : i32
    %c0_i32_0 = arith.constant 0 : i32
    %c0_i32_1 = arith.constant 0 : i32
    return %c0_i32, %c0_i32_0 : i32, i32
  }
  func.func @transform_11(%arg0: i32) -> (i32, i32) {
    %c0_i32 = arith.constant 0 : i32
    %c0_i32_0 = arith.constant 0 : i32
    %c0_i32_1 = arith.constant 0 : i32
    return %c0_i32, %c0_i32_0 : i32, i32
  }
  func.func @transform_12(%arg0: i32) -> (i32, i32) {
    %c0_i32 = arith.constant 0 : i32
    %c0_i32_0 = arith.constant 0 : i32
    %c0_i32_1 = arith.constant 0 : i32
    return %c0_i32, %c0_i32_0 : i32, i32
  }
  func.func @transform_13(%arg0: i32) -> (i32, i32) {
    %c0_i32 = arith.constant 0 : i32
    %c0_i32_0 = arith.constant 0 : i32
    %c0_i32_1 = arith.constant 0 : i32
    return %c0_i32, %c0_i32_0 : i32, i32
  }
  func.func @transform_14(%arg0: i32) -> (i32, i32) {
    %c0_i32 = arith.constant 0 : i32
    %c0_i32_0 = arith.constant 0 : i32
    %c0_i32_1 = arith.constant 0 : i32
    return %c0_i32, %c0_i32_0 : i32, i32
  }
  func.func @transform_15(%arg0: i32) -> (i32, i32) {
    %c0_i32 = arith.constant 0 : i32
    %c0_i32_0 = arith.constant 0 : i32
    %c0_i32_1 = arith.constant 0 : i32
    return %c0_i32, %c0_i32_0 : i32, i32
  }
  func.func @transform_16(%arg0: i32) -> (i32, i32) {
    %c0_i32 = arith.constant 0 : i32
    %c0_i32_0 = arith.constant 0 : i32
    %c0_i32_1 = arith.constant 0 : i32
    return %c0_i32, %c0_i32_0 : i32, i32
  }
  func.func @transform_17(%arg0: i32) -> (i32, i32) {
    %c0_i32 = arith.constant 0 : i32
    %c0_i32_0 = arith.constant 0 : i32
    %c0_i32_1 = arith.constant 0 : i32
    return %c0_i32, %c0_i32_0 : i32, i32
  }
  func.func @transform_18(%arg0: i32) -> (i32, i32) {
    %c0_i32 = arith.constant 0 : i32
    %c0_i32_0 = arith.constant 0 : i32
    %c0_i32_1 = arith.constant 0 : i32
    return %c0_i32, %c0_i32_0 : i32, i32
  }
  func.func @transform_19(%arg0: i32) -> (i32, i32) {
    %c0_i32 = arith.constant 0 : i32
    %c0_i32_0 = arith.constant 0 : i32
    %c0_i32_1 = arith.constant 0 : i32
    return %c0_i32, %c0_i32_0 : i32, i32
  }
  func.func @transform_20(%arg0: i32) -> (i32, i32) {
    %c0_i32 = arith.constant 0 : i32
    %c0_i32_0 = arith.constant 0 : i32
    %c0_i32_1 = arith.constant 0 : i32
    return %c0_i32, %c0_i32_0 : i32, i32
  }
  func.func @transform_21(%arg0: i32) -> (i32, i32) {
    %c0_i32 = arith.constant 0 : i32
    %c0_i32_0 = arith.constant 0 : i32
    return %arg0, %c0_i32 : i32, i32
  }
  func.func @transform_22(%arg0: i32) -> (i32, i32) {
    %c0_i32 = arith.constant 0 : i32
    %c0_i32_0 = arith.constant 0 : i32
    return %arg0, %c0_i32 : i32, i32
  }
}

module attributes {stable_mosaic.version = 14 : i64} {
  func.func @_node_body(%arg0: i32, %arg1: memref<1000x128xf32, #tpu.memory_space<vmem>>, %arg2: memref<1000x128xf32, #tpu.memory_space<vmem>>, %arg3: memref<128x256xf32, #tpu.memory_space<vmem>>, %arg4: memref<128x256xf32, #tpu.memory_space<vmem>>, %arg5: memref<1x256xf32, #tpu.memory_space<vmem>>, %arg6: memref<256x128xf32, #tpu.memory_space<vmem>>, %arg7: memref<1x128xf32, #tpu.memory_space<vmem>>, %arg8: memref<1000x128xf32, #tpu.memory_space<vmem>>) attributes {dimension_semantics = [#tpu.dimension_semantics<arbitrary>], iteration_bounds = array<i64: 10>, scalar_prefetch = 0 : i64, scratch_operands = 0 : i64, tpu.core_type = #tpu.core_type<tc>, window_params = [{transform_indices = @transform_0, window_bounds = array<i64: 1000, 128>}, {transform_indices = @transform_1, window_bounds = array<i64: 1000, 128>}, {pipeline_mode = #tpu.pipeline_mode<synchronous>, transform_indices = @transform_2, window_bounds = array<i64: 128, 256>}, {pipeline_mode = #tpu.pipeline_mode<synchronous>, transform_indices = @transform_3, window_bounds = array<i64: 128, 256>}, {pipeline_mode = #tpu.pipeline_mode<synchronous>, transform_indices = @transform_4, window_bounds = array<i64: 1, 256>}, {pipeline_mode = #tpu.pipeline_mode<synchronous>, transform_indices = @transform_5, window_bounds = array<i64: 256, 128>}, {pipeline_mode = #tpu.pipeline_mode<synchronous>, transform_indices = @transform_6, window_bounds = array<i64: 1, 128>}, {transform_indices = @transform_7, window_bounds = array<i64: 1000, 128>}]} {
    %get3A = arith.constant 0 : index
    %get3A_0 = arith.constant 0 : index
    %get3A_1 = vector.load %arg1[%get3A, %get3A_0] : memref<1000x128xf32, #tpu.memory_space<vmem>>, vector<1000x128xf32>
    %get3A_2 = arith.constant 0 : index
    %get3A_3 = arith.constant 0 : index
    %get3A_4 = vector.load %arg2[%get3A_2, %get3A_3] : memref<1000x128xf32, #tpu.memory_space<vmem>>, vector<1000x128xf32>
    %is_finite3A = tpu.weird %get3A_4 : vector<1000x128xf32> -> vector<1000x128xi1>
    %is_finite3A_5 = arith.constant dense<true> : vector<1000x128xi1>
    %is_finite3A_6 = arith.xori %is_finite3A, %is_finite3A_5 : vector<1000x128xi1>
    %jit3A = arith.constant 0.000000e+00 : f32
    %broadcast_in_dim3A = vector.broadcast %jit3A : f32 to vector<1000x128xf32>
    %select_n3A = arith.select %is_finite3A_6, %get3A_4, %broadcast_in_dim3A : vector<1000x128xi1>, vector<1000x128xf32>
    %get3A_7 = arith.constant 0 : index
    %get3A_8 = arith.constant 0 : index
    %get3A_9 = vector.load %arg3[%get3A_7, %get3A_8] : memref<128x256xf32, #tpu.memory_space<vmem>>, vector<128x256xf32>
    %dot_general3A = arith.constant dense<0.000000e+00> : vector<1000x256xf32>
    %dot_general3A_10 = tpu.matmul %get3A_1, %get3A_9, %dot_general3A {dimension_numbers = #tpu.dot_dimension_numbers<[1], [0], [0], [1], [0, 0, 1, 1], [], []>, transpose_lhs_hint = false} : vector<1000x128xf32>, vector<128x256xf32>, vector<1000x256xf32> -> vector<1000x256xf32>
    %get3A_11 = arith.constant 0 : index
    %get3A_12 = arith.constant 0 : index
    %get3A_13 = vector.load %arg4[%get3A_11, %get3A_12] : memref<128x256xf32, #tpu.memory_space<vmem>>, vector<128x256xf32>
    %dot_general3A_14 = arith.constant dense<0.000000e+00> : vector<1000x256xf32>
    %dot_general3A_15 = tpu.matmul %select_n3A, %get3A_13, %dot_general3A_14 {dimension_numbers = #tpu.dot_dimension_numbers<[1], [0], [0], [1], [0, 0, 1, 1], [], []>, transpose_lhs_hint = false} : vector<1000x128xf32>, vector<128x256xf32>, vector<1000x256xf32> -> vector<1000x256xf32>
    %add3A = arith.addf %dot_general3A_10, %dot_general3A_15 : vector<1000x256xf32>
    %get3A_16 = arith.constant 0 : index
    %get3A_17 = arith.constant 0 : index
    %get3A_18 = vector.load %arg5[%get3A_16, %get3A_17] : memref<1x256xf32, #tpu.memory_space<vmem>>, vector<1x256xf32>
    %add3A_19 = vector.broadcast %get3A_18 : vector<1x256xf32> to vector<1000x256xf32>
    %add3A_20 = arith.addf %add3A, %add3A_19 : vector<1000x256xf32>
    %max3A = arith.constant 0.000000e+00 : f32
    %max3A_21 = vector.broadcast %max3A : f32 to vector<1000x256xf32>
    %max3A_22 = arith.maximumf %add3A_20, %max3A_21 : vector<1000x256xf32>
    %get3A_23 = arith.constant 0 : index
    %get3A_24 = arith.constant 0 : index
    %get3A_25 = vector.load %arg6[%get3A_23, %get3A_24] : memref<256x128xf32, #tpu.memory_space<vmem>>, vector<256x128xf32>
    %dot_general3A_26 = arith.constant dense<0.000000e+00> : vector<1000x128xf32>
    %dot_general3A_27 = tpu.matmul %max3A_22, %get3A_25, %dot_general3A_26 {dimension_numbers = #tpu.dot_dimension_numbers<[1], [0], [0], [1], [0, 0, 1, 1], [], []>, transpose_lhs_hint = false} : vector<1000x256xf32>, vector<256x128xf32>, vector<1000x128xf32> -> vector<1000x128xf32>
    %get3A_28 = arith.constant 0 : index
    %get3A_29 = arith.constant 0 : index
    %get3A_30 = vector.load %arg7[%get3A_28, %get3A_29] : memref<1x128xf32, #tpu.memory_space<vmem>>, vector<1x128xf32>
    %add3A_31 = vector.broadcast %get3A_30 : vector<1x128xf32> to vector<1000x128xf32>
    %add3A_32 = arith.addf %dot_general3A_27, %add3A_31 : vector<1000x128xf32>
    %swap3A = arith.constant 0 : index
    %swap3A_33 = arith.constant 0 : index
    %swap3A_34 = vector.load %arg8[%swap3A, %swap3A_33] : memref<1000x128xf32, #tpu.memory_space<vmem>>, vector<1000x128xf32>
    tpu.vector_store %arg8[%swap3A, %swap3A_33], %add3A_32 {strides = array<i32>} : memref<1000x128xf32, #tpu.memory_space<vmem>>, vector<1000x128xf32>,
    return
  }
  func.func @transform_0(%arg0: i32) -> (i32, i32) {
    %c0_i32 = arith.constant 0 : i32
    %c0_i32_0 = arith.constant 0 : i32
    return %arg0, %c0_i32 : i32, i32
  }
  func.func @transform_1(%arg0: i32) -> (i32, i32) {
    %c0_i32 = arith.constant 0 : i32
    %c0_i32_0 = arith.constant 0 : i32
    return %arg0, %c0_i32 : i32, i32
  }
  func.func @transform_2(%arg0: i32) -> (i32, i32) {
    %c0_i32 = arith.constant 0 : i32
    %c0_i32_0 = arith.constant 0 : i32
    %c0_i32_1 = arith.constant 0 : i32
    return %c0_i32, %c0_i32_0 : i32, i32
  }
  func.func @transform_3(%arg0: i32) -> (i32, i32) {
    %c0_i32 = arith.constant 0 : i32
    %c0_i32_0 = arith.constant 0 : i32
    %c0_i32_1 = arith.constant 0 : i32
    return %c0_i32, %c0_i32_0 : i32, i32
  }
  func.func @transform_4(%arg0: i32) -> (i32, i32) {
    %c0_i32 = arith.constant 0 : i32
    %c0_i32_0 = arith.constant 0 : i32
    %c0_i32_1 = arith.constant 0 : i32
    return %c0_i32, %c0_i32_0 : i32, i32
  }
  func.func @transform_5(%arg0: i32) -> (i32, i32) {
    %c0_i32 = arith.constant 0 : i32
    %c0_i32_0 = arith.constant 0 : i32
    %c0_i32_1 = arith.constant 0 : i32
    return %c0_i32, %c0_i32_0 : i32, i32
  }
  func.func @transform_6(%arg0: i32) -> (i32, i32) {
    %c0_i32 = arith.constant 0 : i32
    %c0_i32_0 = arith.constant 0 : i32
    %c0_i32_1 = arith.constant 0 : i32
    return %c0_i32, %c0_i32_0 : i32, i32
  }
  func.func @transform_7(%arg0: i32) -> (i32, i32) {
    %c0_i32 = arith.constant 0 : i32
    %c0_i32_0 = arith.constant 0 : i32
    return %arg0, %c0_i32 : i32, i32
  }
}

</mosaic_0001>

<sc_bundles>
// kernel: kernel.6.cloned.1.call-start
scs
__scs_entry_jumppad:
0x0: {  	(pc) =	sbr.rel $0x88, $3  }
0x1: {  	(tag) =	ssettag $0x0;
	lr =	simm.s32 $0x1  }
0x2: {  	[smem:$0x3F8C] =	sst lr;
	_ =	strace $0xD0000000  }
0x3: {  	_ = 	snop  }
0x4: {  	_ = 	snop  }
0x5: {  	_ = 	snop  }
0x6: {  	_ = 	snop  }
0x7: {  	_ = 	snop  }
__scs_overlays_trampoline_lowered:
0x8: {  	[smem:$0x3F9B] =	sst s0  }
0x9: {  	[smem:$0x3F9C] =	sst s1  }
0xa: {  	[smem:$0x3F9D] =	sst s2  }
0xb: {  	[smem:$0x3F9E] =	sst s3  }
0xc: {  	[smem:$0x3F9F] =	sst s4  }
0xd: {  	[smem:$0x3FA0] =	sst s5  }
0xe: {  	[smem:$0x3FA1] =	sst s6  }
0xf: {  	[smem:$0x3FA2] =	sst s7  }
0x10: {  	[smem:$0x3FA3] =	sst s8  }
0x11: {  	[smem:$0x3FA4] =	sst s9;
	s0 =	simm.s32 @!p0 $0x0  }
0x12: {  	s1 =	sld [smem:$0x3F8A];
	s0 =	simm.s32 @p0 $0x1  }
0x13: {  	[smem:$0x3FA5] =	sst s0;
	s0 =	simm.s32 @!p1 $0x0  }
0x14: {  	s2 =	sld [smem:$0x3F89];
	s0 =	simm.s32 @p1 $0x1  }
0x15: {  	[smem:$0x3FA6] =	sst s0;
	s0 =	simm.s32 @!p2 $0x0  }
0x16: {  	s3 =	sld [smem:$0x3FDB];
	s0 =	simm.s32 @p2 $0x1  }
0x17: {  	s4 =	simm.s32 $0x1BF5;
	[smem:$0x3FA8] =	sst s0  }
0x18: {  	s0 =	sld [smem:$0x3F8B];
	_ =	swait.ge [sflag:s4], $0x0  }
0x19: {  	s7 =	sld [smem:$0x3F8C]  }
0x1a: {  	s8 =	sadd.s32 $0xFFFFE003, lr  }
0x1b: {  	s9 =	sadd.s32 $0xFFFFFEF7, lr;
	s5 =	simm.s32 $0xFFFFFFFF;
	p2 =	slt.u32 s8, $0xFFFFF086  }
0x1c: {  	p1 =	slt.u32 s9, $0xF7A;
	s5 =	simm.s32 @!p2 $0x0  }
0x1d: {  	s5 =	simm.s32 @p1 $0x1;
	p0 =	seq.s32 s7, s2  }
0x1e: {  	s7 =	smul.u32 @!p0 $0xF7A, s2;
	p2 =	seq.s32 @!p0 s5, $0x0  }
0x1f: {  	s9 =	smul.u32 $0xF7A, s1;
	s8 =	simm.s32 @!p0 $0x1BF5;
	p2 =	por !p2, p0  }
0x20: {  	[sflag:s8] =	ssyncset.s32 @!p0 $0xFFFFF086;
	s6 =	sadd.s32 @!p0 s3, s7;
	s7 =	simm.s32 @!p0 $0x108  }
0x21: {  	s3 =	sadd.s32 s3, s9;
	s6 =	sadd.s32 @!p0 $0x88, s6;
	s7 =	simm.s32 @p2 $0x1082  }
0x22: {  	[simem:s7], [sflag:s8] =	dma.local @!p0 [hbm:s6], $0xF7A  }
0x23: {  	s9 =	sor.u32 $0xD0000000, s2;
	s6 =	simm.s32 $0x108;
	_ =	swait.ge @!p0 [sflag:s8], $0x0  }
0x24: {  	s3 =	sadd.s32 $0x88, s3;
	s6 =	simm.s32 @!p1 $0x1082;
	[sflag:s4] =	ssyncset.s32 $0xFFFFF086  }
0x25: {  	[simem:s6], [sflag:s4] =	dma.local [hbm:s3], $0xF7A  }
0x26: {  	[smem:$0x3F8C] =	sst s1;
	(tag) =	ssettag s2;
	_ =	strace s9  }
0x27: {  	s1 =	sld [smem:$0x3F9C]  }
0x28: {  	s2 =	sld [smem:$0x3F9D]  }
0x29: {  	s4 =	sld [smem:$0x3F9F]  }
0x2a: {  	p0 =	seq.s32 s5, $0x0;
	s5 =	sld [smem:$0x3FA0]  }
0x2b: {  	s6 =	sld [smem:$0x3FA1]  }
0x2c: {  	s7 =	sld [smem:$0x3FA2]  }
0x2d: {  	s3 =	simm.s32 $0x108;
	s8 =	sld [smem:$0x3FA3]  }
0x2e: {  	s3 =	simm.s32 @!p0 $0x1082;
	s9 =	sld [smem:$0x3FA4]  }
0x2f: {  	lr =	sadd.s32 s0, s3;
	s0 =	sld [smem:$0x3F9B]  }
0x30: {  	s3 =	sld [smem:$0x3F9E]  }
0x31: {  	[smem:$0x3FA7] =	sst s10  }
0x32: {  	s10 =	sld [smem:$0x3FA5];
	_ =	sdelay $0x3  }
0x33: {  	p0 =	seq.s32 s10, $0x1;
	s10 =	sld [smem:$0x3FA7];
	_ =	sdelay $0x3  }
0x34: {  	[smem:$0x3FA7] =	sst s10  }
0x35: {  	s10 =	sld [smem:$0x3FA6];
	_ =	sdelay $0x3  }
0x36: {  	p1 =	seq.s32 s10, $0x1;
	s10 =	sld [smem:$0x3FA7];
	_ =	sdelay $0x3  }
0x37: {  	[smem:$0x3FA7] =	sst s10  }
0x38: {  	s10 =	sld [smem:$0x3FA8]  }
0x39: {  	_ = 	snop;
	(pc) =	sbr.ind lr, $3  }
0x3a: {  	_ = 	snop  }
0x3b: {  	_ = 	snop  }
0x3c: {  	p2 =	seq.s32 s10, $0x1;
	s10 =	sld [smem:$0x3FA7]  }
0x3d: {  	_ =	shalt  }
0x3e: {  	_ =	shalt  }
0x3f: {  	_ =	shalt  }
0x40: {  	_ =	shalt  }
0x41: {  	_ =	shalt  }
0x42: {  	_ =	shalt  }
0x43: {  	_ =	shalt  }
0x44: {  	_ =	shalt  }
0x45: {  	_ =	shalt  }
0x46: {  	_ =	shalt  }
0x47: {  	_ =	shalt  }
0x48: {  	_ =	shalt  }
0x49: {  	_ =	shalt  }
0x4a: {  	_ =	shalt  }
0x4b: {  	_ =	shalt  }
0x4c: {  	_ =	shalt  }
0x4d: {  	_ =	shalt  }
0x4e: {  	_ =	shalt  }
0x4f: {  	_ =	shalt  }
0x50: {  	_ =	shalt  }
0x51: {  	_ =	shalt  }
0x52: {  	_ =	shalt  }
0x53: {  	_ =	shalt  }
0x54: {  	_ =	shalt  }
0x55: {  	_ =	shalt  }
0x56: {  	_ =	shalt  }
0x57: {  	_ =	shalt  }
0x58: {  	_ =	shalt  }
0x59: {  	_ =	shalt  }
0x5a: {  	_ =	shalt  }
0x5b: {  	_ =	shalt  }
0x5c: {  	_ =	shalt  }
0x5d: {  	_ =	shalt  }
0x5e: {  	_ =	shalt  }
0x5f: {  	_ =	shalt  }
0x60: {  	_ =	shalt  }
0x61: {  	_ =	shalt  }
0x62: {  	_ =	shalt  }
0x63: {  	_ =	shalt  }
0x64: {  	_ =	shalt  }
0x65: {  	_ =	shalt  }
0x66: {  	_ =	shalt  }
0x67: {  	_ =	shalt  }
0x68: {  	_ =	shalt  }
0x69: {  	_ =	shalt  }
0x6a: {  	_ =	shalt  }
0x6b: {  	_ =	shalt  }
0x6c: {  	_ =	shalt  }
0x6d: {  	_ =	shalt  }
0x6e: {  	_ =	shalt  }
0x6f: {  	_ =	shalt  }
0x70: {  	_ =	shalt  }
0x71: {  	_ =	shalt  }
0x72: {  	_ =	shalt  }
0x73: {  	_ =	shalt  }
0x74: {  	_ =	shalt  }
0x75: {  	_ =	shalt  }
0x76: {  	_ =	shalt  }
0x77: {  	_ =	shalt  }
0x78: {  	_ =	shalt  }
0x79: {  	_ =	shalt  }
0x7a: {  	_ =	shalt  }
0x7b: {  	_ =	shalt  }
0x7c: {  	_ =	shalt  }
0x7d: {  	_ =	shalt  }
0x7e: {  	_ =	shalt  }
0x7f: {  	_ =	shalt  }
0x80: {  	_ =	shalt  }
0x81: {  	_ =	shalt  }
0x82: {  	_ =	shalt  }
0x83: {  	_ =	shalt  }
0x84: {  	_ =	shalt  }
0x85: {  	_ =	shalt  }
0x86: {  	_ =	shalt  }
0x87: {  	_ =	shalt  }
.Lfunc_end0:
.L_simem_size_0:
called_computation_lowered:
.L_overlay_start_0:
0x88: {  	s2 =	sld [smem:$0x3FD9]  }
0x89: {  	s3 =	sld [smem:$0x3FFE];
	_ =	sdelay $0x1  }
0x8a: {  	s1 =	srdreg.scid  }
0x8b: {  	s0 =	sand.u32 $0x1, s1  }
0x8c: {  	s14 =	sshll.u32 s0, $0xA;
	s2 =	sadd.s32 s3, s2  }
0x8d: {  	s2 =	sadd.s32 s2, s14  }
0x8e: {  	[smem:$0x3FB3] =	sst s2  }
0x8f: {  	_ = 	snop  }
0x90: {  	s2 =	sld [smem:$0x3FD0];
	_ =	sdelay $0x2  }
0x91: {  	s4 =	simm.s32 $0xA;
	s5 =	simm.s32 $0x10;
	s15 =	sld [smem:$0x3FC9]  }
0x92: {  	[smem:s5], [sflag:s4] =	dma.local [hbm:s2], $0x1  }
0x93: {  	_ =	swait.eq [sflag:s4], $0x1  }
0x94: {  	[sflag:s4] =	ssyncset.done $0x0  }
0x95: {  	[sflag:s4] =	ssyncadd.s32 $0xFFFFFFFF  }
0x96: {  	s16 =	sld [smem:$0x10];
	(tm) =	ssettm $0x1  }
0x97: {  	s17 =	sld [smem:$0x3FFB];
	_ =	sdelay $0x3  }
0x98: {  	_ =	strace s17  }
0x99: {  	s4 =	sld [smem:$0x3FFC];
	_ =	sdelay $0x3  }
0x9a: {  	_ =	strace s4  }
0x9b: {  	s4 =	sld [smem:$0x3FFD];
	_ =	sdelay $0x3  }
0x9c: {  	_ =	strace s4  }
0x9d: {  	_ =	strace $0x8FFFFFFF  }
0x9e: {  	s18 =	sld [smem:$0x3FDB];
	_ =	sdelay $0x1  }
0x9f: {  	s19 =	simm.s32 $_scs_section_size  }
0xa0: {  	s6 =	simm.s32 $_size__tile_overlayer_lowered;
	s7 =	simm.s32 $_tile_overlayer_lowered  }
0xa1: {  	s22 =	simm.s32 $0x1BFF;
	s21 =	sshll.u32 s7, $0x1;
	s4 =	sadd.s32 s19, s18  }
0xa2: {  	s8 =	simm.s32 $0x0;
	s20 =	sshll.u32 s6, $0x1;
	s6 =	sadd.s32 s21, s4  }
0xa3: {  	[timem:s8], [sflag:s22] =	dma.local [hbm:s6], s20  }
0xa4: {  	_ =	swait.ge [sflag:s22], s20  }
0xa5: {  	s5 =	ssub.s32 $0x0, s20;
	[sflag:s22] =	ssyncset.done $0x0  }
0xa6: {  	[sflag:s22] =	ssyncadd.s32 s5;
	_ =	sdelay $0x1  }
0xa7: {  	s23 =	simm.s32 $0x1B8B  }
0xa8: {  	_ =	swait.ge [sflag:s23], $0x1  }
0xa9: {  	[sflag:s23] =	ssyncset.done $0x0  }
0xaa: {  	s25 =	simm.s32 $0x1B8E;
	s24 =	sld [smem:$0x3FFE];
	[sflag:s23] =	ssyncadd.s32 $0xFFFFFFFF  }
0xab: {  	s26 =	simm.s32 $execute0_lowered;
	[smem:$0x3FD2] =	sst s25  }
0xac: {  	s6 =	sshll.u32 s26, $0x1;
	_ =	strace $0x80000046;
	[dreg:$0x1] =	wrdreg $0xFFFFFFFF  }
0xad: {  	s28 =	simm.s32 $_size_execute0_lowered;
	s4 =	sadd.s32 s4, s6;
	[dreg:$0x0] =	wrdreg $0x0  }
0xae: {  	s6 =	sshll.u32 s28, $0x1;
	[dreg:$0x2] =	wrdreg s4  }
0xaf: {  	[dreg:$0x3] =	wrdreg s6  }
0xb0: {  	[dreg:$0x4] =	wrdreg $0xC0  }
0xb1: {  	_ =	task [dreg:s8], $0x5FFFF  }
0xb2: {  	[dreg:$0x1] =	wrdreg $0xFFFFFFFF  }
0xb3: {  	[dreg:$0x0] =	wrdreg $0x60  }
0xb4: {  	[dreg:$0x2] =	wrdreg s24  }
0xb5: {  	[dreg:$0x3] =	wrdreg s16  }
0xb6: {  	[dreg:$0x4] =	wrdreg s15  }
0xb7: {  	[dreg:$0x5] =	wrdreg $0x9  }
0xb8: {  	_ =	task.clear_ibuf [dreg:s8], $0x6FFFF;
	_ =	strace $0x90000046  }
0xb9: {  	s29 =	simm.s32 $0x9;
	_ =	strace $0x80000048  }
0xba: {  	_ =	swait.ge [sflag:s29], $0x1  }
0xbb: {  	[sflag:s29] =	ssyncadd.s32 $0xFFFFFFFF  }
0xbc: {  	_ =	strace $0x90000048  }
0xbd: {  	_ =	sfence  }
0xbe: {  	s30 =	sld [smem:$0x0];
	_ =	sdelay $0x2  }
0xbf: {  	s31 =	sshll.u32 s1, $0xD;
	s1 =	sshrl.u32 s1, $0x2  }
0xc0: {  	s3 =	sand.u32 $0x4000, s31;
	s1 =	sadd.s32 s1, s30  }
0xc1: {  	s0 =	sor.u32 s3, s0;
	s1 =	sshll.u32 s1, $0x11  }
0xc2: {  	s0 =	sor.u32 s1, s0  }
0xc3: {  	s0 =	sadd.s32 $0x8F2B, s0  }
0xc4: {  	[sflag:s0] =	ssyncadd.remote.s32 $0x1  }
0xc5: {  	_ =	sfence.sel $0xFFFF  }
0xc6: {  	[dreg:$0x0] =	wrdreg $0xFFFFFFFF;
	(pc) =	sbr.abs _section_cstart, $3  }
0xc7: {  	[dreg:$0x1] =	wrdreg $0xFFFFFFFF  }
0xc8: {  	_ =	task.clear_ibuf [dreg:s8], $0x2FFFF;
	_ =	strace $0x9FFFFFFF  }
0xc9: {  	(tm) =	ssettm $0x7FFFFFFF  }
tec
execute0_lowered:
.L_overlay_start_1:
0x0: {  	(tag) =	ssettag $0x1  }
0x1: {  	s4 =	rddreg [dreg:$0x0]  }
0x2: {  	s5 =	rddreg [dreg:$0x1];
	s1 =	srdreg.scid  }
0x3: {  	s0 =	stileid.u32;
	s2 =	rddreg [dreg:$0x2];
	s3 =	simm.s32 $0x0  }
0x4: {  	s12 =	simm.s32 $0x4F80;
	s13 =	simm.s32 $0x7780;
	s14 =	simm.s32 $0x9F80  }
0x5: {  	s15 =	simm.s32 $0xC780;
	s16 =	simm.s32 $0x1;
	s17 =	simm.s32 $0x0  }
0x6: {  	s6 =	sand.u32 $0x1, s1;
	s7 =	sshll.u32 s0, $0x1;
	s1 =	rddreg [dreg:$0x3]  }
0x7: {  	[smem:$0x7FF] =	sst s3;
	s8 =	smul.u32 $0x4E200, s0;
	s7 =	sor.u32 s6, s7  }
0x8: {  	_ =	strace $0x80000047;
	s9 =	ssub.s32 $0x2, s6;
	s6 =	smul.u32 $0x27100, s6  }
0x9: {  	s7 =	smul.u32 $0x2710, s7;
	s10 =	sshrl.u32 s9, $0x1;
	s8 =	sadd.s32 s8, s4  }
0xa: {  	s9 =	ssub.s32 s9, s10;
	s8 =	sadd.s32 s6, s8;
	s10 =	simm.s32 $0x50  }
0xb: {  	s7 =	sshrl.u32 s7, $0x3;
	s6 =	smax.u32 s9, $0x1;
	s9 =	simm.s32 $0x2  }
0xc: {  	s11 =	sadd.s32 s7, s4;
	s5 =	sadd.s32 s5, s7;
	s7 =	sadd.s32 $0xDC00, s8  }
0xd: {  	s8 =	sadd.s32 $0x4EFC00, s8;
	s4 =	sadd.s32 $0x3E00, s11;
	s11 =	simm.s32 $0x2780  }
.LBB2_1:
0xe: {  	[tilespmem:s3], [sflag:$0x2] =	stream.linear.gather [hbm4b:s4+s3], $0x2710, $0x38;
	[tilespmem:$0xEF80] =	vst v63  }
0xf: {  	_ =	swait.ge [sflag:s9], $0x2710  }
0x10: {  	[sflag:s9] =	ssyncset.done $0x0  }
0x11: {  	s18 =	simm.s32 $0x0;
	[sflag:s9] =	ssyncadd.s32 $0xFFFFD8F0  }
0x12: {  	[tilespmem:s11], [sflag:$0x1] =	stream.indirect.gather [hbm4b:s2+s10], $0x80, s18, s10, $0xb8;
	[tilespmem:$0xEF80] =	vst v63  }
0x13: {  	s28 =	simm.s32 $0x50  }
0x14: {  	[tilespmem:s12], [sflag:$0x1] =	stream.indirect.gather [hbm4b:s2+s10], $0x80, s28, s10, $0xb8;
	[tilespmem:$0xEF80] =	vst v63  }
0x15: {  	s29 =	simm.s32 $0xA0  }
0x16: {  	[tilespmem:s13], [sflag:$0x1] =	stream.indirect.gather [hbm4b:s2+s10], $0x80, s29, s10, $0xb8;
	[tilespmem:$0xEF80] =	vst v63  }
0x17: {  	s30 =	simm.s32 $0xF0  }
0x18: {  	[tilespmem:s14], [sflag:$0x1] =	stream.indirect.gather [hbm4b:s2+s10], $0x80, s30, s10, $0xb8;
	[tilespmem:$0xEF80] =	vst v63  }
0x19: {  	s31 =	simm.s32 $0x140  }
0x1a: {  	[tilespmem:s15], [sflag:$0x1] =	stream.indirect.gather [hbm4b:s2+s10], $0x80, s31, s10, $0xb8;
	[tilespmem:$0xEF80] =	vst v63  }
0x1b: {  	_ =	swait.ge [sflag:s16], $0x2800  }
0x1c: {  	[sflag:s16] =	ssyncset.done $0x0  }
0x1d: {  	[sflag:s16] =	ssyncadd.s32 $0xFFFFD800  }
0x1e: {  	_ =	swait.ge [sflag:s16], $0x2800  }
0x1f: {  	[sflag:s16] =	ssyncset.done $0x0  }
0x20: {  	[sflag:s16] =	ssyncadd.s32 $0xFFFFD800  }
0x21: {  	_ =	swait.ge [sflag:s16], $0x2800  }
0x22: {  	[sflag:s16] =	ssyncset.done $0x0  }
0x23: {  	[sflag:s16] =	ssyncadd.s32 $0xFFFFD800  }
0x24: {  	_ =	swait.ge [sflag:s16], $0x2800  }
0x25: {  	[sflag:s16] =	ssyncset.done $0x0  }
0x26: {  	[sflag:s16] =	ssyncadd.s32 $0xFFFFD800  }
0x27: {  	_ =	swait.ge [sflag:s16], $0x2800  }
0x28: {  	[sflag:s16] =	ssyncset.done $0x0  }
0x29: {  	[sflag:s16] =	ssyncadd.s32 $0xFFFFD800  }
0x2a: {  	[hbm4b:s7+s3] =	stream.linear.scatter [tilespmem:s11], [sflag:$0x2], $0xC800, $0x38;
	[tilespmem:$0xEF80] =	vst v63  }
0x2b: {  	s19 =	simm.s32 $0x640;
	_ =	swait.ge [sflag:s9], $0xC800  }
0x2c: {  	s20 =	simm.s32 $0xC80;
	s18 =	sadd.s32 $0x1900, s7;
	[sflag:s9] =	ssyncset.done $0x0  }
.LBB2_2:
0x2d: {  	s21 =	sshra.s32 s19, $0x2  }
0x2e: {  	[sflag:s9] =	ssyncadd.s32 $0xFFFF3800;
	s19 =	smov.u32 s20;
	s22 =	sadd.s32 $0x640, s20  }
0x2f: {  	[tilespmem:s11], [sflag:$0x1] =	stream.indirect.gather [hbm4b:s2+s10], $0x80, s21, s10, $0xb8;
	[tilespmem:$0xEF80] =	vst v63  }
0x30: {  	p0 =	sne.s32 s20, $0x9600;
	s20 =	sadd.s32 $0x50, s21  }
0x31: {  	[tilespmem:s12], [sflag:$0x1] =	stream.indirect.gather [hbm4b:s2+s10], $0x80, s20, s10, $0xb8;
	[tilespmem:$0xEF80] =	vst v63  }
0x32: {  	s20 =	sadd.s32 $0xA0, s21  }
0x33: {  	[tilespmem:s13], [sflag:$0x1] =	stream.indirect.gather [hbm4b:s2+s10], $0x80, s20, s10, $0xb8;
	[tilespmem:$0xEF80] =	vst v63  }
0x34: {  	s20 =	sadd.s32 $0xF0, s21  }
0x35: {  	[tilespmem:s14], [sflag:$0x1] =	stream.indirect.gather [hbm4b:s2+s10], $0x80, s20, s10, $0xb8;
	[tilespmem:$0xEF80] =	vst v63  }
0x36: {  	s20 =	sadd.s32 $0x140, s21  }
0x37: {  	[tilespmem:s15], [sflag:$0x1] =	stream.indirect.gather [hbm4b:s2+s10], $0x80, s20, s10, $0xb8;
	[tilespmem:$0xEF80] =	vst v63  }
0x38: {  	_ =	swait.ge [sflag:s16], $0x2800  }
0x39: {  	[sflag:s16] =	ssyncset.done $0x0  }
0x3a: {  	[sflag:s16] =	ssyncadd.s32 $0xFFFFD800  }
0x3b: {  	_ =	swait.ge [sflag:s16], $0x2800  }
0x3c: {  	[sflag:s16] =	ssyncset.done $0x0  }
0x3d: {  	[sflag:s16] =	ssyncadd.s32 $0xFFFFD800  }
0x3e: {  	_ =	swait.ge [sflag:s16], $0x2800  }
0x3f: {  	[sflag:s16] =	ssyncset.done $0x0  }
0x40: {  	[sflag:s16] =	ssyncadd.s32 $0xFFFFD800  }
0x41: {  	_ =	swait.ge [sflag:s16], $0x2800  }
0x42: {  	[sflag:s16] =	ssyncset.done $0x0  }
0x43: {  	[sflag:s16] =	ssyncadd.s32 $0xFFFFD800  }
0x44: {  	_ =	swait.ge [sflag:s16], $0x2800  }
.Ltmp0:
0x45: {  	[sflag:s16] =	ssyncset.done $0x0;
	(pc) =	sbr.rel @p0 .LBB2_2-.Ltmp0, $4  }
0x46: {  	[sflag:s16] =	ssyncadd.s32 $0xFFFFD800  }
0x47: {  	[hbm4b:s18+s3] =	stream.linear.scatter [tilespmem:s11], [sflag:$0x2], $0xC800, $0x38;
	[tilespmem:$0xEF80] =	vst v63  }
0x48: {  	_ =	swait.ge [sflag:s9], $0xC800  }
0x49: {  	s20 =	smov.u32 s22;
	s18 =	sadd.s32 $0x1900, s18;
	[sflag:s9] =	ssyncset.done $0x0  }
0x4a: {  	s19 =	sshra.s32 s19, $0x2;
	[sflag:s9] =	ssyncadd.s32 $0xFFFF3800  }
0x4b: {  	[tilespmem:s11], [sflag:$0x1] =	stream.indirect.gather [hbm4b:s2+s10], $0x80, s19, s10, $0xb8;
	[tilespmem:$0xEF80] =	vst v63  }
0x4c: {  	s20 =	sadd.s32 $0x50, s19  }
0x4d: {  	[tilespmem:s12], [sflag:$0x1] =	stream.indirect.gather [hbm4b:s2+s10], $0x80, s20, s10, $0xb8;
	[tilespmem:$0xEF80] =	vst v63  }
0x4e: {  	s23 =	sadd.s32 $0xA0, s19  }
0x4f: {  	[tilespmem:s13], [sflag:$0x1] =	stream.indirect.gather [hbm4b:s2+s10], $0x80, s23, s10, $0xb8;
	[tilespmem:$0xEF80] =	vst v63  }
0x50: {  	s24 =	sadd.s32 $0xF0, s19  }
0x51: {  	[tilespmem:s14], [sflag:$0x1] =	stream.indirect.gather [hbm4b:s2+s10], $0x80, s24, s10, $0xb8;
	[tilespmem:$0xEF80] =	vst v63  }
0x52: {  	s19 =	sadd.s32 $0x140, s19  }
0x53: {  	[tilespmem:s15], [sflag:$0x1] =	stream.indirect.gather [hbm4b:s2+s10], $0x80, s19, s10, $0xb8;
	[tilespmem:$0xEF80] =	vst v63  }
0x54: {  	_ =	swait.ge [sflag:s16], $0x2800  }
0x55: {  	[sflag:s16] =	ssyncset.done $0x0  }
0x56: {  	[sflag:s16] =	ssyncadd.s32 $0xFFFFD800  }
0x57: {  	_ =	swait.ge [sflag:s16], $0x2800  }
0x58: {  	[sflag:s16] =	ssyncset.done $0x0  }
0x59: {  	[sflag:s16] =	ssyncadd.s32 $0xFFFFD800  }
0x5a: {  	_ =	swait.ge [sflag:s16], $0x2800  }
0x5b: {  	[sflag:s16] =	ssyncset.done $0x0  }
0x5c: {  	[sflag:s16] =	ssyncadd.s32 $0xFFFFD800  }
0x5d: {  	_ =	swait.ge [sflag:s16], $0x2800  }
0x5e: {  	[sflag:s16] =	ssyncset.done $0x0  }
0x5f: {  	[sflag:s16] =	ssyncadd.s32 $0xFFFFD800  }
0x60: {  	_ =	swait.ge [sflag:s16], $0x2800  }
0x61: {  	[sflag:s16] =	ssyncset.done $0x0  }
0x62: {  	[sflag:s16] =	ssyncadd.s32 $0xFFFFD800  }
0x63: {  	[hbm4b:s18+s3] =	stream.linear.scatter [tilespmem:s11], [sflag:$0x2], $0xC800, $0x38;
	[tilespmem:$0xEF80] =	vst v63  }
0x64: {  	_ =	swait.ge [sflag:s9], $0xC800  }
0x65: {  	[sflag:s9] =	ssyncset.done $0x0  }
0x66: {  	s25 =	simm.s32 $0x0;
	[sflag:s9] =	ssyncadd.s32 $0xFFFF3800  }
0x67: {  	[tilespmem:s25], [sflag:$0x2] =	stream.linear.gather [hbm4b:s5+s25], $0x2710, $0x38;
	[tilespmem:$0xEF80] =	vst v63  }
0x68: {  	_ =	swait.ge [sflag:s9], $0x2710  }
0x69: {  	[sflag:s9] =	ssyncset.done $0x0  }
0x6a: {  	s26 =	simm.s32 $0x0;
	[sflag:s9] =	ssyncadd.s32 $0xFFFFD8F0  }
0x6b: {  	[tilespmem:s11], [sflag:$0x1] =	stream.indirect.gather [hbm4b:s2+s10], $0x80, s26, s10, $0xb8;
	[tilespmem:$0xEF80] =	vst v63  }
0x6c: {  	s28 =	simm.s32 $0x50  }
0x6d: {  	[tilespmem:s12], [sflag:$0x1] =	stream.indirect.gather [hbm4b:s2+s10], $0x80, s28, s10, $0xb8;
	[tilespmem:$0xEF80] =	vst v63  }
0x6e: {  	s29 =	simm.s32 $0xA0  }
0x6f: {  	[tilespmem:s13], [sflag:$0x1] =	stream.indirect.gather [hbm4b:s2+s10], $0x80, s29, s10, $0xb8;
	[tilespmem:$0xEF80] =	vst v63  }
0x70: {  	s30 =	simm.s32 $0xF0  }
0x71: {  	[tilespmem:s14], [sflag:$0x1] =	stream.indirect.gather [hbm4b:s2+s10], $0x80, s30, s10, $0xb8;
	[tilespmem:$0xEF80] =	vst v63  }
0x72: {  	s31 =	simm.s32 $0x140  }
0x73: {  	[tilespmem:s15], [sflag:$0x1] =	stream.indirect.gather [hbm4b:s2+s10], $0x80, s31, s10, $0xb8;
	[tilespmem:$0xEF80] =	vst v63  }
0x74: {  	_ =	swait.ge [sflag:s16], $0x2800  }
0x75: {  	[sflag:s16] =	ssyncset.done $0x0  }
0x76: {  	[sflag:s16] =	ssyncadd.s32 $0xFFFFD800  }
0x77: {  	_ =	swait.ge [sflag:s16], $0x2800  }
0x78: {  	[sflag:s16] =	ssyncset.done $0x0  }
0x79: {  	[sflag:s16] =	ssyncadd.s32 $0xFFFFD800  }
0x7a: {  	_ =	swait.ge [sflag:s16], $0x2800  }
0x7b: {  	[sflag:s16] =	ssyncset.done $0x0  }
0x7c: {  	[sflag:s16] =	ssyncadd.s32 $0xFFFFD800  }
0x7d: {  	_ =	swait.ge [sflag:s16], $0x2800  }
0x7e: {  	[sflag:s16] =	ssyncset.done $0x0  }
0x7f: {  	[sflag:s16] =	ssyncadd.s32 $0xFFFFD800  }
0x80: {  	_ =	swait.ge [sflag:s16], $0x2800  }
0x81: {  	[sflag:s16] =	ssyncset.done $0x0  }
0x82: {  	[sflag:s16] =	ssyncadd.s32 $0xFFFFD800  }
0x83: {  	[hbm4b:s8+s3] =	stream.linear.scatter [tilespmem:s11], [sflag:$0x2], $0xC800, $0x38;
	[tilespmem:$0xEF80] =	vst v63  }
0x84: {  	s20 =	simm.s32 $0xC80;
	_ =	swait.ge [sflag:s9], $0xC800  }
0x85: {  	s19 =	simm.s32 $0x640;
	s18 =	sadd.s32 $0x1900, s8;
	[sflag:s9] =	ssyncset.done $0x0  }
.LBB2_4:
0x86: {  	s21 =	sshra.s32 s19, $0x2  }
0x87: {  	[sflag:s9] =	ssyncadd.s32 $0xFFFF3800;
	s19 =	smov.u32 s20;
	s22 =	sadd.s32 $0x640, s20  }
0x88: {  	[tilespmem:s11], [sflag:$0x1] =	stream.indirect.gather [hbm4b:s2+s10], $0x80, s21, s10, $0xb8;
	[tilespmem:$0xEF80] =	vst v63  }
0x89: {  	p0 =	sne.s32 s20, $0x9600;
	s20 =	sadd.s32 $0x50, s21  }
0x8a: {  	[tilespmem:s12], [sflag:$0x1] =	stream.indirect.gather [hbm4b:s2+s10], $0x80, s20, s10, $0xb8;
	[tilespmem:$0xEF80] =	vst v63  }
0x8b: {  	s20 =	sadd.s32 $0xA0, s21  }
0x8c: {  	[tilespmem:s13], [sflag:$0x1] =	stream.indirect.gather [hbm4b:s2+s10], $0x80, s20, s10, $0xb8;
	[tilespmem:$0xEF80] =	vst v63  }
0x8d: {  	s20 =	sadd.s32 $0xF0, s21  }
0x8e: {  	[tilespmem:s14], [sflag:$0x1] =	stream.indirect.gather [hbm4b:s2+s10], $0x80, s20, s10, $0xb8;
	[tilespmem:$0xEF80] =	vst v63  }
0x8f: {  	s20 =	sadd.s32 $0x140, s21  }
0x90: {  	[tilespmem:s15], [sflag:$0x1] =	stream.indirect.gather [hbm4b:s2+s10], $0x80, s20, s10, $0xb8;
	[tilespmem:$0xEF80] =	vst v63  }
0x91: {  	_ =	swait.ge [sflag:s16], $0x2800  }
0x92: {  	[sflag:s16] =	ssyncset.done $0x0  }
0x93: {  	[sflag:s16] =	ssyncadd.s32 $0xFFFFD800  }
0x94: {  	_ =	swait.ge [sflag:s16], $0x2800  }
0x95: {  	[sflag:s16] =	ssyncset.done $0x0  }
0x96: {  	[sflag:s16] =	ssyncadd.s32 $0xFFFFD800  }
0x97: {  	_ =	swait.ge [sflag:s16], $0x2800  }
0x98: {  	[sflag:s16] =	ssyncset.done $0x0  }
0x99: {  	[sflag:s16] =	ssyncadd.s32 $0xFFFFD800  }
0x9a: {  	_ =	swait.ge [sflag:s16], $0x2800  }
0x9b: {  	[sflag:s16] =	ssyncset.done $0x0  }
0x9c: {  	[sflag:s16] =	ssyncadd.s32 $0xFFFFD800  }
0x9d: {  	_ =	swait.ge [sflag:s16], $0x2800  }
.Ltmp1:
0x9e: {  	[sflag:s16] =	ssyncset.done $0x0;
	(pc) =	sbr.rel @p0 .LBB2_4-.Ltmp1, $4  }
0x9f: {  	[sflag:s16] =	ssyncadd.s32 $0xFFFFD800  }
0xa0: {  	[hbm4b:s18+s3] =	stream.linear.scatter [tilespmem:s11], [sflag:$0x2], $0xC800, $0x38;
	[tilespmem:$0xEF80] =	vst v63  }
0xa1: {  	_ =	swait.ge [sflag:s9], $0xC800  }
0xa2: {  	s20 =	smov.u32 s22;
	s18 =	sadd.s32 $0x1900, s18;
	[sflag:s9] =	ssyncset.done $0x0  }
0xa3: {  	s19 =	sshra.s32 s19, $0x2;
	[sflag:s9] =	ssyncadd.s32 $0xFFFF3800  }
0xa4: {  	[tilespmem:s11], [sflag:$0x1] =	stream.indirect.gather [hbm4b:s2+s10], $0x80, s19, s10, $0xb8;
	[tilespmem:$0xEF80] =	vst v63  }
0xa5: {  	s20 =	sadd.s32 $0x50, s19  }
0xa6: {  	[tilespmem:s12], [sflag:$0x1] =	stream.indirect.gather [hbm4b:s2+s10], $0x80, s20, s10, $0xb8;
	[tilespmem:$0xEF80] =	vst v63  }
0xa7: {  	s30 =	sadd.s32 $0xA0, s19  }
0xa8: {  	[tilespmem:s13], [sflag:$0x1] =	stream.indirect.gather [hbm4b:s2+s10], $0x80, s30, s10, $0xb8;
	[tilespmem:$0xEF80] =	vst v63  }
0xa9: {  	s31 =	sadd.s32 $0xF0, s19  }
0xaa: {  	[tilespmem:s14], [sflag:$0x1] =	stream.indirect.gather [hbm4b:s2+s10], $0x80, s31, s10, $0xb8;
	[tilespmem:$0xEF80] =	vst v63  }
0xab: {  	s19 =	sadd.s32 $0x140, s19  }
0xac: {  	[tilespmem:s15], [sflag:$0x1] =	stream.indirect.gather [hbm4b:s2+s10], $0x80, s19, s10, $0xb8;
	[tilespmem:$0xEF80] =	vst v63  }
0xad: {  	_ =	swait.ge [sflag:s16], $0x2800  }
0xae: {  	[sflag:s16] =	ssyncset.done $0x0  }
0xaf: {  	[sflag:s16] =	ssyncadd.s32 $0xFFFFD800  }
0xb0: {  	_ =	swait.ge [sflag:s16], $0x2800  }
0xb1: {  	[sflag:s16] =	ssyncset.done $0x0  }
0xb2: {  	[sflag:s16] =	ssyncadd.s32 $0xFFFFD800  }
0xb3: {  	_ =	swait.ge [sflag:s16], $0x2800  }
0xb4: {  	[sflag:s16] =	ssyncset.done $0x0  }
0xb5: {  	[sflag:s16] =	ssyncadd.s32 $0xFFFFD800  }
0xb6: {  	_ =	swait.ge [sflag:s16], $0x2800  }
0xb7: {  	[sflag:s16] =	ssyncset.done $0x0  }
0xb8: {  	[sflag:s16] =	ssyncadd.s32 $0xFFFFD800  }
0xb9: {  	s17 =	sadd.s32 $0x1, s17;
	_ =	swait.ge [sflag:s16], $0x2800  }
0xba: {  	p0 =	sne.s32 s17, s6;
	[sflag:s16] =	ssyncset.done $0x0  }
.Ltmp2:
0xbb: {  	[sflag:s16] =	ssyncadd.s32 $0xFFFFD800;
	(pc) =	sbr.rel @p0 .LBB2_1-.Ltmp2, $4  }
0xbc: {  	[hbm4b:s18+s3] =	stream.linear.scatter [tilespmem:s11], [sflag:$0x2], $0xC800, $0x38;
	[tilespmem:$0xEF80] =	vst v63  }
0xbd: {  	_ =	swait.ge [sflag:s9], $0xC800  }
0xbe: {  	[sflag:s9] =	ssyncset.done $0x0  }
0xbf: {  	[sflag:s9] =	ssyncadd.s32 $0xFFFF3800  }
0xc0: {  	_ =	sfence.sel $0x180000  }
0xc1: {  	[bflag:$0x0] =	sbarrier.arrive $0xFFFF  }
0xc2: {  	p0 =	sne.s32 s0, $0x0;
	_ =	strace $0x90000047  }
0xc3: {  	s0 =	sadd.s32 @!p0 $0x100000, s1;
	[bflag:$0x2] =	sbarrier.arrive $0xFFFF  }
0xc4: {  	[sflag:s0] =	ssyncadd.tile.s32 @!p0 $0x1;
	_ =	shalt  }
.Lfunc_end2:
_tile_overlayer_lowered:
.L_overlay_start_2:
0xc5: {  	(tag) =	ssettag $0x2  }
0xc6: {  	s0 =	rddreg [dreg:$0x0];
	s2 =	stileid.u32  }
0xc7: {  	s1 =	rddreg [dreg:$0x1];
	p0 =	sne.s32 s2, $0x0  }
0xc8: {  	s3 =	rddreg [dreg:$0x2];
	[bflag:$0x3] =	sbarrier.arrive $0xFFFF;
	s2 =	simm.s32 @!p0 $0x1C02  }
0xc9: {  	[timem:s3], [sflag:s2] =	dma.local @!p0 [hbm:s0], s1  }
0xca: {  	s0 =	simm.s32 @!p0 $0x2  }
0xcb: {  	_ =	swait.ge @!p0 [sflag:s0], s1  }
0xcc: {  	s1 =	ssub.s32 @!p0 $0x0, s1;
	[sflag:s0] =	ssyncset.done @!p0 $0x0  }
0xcd: {  	[sflag:s0] =	ssyncadd.s32 @!p0 s1  }
0xce: {  	[bflag:$0x3] =	sbarrier.arrive $0xFFFF  }
0xcf: {  	_ =	shalt  }

// kernel: kernel.9.cloned.1.call-start
scs
__scs_entry_jumppad:
0x0: {  	(pc) =	sbr.rel $0x88, $3  }
0x1: {  	(tag) =	ssettag $0x0;
	lr =	simm.s32 $0x1  }
0x2: {  	[smem:$0x3F8C] =	sst lr;
	_ =	strace $0xD0000000  }
0x3: {  	_ = 	snop  }
0x4: {  	_ = 	snop  }
0x5: {  	_ = 	snop  }
0x6: {  	_ = 	snop  }
0x7: {  	_ = 	snop  }
__scs_overlays_trampoline_lowered:
0x8: {  	[smem:$0x3F9B] =	sst s0  }
0x9: {  	[smem:$0x3F9C] =	sst s1  }
0xa: {  	[smem:$0x3F9D] =	sst s2  }
0xb: {  	[smem:$0x3F9E] =	sst s3  }
0xc: {  	[smem:$0x3F9F] =	sst s4  }
0xd: {  	[smem:$0x3FA0] =	sst s5  }
0xe: {  	[smem:$0x3FA1] =	sst s6  }
0xf: {  	[smem:$0x3FA2] =	sst s7  }
0x10: {  	[smem:$0x3FA3] =	sst s8  }
0x11: {  	[smem:$0x3FA4] =	sst s9;
	s0 =	simm.s32 @!p0 $0x0  }
0x12: {  	s1 =	sld [smem:$0x3F8A];
	s0 =	simm.s32 @p0 $0x1  }
0x13: {  	[smem:$0x3FA5] =	sst s0;
	s0 =	simm.s32 @!p1 $0x0  }
0x14: {  	s2 =	sld [smem:$0x3F89];
	s0 =	simm.s32 @p1 $0x1  }
0x15: {  	[smem:$0x3FA6] =	sst s0;
	s0 =	simm.s32 @!p2 $0x0  }
0x16: {  	s3 =	sld [smem:$0x3FDB];
	s0 =	simm.s32 @p2 $0x1  }
0x17: {  	s4 =	simm.s32 $0x1BF5;
	[smem:$0x3FA8] =	sst s0  }
0x18: {  	s0 =	sld [smem:$0x3F8B];
	_ =	swait.ge [sflag:s4], $0x0  }
0x19: {  	s7 =	sld [smem:$0x3F8C]  }
0x1a: {  	s8 =	sadd.s32 $0xFFFFE003, lr  }
0x1b: {  	s9 =	sadd.s32 $0xFFFFFEF7, lr;
	s5 =	simm.s32 $0xFFFFFFFF;
	p2 =	slt.u32 s8, $0xFFFFF086  }
0x1c: {  	p1 =	slt.u32 s9, $0xF7A;
	s5 =	simm.s32 @!p2 $0x0  }
0x1d: {  	s5 =	simm.s32 @p1 $0x1;
	p0 =	seq.s32 s7, s2  }
0x1e: {  	s7 =	smul.u32 @!p0 $0xF7A, s2;
	p2 =	seq.s32 @!p0 s5, $0x0  }
0x1f: {  	s9 =	smul.u32 $0xF7A, s1;
	s8 =	simm.s32 @!p0 $0x1BF5;
	p2 =	por !p2, p0  }
0x20: {  	[sflag:s8] =	ssyncset.s32 @!p0 $0xFFFFF086;
	s6 =	sadd.s32 @!p0 s3, s7;
	s7 =	simm.s32 @!p0 $0x108  }
0x21: {  	s3 =	sadd.s32 s3, s9;
	s6 =	sadd.s32 @!p0 $0x88, s6;
	s7 =	simm.s32 @p2 $0x1082  }
0x22: {  	[simem:s7], [sflag:s8] =	dma.local @!p0 [hbm:s6], $0xF7A  }
0x23: {  	s9 =	sor.u32 $0xD0000000, s2;
	s6 =	simm.s32 $0x108;
	_ =	swait.ge @!p0 [sflag:s8], $0x0  }
0x24: {  	s3 =	sadd.s32 $0x88, s3;
	s6 =	simm.s32 @!p1 $0x1082;
	[sflag:s4] =	ssyncset.s32 $0xFFFFF086  }
0x25: {  	[simem:s6], [sflag:s4] =	dma.local [hbm:s3], $0xF7A  }
0x26: {  	[smem:$0x3F8C] =	sst s1;
	(tag) =	ssettag s2;
	_ =	strace s9  }
0x27: {  	s1 =	sld [smem:$0x3F9C]  }
0x28: {  	s2 =	sld [smem:$0x3F9D]  }
0x29: {  	s4 =	sld [smem:$0x3F9F]  }
0x2a: {  	p0 =	seq.s32 s5, $0x0;
	s5 =	sld [smem:$0x3FA0]  }
0x2b: {  	s6 =	sld [smem:$0x3FA1]  }
0x2c: {  	s7 =	sld [smem:$0x3FA2]  }
0x2d: {  	s3 =	simm.s32 $0x108;
	s8 =	sld [smem:$0x3FA3]  }
0x2e: {  	s3 =	simm.s32 @!p0 $0x1082;
	s9 =	sld [smem:$0x3FA4]  }
0x2f: {  	lr =	sadd.s32 s0, s3;
	s0 =	sld [smem:$0x3F9B]  }
0x30: {  	s3 =	sld [smem:$0x3F9E]  }
0x31: {  	[smem:$0x3FA7] =	sst s10  }
0x32: {  	s10 =	sld [smem:$0x3FA5];
	_ =	sdelay $0x3  }
0x33: {  	p0 =	seq.s32 s10, $0x1;
	s10 =	sld [smem:$0x3FA7];
	_ =	sdelay $0x3  }
0x34: {  	[smem:$0x3FA7] =	sst s10  }
0x35: {  	s10 =	sld [smem:$0x3FA6];
	_ =	sdelay $0x3  }
0x36: {  	p1 =	seq.s32 s10, $0x1;
	s10 =	sld [smem:$0x3FA7];
	_ =	sdelay $0x3  }
0x37: {  	[smem:$0x3FA7] =	sst s10  }
0x38: {  	s10 =	sld [smem:$0x3FA8]  }
0x39: {  	_ = 	snop;
	(pc) =	sbr.ind lr, $3  }
0x3a: {  	_ = 	snop  }
0x3b: {  	_ = 	snop  }
0x3c: {  	p2 =	seq.s32 s10, $0x1;
	s10 =	sld [smem:$0x3FA7]  }
0x3d: {  	_ =	shalt  }
0x3e: {  	_ =	shalt  }
0x3f: {  	_ =	shalt  }
0x40: {  	_ =	shalt  }
0x41: {  	_ =	shalt  }
0x42: {  	_ =	shalt  }
0x43: {  	_ =	shalt  }
0x44: {  	_ =	shalt  }
0x45: {  	_ =	shalt  }
0x46: {  	_ =	shalt  }
0x47: {  	_ =	shalt  }
0x48: {  	_ =	shalt  }
0x49: {  	_ =	shalt  }
0x4a: {  	_ =	shalt  }
0x4b: {  	_ =	shalt  }
0x4c: {  	_ =	shalt  }
0x4d: {  	_ =	shalt  }
0x4e: {  	_ =	shalt  }
0x4f: {  	_ =	shalt  }
0x50: {  	_ =	shalt  }
0x51: {  	_ =	shalt  }
0x52: {  	_ =	shalt  }
0x53: {  	_ =	shalt  }
0x54: {  	_ =	shalt  }
0x55: {  	_ =	shalt  }
0x56: {  	_ =	shalt  }
0x57: {  	_ =	shalt  }
0x58: {  	_ =	shalt  }
0x59: {  	_ =	shalt  }
0x5a: {  	_ =	shalt  }
0x5b: {  	_ =	shalt  }
0x5c: {  	_ =	shalt  }
0x5d: {  	_ =	shalt  }
0x5e: {  	_ =	shalt  }
0x5f: {  	_ =	shalt  }
0x60: {  	_ =	shalt  }
0x61: {  	_ =	shalt  }
0x62: {  	_ =	shalt  }
0x63: {  	_ =	shalt  }
0x64: {  	_ =	shalt  }
0x65: {  	_ =	shalt  }
0x66: {  	_ =	shalt  }
0x67: {  	_ =	shalt  }
0x68: {  	_ =	shalt  }
0x69: {  	_ =	shalt  }
0x6a: {  	_ =	shalt  }
0x6b: {  	_ =	shalt  }
0x6c: {  	_ =	shalt  }
0x6d: {  	_ =	shalt  }
0x6e: {  	_ =	shalt  }
0x6f: {  	_ =	shalt  }
0x70: {  	_ =	shalt  }
0x71: {  	_ =	shalt  }
0x72: {  	_ =	shalt  }
0x73: {  	_ =	shalt  }
0x74: {  	_ =	shalt  }
0x75: {  	_ =	shalt  }
0x76: {  	_ =	shalt  }
0x77: {  	_ =	shalt  }
0x78: {  	_ =	shalt  }
0x79: {  	_ =	shalt  }
0x7a: {  	_ =	shalt  }
0x7b: {  	_ =	shalt  }
0x7c: {  	_ =	shalt  }
0x7d: {  	_ =	shalt  }
0x7e: {  	_ =	shalt  }
0x7f: {  	_ =	shalt  }
0x80: {  	_ =	shalt  }
0x81: {  	_ =	shalt  }
0x82: {  	_ =	shalt  }
0x83: {  	_ =	shalt  }
0x84: {  	_ =	shalt  }
0x85: {  	_ =	shalt  }
0x86: {  	_ =	shalt  }
0x87: {  	_ =	shalt  }
.Lfunc_end0:
.L_simem_size_0:
called_computation.1_lowered:
.L_overlay_start_0:
0x88: {  	s2 =	sld [smem:$0x3FD9]  }
0x89: {  	s3 =	sld [smem:$0x3FFE];
	_ =	sdelay $0x1  }
0x8a: {  	s1 =	srdreg.scid  }
0x8b: {  	s0 =	sand.u32 $0x1, s1  }
0x8c: {  	s14 =	sshll.u32 s0, $0xA;
	s2 =	sadd.s32 s3, s2  }
0x8d: {  	s2 =	sadd.s32 s2, s14  }
0x8e: {  	[smem:$0x3FB3] =	sst s2  }
0x8f: {  	_ = 	snop  }
0x90: {  	s2 =	sld [smem:$0x3FD0];
	_ =	sdelay $0x2  }
0x91: {  	s15 =	simm.s32 $0xA;
	s4 =	simm.s32 $0x10  }
0x92: {  	[smem:s4], [sflag:s15] =	dma.local [hbm:s2], $0x1  }
0x93: {  	_ =	swait.eq [sflag:s15], $0x1  }
0x94: {  	[sflag:s15] =	ssyncset.done $0x0  }
0x95: {  	[sflag:s15] =	ssyncadd.s32 $0xFFFFFFFF  }
0x96: {  	s16 =	sld [smem:$0x10];
	(tm) =	ssettm $0x1  }
0x97: {  	s17 =	sld [smem:$0x3FFB];
	_ =	sdelay $0x3  }
0x98: {  	_ =	strace s17  }
0x99: {  	s3 =	sld [smem:$0x3FFC];
	_ =	sdelay $0x3  }
0x9a: {  	_ =	strace s3  }
0x9b: {  	s3 =	sld [smem:$0x3FFD];
	_ =	sdelay $0x3  }
0x9c: {  	_ =	strace s3  }
0x9d: {  	_ =	strace $0x8FFFFFFF  }
0x9e: {  	s18 =	sld [smem:$0x3FDB];
	_ =	sdelay $0x1  }
0x9f: {  	s19 =	simm.s32 $_scs_section_size  }
0xa0: {  	s5 =	simm.s32 $_size__tile_overlayer_lowered;
	s6 =	simm.s32 $_tile_overlayer_lowered  }
0xa1: {  	s22 =	simm.s32 $0x1BFF;
	s21 =	sshll.u32 s6, $0x1;
	s3 =	sadd.s32 s19, s18  }
0xa2: {  	s7 =	simm.s32 $0x0;
	s20 =	sshll.u32 s5, $0x1;
	s5 =	sadd.s32 s21, s3  }
0xa3: {  	[timem:s7], [sflag:s22] =	dma.local [hbm:s5], s20  }
0xa4: {  	_ =	swait.ge [sflag:s22], s20  }
0xa5: {  	s4 =	ssub.s32 $0x0, s20;
	[sflag:s22] =	ssyncset.done $0x0  }
0xa6: {  	[sflag:s22] =	ssyncadd.s32 s4;
	_ =	sdelay $0x1  }
0xa7: {  	s23 =	simm.s32 $0x1B8B  }
0xa8: {  	_ =	swait.ge [sflag:s23], $0x1  }
0xa9: {  	[sflag:s23] =	ssyncset.done $0x0  }
0xaa: {  	s25 =	simm.s32 $0x1B8E;
	s24 =	sld [smem:$0x3FFE];
	[sflag:s23] =	ssyncadd.s32 $0xFFFFFFFF  }
0xab: {  	s26 =	simm.s32 $execute0_lowered;
	[smem:$0x3FD2] =	sst s25  }
0xac: {  	s5 =	sshll.u32 s26, $0x1;
	_ =	strace $0x80000049;
	[dreg:$0x1] =	wrdreg $0xFFFFFFFF  }
0xad: {  	s28 =	simm.s32 $_size_execute0_lowered;
	s3 =	sadd.s32 s3, s5;
	[dreg:$0x0] =	wrdreg $0x0  }
0xae: {  	s5 =	sshll.u32 s28, $0x1;
	[dreg:$0x2] =	wrdreg s3  }
0xaf: {  	[dreg:$0x3] =	wrdreg s5  }
0xb0: {  	[dreg:$0x4] =	wrdreg $0xC0  }
0xb1: {  	_ =	task [dreg:s7], $0x5FFFF  }
0xb2: {  	[dreg:$0x1] =	wrdreg $0xFFFFFFFF  }
0xb3: {  	[dreg:$0x0] =	wrdreg $0x60  }
0xb4: {  	[dreg:$0x2] =	wrdreg s24  }
0xb5: {  	[dreg:$0x3] =	wrdreg s16  }
0xb6: {  	[dreg:$0x4] =	wrdreg $0xAC000  }
0xb7: {  	[dreg:$0x5] =	wrdreg $0x9  }
0xb8: {  	_ =	task.clear_ibuf [dreg:s7], $0x6FFFF;
	_ =	strace $0x90000049  }
0xb9: {  	s29 =	simm.s32 $0x9;
	_ =	strace $0x8000004B  }
0xba: {  	_ =	swait.ge [sflag:s29], $0x1  }
0xbb: {  	[sflag:s29] =	ssyncadd.s32 $0xFFFFFFFF  }
0xbc: {  	_ =	strace $0x9000004B  }
0xbd: {  	_ =	sfence  }
0xbe: {  	s30 =	sld [smem:$0x0];
	_ =	sdelay $0x2  }
0xbf: {  	s31 =	sshll.u32 s1, $0xD;
	s1 =	sshrl.u32 s1, $0x2  }
0xc0: {  	s3 =	sand.u32 $0x4000, s31;
	s1 =	sadd.s32 s1, s30  }
0xc1: {  	s0 =	sor.u32 s3, s0;
	s1 =	sshll.u32 s1, $0x11  }
0xc2: {  	s0 =	sor.u32 s1, s0  }
0xc3: {  	s0 =	sadd.s32 $0x8F2B, s0  }
0xc4: {  	[sflag:s0] =	ssyncadd.remote.s32 $0x1  }
0xc5: {  	_ =	sfence.sel $0xFFFF  }
0xc6: {  	[dreg:$0x0] =	wrdreg $0xFFFFFFFF;
	(pc) =	sbr.abs _section_cstart, $3  }
0xc7: {  	[dreg:$0x1] =	wrdreg $0xFFFFFFFF  }
0xc8: {  	_ =	task.clear_ibuf [dreg:s7], $0x2FFFF;
	_ =	strace $0x9FFFFFFF  }
0xc9: {  	(tm) =	ssettm $0x7FFFFFFF  }
tec
execute0_lowered:
.L_overlay_start_1:
0x0: {  	(tag) =	ssettag $0x1  }
0x1: {  	s4 =	rddreg [dreg:$0x0]  }
0x2: {  	s6 =	rddreg [dreg:$0x1]  }
0x3: {  	s1 =	rddreg [dreg:$0x2]  }
0x4: {  	s0 =	rddreg [dreg:$0x3];
	s3 =	srdreg.scid  }
0x5: {  	s10 =	stileid.u32;
	s2 =	simm.s32 $0x0;
	s13 =	simm.s32 $0x3  }
0x6: {  	s5 =	sand.u32 $0x1, s3;
	s31 =	sshll.u32 s10, $0x1;
	[smem:$0x7FF] =	sst s2  }
0x7: {  	s3 =	sadd.s32 $0x3E00, s4;
	s4 =	sadd.s32 $0x1395C00, s4;
	s14 =	sor.u32 s5, s31  }
0x8: {  	p0 =	sne.s32 s10, $0x0;
	p1 =	seq.s32 s10, $0x0;
	s11 =	smul.u32 $0x139, s14  }
0x9: {  	s10 =	simm.s32 $0x80;
	s5 =	ssub.s32 $0x2, s5;
	s7 =	smul.u32 $0x1390, s14  }
.Ltmp0:
0xa: {  	_ =	strace $0x8000004A;
	s8 =	sshrl.u32 s5, $0x1;
	(pc) =	sbr.rel .LBB2_1-.Ltmp0, $4  }
0xb: {  	p2 =	seq.s32 s14, $0x1F;
	s14 =	simm.s32 $0x0;
	s8 =	ssub.s32 s5, s8  }
0xc: {  	s9 =	smin.u32 s11, $0x25D7;
	s5 =	sadd.s32 s6, s7;
	s6 =	sadd.s32 $0x25E70, s6  }
0xd: {  	v2 =	vimm.f32 $-Inf;
	v3 =	vlaneseq.u32;
	v4 =	vimm.s32 $0x0;
	s7 =	smax.u32 s8, $0x1;
	s8 =	sshrl.u32 @!p0 s1, $0x3;
	s12 =	sadd.s32 $0x139, s9  }
0xe: {  	v5 =	vimm.s32 $0x13F;
	v0 =	vmov s11;
	s11 =	simm.s32 $0x1400;
	s9 =	simm.s32 $0x1;
	v1 =	vmov s12;
	s12 =	simm.s32 $0x2C00  }
.LBB2_12:
0xf: {  	s15 =	simm.s32 @p2 $0x0;
	s16 =	simm.s32 @p2 $0x14C00  }
0x10: {  	[hbm4b:s6+s15] =	stream.linear.scatter @p2 [tilespmem:s16], [sflag:$0x4], $0x9480, $0x38;
	[tilespmem:$0x1EC00] =	vst v63  }
0x11: {  	s15 =	simm.s32 @p2 $0x4  }
0x12: {  	_ =	swait.ge @p2 [sflag:s15], $0x9480  }
0x13: {  	s14 =	sadd.s32 $0x1, s14;
	s16 =	simm.s32 @!p2 $0x14C00;
	[sflag:s15] =	ssyncset.done @p2 $0x0  }
0x14: {  	p3 =	sne.s32 s14, s7;
	[sflag:s15] =	ssyncadd.s32 @p2 $0xFFFF6B80;
	s15 =	simm.s32 @!p2 $0x0  }
0x15: {  	[hbm4b:s5+s15] =	stream.linear.scatter @!p2 [tilespmem:s16], [sflag:$0x5], $0x9C80, $0x38;
	[tilespmem:$0x1EC00] =	vst v63  }
.Ltmp1:
0x16: {  	_ = 	snop;
	(pc) =	sbr.rel @!p3 .LBB2_13-.Ltmp1, $4  }
0x17: {  	s15 =	simm.s32 @!p2 $0x5  }
0x18: {  	_ =	swait.ge @!p2 [sflag:s15], $0x9C80  }
0x19: {  	[sflag:s15] =	ssyncset.done @!p2 $0x0  }
0x1a: {  	[sflag:s15] =	ssyncadd.s32 @!p2 $0xFFFF6380  }
.LBB2_1:
0x1b: {  	s15 =	simm.s32 $0x40;
	s16 =	simm.s32 $0x0  }
.LBB2_2:
0x1c: {  	p3 =	sne.s32 s15, $0x27FC0;
	[tilespmem:s16+$0x14C00] =	vst v2;
	s16 =	smov.u32 s15;
	s15 =	sadd.s32 $0x40, s15  }
.Ltmp2:
0x1d: {  	(pc) =	sbr.rel @p3 .LBB2_2-.Ltmp2, $2  }
0x1e: {  	_ =	sdelay $0x2  }
0x1f: {  	s16 =	sshra.s32 s16, $0x2  }
.Ltmp3:
0x20: {  	(pc) =	sbr.rel .LBB2_4-.Ltmp3, $4  }
0x21: {  	[tilespmem:s16+$0x14C00] =	vst v2;
	s15 =	simm.s32 @!p0 $0x1C02  }
0x22: {  	[tilespmem:s2], [sflag:$0x1] =	stream.linear.gather [hbm4b:s3+s2], $0xA00, $0x38;
	[tilespmem:$0x1EC00] =	vst v63  }
0x23: {  	[spmem:s8], [sflag:s15] =	dma.local @!p0 [hbm:s4], $0xA000  }
0x24: {  	s16 =	simm.s32 $0x0;
	s15 =	simm.s32 $0x0  }
.LBB2_11:
0x25: {  	p3 =	sne.s32 s16, $0x7D  }
.Ltmp4:
0x26: {  	_ = 	snop;
	(pc) =	sbr.rel @!p3 .LBB2_12-.Ltmp4, $2  }
0x27: {  	_ =	sdelay $0x1  }
0x28: {  	[bflag:$0x0] =	sbarrier.arrive $0xFFFF;
	_ =	sdelay $0x1  }
.LBB2_4:
0x29: {  	s18 =	smov.u32 s16;
	s16 =	sadd.s32 $0x1, s16  }
0x2a: {  	s17 =	sand.u32 $0x1, s16;
	p3 =	seq.s32 s18, $0x7C  }
0x2b: {  	_ =	swait.ge [sflag:s9], $0xA00;
	s19 =	sand.u32 $0x1, s18;
	s20 =	smul.u32 @!p3 $0x2800, s17  }
0x2c: {  	[sflag:s9] =	ssyncset.done $0x0;
	p4 =	seq.s32 s19, $0x1;
	s21 =	smul.u32 @!p3 $0x140, s16  }
0x2d: {  	s19 =	simm.s32 $0xA00;
	[sflag:s9] =	ssyncadd.s32 $0xFFFFF600;
	s22 =	simm.s32 @!p3 $0x0  }
0x2e: {  	s19 =	simm.s32 @!p4 $0x0;
	s20 =	sshrl.u32 @!p3 s20, $0x2;
	s21 =	sadd.s32 @!p3 s3, s21  }
0x2f: {  	[tilespmem:s20], [sflag:$0x1] =	stream.linear.gather @!p3 [hbm4b:s21+s22], $0xA00, $0x38;
	[tilespmem:$0x1EC00] =	vst v63  }
0x30: {  	s21 =	sadd.s32 $0x30, s19  }
0x31: {  	s24 =	simm.s32 $0x0;
	s25 =	sadd.s32 $0xFFFFFFD0, s21  }
0x32: {  	s20 =	sand.u32 $0x40, s24;
	s23 =	sand.u32 $0x1F80, s25  }
0x33: {  	s20 =	sor.u32 s20, s23  }
0x34: {  	v6 =	vld [tilespmem:s20+$0x0];
	_ =	sdelay $0x4  }
0x35: {  	vm0 =	vge.s32 v6, v0;
	vm1 =	vlt.s32 v6, v1  }
0x36: {  	vm0 =	vmand vm0, vm1  }
0x37: {  	v7 =	vmpcnt.ones.xlane vm0;
	_ =	sdelay $0x1  }
0x38: {  	(v2sf) =	vpush v7, $0x0;
	_ =	sdelay $0x2  }
0x39: {  	s30 =	simm.s32 $0x10;
	s26 =	sadd.s32 $0xFFFFFFE0, s21;
	v7 =	vor.u32 s25, v3  }
0x3a: {  	s22 =	sand.u32 $0x50, s30;
	s31 =	sand.u32 $0x1F80, s26;
	v6 =	vsub.s32 v6, v0;
	[tilespmem:s15+$0x1400] =	vst.msk vm0, v7  }
0x3b: {  	s22 =	sor.u32 s22, s31;
	[tilespmem:s15+$0x2000] =	vst.msk vm0, v6  }
0x3c: {  	v6 =	vld [tilespmem:s22+$0x0];
	_ =	sdelay $0x4  }
0x3d: {  	vm10 =	vge.s32 v6, v0;
	vm11 =	vlt.s32 v6, v1  }
0x3e: {  	vm0 =	vmand vm10, vm11  }
0x3f: {  	v8 =	vmpcnt.ones.xlane vm0;
	_ =	sdelay $0x1  }
0x40: {  	s24 =	spop (v2sf);
	(v2sf) =	vpush v8, $0x0;
	_ =	sdelay $0x3  }
0x41: {  	s25 =	sadd.s32 $0xFFFFFFF0, s21;
	v7 =	vor.u32 s26, v3;
	s26 =	simm.s32 $0x20;
	s22 =	sadd.s32 $0x0, s24  }
0x42: {  	s20 =	sand.u32 $0x60, s26;
	v6 =	vsub.s32 v6, v0;
	s24 =	sand.u32 $0x1F80, s25;
	[tilespmem:s22+$0x1400] =	vst.msk vm0, v7  }
0x43: {  	s20 =	sor.u32 s20, s24;
	[tilespmem:s22+$0x2000] =	vst.msk vm0, v6  }
0x44: {  	v6 =	vld [tilespmem:s20+$0x0];
	_ =	sdelay $0x4  }
0x45: {  	vm12 =	vge.s32 v6, v0;
	vm13 =	vlt.s32 v6, v1  }
0x46: {  	vm0 =	vmand vm12, vm13  }
0x47: {  	v7 =	vmpcnt.ones.xlane vm0  }
0x48: {  	s30 =	spop (v2sf)  }
0x49: {  	s31 =	simm.s32 $0x30;
	(v2sf) =	vpush v7, $0x0;
	v7 =	vor.u32 s25, v3;
	s22 =	sadd.s32 s22, s30  }
0x4a: {  	s23 =	sand.u32 $0x1F80, s21;
	v6 =	vsub.s32 v6, v0;
	s25 =	sand.u32 $0x70, s31;
	[tilespmem:s22+$0x1400] =	vst.msk vm0, v7  }
0x4b: {  	s20 =	sor.u32 s25, s23;
	[tilespmem:s22+$0x2000] =	vst.msk vm0, v6  }
0x4c: {  	v6 =	vld [tilespmem:s20+$0x0];
	_ =	sdelay $0x4  }
0x4d: {  	vm14 =	vge.s32 v6, v0;
	vm15 =	vlt.s32 v6, v1  }
0x4e: {  	vm0 =	vmand vm14, vm15  }
0x4f: {  	v8 =	vmpcnt.ones.xlane vm0;
	_ =	sdelay $0x1  }
0x50: {  	(v2sf) =	vpush v8, $0x0;
	_ =	sdelay $0x5  }
0x51: {  	s20 =	sadd.s32 $0x70, s19;
	s26 =	spop (v2sf)  }
0x52: {  	s30 =	simm.s32 $0x40;
	v7 =	vor.u32 s21, v3;
	s25 =	sadd.s32 $0xFFFFFFD0, s20;
	s28 =	sadd.s32 s22, s26  }
0x53: {  	s21 =	simm.s32 $0x70;
	s31 =	sand.u32 $0x1F80, s25;
	v6 =	vsub.s32 v6, v0;
	s26 =	sand.u32 $0x40, s30;
	[tilespmem:s28+$0x1400] =	vst.msk vm0, v7  }
0x54: {  	s24 =	sadd.s32 $0xFFFFFFE0, s20;
	s23 =	sadd.s32 $0xFFFFFFF0, s20;
	s26 =	sor.u32 s26, s31;
	[tilespmem:s28+$0x2000] =	vst.msk vm0, v6  }
0x55: {  	s29 =	sand.u32 $0x1F80, s24;
	s22 =	simm.s32 $0xB0;
	v6 =	vor.u32 s25, v3;
	s25 =	sand.u32 $0x1F80, s23;
	v7 =	vld [tilespmem:s26+$0x0]  }
.LBB2_5:
0x56: {  	_ =	sdelay $0x1  }
0x57: {  	p3 =	sne.s32 s22, $0x9F0  }
0x58: {  	s30 =	sadd.s32 $0xFFFFFFE0, s21;
	s26 =	smov.u32 s22;
	s22 =	sadd.s32 $0x40, s22  }
0x59: {  	s30 =	sand.u32 $0x50, s30;
	vm0 =	vge.s32 v7, v0;
	vm1 =	vlt.s32 v7, v1;
	s31 =	spop (v2sf)  }
0x5a: {  	s29 =	sor.u32 s30, s29;
	vm0 =	vmand vm0, vm1;
	s28 =	sadd.s32 s28, s31  }
0x5b: {  	v7 =	vsub.s32 v7, v0;
	[tilespmem:s28+$0x1400] =	vst.msk vm0, v6;
	v6 =	vmpcnt.ones.xlane vm0  }
0x5c: {  	[tilespmem:s28+$0x2000] =	vst.msk vm0, v7  }
0x5d: {  	v7 =	vld [tilespmem:s29+$0x0];
	(v2sf) =	vpush v6, $0x0;
	_ =	sdelay $0x4  }
0x5e: {  	vm0 =	vge.s32 v7, v0;
	vm1 =	vlt.s32 v7, v1  }
0x5f: {  	vm0 =	vmand vm0, vm1  }
0x60: {  	v6 =	vmpcnt.ones.xlane vm0;
	_ =	sdelay $0x1  }
0x61: {  	(v2sf) =	vpush v6, $0x0;
	_ =	sdelay $0x4  }
0x62: {  	v6 =	vor.u32 s24, v3;
	s24 =	sadd.s32 $0xFFFFFFF0, s21  }
0x63: {  	s24 =	sand.u32 $0x60, s24;
	s29 =	spop (v2sf)  }
0x64: {  	s24 =	sor.u32 s24, s25;
	s28 =	sadd.s32 s28, s29  }
0x65: {  	v7 =	vsub.s32 v7, v0;
	[tilespmem:s28+$0x1400] =	vst.msk vm0, v6  }
0x66: {  	[tilespmem:s28+$0x2000] =	vst.msk vm0, v7  }
0x67: {  	v6 =	vld [tilespmem:s24+$0x0];
	_ =	sdelay $0x3  }
0x68: {  	v7 =	vor.u32 s23, v3  }
0x69: {  	s21 =	sand.u32 $0x70, s21;
	s23 =	sand.u32 $0x1F80, s20;
	vm0 =	vge.s32 v6, v0;
	vm1 =	vlt.s32 v6, v1;
	s24 =	spop (v2sf)  }
0x6a: {  	s23 =	sor.u32 s21, s23;
	s21 =	smov.u32 s26;
	s28 =	sadd.s32 s28, s24;
	vm0 =	vmand vm0, vm1  }
0x6b: {  	v6 =	vsub.s32 v6, v0;
	[tilespmem:s28+$0x1400] =	vst.msk vm0, v7;
	v7 =	vmpcnt.ones.xlane vm0  }
0x6c: {  	[tilespmem:s28+$0x2000] =	vst.msk vm0, v6  }
0x6d: {  	v8 =	vld [tilespmem:s23+$0x0];
	(v2sf) =	vpush v7, $0x0;
	_ =	sdelay $0x4  }
0x6e: {  	vm0 =	vge.s32 v8, v0;
	vm1 =	vlt.s32 v8, v1  }
0x6f: {  	vm0 =	vmand vm0, vm1  }
0x70: {  	v6 =	vmpcnt.ones.xlane vm0;
	_ =	sdelay $0x1  }
0x71: {  	(v2sf) =	vpush v6, $0x0;
	_ =	sdelay $0x2  }
0x72: {  	s26 =	sadd.s32 s21, s19  }
0x73: {  	s25 =	sadd.s32 $0xFFFFFFD0, s21;
	s29 =	sadd.s32 $0xFFFFFFD0, s26  }
0x74: {  	s30 =	sand.u32 $0x1F80, s29;
	s24 =	sadd.s32 $0xFFFFFFE0, s26;
	s23 =	sadd.s32 $0xFFFFFFF0, s26  }
.Ltmp5:
0x75: {  	v7 =	vor.u32 s20, v3;
	v6 =	vor.u32 s29, v3;
	s29 =	sand.u32 $0x1F80, s24;
	s20 =	spop (v2sf);
	(pc) =	sbr.rel @p3 .LBB2_5-.Ltmp5, $4  }
0x76: {  	s31 =	sand.u32 $0x40, s25;
	s25 =	sand.u32 $0x1F80, s23;
	v8 =	vsub.s32 v8, v0;
	s28 =	sadd.s32 s28, s20  }
0x77: {  	s30 =	sor.u32 s31, s30;
	s20 =	smov.u32 s26;
	[tilespmem:s28+$0x1400] =	vst.msk vm0, v7  }
0x78: {  	[tilespmem:s28+$0x2000] =	vst.msk vm0, v8  }
0x79: {  	v7 =	vld [tilespmem:s30+$0x0]  }
0x7a: {  	_ =	sdelay $0x3  }
0x7b: {  	vm0 =	vge.s32 v7, v0;
	vm1 =	vlt.s32 v7, v1;
	s19 =	spop (v2sf)  }
0x7c: {  	s22 =	sadd.s32 $0xFFFFFFE0, s21;
	vm0 =	vmand vm0, vm1;
	s19 =	sadd.s32 s28, s19  }
0x7d: {  	s22 =	sand.u32 $0x50, s22;
	v7 =	vsub.s32 v7, v0;
	[tilespmem:s19+$0x1400] =	vst.msk vm0, v6;
	v6 =	vmpcnt.ones.xlane vm0  }
0x7e: {  	s22 =	sor.u32 s22, s29;
	[tilespmem:s19+$0x2000] =	vst.msk vm0, v7  }
0x7f: {  	v7 =	vld [tilespmem:s22+$0x0];
	(v2sf) =	vpush v6, $0x0;
	_ =	sdelay $0x4  }
0x80: {  	vm10 =	vge.s32 v7, v0;
	vm11 =	vlt.s32 v7, v1  }
0x81: {  	vm0 =	vmand vm10, vm11  }
0x82: {  	v6 =	vmpcnt.ones.xlane vm0;
	_ =	sdelay $0x1  }
0x83: {  	(v2sf) =	vpush v6, $0x0;
	_ =	sdelay $0x5  }
0x84: {  	s29 =	spop (v2sf)  }
0x85: {  	s30 =	sadd.s32 $0xFFFFFFF0, s21;
	v6 =	vor.u32 s24, v3;
	s19 =	sadd.s32 s19, s29  }
0x86: {  	s31 =	sand.u32 $0x60, s30;
	v7 =	vsub.s32 v7, v0;
	[tilespmem:s19+$0x1400] =	vst.msk vm0, v6  }
0x87: {  	s22 =	sor.u32 s31, s25;
	[tilespmem:s19+$0x2000] =	vst.msk vm0, v7  }
0x88: {  	v6 =	vld [tilespmem:s22+$0x0];
	_ =	sdelay $0x4  }
0x89: {  	vm12 =	vge.s32 v6, v0;
	vm13 =	vlt.s32 v6, v1;
	s24 =	spop (v2sf)  }
0x8a: {  	v7 =	vor.u32 s23, v3;
	s19 =	sadd.s32 s19, s24;
	vm0 =	vmand vm12, vm13  }
0x8b: {  	s26 =	sand.u32 $0x70, s21;
	s25 =	sand.u32 $0x1F80, s20;
	v6 =	vsub.s32 v6, v0;
	[tilespmem:s19+$0x1400] =	vst.msk vm0, v7  }
0x8c: {  	s21 =	sor.u32 s26, s25;
	[tilespmem:s19+$0x2000] =	vst.msk vm0, v6  }
0x8d: {  	v6 =	vld [tilespmem:s21+$0x0];
	_ =	sdelay $0x4  }
0x8e: {  	v7 =	vmpcnt.ones.xlane vm0;
	vm14 =	vge.s32 v6, v0;
	vm15 =	vlt.s32 v6, v1  }
0x8f: {  	vm0 =	vmand vm14, vm15  }
0x90: {  	(v2sf) =	vpush v7, $0x0;
	v7 =	vmpcnt.ones.xlane vm0;
	_ =	sdelay $0x1  }
0x91: {  	(v2sf) =	vpush v7, $0x0;
	_ =	sdelay $0xc  }
0x92: {  	s28 =	spop (v2sf)  }
0x93: {  	v7 =	vor.u32 s20, v3;
	s19 =	sadd.s32 s19, s28  }
0x94: {  	v6 =	vsub.s32 v6, v0;
	[tilespmem:s19+$0x1400] =	vst.msk vm0, v7;
	s29 =	spop (v2sf)  }
0x95: {  	[tilespmem:s19+$0x2000] =	vst.msk vm0, v6;
	s19 =	sadd.s32 s19, s29  }
0x96: {  	[tilespmem:s19+$0x1400] =	vst v4  }
0x97: {  	[tilespmem:s19+$0x2000] =	vst v5  }
0x98: {  	[tilespmem:s19+$0x1410] =	vst v4  }
0x99: {  	[tilespmem:s19+$0x2010] =	vst v5  }
0x9a: {  	[tilespmem:s19+$0x1420] =	vst v4  }
0x9b: {  	[tilespmem:s19+$0x2020] =	vst v5  }
0x9c: {  	[tilespmem:s19+$0x1430] =	vst v4  }
0x9d: {  	[tilespmem:s19+$0x2030] =	vst v5  }
0x9e: {  	[tilespmem:s19+$0x1440] =	vst v4  }
0x9f: {  	[tilespmem:s19+$0x2040] =	vst v5  }
0xa0: {  	[tilespmem:s19+$0x1450] =	vst v4  }
0xa1: {  	[tilespmem:s19+$0x2050] =	vst v5  }
0xa2: {  	[tilespmem:s19+$0x1460] =	vst v4  }
0xa3: {  	[tilespmem:s19+$0x2060] =	vst v5  }
0xa4: {  	s20 =	sadd.s32 $0x7F, s19;
	[tilespmem:s19+$0x1470] =	vst v4  }
0xa5: {  	[tilespmem:s19+$0x2070] =	vst v5;
	s19 =	simm.s32 $0x1;
	s31 =	sand.u32 $0x7F, s20  }
0xa6: {  	s30 =	sshra.s32 s20, $0x1F;
	p3 =	slt.s32 s20, $0x1;
	p4 =	sne.s32 s31, $0x0  }
0xa7: {  	s21 =	sshrl.u32 s30, $0x19;
	p3 =	por !p3, !p4;
	p4 =	seq.s32 @p1 s18, $0x7C  }
0xa8: {  	s18 =	simm.s32 @p1 $0x2;
	p5 =	por !p3, !p3;
	p3 =	por p4, !p1  }
0xa9: {  	s20 =	sadd.s32 s21, s20;
	_ =	swait.ge @p1 [sflag:s18], $0xA000;
	s17 =	smul.u32 @!p3 $0x140000, s17  }
0xaa: {  	s20 =	sshra.s32 s20, $0x7;
	s19 =	simm.s32 @!p5 $0x0;
	[sflag:s18] =	ssyncset.done @p1 $0x0  }
0xab: {  	s21 =	smul.u32 @!p3 $0xA000, s16;
	[sflag:s18] =	ssyncadd.s32 @p1 $0xFFFF6000;
	s18 =	sshrl.u32 @!p3 s17, $0x2  }
0xac: {  	s17 =	ssub.s32 s20, s19;
	[bflag:$0x0] =	sbarrier.arrive @p1 $0xFFFF;
	s18 =	sadd.s32 @!p3 s18, s1  }
0xad: {  	s19 =	sadd.s32 @!p3 s4, s21;
	s20 =	simm.s32 @!p3 $0x1C02;
	s18 =	sshrl.u32 @!p3 s18, $0x3  }
0xae: {  	[spmem:s18], [sflag:s20] =	dma.local @!p3 [hbm:s19], $0xA000  }
0xaf: {  	p3 =	slt.s32 s17, $0x1  }
.Ltmp6:
0xb0: {  	_ = 	snop;
	(pc) =	sbr.rel @p3 .LBB2_11-.Ltmp6, $2  }
0xb1: {  	_ =	sdelay $0x1  }
0xb2: {  	[bflag:$0x0] =	sbarrier.arrive @!p1 $0xFFFF;
	_ =	sdelay $0x1  }
0xb3: {  	[tilespmem:s12], [sflag:$0x3] =	stream.indirect.gather [spmem:s1], $0x80, s11, s10, $0xb8;
	[tilespmem:$0x1EC00] =	vst v63  }
0xb4: {  	s18 =	simm.s32 $0x0;
	s19 =	simm.s32 $0x2000;
	p3 =	por $0x0, $0x0  }
.LBB2_9:
0xb5: {  	s18 =	sadd.s32 $0x1, s18  }
0xb6: {  	p4 =	sge.s32 s18, s17  }
0xb7: {  	s20 =	sshll.u32 @!p4 s18, $0xE;
	s21 =	sshll.u32 @!p4 s18, $0x9  }
0xb8: {  	s22 =	simm.s32 $0x1;
	s20 =	sand.u32 @!p4 $0x4000, s20;
	s21 =	sshra.s32 @!p4 s21, $0x2  }
0xb9: {  	s23 =	simm.s32 @!p4 $0x80;
	s20 =	sor.u32 @!p4 $0x2C00, s20;
	s21 =	sadd.s32 @!p4 $0x1400, s21  }
0xba: {  	v6 =	vmov s19;
	[tilespmem:s20], [sflag:$0x3] =	stream.indirect.gather @!p4 [spmem:s1], $0x80, s21, s23, $0xb8;
	[tilespmem:$0x1EC00] =	vst v63  }
0xbb: {  	s22 =	simm.s32 @!p3 $0x0;
	_ =	swait.ge [sflag:s13], $0x4000  }
0xbc: {  	s31 =	sshll.u32 s22, $0xE;
	[sflag:s13] =	ssyncset.done $0x0  }
0xbd: {  	s20 =	sor.u32 $0x3000, s31;
	s21 =	simm.s32 $0x0;
	[sflag:s13] =	ssyncadd.s32 $0xFFFFC000  }
.LBB2_10:
0xbe: {  	s22 =	sshra.s32 s21, $0x2  }
0xbf: {  	v7 =	vld.idx.msk [tilespmem:v6+s22+$0x0 ss:$0x1], $0xffff;
	_ =	sdelay $0x4  }
0xc0: {  	v7 =	vshll.u32 v7, $0x9  }
0xc1: {  	v7 =	vshra.s32 v7, $0x2  }
0xc2: {  	(v2sf) =	vpush v7, $0x0;
	_ =	sdelay $0x7  }
0xc3: {  	v14 =	vld [tilespmem:s20+$0xFFFFFC00]  }
0xc4: {  	v15 =	vld [tilespmem:s20+$0xFFFFFC10]  }
0xc5: {  	v16 =	vld [tilespmem:s20+$0xFFFFFC20]  }
0xc6: {  	v17 =	vld [tilespmem:s20+$0xFFFFFC30]  }
0xc7: {  	v18 =	vld [tilespmem:s20+$0xFFFFFC40]  }
0xc8: {  	v19 =	vld [tilespmem:s20+$0xFFFFFC50]  }
0xc9: {  	v20 =	vld [tilespmem:s20+$0xFFFFFC60]  }
0xca: {  	v21 =	vld [tilespmem:s20+$0xFFFFFC70];
	s23 =	spop (v2sf)  }
0xcb: {  	v8 =	vld [tilespmem:s23+$0x14C00]  }
0xcc: {  	v9 =	vld [tilespmem:s23+$0x14C10]  }
0xcd: {  	v10 =	vld [tilespmem:s23+$0x14C20]  }
0xce: {  	v11 =	vld [tilespmem:s23+$0x14C30]  }
0xcf: {  	v12 =	vld [tilespmem:s23+$0x14C40]  }
0xd0: {  	v13 =	vld [tilespmem:s23+$0x14C50];
	v8 =	vmax.f32 v8, v14  }
0xd1: {  	(v2sf) =	vpush v7, $0x1;
	v41 =	vld [tilespmem:s23+$0x14C60];
	[tilespmem:s23+$0x14C00] =	vst v8;
	v8 =	vmax.f32 v9, v15  }
0xd2: {  	v42 =	vld [tilespmem:s23+$0x14C70];
	[tilespmem:s23+$0x14C10] =	vst v8;
	v8 =	vmax.f32 v10, v16  }
0xd3: {  	[tilespmem:s23+$0x14C20] =	vst v8;
	v8 =	vmax.f32 v11, v17  }
0xd4: {  	[tilespmem:s23+$0x14C30] =	vst v8;
	v8 =	vmax.f32 v12, v18  }
0xd5: {  	[tilespmem:s23+$0x14C40] =	vst v8;
	v8 =	vmax.f32 v13, v19  }
0xd6: {  	[tilespmem:s23+$0x14C50] =	vst v8;
	v8 =	vmax.f32 v41, v20  }
0xd7: {  	[tilespmem:s23+$0x14C60] =	vst v8;
	v8 =	vmax.f32 v42, v21  }
0xd8: {  	[tilespmem:s23+$0x14C70] =	vst v8  }
0xd9: {  	v48 =	vld [tilespmem:s20+$0xFFFFFC80]  }
0xda: {  	v49 =	vld [tilespmem:s20+$0xFFFFFC90]  }
0xdb: {  	v50 =	vld [tilespmem:s20+$0xFFFFFCA0]  }
0xdc: {  	v51 =	vld [tilespmem:s20+$0xFFFFFCB0]  }
0xdd: {  	v52 =	vld [tilespmem:s20+$0xFFFFFCC0]  }
0xde: {  	v53 =	vld [tilespmem:s20+$0xFFFFFCD0]  }
0xdf: {  	v54 =	vld [tilespmem:s20+$0xFFFFFCE0]  }
0xe0: {  	s24 =	spop (v2sf);
	v55 =	vld [tilespmem:s20+$0xFFFFFCF0]  }
0xe1: {  	v8 =	vld [tilespmem:s24+$0x14C00]  }
0xe2: {  	v43 =	vld [tilespmem:s24+$0x14C10]  }
0xe3: {  	v44 =	vld [tilespmem:s24+$0x14C20]  }
0xe4: {  	v45 =	vld [tilespmem:s24+$0x14C30]  }
0xe5: {  	v46 =	vld [tilespmem:s24+$0x14C40]  }
0xe6: {  	v47 =	vld [tilespmem:s24+$0x14C50];
	v8 =	vmax.f32 v8, v48  }
0xe7: {  	(v2sf) =	vpush v7, $0x2;
	v56 =	vld [tilespmem:s24+$0x14C60];
	[tilespmem:s24+$0x14C00] =	vst v8;
	v8 =	vmax.f32 v43, v49  }
0xe8: {  	v57 =	vld [tilespmem:s24+$0x14C70];
	[tilespmem:s24+$0x14C10] =	vst v8;
	v8 =	vmax.f32 v44, v50  }
0xe9: {  	[tilespmem:s24+$0x14C20] =	vst v8;
	v8 =	vmax.f32 v45, v51  }
0xea: {  	[tilespmem:s24+$0x14C30] =	vst v8;
	v8 =	vmax.f32 v46, v52  }
0xeb: {  	[tilespmem:s24+$0x14C40] =	vst v8;
	v8 =	vmax.f32 v47, v53  }
0xec: {  	[tilespmem:s24+$0x14C50] =	vst v8;
	v8 =	vmax.f32 v56, v54  }
0xed: {  	[tilespmem:s24+$0x14C60] =	vst v8;
	v8 =	vmax.f32 v57, v55  }
0xee: {  	[tilespmem:s24+$0x14C70] =	vst v8  }
0xef: {  	v63 =	vld [tilespmem:s20+$0xFFFFFD00]  }
0xf0: {  	v24 =	vld [tilespmem:s20+$0xFFFFFD10]  }
0xf1: {  	v25 =	vld [tilespmem:s20+$0xFFFFFD20]  }
0xf2: {  	v26 =	vld [tilespmem:s20+$0xFFFFFD30]  }
0xf3: {  	v27 =	vld [tilespmem:s20+$0xFFFFFD40]  }
0xf4: {  	v28 =	vld [tilespmem:s20+$0xFFFFFD50]  }
0xf5: {  	v29 =	vld [tilespmem:s20+$0xFFFFFD60]  }
0xf6: {  	s25 =	spop (v2sf);
	v30 =	vld [tilespmem:s20+$0xFFFFFD70]  }
0xf7: {  	v8 =	vld [tilespmem:s25+$0x14C00]  }
0xf8: {  	v58 =	vld [tilespmem:s25+$0x14C10]  }
0xf9: {  	v59 =	vld [tilespmem:s25+$0x14C20]  }
0xfa: {  	v60 =	vld [tilespmem:s25+$0x14C30]  }
0xfb: {  	v61 =	vld [tilespmem:s25+$0x14C40]  }
0xfc: {  	v62 =	vld [tilespmem:s25+$0x14C50];
	v8 =	vmax.f32 v8, v63  }
0xfd: {  	(v2sf) =	vpush v7, $0x3;
	v31 =	vld [tilespmem:s25+$0x14C60];
	[tilespmem:s25+$0x14C00] =	vst v8;
	v8 =	vmax.f32 v58, v24  }
0xfe: {  	v32 =	vld [tilespmem:s25+$0x14C70];
	[tilespmem:s25+$0x14C10] =	vst v8;
	v8 =	vmax.f32 v59, v25  }
0xff: {  	[tilespmem:s25+$0x14C20] =	vst v8;
	v8 =	vmax.f32 v60, v26  }
0x100: {  	[tilespmem:s25+$0x14C30] =	vst v8;
	v8 =	vmax.f32 v61, v27  }
0x101: {  	[tilespmem:s25+$0x14C40] =	vst v8;
	v8 =	vmax.f32 v62, v28  }
0x102: {  	[tilespmem:s25+$0x14C50] =	vst v8;
	v8 =	vmax.f32 v31, v29  }
0x103: {  	[tilespmem:s25+$0x14C60] =	vst v8;
	v8 =	vmax.f32 v32, v30  }
0x104: {  	[tilespmem:s25+$0x14C70] =	vst v8  }
0x105: {  	v38 =	vld [tilespmem:s20+$0xFFFFFD80]  }
0x106: {  	v39 =	vld [tilespmem:s20+$0xFFFFFD90]  }
0x107: {  	v40 =	vld [tilespmem:s20+$0xFFFFFDA0]  }
0x108: {  	v41 =	vld [tilespmem:s20+$0xFFFFFDB0]  }
0x109: {  	v42 =	vld [tilespmem:s20+$0xFFFFFDC0]  }
0x10a: {  	v43 =	vld [tilespmem:s20+$0xFFFFFDD0]  }
0x10b: {  	v44 =	vld [tilespmem:s20+$0xFFFFFDE0]  }
0x10c: {  	s26 =	spop (v2sf);
	v45 =	vld [tilespmem:s20+$0xFFFFFDF0]  }
0x10d: {  	v8 =	vld [tilespmem:s26+$0x14C00]  }
0x10e: {  	v33 =	vld [tilespmem:s26+$0x14C10]  }
0x10f: {  	v34 =	vld [tilespmem:s26+$0x14C20]  }
0x110: {  	v35 =	vld [tilespmem:s26+$0x14C30]  }
0x111: {  	v36 =	vld [tilespmem:s26+$0x14C40]  }
0x112: {  	v37 =	vld [tilespmem:s26+$0x14C50];
	v8 =	vmax.f32 v8, v38  }
0x113: {  	(v2sf) =	vpush v7, $0x4;
	v46 =	vld [tilespmem:s26+$0x14C60];
	[tilespmem:s26+$0x14C00] =	vst v8;
	v8 =	vmax.f32 v33, v39  }
0x114: {  	v47 =	vld [tilespmem:s26+$0x14C70];
	[tilespmem:s26+$0x14C10] =	vst v8;
	v8 =	vmax.f32 v34, v40  }
0x115: {  	[tilespmem:s26+$0x14C20] =	vst v8;
	v8 =	vmax.f32 v35, v41  }
0x116: {  	[tilespmem:s26+$0x14C30] =	vst v8;
	v8 =	vmax.f32 v36, v42  }
0x117: {  	[tilespmem:s26+$0x14C40] =	vst v8;
	v8 =	vmax.f32 v37, v43  }
0x118: {  	[tilespmem:s26+$0x14C50] =	vst v8;
	v8 =	vmax.f32 v46, v44  }
0x119: {  	[tilespmem:s26+$0x14C60] =	vst v8;
	v8 =	vmax.f32 v47, v45  }
0x11a: {  	[tilespmem:s26+$0x14C70] =	vst v8  }
0x11b: {  	v53 =	vld [tilespmem:s20+$0xFFFFFE00]  }
0x11c: {  	v54 =	vld [tilespmem:s20+$0xFFFFFE10]  }
0x11d: {  	v55 =	vld [tilespmem:s20+$0xFFFFFE20]  }
0x11e: {  	v56 =	vld [tilespmem:s20+$0xFFFFFE30]  }
0x11f: {  	v57 =	vld [tilespmem:s20+$0xFFFFFE40]  }
0x120: {  	v58 =	vld [tilespmem:s20+$0xFFFFFE50]  }
0x121: {  	v59 =	vld [tilespmem:s20+$0xFFFFFE60]  }
0x122: {  	s28 =	spop (v2sf);
	v60 =	vld [tilespmem:s20+$0xFFFFFE70]  }
0x123: {  	v8 =	vld [tilespmem:s28+$0x14C00]  }
0x124: {  	v48 =	vld [tilespmem:s28+$0x14C10]  }
0x125: {  	v49 =	vld [tilespmem:s28+$0x14C20]  }
0x126: {  	v50 =	vld [tilespmem:s28+$0x14C30]  }
0x127: {  	v51 =	vld [tilespmem:s28+$0x14C40]  }
0x128: {  	v52 =	vld [tilespmem:s28+$0x14C50];
	v8 =	vmax.f32 v8, v53  }
0x129: {  	(v2sf) =	vpush v7, $0x5;
	v61 =	vld [tilespmem:s28+$0x14C60];
	[tilespmem:s28+$0x14C00] =	vst v8;
	v8 =	vmax.f32 v48, v54  }
0x12a: {  	v62 =	vld [tilespmem:s28+$0x14C70];
	[tilespmem:s28+$0x14C10] =	vst v8;
	v8 =	vmax.f32 v49, v55  }
0x12b: {  	[tilespmem:s28+$0x14C20] =	vst v8;
	v8 =	vmax.f32 v50, v56  }
0x12c: {  	[tilespmem:s28+$0x14C30] =	vst v8;
	v8 =	vmax.f32 v51, v57  }
0x12d: {  	[tilespmem:s28+$0x14C40] =	vst v8;
	v8 =	vmax.f32 v52, v58  }
0x12e: {  	[tilespmem:s28+$0x14C50] =	vst v8;
	v8 =	vmax.f32 v61, v59  }
0x12f: {  	[tilespmem:s28+$0x14C60] =	vst v8;
	v8 =	vmax.f32 v62, v60  }
0x130: {  	[tilespmem:s28+$0x14C70] =	vst v8  }
0x131: {  	v28 =	vld [tilespmem:s20+$0xFFFFFE80]  }
0x132: {  	v29 =	vld [tilespmem:s20+$0xFFFFFE90]  }
0x133: {  	v30 =	vld [tilespmem:s20+$0xFFFFFEA0]  }
0x134: {  	v31 =	vld [tilespmem:s20+$0xFFFFFEB0]  }
0x135: {  	v32 =	vld [tilespmem:s20+$0xFFFFFEC0]  }
0x136: {  	v33 =	vld [tilespmem:s20+$0xFFFFFED0]  }
0x137: {  	v34 =	vld [tilespmem:s20+$0xFFFFFEE0]  }
0x138: {  	s29 =	spop (v2sf);
	v35 =	vld [tilespmem:s20+$0xFFFFFEF0]  }
0x139: {  	v8 =	vld [tilespmem:s29+$0x14C00]  }
0x13a: {  	v63 =	vld [tilespmem:s29+$0x14C10]  }
0x13b: {  	v24 =	vld [tilespmem:s29+$0x14C20]  }
0x13c: {  	v25 =	vld [tilespmem:s29+$0x14C30]  }
0x13d: {  	v26 =	vld [tilespmem:s29+$0x14C40]  }
0x13e: {  	v27 =	vld [tilespmem:s29+$0x14C50];
	v8 =	vmax.f32 v8, v28  }
0x13f: {  	(v2sf) =	vpush v7, $0x6;
	v36 =	vld [tilespmem:s29+$0x14C60];
	[tilespmem:s29+$0x14C00] =	vst v8;
	v8 =	vmax.f32 v63, v29  }
0x140: {  	v37 =	vld [tilespmem:s29+$0x14C70];
	[tilespmem:s29+$0x14C10] =	vst v8;
	v8 =	vmax.f32 v24, v30  }
0x141: {  	[tilespmem:s29+$0x14C20] =	vst v8;
	v8 =	vmax.f32 v25, v31  }
0x142: {  	[tilespmem:s29+$0x14C30] =	vst v8;
	v8 =	vmax.f32 v26, v32  }
0x143: {  	[tilespmem:s29+$0x14C40] =	vst v8;
	v8 =	vmax.f32 v27, v33  }
0x144: {  	[tilespmem:s29+$0x14C50] =	vst v8;
	v8 =	vmax.f32 v36, v34  }
0x145: {  	[tilespmem:s29+$0x14C60] =	vst v8;
	v8 =	vmax.f32 v37, v35  }
0x146: {  	[tilespmem:s29+$0x14C70] =	vst v8  }
0x147: {  	v43 =	vld [tilespmem:s20+$0xFFFFFF00]  }
0x148: {  	v44 =	vld [tilespmem:s20+$0xFFFFFF10]  }
0x149: {  	v45 =	vld [tilespmem:s20+$0xFFFFFF20]  }
0x14a: {  	v46 =	vld [tilespmem:s20+$0xFFFFFF30]  }
0x14b: {  	v47 =	vld [tilespmem:s20+$0xFFFFFF40]  }
0x14c: {  	v48 =	vld [tilespmem:s20+$0xFFFFFF50]  }
0x14d: {  	v49 =	vld [tilespmem:s20+$0xFFFFFF60]  }
0x14e: {  	s30 =	spop (v2sf);
	v50 =	vld [tilespmem:s20+$0xFFFFFF70]  }
0x14f: {  	v8 =	vld [tilespmem:s30+$0x14C00]  }
0x150: {  	v38 =	vld [tilespmem:s30+$0x14C10]  }
0x151: {  	v39 =	vld [tilespmem:s30+$0x14C20]  }
0x152: {  	v40 =	vld [tilespmem:s30+$0x14C30]  }
0x153: {  	v41 =	vld [tilespmem:s30+$0x14C40]  }
0x154: {  	v42 =	vld [tilespmem:s30+$0x14C50];
	v8 =	vmax.f32 v8, v43  }
0x155: {  	(v2sf) =	vpush v7, $0x7;
	v51 =	vld [tilespmem:s30+$0x14C60];
	[tilespmem:s30+$0x14C00] =	vst v8;
	v8 =	vmax.f32 v38, v44  }
0x156: {  	v52 =	vld [tilespmem:s30+$0x14C70];
	[tilespmem:s30+$0x14C10] =	vst v8;
	v8 =	vmax.f32 v39, v45  }
0x157: {  	[tilespmem:s30+$0x14C20] =	vst v8;
	v8 =	vmax.f32 v40, v46  }
0x158: {  	[tilespmem:s30+$0x14C30] =	vst v8;
	v8 =	vmax.f32 v41, v47  }
0x159: {  	[tilespmem:s30+$0x14C40] =	vst v8;
	v8 =	vmax.f32 v42, v48  }
0x15a: {  	[tilespmem:s30+$0x14C50] =	vst v8;
	v8 =	vmax.f32 v51, v49  }
0x15b: {  	[tilespmem:s30+$0x14C60] =	vst v8;
	v8 =	vmax.f32 v52, v50  }
0x15c: {  	[tilespmem:s30+$0x14C70] =	vst v8  }
0x15d: {  	v58 =	vld [tilespmem:s20+$0xFFFFFF80]  }
0x15e: {  	v59 =	vld [tilespmem:s20+$0xFFFFFF90]  }
0x15f: {  	v60 =	vld [tilespmem:s20+$0xFFFFFFA0]  }
0x160: {  	v61 =	vld [tilespmem:s20+$0xFFFFFFB0]  }
0x161: {  	v62 =	vld [tilespmem:s20+$0xFFFFFFC0]  }
0x162: {  	v63 =	vld [tilespmem:s20+$0xFFFFFFD0]  }
0x163: {  	v24 =	vld [tilespmem:s20+$0xFFFFFFE0]  }
0x164: {  	s31 =	spop (v2sf);
	v25 =	vld [tilespmem:s20+$0xFFFFFFF0]  }
0x165: {  	v8 =	vld [tilespmem:s31+$0x14C00]  }
0x166: {  	v53 =	vld [tilespmem:s31+$0x14C10]  }
0x167: {  	v54 =	vld [tilespmem:s31+$0x14C20]  }
0x168: {  	v55 =	vld [tilespmem:s31+$0x14C30]  }
0x169: {  	v56 =	vld [tilespmem:s31+$0x14C40]  }
0x16a: {  	v57 =	vld [tilespmem:s31+$0x14C50];
	v8 =	vmax.f32 v8, v58  }
0x16b: {  	(v2sf) =	vpush v7, $0x8;
	v26 =	vld [tilespmem:s31+$0x14C60];
	[tilespmem:s31+$0x14C00] =	vst v8;
	v8 =	vmax.f32 v53, v59  }
0x16c: {  	v27 =	vld [tilespmem:s31+$0x14C70];
	[tilespmem:s31+$0x14C10] =	vst v8;
	v8 =	vmax.f32 v54, v60  }
0x16d: {  	[tilespmem:s31+$0x14C20] =	vst v8;
	v8 =	vmax.f32 v55, v61  }
0x16e: {  	[tilespmem:s31+$0x14C30] =	vst v8;
	v8 =	vmax.f32 v56, v62  }
0x16f: {  	[tilespmem:s31+$0x14C40] =	vst v8;
	v8 =	vmax.f32 v57, v63  }
0x170: {  	[tilespmem:s31+$0x14C50] =	vst v8;
	v8 =	vmax.f32 v26, v24  }
0x171: {  	[tilespmem:s31+$0x14C60] =	vst v8;
	v8 =	vmax.f32 v27, v25  }
0x172: {  	[tilespmem:s31+$0x14C70] =	vst v8  }
0x173: {  	v33 =	vld [tilespmem:s20+$0x0]  }
0x174: {  	v34 =	vld [tilespmem:s20+$0x10]  }
0x175: {  	v35 =	vld [tilespmem:s20+$0x20]  }
0x176: {  	v36 =	vld [tilespmem:s20+$0x30]  }
0x177: {  	v37 =	vld [tilespmem:s20+$0x40]  }
0x178: {  	v38 =	vld [tilespmem:s20+$0x50]  }
0x179: {  	v39 =	vld [tilespmem:s20+$0x60]  }
0x17a: {  	s23 =	spop (v2sf);
	v40 =	vld [tilespmem:s20+$0x70]  }
0x17b: {  	v8 =	vld [tilespmem:s23+$0x14C00]  }
0x17c: {  	v28 =	vld [tilespmem:s23+$0x14C10]  }
0x17d: {  	v29 =	vld [tilespmem:s23+$0x14C20]  }
0x17e: {  	v30 =	vld [tilespmem:s23+$0x14C30]  }
0x17f: {  	v31 =	vld [tilespmem:s23+$0x14C40]  }
0x180: {  	v32 =	vld [tilespmem:s23+$0x14C50];
	v8 =	vmax.f32 v8, v33  }
0x181: {  	(v2sf) =	vpush v7, $0x9;
	v41 =	vld [tilespmem:s23+$0x14C60];
	[tilespmem:s23+$0x14C00] =	vst v8;
	v8 =	vmax.f32 v28, v34  }
0x182: {  	v42 =	vld [tilespmem:s23+$0x14C70];
	[tilespmem:s23+$0x14C10] =	vst v8;
	v8 =	vmax.f32 v29, v35  }
0x183: {  	[tilespmem:s23+$0x14C20] =	vst v8;
	v8 =	vmax.f32 v30, v36  }
0x184: {  	[tilespmem:s23+$0x14C30] =	vst v8;
	v8 =	vmax.f32 v31, v37  }
0x185: {  	[tilespmem:s23+$0x14C40] =	vst v8;
	v8 =	vmax.f32 v32, v38  }
0x186: {  	[tilespmem:s23+$0x14C50] =	vst v8;
	v8 =	vmax.f32 v41, v39  }
0x187: {  	[tilespmem:s23+$0x14C60] =	vst v8;
	v8 =	vmax.f32 v42, v40  }
0x188: {  	[tilespmem:s23+$0x14C70] =	vst v8  }
0x189: {  	v48 =	vld [tilespmem:s20+$0x80]  }
0x18a: {  	v49 =	vld [tilespmem:s20+$0x90]  }
0x18b: {  	v50 =	vld [tilespmem:s20+$0xA0]  }
0x18c: {  	v51 =	vld [tilespmem:s20+$0xB0]  }
0x18d: {  	v52 =	vld [tilespmem:s20+$0xC0]  }
0x18e: {  	v53 =	vld [tilespmem:s20+$0xD0]  }
0x18f: {  	v54 =	vld [tilespmem:s20+$0xE0]  }
0x190: {  	s24 =	spop (v2sf);
	v55 =	vld [tilespmem:s20+$0xF0]  }
0x191: {  	v8 =	vld [tilespmem:s24+$0x14C00]  }
0x192: {  	v43 =	vld [tilespmem:s24+$0x14C10]  }
0x193: {  	v44 =	vld [tilespmem:s24+$0x14C20]  }
0x194: {  	v45 =	vld [tilespmem:s24+$0x14C30]  }
0x195: {  	v46 =	vld [tilespmem:s24+$0x14C40]  }
0x196: {  	v47 =	vld [tilespmem:s24+$0x14C50];
	v8 =	vmax.f32 v8, v48  }
0x197: {  	(v2sf) =	vpush v7, $0xA;
	v56 =	vld [tilespmem:s24+$0x14C60];
	[tilespmem:s24+$0x14C00] =	vst v8;
	v8 =	vmax.f32 v43, v49  }
0x198: {  	v57 =	vld [tilespmem:s24+$0x14C70];
	[tilespmem:s24+$0x14C10] =	vst v8;
	v8 =	vmax.f32 v44, v50  }
0x199: {  	[tilespmem:s24+$0x14C20] =	vst v8;
	v8 =	vmax.f32 v45, v51  }
0x19a: {  	[tilespmem:s24+$0x14C30] =	vst v8;
	v8 =	vmax.f32 v46, v52  }
0x19b: {  	[tilespmem:s24+$0x14C40] =	vst v8;
	v8 =	vmax.f32 v47, v53  }
0x19c: {  	[tilespmem:s24+$0x14C50] =	vst v8;
	v8 =	vmax.f32 v56, v54  }
0x19d: {  	[tilespmem:s24+$0x14C60] =	vst v8;
	v8 =	vmax.f32 v57, v55  }
0x19e: {  	[tilespmem:s24+$0x14C70] =	vst v8  }
0x19f: {  	v63 =	vld [tilespmem:s20+$0x100]  }
0x1a0: {  	v24 =	vld [tilespmem:s20+$0x110]  }
0x1a1: {  	v25 =	vld [tilespmem:s20+$0x120]  }
0x1a2: {  	v26 =	vld [tilespmem:s20+$0x130]  }
0x1a3: {  	v27 =	vld [tilespmem:s20+$0x140]  }
0x1a4: {  	v28 =	vld [tilespmem:s20+$0x150]  }
0x1a5: {  	v29 =	vld [tilespmem:s20+$0x160]  }
0x1a6: {  	s25 =	spop (v2sf);
	v30 =	vld [tilespmem:s20+$0x170]  }
0x1a7: {  	v8 =	vld [tilespmem:s25+$0x14C00]  }
0x1a8: {  	v58 =	vld [tilespmem:s25+$0x14C10]  }
0x1a9: {  	v59 =	vld [tilespmem:s25+$0x14C20]  }
0x1aa: {  	v60 =	vld [tilespmem:s25+$0x14C30]  }
0x1ab: {  	v61 =	vld [tilespmem:s25+$0x14C40]  }
0x1ac: {  	v62 =	vld [tilespmem:s25+$0x14C50];
	v8 =	vmax.f32 v8, v63  }
0x1ad: {  	(v2sf) =	vpush v7, $0xB;
	v31 =	vld [tilespmem:s25+$0x14C60];
	[tilespmem:s25+$0x14C00] =	vst v8;
	v8 =	vmax.f32 v58, v24  }
0x1ae: {  	v32 =	vld [tilespmem:s25+$0x14C70];
	[tilespmem:s25+$0x14C10] =	vst v8;
	v8 =	vmax.f32 v59, v25  }
0x1af: {  	[tilespmem:s25+$0x14C20] =	vst v8;
	v8 =	vmax.f32 v60, v26  }
0x1b0: {  	[tilespmem:s25+$0x14C30] =	vst v8;
	v8 =	vmax.f32 v61, v27  }
0x1b1: {  	[tilespmem:s25+$0x14C40] =	vst v8;
	v8 =	vmax.f32 v62, v28  }
0x1b2: {  	[tilespmem:s25+$0x14C50] =	vst v8;
	v8 =	vmax.f32 v31, v29  }
0x1b3: {  	[tilespmem:s25+$0x14C60] =	vst v8;
	v8 =	vmax.f32 v32, v30  }
0x1b4: {  	[tilespmem:s25+$0x14C70] =	vst v8  }
0x1b5: {  	v38 =	vld [tilespmem:s20+$0x180]  }
0x1b6: {  	v39 =	vld [tilespmem:s20+$0x190]  }
0x1b7: {  	v40 =	vld [tilespmem:s20+$0x1A0]  }
0x1b8: {  	v41 =	vld [tilespmem:s20+$0x1B0]  }
0x1b9: {  	v42 =	vld [tilespmem:s20+$0x1C0]  }
0x1ba: {  	v43 =	vld [tilespmem:s20+$0x1D0]  }
0x1bb: {  	v44 =	vld [tilespmem:s20+$0x1E0]  }
0x1bc: {  	s26 =	spop (v2sf);
	v45 =	vld [tilespmem:s20+$0x1F0]  }
0x1bd: {  	v8 =	vld [tilespmem:s26+$0x14C00]  }
0x1be: {  	v33 =	vld [tilespmem:s26+$0x14C10]  }
0x1bf: {  	v34 =	vld [tilespmem:s26+$0x14C20]  }
0x1c0: {  	v35 =	vld [tilespmem:s26+$0x14C30]  }
0x1c1: {  	v36 =	vld [tilespmem:s26+$0x14C40]  }
0x1c2: {  	v37 =	vld [tilespmem:s26+$0x14C50];
	v8 =	vmax.f32 v8, v38  }
0x1c3: {  	(v2sf) =	vpush v7, $0xC;
	v46 =	vld [tilespmem:s26+$0x14C60];
	[tilespmem:s26+$0x14C00] =	vst v8;
	v8 =	vmax.f32 v33, v39  }
0x1c4: {  	v47 =	vld [tilespmem:s26+$0x14C70];
	[tilespmem:s26+$0x14C10] =	vst v8;
	v8 =	vmax.f32 v34, v40  }
0x1c5: {  	[tilespmem:s26+$0x14C20] =	vst v8;
	v8 =	vmax.f32 v35, v41  }
0x1c6: {  	[tilespmem:s26+$0x14C30] =	vst v8;
	v8 =	vmax.f32 v36, v42  }
0x1c7: {  	[tilespmem:s26+$0x14C40] =	vst v8;
	v8 =	vmax.f32 v37, v43  }
0x1c8: {  	[tilespmem:s26+$0x14C50] =	vst v8;
	v8 =	vmax.f32 v46, v44  }
0x1c9: {  	[tilespmem:s26+$0x14C60] =	vst v8;
	v8 =	vmax.f32 v47, v45  }
0x1ca: {  	[tilespmem:s26+$0x14C70] =	vst v8  }
0x1cb: {  	v53 =	vld [tilespmem:s20+$0x200]  }
0x1cc: {  	v54 =	vld [tilespmem:s20+$0x210]  }
0x1cd: {  	v55 =	vld [tilespmem:s20+$0x220]  }
0x1ce: {  	v56 =	vld [tilespmem:s20+$0x230]  }
0x1cf: {  	v57 =	vld [tilespmem:s20+$0x240]  }
0x1d0: {  	v58 =	vld [tilespmem:s20+$0x250]  }
0x1d1: {  	v59 =	vld [tilespmem:s20+$0x260]  }
0x1d2: {  	s28 =	spop (v2sf);
	v60 =	vld [tilespmem:s20+$0x270]  }
0x1d3: {  	v8 =	vld [tilespmem:s28+$0x14C00]  }
0x1d4: {  	v48 =	vld [tilespmem:s28+$0x14C10]  }
0x1d5: {  	v49 =	vld [tilespmem:s28+$0x14C20]  }
0x1d6: {  	v50 =	vld [tilespmem:s28+$0x14C30]  }
0x1d7: {  	v51 =	vld [tilespmem:s28+$0x14C40]  }
0x1d8: {  	v52 =	vld [tilespmem:s28+$0x14C50];
	v8 =	vmax.f32 v8, v53  }
0x1d9: {  	(v2sf) =	vpush v7, $0xD;
	v61 =	vld [tilespmem:s28+$0x14C60];
	[tilespmem:s28+$0x14C00] =	vst v8;
	v8 =	vmax.f32 v48, v54  }
0x1da: {  	v62 =	vld [tilespmem:s28+$0x14C70];
	[tilespmem:s28+$0x14C10] =	vst v8;
	v8 =	vmax.f32 v49, v55  }
0x1db: {  	[tilespmem:s28+$0x14C20] =	vst v8;
	v8 =	vmax.f32 v50, v56  }
0x1dc: {  	[tilespmem:s28+$0x14C30] =	vst v8;
	v8 =	vmax.f32 v51, v57  }
0x1dd: {  	[tilespmem:s28+$0x14C40] =	vst v8;
	v8 =	vmax.f32 v52, v58  }
0x1de: {  	[tilespmem:s28+$0x14C50] =	vst v8;
	v8 =	vmax.f32 v61, v59  }
0x1df: {  	[tilespmem:s28+$0x14C60] =	vst v8;
	v8 =	vmax.f32 v62, v60  }
0x1e0: {  	[tilespmem:s28+$0x14C70] =	vst v8  }
0x1e1: {  	v28 =	vld [tilespmem:s20+$0x280]  }
0x1e2: {  	v29 =	vld [tilespmem:s20+$0x290]  }
0x1e3: {  	v30 =	vld [tilespmem:s20+$0x2A0]  }
0x1e4: {  	v31 =	vld [tilespmem:s20+$0x2B0]  }
0x1e5: {  	v32 =	vld [tilespmem:s20+$0x2C0]  }
0x1e6: {  	v33 =	vld [tilespmem:s20+$0x2D0]  }
0x1e7: {  	v34 =	vld [tilespmem:s20+$0x2E0]  }
0x1e8: {  	s29 =	spop (v2sf);
	v35 =	vld [tilespmem:s20+$0x2F0]  }
0x1e9: {  	(v2sf) =	vpush v7, $0xE;
	v8 =	vld [tilespmem:s29+$0x14C00]  }
0x1ea: {  	v63 =	vld [tilespmem:s29+$0x14C10]  }
0x1eb: {  	v24 =	vld [tilespmem:s29+$0x14C20]  }
0x1ec: {  	v25 =	vld [tilespmem:s29+$0x14C30]  }
0x1ed: {  	v26 =	vld [tilespmem:s29+$0x14C40]  }
0x1ee: {  	v27 =	vld [tilespmem:s29+$0x14C50];
	v8 =	vmax.f32 v8, v28  }
0x1ef: {  	v36 =	vld [tilespmem:s29+$0x14C60];
	[tilespmem:s29+$0x14C00] =	vst v8;
	v8 =	vmax.f32 v63, v29  }
0x1f0: {  	v37 =	vld [tilespmem:s29+$0x14C70];
	[tilespmem:s29+$0x14C10] =	vst v8;
	v8 =	vmax.f32 v24, v30  }
0x1f1: {  	[tilespmem:s29+$0x14C20] =	vst v8;
	v8 =	vmax.f32 v25, v31  }
0x1f2: {  	[tilespmem:s29+$0x14C30] =	vst v8;
	v8 =	vmax.f32 v26, v32  }
0x1f3: {  	[tilespmem:s29+$0x14C40] =	vst v8;
	v8 =	vmax.f32 v27, v33  }
0x1f4: {  	[tilespmem:s29+$0x14C50] =	vst v8;
	v8 =	vmax.f32 v36, v34  }
0x1f5: {  	[tilespmem:s29+$0x14C60] =	vst v8;
	v8 =	vmax.f32 v37, v35  }
0x1f6: {  	[tilespmem:s29+$0x14C70] =	vst v8  }
0x1f7: {  	v43 =	vld [tilespmem:s20+$0x300]  }
0x1f8: {  	s30 =	spop (v2sf);
	(v2sf) =	vpush v7, $0xF;
	v7 =	vld [tilespmem:s20+$0x310]  }
0x1f9: {  	v44 =	vld [tilespmem:s20+$0x320]  }
0x1fa: {  	v45 =	vld [tilespmem:s20+$0x330]  }
0x1fb: {  	v46 =	vld [tilespmem:s20+$0x340]  }
0x1fc: {  	v47 =	vld [tilespmem:s20+$0x350]  }
0x1fd: {  	v48 =	vld [tilespmem:s20+$0x360]  }
0x1fe: {  	v49 =	vld [tilespmem:s20+$0x370]  }
0x1ff: {  	v8 =	vld [tilespmem:s30+$0x14C00]  }
0x200: {  	v38 =	vld [tilespmem:s30+$0x14C10]  }
0x201: {  	v39 =	vld [tilespmem:s30+$0x14C20]  }
0x202: {  	v40 =	vld [tilespmem:s30+$0x14C30]  }
0x203: {  	v41 =	vld [tilespmem:s30+$0x14C40]  }
0x204: {  	v42 =	vld [tilespmem:s30+$0x14C50];
	v8 =	vmax.f32 v8, v43  }
0x205: {  	v50 =	vld [tilespmem:s30+$0x14C60];
	v7 =	vmax.f32 v38, v7;
	[tilespmem:s30+$0x14C00] =	vst v8  }
0x206: {  	v8 =	vld [tilespmem:s30+$0x14C70];
	[tilespmem:s30+$0x14C10] =	vst v7;
	v7 =	vmax.f32 v39, v44  }
0x207: {  	[tilespmem:s30+$0x14C20] =	vst v7;
	v7 =	vmax.f32 v40, v45  }
0x208: {  	[tilespmem:s30+$0x14C30] =	vst v7;
	v7 =	vmax.f32 v41, v46  }
0x209: {  	[tilespmem:s30+$0x14C40] =	vst v7;
	v7 =	vmax.f32 v42, v47  }
0x20a: {  	[tilespmem:s30+$0x14C50] =	vst v7;
	v7 =	vmax.f32 v50, v48  }
0x20b: {  	[tilespmem:s30+$0x14C60] =	vst v7;
	v7 =	vmax.f32 v8, v49  }
0x20c: {  	[tilespmem:s30+$0x14C70] =	vst v7  }
0x20d: {  	v55 =	vld [tilespmem:s20+$0x380]  }
0x20e: {  	v56 =	vld [tilespmem:s20+$0x390]  }
0x20f: {  	v57 =	vld [tilespmem:s20+$0x3A0]  }
0x210: {  	v58 =	vld [tilespmem:s20+$0x3B0]  }
0x211: {  	v59 =	vld [tilespmem:s20+$0x3C0]  }
0x212: {  	v60 =	vld [tilespmem:s20+$0x3D0]  }
0x213: {  	v61 =	vld [tilespmem:s20+$0x3E0]  }
0x214: {  	v62 =	vld [tilespmem:s20+$0x3F0];
	s31 =	spop (v2sf)  }
0x215: {  	v7 =	vld [tilespmem:s31+$0x14C00]  }
0x216: {  	v8 =	vld [tilespmem:s31+$0x14C10]  }
0x217: {  	v51 =	vld [tilespmem:s31+$0x14C20]  }
0x218: {  	v52 =	vld [tilespmem:s31+$0x14C30]  }
0x219: {  	v53 =	vld [tilespmem:s31+$0x14C40]  }
0x21a: {  	v54 =	vld [tilespmem:s31+$0x14C50];
	v7 =	vmax.f32 v7, v55  }
0x21b: {  	v63 =	vld [tilespmem:s31+$0x14C60];
	[tilespmem:s31+$0x14C00] =	vst v7;
	v7 =	vmax.f32 v8, v56  }
0x21c: {  	v8 =	vld [tilespmem:s31+$0x14C70];
	[tilespmem:s31+$0x14C10] =	vst v7;
	v7 =	vmax.f32 v51, v57  }
0x21d: {  	p4 =	seq.s32 s21, $0x1C0;
	[tilespmem:s31+$0x14C20] =	vst v7;
	v7 =	vmax.f32 v52, v58  }
.Ltmp7:
0x21e: {  	[tilespmem:s31+$0x14C30] =	vst v7;
	v7 =	vmax.f32 v53, v59;
	(pc) =	sbr.rel @!p4 .LBB2_10-.Ltmp7, $4  }
0x21f: {  	[tilespmem:s31+$0x14C40] =	vst v7;
	v7 =	vmax.f32 v54, v60  }
0x220: {  	[tilespmem:s31+$0x14C50] =	vst v7;
	v7 =	vmax.f32 v63, v61  }
0x221: {  	[tilespmem:s31+$0x14C60] =	vst v7;
	v7 =	vmax.f32 v8, v62  }
0x222: {  	s21 =	sadd.s32 $0x40, s21;
	s20 =	sadd.s32 $0x800, s20;
	[tilespmem:s31+$0x14C70] =	vst v7  }
0x223: {  	p4 =	seq.s32 s18, s17  }
.Ltmp8:
0x224: {  	_ = 	snop;
	(pc) =	sbr.rel @!p4 .LBB2_9-.Ltmp8, $4  }
.Ltmp9:
0x225: {  	_ = 	snop;
	(pc) =	sbr.rel @p4 .LBB2_11-.Ltmp9, $4  }
0x226: {  	_ = 	snop  }
0x227: {  	_ = 	snop  }
0x228: {  	s19 =	sadd.s32 $0x80, s19;
	p3 =	por !p3, !p3  }
0x229: {  	_ = 	snop  }
.LBB2_13:
0x22a: {  	_ =	sfence.sel $0x180000  }
0x22b: {  	[bflag:$0x0] =	sbarrier.arrive $0xFFFF  }
0x22c: {  	_ =	strace $0x9000004A  }
0x22d: {  	s0 =	sadd.s32 @!p0 $0x100000, s0;
	[bflag:$0x2] =	sbarrier.arrive $0xFFFF  }
0x22e: {  	[sflag:s0] =	ssyncadd.tile.s32 @!p0 $0x1;
	_ =	shalt  }
.Lfunc_end2:
_tile_overlayer_lowered:
.L_overlay_start_2:
0x22f: {  	(tag) =	ssettag $0x2  }
0x230: {  	s0 =	rddreg [dreg:$0x0];
	s2 =	stileid.u32  }
0x231: {  	s1 =	rddreg [dreg:$0x1];
	p0 =	sne.s32 s2, $0x0  }
0x232: {  	s3 =	rddreg [dreg:$0x2];
	[bflag:$0x3] =	sbarrier.arrive $0xFFFF;
	s2 =	simm.s32 @!p0 $0x1C04  }
0x233: {  	[timem:s3], [sflag:s2] =	dma.local @!p0 [hbm:s0], s1  }
0x234: {  	s0 =	simm.s32 @!p0 $0x4  }
0x235: {  	_ =	swait.ge @!p0 [sflag:s0], s1  }
0x236: {  	s1 =	ssub.s32 @!p0 $0x0, s1;
	[sflag:s0] =	ssyncset.done @!p0 $0x0  }
0x237: {  	[sflag:s0] =	ssyncadd.s32 @!p0 s1  }
0x238: {  	[bflag:$0x3] =	sbarrier.arrive $0xFFFF  }
0x239: {  	_ =	shalt  }

</sc_bundles>
